<compile_context>
chip_gen: v7x
topology: tpu7x:2x2x1
jax: 0.10.2.dev20260603
libtpu: 0.0.44.dev20260713+nightly
codegen_flags: <defaults>
</compile_context>

<pallas_src>
import functools

import jax
import jax.numpy as jnp
from jax import lax
from jax.experimental import pallas as pl
from jax.experimental.pallas import tpu as pltpu
from jax.experimental.pallas import tpu_sc as plsc

N = 10000
E = 320000
D_IN = 128
H = 4
D = 32
HD = H * D
ALPHA = 0.2

NC = 2
NS = 16
NW = NC * NS
CHUNK = 64
EPW = E // NW
NCH = -(-EPW // CHUNK)
EPT = NCH * CHUNK
LR = 528
JROW = 524
ACCW = 144
NT = 1256
PR = 10528
BN = 1000


def _fc_body(x_ref, w_ref, sm_ref, xp_ref, s_ref):
    xp = jnp.dot(x_ref[...], w_ref[...], preferred_element_type=jnp.float32)
    xp_ref[...] = xp
    s_ref[...] = jnp.dot(xp, sm_ref[...], preferred_element_type=jnp.float32)


def _place_body(t_ref, b_ref, o_ref, acc_ref):
    t = pl.program_id(0)

    @pl.when(t == 0)
    def _():
        acc_ref[...] = jnp.zeros((PR, ACCW), jnp.float32)

    b = pl.multiple_of(b_ref[t], 8)
    acc_ref[pl.ds(b, 520), :] += t_ref[0, :520, :]

    @pl.when(t == NW - 1)
    def _():
        o_ref[...] = acc_ref[...]


def _norm_body(p_ref, o_ref):
    p = p_ref[...]
    for h in range(H):
        den = p[:, HD + h:HD + h + 1] + 1e-16
        o_ref[h, :, :] = p[:, h * D:(h + 1) * D] / den


def _splat(v):
    return jnp.full((16,), v, jnp.int32)


def _dyn_gather(x, idx):
    dnums = lax.GatherDimensionNumbers(
        offset_dims=(), collapsed_slice_dims=(0,), start_index_map=(0,))
    return lax.gather(x, idx[:, None], dnums, (1,),
                      mode=lax.GatherScatterMode.PROMISE_IN_BOUNDS)


def _sc_body(xp_hbm, st_hbm, rg_hbm, rl_hbm, cols_hbm, out_hbm,
             lacc, rj, rl, cj, rsb, csb, xgin, sbufr, sbufc, sem):
    c = lax.axis_index("c")
    s = lax.axis_index("s")
    t = c * NS + s
    lane = lax.iota(jnp.int32, 16)
    zero16 = jnp.zeros((16,), jnp.float32)

    def _zrow(r, carry):
        for k in range(ACCW // 16):
            lacc[r, pl.ds(k * 16, 16)] = zero16
        return carry
    lax.fori_loop(0, LR, _zrow, None)

    shift4 = jnp.minimum(lane + H, 15)

    def _chunk(j, carry):
        d1 = pltpu.async_copy(rg_hbm.at[t, j], rj, sem)
        d2 = pltpu.async_copy(rl_hbm.at[t, j], rl, sem)
        d3 = pltpu.async_copy(cols_hbm.at[t, j], cj, sem)
        d1.wait()
        d2.wait()
        d3.wait()
        for q in range(CHUNK // 16):
            vq = rj[pl.ds(q * 16, 16)]
            wq = cj[pl.ds(q * 16, 16)]
            rsb[pl.ds(q * 16, 16)] = lax.shift_right_logical(vq, 3)
            csb[pl.ds(q * 16, 16)] = lax.shift_right_logical(wq, 3)
        g1 = pltpu.async_copy(st_hbm.at[rsb], sbufr, sem)
        g2 = pltpu.async_copy(st_hbm.at[csb], sbufc, sem)
        g3 = pltpu.async_copy(xp_hbm.at[cj], xgin, sem)
        g1.wait()
        g2.wait()
        g3.wait()

        def _grp(g, carry2):
            rv = rj[pl.ds(g * 16, 16)]
            lv = rl[pl.ds(g * 16, 16)]
            cv = cj[pl.ds(g * 16, 16)]
            for el in range(16):
                e = g * 16 + el
                nr = rv[el]
                nc = cv[el]
                lr_ = jnp.minimum(lv[el], JROW)
                orr = (nr & 7) * 16
                occ = (nc & 7) * 16
                vr = sbufr[e, pl.ds(orr, 16)]
                vc = sbufc[e, pl.ds(occ, 16)]
                z = vr + _dyn_gather(vc, shift4)
                z = jnp.maximum(z, ALPHA * z)
                a = jnp.exp(z)
                w = lacc[lr_, pl.ds(HD, 16)]
                lacc[lr_, pl.ds(HD, 16)] = w + jnp.where(lane < H, a, zero16)
                b = [_dyn_gather(a, _splat(h)) for h in range(H)]
                for k in range(HD // 16):
                    h = k // (D // 16)
                    m = xgin[e, pl.ds(k * 16, 16)] * b[h]
                    lacc[lr_, pl.ds(k * 16, 16)] = (
                        lacc[lr_, pl.ds(k * 16, 16)] + m)
            return carry2
        lax.fori_loop(0, CHUNK // 16, _grp, None)
        return carry
    lax.fori_loop(0, NCH, _chunk, None)

    pltpu.sync_copy(lacc, out_hbm.at[t])


_sc_edges = functools.partial(
    pl.kernel,
    out_type=jax.ShapeDtypeStruct((NW, LR, ACCW), jnp.float32),
    mesh=plsc.VectorSubcoreMesh(core_axis_name="c", subcore_axis_name="s"),
    compiler_params=pltpu.CompilerParams(use_tc_tiling_on_sc=False),
    scratch_types=[
        pltpu.VMEM((LR, ACCW), jnp.float32),
        pltpu.VMEM((CHUNK,), jnp.int32),
        pltpu.VMEM((CHUNK,), jnp.int32),
        pltpu.VMEM((CHUNK,), jnp.int32),
        pltpu.VMEM((CHUNK,), jnp.int32),
        pltpu.VMEM((CHUNK,), jnp.int32),
        pltpu.VMEM((CHUNK, HD), jnp.float32),
        pltpu.VMEM((CHUNK, HD), jnp.float32),
        pltpu.VMEM((CHUNK, HD), jnp.float32),
        pltpu.SemaphoreType.DMA,
    ],
)(_sc_body)


def kernel(X, edge_index, W, a0, a1):
    f32 = jnp.float32
    a0r = a0.reshape(H, D).astype(f32)
    a1r = a1.reshape(H, D).astype(f32)
    eye = jnp.eye(H, dtype=f32)
    A0m = (a0r[:, :, None] * eye[:, None, :]).reshape(HD, H)
    A1m = (a1r[:, :, None] * eye[:, None, :]).reshape(HD, H)
    SM = jnp.concatenate([A0m, A1m, jnp.zeros((HD, 8), f32)], axis=1)

    order = jnp.argsort(edge_index[0])
    row_s = edge_index[0][order]
    col_s = edge_index[1][order]
    rows2d = row_s.reshape(NW, EPW)
    cols2d = col_s.reshape(NW, EPW)
    bases = (rows2d[:, 0] >> 3) << 3
    rloc2d = rows2d - bases[:, None]
    pad = EPT - EPW
    rg3 = jnp.pad(rows2d, ((0, 0), (0, pad)),
                  constant_values=N).reshape(NW, NCH, CHUNK)
    rl3 = jnp.pad(rloc2d, ((0, 0), (0, pad)),
                  constant_values=JROW).reshape(NW, NCH, CHUNK)
    cols3 = jnp.pad(cols2d, ((0, 0), (0, pad))).reshape(NW, NCH, CHUNK)

    Xp, S16 = pl.pallas_call(
        _fc_body,
        grid=(N // BN,),
        in_specs=[pl.BlockSpec((BN, D_IN), lambda i: (i, 0)),
                  pl.BlockSpec((D_IN, HD), lambda i: (0, 0)),
                  pl.BlockSpec((HD, 16), lambda i: (0, 0))],
        out_specs=[pl.BlockSpec((BN, HD), lambda i: (i, 0)),
                   pl.BlockSpec((BN, 16), lambda i: (i, 0))],
        out_shape=[jax.ShapeDtypeStruct((N, HD), f32),
                   jax.ShapeDtypeStruct((N, 16), f32)],
    )(X.astype(f32), W.astype(f32), SM)

    ST = jnp.pad(S16, ((0, NT * 8 - N), (0, 0))).reshape(NT, 128)

    T = _sc_edges(Xp, ST, rg3, rl3, cols3)

    P2 = pl.pallas_call(
        _place_body,
        grid=(NW,),
        in_specs=[pl.BlockSpec((1, LR, ACCW), lambda t: (t, 0, 0)),
                  pl.BlockSpec((NW,), lambda t: (0,),
                               memory_space=pltpu.SMEM)],
        out_specs=pl.BlockSpec((PR, ACCW), lambda t: (0, 0)),
        out_shape=jax.ShapeDtypeStruct((PR, ACCW), f32),
        scratch_shapes=[pltpu.VMEM((PR, ACCW), f32)],
    )(T, bases)

    out = pl.pallas_call(
        _norm_body,
        grid=(N // BN,),
        in_specs=[pl.BlockSpec((BN, ACCW), lambda i: (i, 0))],
        out_specs=pl.BlockSpec((H, BN, D), lambda i: (0, i, 0)),
        out_shape=jax.ShapeDtypeStruct((H, N, D), f32),
    )(P2)
    return out

# --- scband reference (transcript-rebuilt; emitter-appended) ---
"""Pipeline reference for scband-gatconv-multi-66907000537769 (READ-ONLY COPY).

The authoritative reference and input builder live on the scoring server;
editing this copy changes nothing except your own understanding.
"""

import jax, jax.numpy as jnp
import numpy as np

N = 10000
E = 320000
D_IN = 128
HEAD = 4
D_OUT = 32
ALPHA = 0.2


def setup_inputs(seed: int = 0) -> dict:
    key = jax.random.key(seed)
    k1, k2, k3, k4, k5 = jax.random.split(key, 5)
    X = jax.random.normal(k1, (N, D_IN), dtype=jnp.float32)
    edge_index = jax.random.randint(k2, (2, E), 0, N, dtype=jnp.int32)
    # Learned parameters (fc weight stored as [D_IN, HEAD*D_OUT] for right-multiply)
    W = jax.random.normal(k3, (D_IN, HEAD * D_OUT), dtype=jnp.float32) * (1.4142 / np.sqrt(D_IN))
    a0 = jax.random.normal(k4, (HEAD, 1, D_OUT), dtype=jnp.float32) * (1.4142 / np.sqrt(D_OUT))
    a1 = jax.random.normal(k5, (HEAD, 1, D_OUT), dtype=jnp.float32) * (1.4142 / np.sqrt(D_OUT))
    return {"X": X, "edge_index": edge_index, "W": W, "a0": a0, "a1": a1}


def reference(X, edge_index, W, a0, a1):
    # fc: X_prime = X @ W, then reshape to [HEAD, N, D_OUT]
    X_prime = (X @ W).reshape(-1, HEAD, D_OUT).transpose(1, 0, 2)  # [H, N, D]
    row = edge_index[0]  # destination nodes (CSR rows)
    col = edge_index[1]  # source nodes (CSR column_index)
    # SDDMM attention: att[h, e] = a0[h] . X_prime[h, row_e] + a1[h] . X_prime[h, col_e]
    s0 = jnp.einsum('hnd,hd->hn', X_prime, a0[:, 0, :])  # [H, N]
    s1 = jnp.einsum('hnd,hd->hn', X_prime, a1[:, 0, :])  # [H, N]
    att = s0[:, row] + s1[:, col]  # [H, E]
    att = jax.nn.leaky_relu(att, negative_slope=ALPHA)
    att = jnp.exp(att)
    # rows_sum: per-row (destination) sum of exp-attention -> softmax denominator [H, N]
    rows_sum = jax.vmap(lambda a: jax.ops.segment_sum(a, row, num_segments=N))(att)  # [H, N]
    # dropout p=0.0 -> identity
    # SPMM: aggregate neighbor features weighted by attention
    msgs = att[:, :, None] * X_prime[:, col, :]  # [H, E, D]
    h_prime = jax.vmap(lambda m: jax.ops.segment_sum(m, row, num_segments=N))(msgs)  # [H, N, D]
    h_prime = h_prime / (rows_sum[:, :, None] + 1e-16)
    return h_prime

if __name__ == "__main__":
    import jax
    _d = setup_inputs()
    print(jax.jit(kernel)(*tuple(_d.values())))

</pallas_src>

<mosaic_0001>
#map = affine_map<(d0, d1) -> (0, 0)>
#map1 = affine_map<(d0, d1) -> (0, 0, 0)>
module attributes {stable_mosaic.version = 14 : i64} {
  func.func @_sc_body(%arg0: i32, %arg1: i32, %arg2: memref<10000x128xf32, #tpu.memory_space<hbm>>, %arg3: memref<1256x128xf32, #tpu.memory_space<hbm>>, %arg4: memref<32x157x64xi32, #tpu.memory_space<hbm>>, %arg5: memref<32x157x64xi32, #tpu.memory_space<hbm>>, %arg6: memref<32x157x64xi32, #tpu.memory_space<hbm>>, %arg7: memref<32x528x144xf32, #tpu.memory_space<hbm>>, %arg8: memref<528x144xf32, #tpu.memory_space<vmem>>, %arg9: memref<64xi32, #tpu.memory_space<vmem>>, %arg10: memref<64xi32, #tpu.memory_space<vmem>>, %arg11: memref<64xi32, #tpu.memory_space<vmem>>, %arg12: memref<64xi32, #tpu.memory_space<vmem>>, %arg13: memref<64xi32, #tpu.memory_space<vmem>>, %arg14: memref<64x128xf32, #tpu.memory_space<vmem>>, %arg15: memref<64x128xf32, #tpu.memory_space<vmem>>, %arg16: memref<64x128xf32, #tpu.memory_space<vmem>>, %arg17: memref<!tpu.dma_semaphore, #tpu.memory_space<semaphore_mem>>) attributes {dimension_semantics = [#tpu.dimension_semantics<core_parallel>, #tpu.dimension_semantics<subcore_parallel>], iteration_bounds = array<i64: 2, 16>, scalar_prefetch = 0 : i64, scratch_operands = 10 : i64, tpu.core_type = #tpu.core_type<sc_vector_subcore>, window_params = [{transform_indices = #map}, {transform_indices = #map}, {transform_indices = #map1}, {transform_indices = #map1}, {transform_indices = #map1}, {transform_indices = #map1}]} {
    %mul3A = arith.constant 16 : i32
    %mul3A_0 = arith.muli %arg0, %mul3A : i32
    %add3A = arith.addi %mul3A_0, %arg1 : i32
    %iota3A = tpu.iota {dimensions = array<i32: 0>} : vector<16xi32>
    %broadcast_in_dim3A = arith.constant 0.000000e+00 : f32
    %broadcast_in_dim3A_1 = vector.broadcast %broadcast_in_dim3A : f32 to vector<16xf32>
    %scan3A = arith.constant 0 : i32
    %scan3A_2 = arith.constant 528 : i32
    %scan3A_3 = arith.addi %scan3A, %scan3A_2 : i32
    %scan3A_4 = arith.constant 1 : i32
    scf.for %scan3A_16 = %scan3A to %scan3A_3 step %scan3A_4  : i32 {
      %swap3A = arith.index_cast %scan3A_16 : i32 to index
      %swap3A_17 = arith.constant 0 : index
      %swap3A_18 = tpu.vector_load %arg8[%swap3A, %swap3A_17] {strides = array<i32>} : memref<528x144xf32, #tpu.memory_space<vmem>>, vector<1x16xf32>,
      %swap3A_19 = vector.shape_cast %swap3A_18 : vector<1x16xf32> to vector<16xf32>
      %swap3A_20 = vector.shape_cast %broadcast_in_dim3A_1 : vector<16xf32> to vector<1x16xf32>
      tpu.vector_store %arg8[%swap3A, %swap3A_17], %swap3A_20 {strides = array<i32>} : memref<528x144xf32, #tpu.memory_space<vmem>>, vector<1x16xf32>,
      %swap3A_21 = arith.index_cast %scan3A_16 : i32 to index
      %swap3A_22 = arith.constant 16 : index
      %swap3A_23 = tpu.vector_load %arg8[%swap3A_21, %swap3A_22] {strides = array<i32>} : memref<528x144xf32, #tpu.memory_space<vmem>>, vector<1x16xf32>,
      %swap3A_24 = vector.shape_cast %swap3A_23 : vector<1x16xf32> to vector<16xf32>
      %swap3A_25 = vector.shape_cast %broadcast_in_dim3A_1 : vector<16xf32> to vector<1x16xf32>
      tpu.vector_store %arg8[%swap3A_21, %swap3A_22], %swap3A_25 {strides = array<i32>} : memref<528x144xf32, #tpu.memory_space<vmem>>, vector<1x16xf32>,
      %swap3A_26 = arith.index_cast %scan3A_16 : i32 to index
      %swap3A_27 = arith.constant 32 : index
      %swap3A_28 = tpu.vector_load %arg8[%swap3A_26, %swap3A_27] {strides = array<i32>} : memref<528x144xf32, #tpu.memory_space<vmem>>, vector<1x16xf32>,
      %swap3A_29 = vector.shape_cast %swap3A_28 : vector<1x16xf32> to vector<16xf32>
      %swap3A_30 = vector.shape_cast %broadcast_in_dim3A_1 : vector<16xf32> to vector<1x16xf32>
      tpu.vector_store %arg8[%swap3A_26, %swap3A_27], %swap3A_30 {strides = array<i32>} : memref<528x144xf32, #tpu.memory_space<vmem>>, vector<1x16xf32>,
      %swap3A_31 = arith.index_cast %scan3A_16 : i32 to index
      %swap3A_32 = arith.constant 48 : index
      %swap3A_33 = tpu.vector_load %arg8[%swap3A_31, %swap3A_32] {strides = array<i32>} : memref<528x144xf32, #tpu.memory_space<vmem>>, vector<1x16xf32>,
      %swap3A_34 = vector.shape_cast %swap3A_33 : vector<1x16xf32> to vector<16xf32>
      %swap3A_35 = vector.shape_cast %broadcast_in_dim3A_1 : vector<16xf32> to vector<1x16xf32>
      tpu.vector_store %arg8[%swap3A_31, %swap3A_32], %swap3A_35 {strides = array<i32>} : memref<528x144xf32, #tpu.memory_space<vmem>>, vector<1x16xf32>,
      %swap3A_36 = arith.index_cast %scan3A_16 : i32 to index
      %swap3A_37 = arith.constant 64 : index
      %swap3A_38 = tpu.vector_load %arg8[%swap3A_36, %swap3A_37] {strides = array<i32>} : memref<528x144xf32, #tpu.memory_space<vmem>>, vector<1x16xf32>,
      %swap3A_39 = vector.shape_cast %swap3A_38 : vector<1x16xf32> to vector<16xf32>
      %swap3A_40 = vector.shape_cast %broadcast_in_dim3A_1 : vector<16xf32> to vector<1x16xf32>
      tpu.vector_store %arg8[%swap3A_36, %swap3A_37], %swap3A_40 {strides = array<i32>} : memref<528x144xf32, #tpu.memory_space<vmem>>, vector<1x16xf32>,
      %swap3A_41 = arith.index_cast %scan3A_16 : i32 to index
      %swap3A_42 = arith.constant 80 : index
      %swap3A_43 = tpu.vector_load %arg8[%swap3A_41, %swap3A_42] {strides = array<i32>} : memref<528x144xf32, #tpu.memory_space<vmem>>, vector<1x16xf32>,
      %swap3A_44 = vector.shape_cast %swap3A_43 : vector<1x16xf32> to vector<16xf32>
      %swap3A_45 = vector.shape_cast %broadcast_in_dim3A_1 : vector<16xf32> to vector<1x16xf32>
      tpu.vector_store %arg8[%swap3A_41, %swap3A_42], %swap3A_45 {strides = array<i32>} : memref<528x144xf32, #tpu.memory_space<vmem>>, vector<1x16xf32>,
      %swap3A_46 = arith.index_cast %scan3A_16 : i32 to index
      %swap3A_47 = arith.constant 96 : index
      %swap3A_48 = tpu.vector_load %arg8[%swap3A_46, %swap3A_47] {strides = array<i32>} : memref<528x144xf32, #tpu.memory_space<vmem>>, vector<1x16xf32>,
      %swap3A_49 = vector.shape_cast %swap3A_48 : vector<1x16xf32> to vector<16xf32>
      %swap3A_50 = vector.shape_cast %broadcast_in_dim3A_1 : vector<16xf32> to vector<1x16xf32>
      tpu.vector_store %arg8[%swap3A_46, %swap3A_47], %swap3A_50 {strides = array<i32>} : memref<528x144xf32, #tpu.memory_space<vmem>>, vector<1x16xf32>,
      %swap3A_51 = arith.index_cast %scan3A_16 : i32 to index
      %swap3A_52 = arith.constant 112 : index
      %swap3A_53 = tpu.vector_load %arg8[%swap3A_51, %swap3A_52] {strides = array<i32>} : memref<528x144xf32, #tpu.memory_space<vmem>>, vector<1x16xf32>,
      %swap3A_54 = vector.shape_cast %swap3A_53 : vector<1x16xf32> to vector<16xf32>
      %swap3A_55 = vector.shape_cast %broadcast_in_dim3A_1 : vector<16xf32> to vector<1x16xf32>
      tpu.vector_store %arg8[%swap3A_51, %swap3A_52], %swap3A_55 {strides = array<i32>} : memref<528x144xf32, #tpu.memory_space<vmem>>, vector<1x16xf32>,
      %swap3A_56 = arith.index_cast %scan3A_16 : i32 to index
      %swap3A_57 = arith.constant 128 : index
      %swap3A_58 = tpu.vector_load %arg8[%swap3A_56, %swap3A_57] {strides = array<i32>} : memref<528x144xf32, #tpu.memory_space<vmem>>, vector<1x16xf32>,
      %swap3A_59 = vector.shape_cast %swap3A_58 : vector<1x16xf32> to vector<16xf32>
      %swap3A_60 = vector.shape_cast %broadcast_in_dim3A_1 : vector<16xf32> to vector<1x16xf32>
      tpu.vector_store %arg8[%swap3A_56, %swap3A_57], %swap3A_60 {strides = array<i32>} : memref<528x144xf32, #tpu.memory_space<vmem>>, vector<1x16xf32>,
    }
    %scan3A_5 = arith.constant 528 : i32
    %add3A_6 = arith.constant 4 : i32
    %add3A_7 = vector.broadcast %add3A_6 : i32 to vector<16xi32>
    %add3A_8 = arith.addi %iota3A, %add3A_7 : vector<16xi32>
    %min3A = arith.constant 15 : i32
    %min3A_9 = vector.broadcast %min3A : i32 to vector<16xi32>
    %min3A_10 = arith.minsi %add3A_8, %min3A_9 : vector<16xi32>
    %scan3A_11 = arith.constant 0 : i32
    %scan3A_12 = arith.constant 157 : i32
    %scan3A_13 = arith.addi %scan3A_11, %scan3A_12 : i32
    %scan3A_14 = arith.constant 1 : i32
    scf.for %scan3A_16 = %scan3A_11 to %scan3A_13 step %scan3A_14  : i32 {
      %dma_start3A = arith.constant 0 : i32
      %dma_start3A_17 = tpu.memref_slice %arg4[%add3A, %scan3A_16, %dma_start3A] : memref<32x157x64xi32, #tpu.memory_space<hbm>> -> memref<1x1x64xi32, #tpu.memory_space<hbm>>
      %dma_start3A_18 = tpu.memref_squeeze %dma_start3A_17 : memref<1x1x64xi32, #tpu.memory_space<hbm>> -> memref<64xi32, #tpu.memory_space<hbm>>
      %dma_start3A_19 = arith.constant 0 : i32
      %dma_start3A_20 = tpu.memref_slice %arg4[%add3A, %scan3A_16, %dma_start3A_19] : memref<32x157x64xi32, #tpu.memory_space<hbm>> -> memref<1x1x64xi32, #tpu.memory_space<hbm>>
      %dma_start3A_21 = tpu.memref_squeeze %dma_start3A_20 : memref<1x1x64xi32, #tpu.memory_space<hbm>> -> memref<64xi32, #tpu.memory_space<hbm>>
      tpu.enqueue_dma source(%dma_start3A_21 : memref<64xi32, #tpu.memory_space<hbm>>) target(%arg9 : memref<64xi32, #tpu.memory_space<vmem>>) target_semaphore(%arg17 : memref<!tpu.dma_semaphore, #tpu.memory_space<semaphore_mem>>)
      %dma_start3A_22 = arith.constant 0 : i32
      %dma_start3A_23 = tpu.memref_slice %arg5[%add3A, %scan3A_16, %dma_start3A_22] : memref<32x157x64xi32, #tpu.memory_space<hbm>> -> memref<1x1x64xi32, #tpu.memory_space<hbm>>
      %dma_start3A_24 = tpu.memref_squeeze %dma_start3A_23 : memref<1x1x64xi32, #tpu.memory_space<hbm>> -> memref<64xi32, #tpu.memory_space<hbm>>
      %dma_start3A_25 = arith.constant 0 : i32
      %dma_start3A_26 = tpu.memref_slice %arg5[%add3A, %scan3A_16, %dma_start3A_25] : memref<32x157x64xi32, #tpu.memory_space<hbm>> -> memref<1x1x64xi32, #tpu.memory_space<hbm>>
      %dma_start3A_27 = tpu.memref_squeeze %dma_start3A_26 : memref<1x1x64xi32, #tpu.memory_space<hbm>> -> memref<64xi32, #tpu.memory_space<hbm>>
      tpu.enqueue_dma source(%dma_start3A_27 : memref<64xi32, #tpu.memory_space<hbm>>) target(%arg10 : memref<64xi32, #tpu.memory_space<vmem>>) target_semaphore(%arg17 : memref<!tpu.dma_semaphore, #tpu.memory_space<semaphore_mem>>)
      %dma_start3A_28 = arith.constant 0 : i32
      %dma_start3A_29 = tpu.memref_slice %arg6[%add3A, %scan3A_16, %dma_start3A_28] : memref<32x157x64xi32, #tpu.memory_space<hbm>> -> memref<1x1x64xi32, #tpu.memory_space<hbm>>
      %dma_start3A_30 = tpu.memref_squeeze %dma_start3A_29 : memref<1x1x64xi32, #tpu.memory_space<hbm>> -> memref<64xi32, #tpu.memory_space<hbm>>
      %dma_start3A_31 = arith.constant 0 : i32
      %dma_start3A_32 = tpu.memref_slice %arg6[%add3A, %scan3A_16, %dma_start3A_31] : memref<32x157x64xi32, #tpu.memory_space<hbm>> -> memref<1x1x64xi32, #tpu.memory_space<hbm>>
      %dma_start3A_33 = tpu.memref_squeeze %dma_start3A_32 : memref<1x1x64xi32, #tpu.memory_space<hbm>> -> memref<64xi32, #tpu.memory_space<hbm>>
      tpu.enqueue_dma source(%dma_start3A_33 : memref<64xi32, #tpu.memory_space<hbm>>) target(%arg11 : memref<64xi32, #tpu.memory_space<vmem>>) target_semaphore(%arg17 : memref<!tpu.dma_semaphore, #tpu.memory_space<semaphore_mem>>)
      %dma_wait3A = arith.constant 0 : i32
      %dma_wait3A_34 = tpu.memref_slice %arg4[%add3A, %scan3A_16, %dma_wait3A] : memref<32x157x64xi32, #tpu.memory_space<hbm>> -> memref<1x1x64xi32, #tpu.memory_space<hbm>>
      %dma_wait3A_35 = tpu.memref_squeeze %dma_wait3A_34 : memref<1x1x64xi32, #tpu.memory_space<hbm>> -> memref<64xi32, #tpu.memory_space<hbm>>
      %dma_wait3A_36 = arith.constant 0 : i32
      %dma_wait3A_37 = tpu.memref_slice %arg4[%add3A, %scan3A_16, %dma_wait3A_36] : memref<32x157x64xi32, #tpu.memory_space<hbm>> -> memref<1x1x64xi32, #tpu.memory_space<hbm>>
      %dma_wait3A_38 = tpu.memref_squeeze %dma_wait3A_37 : memref<1x1x64xi32, #tpu.memory_space<hbm>> -> memref<64xi32, #tpu.memory_space<hbm>>
      tpu.wait_dma2 semaphore(%arg17 : memref<!tpu.dma_semaphore, #tpu.memory_space<semaphore_mem>>) src(%dma_wait3A_38 : memref<64xi32, #tpu.memory_space<hbm>>) dst(%arg9 : memref<64xi32, #tpu.memory_space<vmem>>)
      %dma_wait3A_39 = arith.constant 0 : i32
      %dma_wait3A_40 = tpu.memref_slice %arg5[%add3A, %scan3A_16, %dma_wait3A_39] : memref<32x157x64xi32, #tpu.memory_space<hbm>> -> memref<1x1x64xi32, #tpu.memory_space<hbm>>
      %dma_wait3A_41 = tpu.memref_squeeze %dma_wait3A_40 : memref<1x1x64xi32, #tpu.memory_space<hbm>> -> memref<64xi32, #tpu.memory_space<hbm>>
      %dma_wait3A_42 = arith.constant 0 : i32
      %dma_wait3A_43 = tpu.memref_slice %arg5[%add3A, %scan3A_16, %dma_wait3A_42] : memref<32x157x64xi32, #tpu.memory_space<hbm>> -> memref<1x1x64xi32, #tpu.memory_space<hbm>>
      %dma_wait3A_44 = tpu.memref_squeeze %dma_wait3A_43 : memref<1x1x64xi32, #tpu.memory_space<hbm>> -> memref<64xi32, #tpu.memory_space<hbm>>
      tpu.wait_dma2 semaphore(%arg17 : memref<!tpu.dma_semaphore, #tpu.memory_space<semaphore_mem>>) src(%dma_wait3A_44 : memref<64xi32, #tpu.memory_space<hbm>>) dst(%arg10 : memref<64xi32, #tpu.memory_space<vmem>>)
      %dma_wait3A_45 = arith.constant 0 : i32
      %dma_wait3A_46 = tpu.memref_slice %arg6[%add3A, %scan3A_16, %dma_wait3A_45] : memref<32x157x64xi32, #tpu.memory_space<hbm>> -> memref<1x1x64xi32, #tpu.memory_space<hbm>>
      %dma_wait3A_47 = tpu.memref_squeeze %dma_wait3A_46 : memref<1x1x64xi32, #tpu.memory_space<hbm>> -> memref<64xi32, #tpu.memory_space<hbm>>
      %dma_wait3A_48 = arith.constant 0 : i32
      %dma_wait3A_49 = tpu.memref_slice %arg6[%add3A, %scan3A_16, %dma_wait3A_48] : memref<32x157x64xi32, #tpu.memory_space<hbm>> -> memref<1x1x64xi32, #tpu.memory_space<hbm>>
      %dma_wait3A_50 = tpu.memref_squeeze %dma_wait3A_49 : memref<1x1x64xi32, #tpu.memory_space<hbm>> -> memref<64xi32, #tpu.memory_space<hbm>>
      tpu.wait_dma2 semaphore(%arg17 : memref<!tpu.dma_semaphore, #tpu.memory_space<semaphore_mem>>) src(%dma_wait3A_50 : memref<64xi32, #tpu.memory_space<hbm>>) dst(%arg11 : memref<64xi32, #tpu.memory_space<vmem>>)
      %get3A = arith.constant 0 : index
      %get3A_51 = tpu.vector_load %arg9[%get3A] {strides = array<i32>} : memref<64xi32, #tpu.memory_space<vmem>>, vector<16xi32>,
      %get3A_52 = vector.shape_cast %get3A_51 : vector<16xi32> to vector<16xi32>
      %get3A_53 = arith.constant 0 : index
      %get3A_54 = tpu.vector_load %arg11[%get3A_53] {strides = array<i32>} : memref<64xi32, #tpu.memory_space<vmem>>, vector<16xi32>,
      %get3A_55 = vector.shape_cast %get3A_54 : vector<16xi32> to vector<16xi32>
      %shift_right_logical3A = arith.constant 3 : i32
      %shift_right_logical3A_56 = vector.broadcast %shift_right_logical3A : i32 to vector<16xi32>
      %shift_right_logical3A_57 = arith.shrui %get3A_52, %shift_right_logical3A_56 : vector<16xi32>
      %swap3A = arith.constant 0 : index
      %swap3A_58 = tpu.vector_load %arg12[%swap3A] {strides = array<i32>} : memref<64xi32, #tpu.memory_space<vmem>>, vector<16xi32>,
      %swap3A_59 = vector.shape_cast %swap3A_58 : vector<16xi32> to vector<16xi32>
      %swap3A_60 = vector.shape_cast %shift_right_logical3A_57 : vector<16xi32> to vector<16xi32>
      tpu.vector_store %arg12[%swap3A], %swap3A_60 {strides = array<i32>} : memref<64xi32, #tpu.memory_space<vmem>>, vector<16xi32>,
      %shift_right_logical3A_61 = arith.constant 3 : i32
      %shift_right_logical3A_62 = vector.broadcast %shift_right_logical3A_61 : i32 to vector<16xi32>
      %shift_right_logical3A_63 = arith.shrui %get3A_55, %shift_right_logical3A_62 : vector<16xi32>
      %swap3A_64 = arith.constant 0 : index
      %swap3A_65 = tpu.vector_load %arg13[%swap3A_64] {strides = array<i32>} : memref<64xi32, #tpu.memory_space<vmem>>, vector<16xi32>,
      %swap3A_66 = vector.shape_cast %swap3A_65 : vector<16xi32> to vector<16xi32>
      %swap3A_67 = vector.shape_cast %shift_right_logical3A_63 : vector<16xi32> to vector<16xi32>
      tpu.vector_store %arg13[%swap3A_64], %swap3A_67 {strides = array<i32>} : memref<64xi32, #tpu.memory_space<vmem>>, vector<16xi32>,
      %get3A_68 = arith.constant 16 : index
      %get3A_69 = tpu.vector_load %arg9[%get3A_68] {strides = array<i32>} : memref<64xi32, #tpu.memory_space<vmem>>, vector<16xi32>,
      %get3A_70 = vector.shape_cast %get3A_69 : vector<16xi32> to vector<16xi32>
      %get3A_71 = arith.constant 16 : index
      %get3A_72 = tpu.vector_load %arg11[%get3A_71] {strides = array<i32>} : memref<64xi32, #tpu.memory_space<vmem>>, vector<16xi32>,
      %get3A_73 = vector.shape_cast %get3A_72 : vector<16xi32> to vector<16xi32>
      %shift_right_logical3A_74 = arith.constant 3 : i32
      %shift_right_logical3A_75 = vector.broadcast %shift_right_logical3A_74 : i32 to vector<16xi32>
      %shift_right_logical3A_76 = arith.shrui %get3A_70, %shift_right_logical3A_75 : vector<16xi32>
      %swap3A_77 = arith.constant 16 : index
      %swap3A_78 = tpu.vector_load %arg12[%swap3A_77] {strides = array<i32>} : memref<64xi32, #tpu.memory_space<vmem>>, vector<16xi32>,
      %swap3A_79 = vector.shape_cast %swap3A_78 : vector<16xi32> to vector<16xi32>
      %swap3A_80 = vector.shape_cast %shift_right_logical3A_76 : vector<16xi32> to vector<16xi32>
      tpu.vector_store %arg12[%swap3A_77], %swap3A_80 {strides = array<i32>} : memref<64xi32, #tpu.memory_space<vmem>>, vector<16xi32>,
      %shift_right_logical3A_81 = arith.constant 3 : i32
      %shift_right_logical3A_82 = vector.broadcast %shift_right_logical3A_81 : i32 to vector<16xi32>
      %shift_right_logical3A_83 = arith.shrui %get3A_73, %shift_right_logical3A_82 : vector<16xi32>
      %swap3A_84 = arith.constant 16 : index
      %swap3A_85 = tpu.vector_load %arg13[%swap3A_84] {strides = array<i32>} : memref<64xi32, #tpu.memory_space<vmem>>, vector<16xi32>,
      %swap3A_86 = vector.shape_cast %swap3A_85 : vector<16xi32> to vector<16xi32>
      %swap3A_87 = vector.shape_cast %shift_right_logical3A_83 : vector<16xi32> to vector<16xi32>
      tpu.vector_store %arg13[%swap3A_84], %swap3A_87 {strides = array<i32>} : memref<64xi32, #tpu.memory_space<vmem>>, vector<16xi32>,
      %get3A_88 = arith.constant 32 : index
      %get3A_89 = tpu.vector_load %arg9[%get3A_88] {strides = array<i32>} : memref<64xi32, #tpu.memory_space<vmem>>, vector<16xi32>,
      %get3A_90 = vector.shape_cast %get3A_89 : vector<16xi32> to vector<16xi32>
      %get3A_91 = arith.constant 32 : index
      %get3A_92 = tpu.vector_load %arg11[%get3A_91] {strides = array<i32>} : memref<64xi32, #tpu.memory_space<vmem>>, vector<16xi32>,
      %get3A_93 = vector.shape_cast %get3A_92 : vector<16xi32> to vector<16xi32>
      %shift_right_logical3A_94 = arith.constant 3 : i32
      %shift_right_logical3A_95 = vector.broadcast %shift_right_logical3A_94 : i32 to vector<16xi32>
      %shift_right_logical3A_96 = arith.shrui %get3A_90, %shift_right_logical3A_95 : vector<16xi32>
      %swap3A_97 = arith.constant 32 : index
      %swap3A_98 = tpu.vector_load %arg12[%swap3A_97] {strides = array<i32>} : memref<64xi32, #tpu.memory_space<vmem>>, vector<16xi32>,
      %swap3A_99 = vector.shape_cast %swap3A_98 : vector<16xi32> to vector<16xi32>
      %swap3A_100 = vector.shape_cast %shift_right_logical3A_96 : vector<16xi32> to vector<16xi32>
      tpu.vector_store %arg12[%swap3A_97], %swap3A_100 {strides = array<i32>} : memref<64xi32, #tpu.memory_space<vmem>>, vector<16xi32>,
      %shift_right_logical3A_101 = arith.constant 3 : i32
      %shift_right_logical3A_102 = vector.broadcast %shift_right_logical3A_101 : i32 to vector<16xi32>
      %shift_right_logical3A_103 = arith.shrui %get3A_93, %shift_right_logical3A_102 : vector<16xi32>
      %swap3A_104 = arith.constant 32 : index
      %swap3A_105 = tpu.vector_load %arg13[%swap3A_104] {strides = array<i32>} : memref<64xi32, #tpu.memory_space<vmem>>, vector<16xi32>,
      %swap3A_106 = vector.shape_cast %swap3A_105 : vector<16xi32> to vector<16xi32>
      %swap3A_107 = vector.shape_cast %shift_right_logical3A_103 : vector<16xi32> to vector<16xi32>
      tpu.vector_store %arg13[%swap3A_104], %swap3A_107 {strides = array<i32>} : memref<64xi32, #tpu.memory_space<vmem>>, vector<16xi32>,
      %get3A_108 = arith.constant 48 : index
      %get3A_109 = tpu.vector_load %arg9[%get3A_108] {strides = array<i32>} : memref<64xi32, #tpu.memory_space<vmem>>, vector<16xi32>,
      %get3A_110 = vector.shape_cast %get3A_109 : vector<16xi32> to vector<16xi32>
      %get3A_111 = arith.constant 48 : index
      %get3A_112 = tpu.vector_load %arg11[%get3A_111] {strides = array<i32>} : memref<64xi32, #tpu.memory_space<vmem>>, vector<16xi32>,
      %get3A_113 = vector.shape_cast %get3A_112 : vector<16xi32> to vector<16xi32>
      %shift_right_logical3A_114 = arith.constant 3 : i32
      %shift_right_logical3A_115 = vector.broadcast %shift_right_logical3A_114 : i32 to vector<16xi32>
      %shift_right_logical3A_116 = arith.shrui %get3A_110, %shift_right_logical3A_115 : vector<16xi32>
      %swap3A_117 = arith.constant 48 : index
      %swap3A_118 = tpu.vector_load %arg12[%swap3A_117] {strides = array<i32>} : memref<64xi32, #tpu.memory_space<vmem>>, vector<16xi32>,
      %swap3A_119 = vector.shape_cast %swap3A_118 : vector<16xi32> to vector<16xi32>
      %swap3A_120 = vector.shape_cast %shift_right_logical3A_116 : vector<16xi32> to vector<16xi32>
      tpu.vector_store %arg12[%swap3A_117], %swap3A_120 {strides = array<i32>} : memref<64xi32, #tpu.memory_space<vmem>>, vector<16xi32>,
      %shift_right_logical3A_121 = arith.constant 3 : i32
      %shift_right_logical3A_122 = vector.broadcast %shift_right_logical3A_121 : i32 to vector<16xi32>
      %shift_right_logical3A_123 = arith.shrui %get3A_113, %shift_right_logical3A_122 : vector<16xi32>
      %swap3A_124 = arith.constant 48 : index
      %swap3A_125 = tpu.vector_load %arg13[%swap3A_124] {strides = array<i32>} : memref<64xi32, #tpu.memory_space<vmem>>, vector<16xi32>,
      %swap3A_126 = vector.shape_cast %swap3A_125 : vector<16xi32> to vector<16xi32>
      %swap3A_127 = vector.shape_cast %shift_right_logical3A_123 : vector<16xi32> to vector<16xi32>
      tpu.vector_store %arg13[%swap3A_124], %swap3A_127 {strides = array<i32>} : memref<64xi32, #tpu.memory_space<vmem>>, vector<16xi32>,
      %dma_start3A_128 = arith.constant 0 : i32
      %dma_start3A_129 = arith.constant 0 : i32
      %dma_start3A_130 = tpu.memref_slice %arg3[%dma_start3A_128, %dma_start3A_129] : memref<1256x128xf32, #tpu.memory_space<hbm>> -> memref<1256x128xf32, #tpu.memory_space<hbm>>
      tpu.enqueue_indirect_dma source(%dma_start3A_130 : memref<1256x128xf32, #tpu.memory_space<hbm>>) target(%arg15 : memref<64x128xf32, #tpu.memory_space<vmem>>) offsets(%arg12 : memref<64xi32, #tpu.memory_space<vmem>>) semaphore(%arg17 : memref<!tpu.dma_semaphore, #tpu.memory_space<semaphore_mem>>)
      %dma_start3A_131 = arith.constant 0 : i32
      %dma_start3A_132 = arith.constant 0 : i32
      %dma_start3A_133 = tpu.memref_slice %arg3[%dma_start3A_131, %dma_start3A_132] : memref<1256x128xf32, #tpu.memory_space<hbm>> -> memref<1256x128xf32, #tpu.memory_space<hbm>>
      tpu.enqueue_indirect_dma source(%dma_start3A_133 : memref<1256x128xf32, #tpu.memory_space<hbm>>) target(%arg16 : memref<64x128xf32, #tpu.memory_space<vmem>>) offsets(%arg13 : memref<64xi32, #tpu.memory_space<vmem>>) semaphore(%arg17 : memref<!tpu.dma_semaphore, #tpu.memory_space<semaphore_mem>>)
      %dma_start3A_134 = arith.constant 0 : i32
      %dma_start3A_135 = arith.constant 0 : i32
      %dma_start3A_136 = tpu.memref_slice %arg2[%dma_start3A_134, %dma_start3A_135] : memref<10000x128xf32, #tpu.memory_space<hbm>> -> memref<10000x128xf32, #tpu.memory_space<hbm>>
      tpu.enqueue_indirect_dma source(%dma_start3A_136 : memref<10000x128xf32, #tpu.memory_space<hbm>>) target(%arg14 : memref<64x128xf32, #tpu.memory_space<vmem>>) offsets(%arg11 : memref<64xi32, #tpu.memory_space<vmem>>) semaphore(%arg17 : memref<!tpu.dma_semaphore, #tpu.memory_space<semaphore_mem>>)
      %dma_wait3A_137 = arith.constant 0 : i32
      %dma_wait3A_138 = arith.constant 0 : i32
      %dma_wait3A_139 = tpu.memref_slice %arg3[%dma_wait3A_137, %dma_wait3A_138] : memref<1256x128xf32, #tpu.memory_space<hbm>> -> memref<1256x128xf32, #tpu.memory_space<hbm>>
      tpu.wait_indirect_dma semaphore(%arg17 : memref<!tpu.dma_semaphore, #tpu.memory_space<semaphore_mem>>) src(%dma_wait3A_139 : memref<1256x128xf32, #tpu.memory_space<hbm>>) dst(%arg15 : memref<64x128xf32, #tpu.memory_space<vmem>>)
      %dma_wait3A_140 = arith.constant 0 : i32
      %dma_wait3A_141 = arith.constant 0 : i32
      %dma_wait3A_142 = tpu.memref_slice %arg3[%dma_wait3A_140, %dma_wait3A_141] : memref<1256x128xf32, #tpu.memory_space<hbm>> -> memref<1256x128xf32, #tpu.memory_space<hbm>>
      tpu.wait_indirect_dma semaphore(%arg17 : memref<!tpu.dma_semaphore, #tpu.memory_space<semaphore_mem>>) src(%dma_wait3A_142 : memref<1256x128xf32, #tpu.memory_space<hbm>>) dst(%arg16 : memref<64x128xf32, #tpu.memory_space<vmem>>)
      %dma_wait3A_143 = arith.constant 0 : i32
      %dma_wait3A_144 = arith.constant 0 : i32
      %dma_wait3A_145 = tpu.memref_slice %arg2[%dma_wait3A_143, %dma_wait3A_144] : memref<10000x128xf32, #tpu.memory_space<hbm>> -> memref<10000x128xf32, #tpu.memory_space<hbm>>
      tpu.wait_indirect_dma semaphore(%arg17 : memref<!tpu.dma_semaphore, #tpu.memory_space<semaphore_mem>>) src(%dma_wait3A_145 : memref<10000x128xf32, #tpu.memory_space<hbm>>) dst(%arg14 : memref<64x128xf32, #tpu.memory_space<vmem>>)
      %scan3A_146 = arith.constant 0 : i32
      %scan3A_147 = arith.constant 4 : i32
      %scan3A_148 = arith.addi %scan3A_146, %scan3A_147 : i32
      %scan3A_149 = arith.constant 1 : i32
      scf.for %scan3A_151 = %scan3A_146 to %scan3A_148 step %scan3A_149  : i32 {
        %mul3A_152 = arith.constant 16 : i32
        %mul3A_153 = arith.muli %scan3A_151, %mul3A_152 : i32
        %get3A_154 = arith.index_cast %mul3A_153 : i32 to index
        %get3A_155 = tpu.vector_load %arg9[%get3A_154] {strides = array<i32>} : memref<64xi32, #tpu.memory_space<vmem>>, vector<16xi32>,
        %get3A_156 = vector.shape_cast %get3A_155 : vector<16xi32> to vector<16xi32>
        %mul3A_157 = arith.constant 16 : i32
        %mul3A_158 = arith.muli %scan3A_151, %mul3A_157 : i32
        %get3A_159 = arith.index_cast %mul3A_158 : i32 to index
        %get3A_160 = tpu.vector_load %arg10[%get3A_159] {strides = array<i32>} : memref<64xi32, #tpu.memory_space<vmem>>, vector<16xi32>,
        %get3A_161 = vector.shape_cast %get3A_160 : vector<16xi32> to vector<16xi32>
        %mul3A_162 = arith.constant 16 : i32
        %mul3A_163 = arith.muli %scan3A_151, %mul3A_162 : i32
        %get3A_164 = arith.index_cast %mul3A_163 : i32 to index
        %get3A_165 = tpu.vector_load %arg11[%get3A_164] {strides = array<i32>} : memref<64xi32, #tpu.memory_space<vmem>>, vector<16xi32>,
        %get3A_166 = vector.shape_cast %get3A_165 : vector<16xi32> to vector<16xi32>
        %mul3A_167 = arith.constant 16 : i32
        %mul3A_168 = arith.muli %scan3A_151, %mul3A_167 : i32
        %add3A_169 = arith.constant 0 : i32
        %add3A_170 = arith.addi %mul3A_168, %add3A_169 : i32
        %slice3A = vector.extract_strided_slice %get3A_156 {offsets = [0], sizes = [1], strides = [1]} : vector<16xi32> to vector<1xi32>
        %squeeze3A = vector.extract %slice3A[0] : i32 from vector<1xi32>
        %slice3A_171 = vector.extract_strided_slice %get3A_166 {offsets = [0], sizes = [1], strides = [1]} : vector<16xi32> to vector<1xi32>
        %squeeze3A_172 = vector.extract %slice3A_171[0] : i32 from vector<1xi32>
        %slice3A_173 = vector.extract_strided_slice %get3A_161 {offsets = [0], sizes = [1], strides = [1]} : vector<16xi32> to vector<1xi32>
        %squeeze3A_174 = vector.extract %slice3A_173[0] : i32 from vector<1xi32>
        %min3A_175 = arith.constant 524 : i32
        %min3A_176 = arith.minsi %squeeze3A_174, %min3A_175 : i32
        %and3A = arith.constant 7 : i32
        %and3A_177 = arith.andi %squeeze3A, %and3A : i32
        %mul3A_178 = arith.constant 16 : i32
        %mul3A_179 = arith.muli %and3A_177, %mul3A_178 : i32
        %and3A_180 = arith.constant 7 : i32
        %and3A_181 = arith.andi %squeeze3A_172, %and3A_180 : i32
        %mul3A_182 = arith.constant 16 : i32
        %mul3A_183 = arith.muli %and3A_181, %mul3A_182 : i32
        %get3A_184 = arith.index_cast %add3A_170 : i32 to index
        %get3A_185 = arith.index_cast %mul3A_179 : i32 to index
        %get3A_186 = tpu.vector_load %arg15[%get3A_184, %get3A_185] {strides = array<i32>} : memref<64x128xf32, #tpu.memory_space<vmem>>, vector<1x16xf32>,
        %get3A_187 = vector.shape_cast %get3A_186 : vector<1x16xf32> to vector<16xf32>
        %get3A_188 = arith.index_cast %add3A_170 : i32 to index
        %get3A_189 = arith.index_cast %mul3A_183 : i32 to index
        %get3A_190 = tpu.vector_load %arg16[%get3A_188, %get3A_189] {strides = array<i32>} : memref<64x128xf32, #tpu.memory_space<vmem>>, vector<1x16xf32>,
        %get3A_191 = vector.shape_cast %get3A_190 : vector<1x16xf32> to vector<16xf32>
        %broadcast_in_dim3A_192 = vector.shape_cast %min3A_10 : vector<16xi32> to vector<16x1xi32>
        %gather3A = vector.shape_cast %broadcast_in_dim3A_192 : vector<16x1xi32> to vector<16xi32>
        %gather3A_193 = tpu.dynamic_gather %get3A_191[%gather3A] in [0] : vector<16xf32>, vector<16xi32> -> vector<16xf32>
        %add3A_194 = arith.addf %get3A_187, %gather3A_193 : vector<16xf32>
        %mul3A_195 = arith.constant 2.000000e-01 : f32
        %mul3A_196 = vector.broadcast %mul3A_195 : f32 to vector<16xf32>
        %mul3A_197 = arith.mulf %mul3A_196, %add3A_194 : vector<16xf32>
        %max3A = arith.maximumf %add3A_194, %mul3A_197 : vector<16xf32>
        %exp3A = math.exp %max3A : vector<16xf32>
        %get3A_198 = arith.index_cast %min3A_176 : i32 to index
        %get3A_199 = arith.constant 128 : index
        %get3A_200 = tpu.vector_load %arg8[%get3A_198, %get3A_199] {strides = array<i32>} : memref<528x144xf32, #tpu.memory_space<vmem>>, vector<1x16xf32>,
        %get3A_201 = vector.shape_cast %get3A_200 : vector<1x16xf32> to vector<16xf32>
        %lt3A = arith.constant 4 : i32
        %lt3A_202 = vector.broadcast %lt3A : i32 to vector<16xi32>
        %lt3A_203 = arith.cmpi slt, %iota3A, %lt3A_202 : vector<16xi32>
        %select_n3A = arith.select %lt3A_203, %exp3A, %broadcast_in_dim3A_1 : vector<16xi1>, vector<16xf32>
        %add3A_204 = arith.addf %get3A_201, %select_n3A : vector<16xf32>
        %swap3A_205 = arith.index_cast %min3A_176 : i32 to index
        %swap3A_206 = arith.constant 128 : index
        %swap3A_207 = tpu.vector_load %arg8[%swap3A_205, %swap3A_206] {strides = array<i32>} : memref<528x144xf32, #tpu.memory_space<vmem>>, vector<1x16xf32>,
        %swap3A_208 = vector.shape_cast %swap3A_207 : vector<1x16xf32> to vector<16xf32>
        %swap3A_209 = vector.shape_cast %add3A_204 : vector<16xf32> to vector<1x16xf32>
        tpu.vector_store %arg8[%swap3A_205, %swap3A_206], %swap3A_209 {strides = array<i32>} : memref<528x144xf32, #tpu.memory_space<vmem>>, vector<1x16xf32>,
        %broadcast_in_dim3A_210 = arith.constant 0 : i32
        %broadcast_in_dim3A_211 = vector.broadcast %broadcast_in_dim3A_210 : i32 to vector<16xi32>
        %broadcast_in_dim3A_212 = vector.shape_cast %broadcast_in_dim3A_211 : vector<16xi32> to vector<16x1xi32>
        %gather3A_213 = vector.shape_cast %broadcast_in_dim3A_212 : vector<16x1xi32> to vector<16xi32>
        %gather3A_214 = tpu.dynamic_gather %exp3A[%gather3A_213] in [0] : vector<16xf32>, vector<16xi32> -> vector<16xf32>
        %broadcast_in_dim3A_215 = arith.constant 1 : i32
        %broadcast_in_dim3A_216 = vector.broadcast %broadcast_in_dim3A_215 : i32 to vector<16xi32>
        %broadcast_in_dim3A_217 = vector.shape_cast %broadcast_in_dim3A_216 : vector<16xi32> to vector<16x1xi32>
        %gather3A_218 = vector.shape_cast %broadcast_in_dim3A_217 : vector<16x1xi32> to vector<16xi32>
        %gather3A_219 = tpu.dynamic_gather %exp3A[%gather3A_218] in [0] : vector<16xf32>, vector<16xi32> -> vector<16xf32>
        %broadcast_in_dim3A_220 = arith.constant 2 : i32
        %broadcast_in_dim3A_221 = vector.broadcast %broadcast_in_dim3A_220 : i32 to vector<16xi32>
        %broadcast_in_dim3A_222 = vector.shape_cast %broadcast_in_dim3A_221 : vector<16xi32> to vector<16x1xi32>
        %gather3A_223 = vector.shape_cast %broadcast_in_dim3A_222 : vector<16x1xi32> to vector<16xi32>
        %gather3A_224 = tpu.dynamic_gather %exp3A[%gather3A_223] in [0] : vector<16xf32>, vector<16xi32> -> vector<16xf32>
        %broadcast_in_dim3A_225 = arith.constant 3 : i32
        %broadcast_in_dim3A_226 = vector.broadcast %broadcast_in_dim3A_225 : i32 to vector<16xi32>
        %broadcast_in_dim3A_227 = vector.shape_cast %broadcast_in_dim3A_226 : vector<16xi32> to vector<16x1xi32>
        %gather3A_228 = vector.shape_cast %broadcast_in_dim3A_227 : vector<16x1xi32> to vector<16xi32>
        %gather3A_229 = tpu.dynamic_gather %exp3A[%gather3A_228] in [0] : vector<16xf32>, vector<16xi32> -> vector<16xf32>
        %get3A_230 = arith.index_cast %add3A_170 : i32 to index
        %get3A_231 = arith.constant 0 : index
        %get3A_232 = tpu.vector_load %arg14[%get3A_230, %get3A_231] {strides = array<i32>} : memref<64x128xf32, #tpu.memory_space<vmem>>, vector<1x16xf32>,
        %get3A_233 = vector.shape_cast %get3A_232 : vector<1x16xf32> to vector<16xf32>
        %mul3A_234 = arith.mulf %get3A_233, %gather3A_214 : vector<16xf32>
        %get3A_235 = arith.index_cast %min3A_176 : i32 to index
        %get3A_236 = arith.constant 0 : index
        %get3A_237 = tpu.vector_load %arg8[%get3A_235, %get3A_236] {strides = array<i32>} : memref<528x144xf32, #tpu.memory_space<vmem>>, vector<1x16xf32>,
        %get3A_238 = vector.shape_cast %get3A_237 : vector<1x16xf32> to vector<16xf32>
        %add3A_239 = arith.addf %get3A_238, %mul3A_234 : vector<16xf32>
        %swap3A_240 = arith.index_cast %min3A_176 : i32 to index
        %swap3A_241 = arith.constant 0 : index
        %swap3A_242 = tpu.vector_load %arg8[%swap3A_240, %swap3A_241] {strides = array<i32>} : memref<528x144xf32, #tpu.memory_space<vmem>>, vector<1x16xf32>,
        %swap3A_243 = vector.shape_cast %swap3A_242 : vector<1x16xf32> to vector<16xf32>
        %swap3A_244 = vector.shape_cast %add3A_239 : vector<16xf32> to vector<1x16xf32>
        tpu.vector_store %arg8[%swap3A_240, %swap3A_241], %swap3A_244 {strides = array<i32>} : memref<528x144xf32, #tpu.memory_space<vmem>>, vector<1x16xf32>,
        %get3A_245 = arith.index_cast %add3A_170 : i32 to index
        %get3A_246 = arith.constant 16 : index
        %get3A_247 = tpu.vector_load %arg14[%get3A_245, %get3A_246] {strides = array<i32>} : memref<64x128xf32, #tpu.memory_space<vmem>>, vector<1x16xf32>,
        %get3A_248 = vector.shape_cast %get3A_247 : vector<1x16xf32> to vector<16xf32>
        %mul3A_249 = arith.mulf %get3A_248, %gather3A_214 : vector<16xf32>
        %get3A_250 = arith.index_cast %min3A_176 : i32 to index
        %get3A_251 = arith.constant 16 : index
        %get3A_252 = tpu.vector_load %arg8[%get3A_250, %get3A_251] {strides = array<i32>} : memref<528x144xf32, #tpu.memory_space<vmem>>, vector<1x16xf32>,
        %get3A_253 = vector.shape_cast %get3A_252 : vector<1x16xf32> to vector<16xf32>
        %add3A_254 = arith.addf %get3A_253, %mul3A_249 : vector<16xf32>
        %swap3A_255 = arith.index_cast %min3A_176 : i32 to index
        %swap3A_256 = arith.constant 16 : index
        %swap3A_257 = tpu.vector_load %arg8[%swap3A_255, %swap3A_256] {strides = array<i32>} : memref<528x144xf32, #tpu.memory_space<vmem>>, vector<1x16xf32>,
        %swap3A_258 = vector.shape_cast %swap3A_257 : vector<1x16xf32> to vector<16xf32>
        %swap3A_259 = vector.shape_cast %add3A_254 : vector<16xf32> to vector<1x16xf32>
        tpu.vector_store %arg8[%swap3A_255, %swap3A_256], %swap3A_259 {strides = array<i32>} : memref<528x144xf32, #tpu.memory_space<vmem>>, vector<1x16xf32>,
        %get3A_260 = arith.index_cast %add3A_170 : i32 to index
        %get3A_261 = arith.constant 32 : index
        %get3A_262 = tpu.vector_load %arg14[%get3A_260, %get3A_261] {strides = array<i32>} : memref<64x128xf32, #tpu.memory_space<vmem>>, vector<1x16xf32>,
        %get3A_263 = vector.shape_cast %get3A_262 : vector<1x16xf32> to vector<16xf32>
        %mul3A_264 = arith.mulf %get3A_263, %gather3A_219 : vector<16xf32>
        %get3A_265 = arith.index_cast %min3A_176 : i32 to index
        %get3A_266 = arith.constant 32 : index
        %get3A_267 = tpu.vector_load %arg8[%get3A_265, %get3A_266] {strides = array<i32>} : memref<528x144xf32, #tpu.memory_space<vmem>>, vector<1x16xf32>,
        %get3A_268 = vector.shape_cast %get3A_267 : vector<1x16xf32> to vector<16xf32>
        %add3A_269 = arith.addf %get3A_268, %mul3A_264 : vector<16xf32>
        %swap3A_270 = arith.index_cast %min3A_176 : i32 to index
        %swap3A_271 = arith.constant 32 : index
        %swap3A_272 = tpu.vector_load %arg8[%swap3A_270, %swap3A_271] {strides = array<i32>} : memref<528x144xf32, #tpu.memory_space<vmem>>, vector<1x16xf32>,
        %swap3A_273 = vector.shape_cast %swap3A_272 : vector<1x16xf32> to vector<16xf32>
        %swap3A_274 = vector.shape_cast %add3A_269 : vector<16xf32> to vector<1x16xf32>
        tpu.vector_store %arg8[%swap3A_270, %swap3A_271], %swap3A_274 {strides = array<i32>} : memref<528x144xf32, #tpu.memory_space<vmem>>, vector<1x16xf32>,
        %get3A_275 = arith.index_cast %add3A_170 : i32 to index
        %get3A_276 = arith.constant 48 : index
        %get3A_277 = tpu.vector_load %arg14[%get3A_275, %get3A_276] {strides = array<i32>} : memref<64x128xf32, #tpu.memory_space<vmem>>, vector<1x16xf32>,
        %get3A_278 = vector.shape_cast %get3A_277 : vector<1x16xf32> to vector<16xf32>
        %mul3A_279 = arith.mulf %get3A_278, %gather3A_219 : vector<16xf32>
        %get3A_280 = arith.index_cast %min3A_176 : i32 to index
        %get3A_281 = arith.constant 48 : index
        %get3A_282 = tpu.vector_load %arg8[%get3A_280, %get3A_281] {strides = array<i32>} : memref<528x144xf32, #tpu.memory_space<vmem>>, vector<1x16xf32>,
        %get3A_283 = vector.shape_cast %get3A_282 : vector<1x16xf32> to vector<16xf32>
        %add3A_284 = arith.addf %get3A_283, %mul3A_279 : vector<16xf32>
        %swap3A_285 = arith.index_cast %min3A_176 : i32 to index
        %swap3A_286 = arith.constant 48 : index
        %swap3A_287 = tpu.vector_load %arg8[%swap3A_285, %swap3A_286] {strides = array<i32>} : memref<528x144xf32, #tpu.memory_space<vmem>>, vector<1x16xf32>,
        %swap3A_288 = vector.shape_cast %swap3A_287 : vector<1x16xf32> to vector<16xf32>
        %swap3A_289 = vector.shape_cast %add3A_284 : vector<16xf32> to vector<1x16xf32>
        tpu.vector_store %arg8[%swap3A_285, %swap3A_286], %swap3A_289 {strides = array<i32>} : memref<528x144xf32, #tpu.memory_space<vmem>>, vector<1x16xf32>,
        %get3A_290 = arith.index_cast %add3A_170 : i32 to index
        %get3A_291 = arith.constant 64 : index
        %get3A_292 = tpu.vector_load %arg14[%get3A_290, %get3A_291] {strides = array<i32>} : memref<64x128xf32, #tpu.memory_space<vmem>>, vector<1x16xf32>,
        %get3A_293 = vector.shape_cast %get3A_292 : vector<1x16xf32> to vector<16xf32>
        %mul3A_294 = arith.mulf %get3A_293, %gather3A_224 : vector<16xf32>
        %get3A_295 = arith.index_cast %min3A_176 : i32 to index
        %get3A_296 = arith.constant 64 : index
        %get3A_297 = tpu.vector_load %arg8[%get3A_295, %get3A_296] {strides = array<i32>} : memref<528x144xf32, #tpu.memory_space<vmem>>, vector<1x16xf32>,
        %get3A_298 = vector.shape_cast %get3A_297 : vector<1x16xf32> to vector<16xf32>
        %add3A_299 = arith.addf %get3A_298, %mul3A_294 : vector<16xf32>
        %swap3A_300 = arith.index_cast %min3A_176 : i32 to index
        %swap3A_301 = arith.constant 64 : index
        %swap3A_302 = tpu.vector_load %arg8[%swap3A_300, %swap3A_301] {strides = array<i32>} : memref<528x144xf32, #tpu.memory_space<vmem>>, vector<1x16xf32>,
        %swap3A_303 = vector.shape_cast %swap3A_302 : vector<1x16xf32> to vector<16xf32>
        %swap3A_304 = vector.shape_cast %add3A_299 : vector<16xf32> to vector<1x16xf32>
        tpu.vector_store %arg8[%swap3A_300, %swap3A_301], %swap3A_304 {strides = array<i32>} : memref<528x144xf32, #tpu.memory_space<vmem>>, vector<1x16xf32>,
        %get3A_305 = arith.index_cast %add3A_170 : i32 to index
        %get3A_306 = arith.constant 80 : index
        %get3A_307 = tpu.vector_load %arg14[%get3A_305, %get3A_306] {strides = array<i32>} : memref<64x128xf32, #tpu.memory_space<vmem>>, vector<1x16xf32>,
        %get3A_308 = vector.shape_cast %get3A_307 : vector<1x16xf32> to vector<16xf32>
        %mul3A_309 = arith.mulf %get3A_308, %gather3A_224 : vector<16xf32>
        %get3A_310 = arith.index_cast %min3A_176 : i32 to index
        %get3A_311 = arith.constant 80 : index
        %get3A_312 = tpu.vector_load %arg8[%get3A_310, %get3A_311] {strides = array<i32>} : memref<528x144xf32, #tpu.memory_space<vmem>>, vector<1x16xf32>,
        %get3A_313 = vector.shape_cast %get3A_312 : vector<1x16xf32> to vector<16xf32>
        %add3A_314 = arith.addf %get3A_313, %mul3A_309 : vector<16xf32>
        %swap3A_315 = arith.index_cast %min3A_176 : i32 to index
        %swap3A_316 = arith.constant 80 : index
        %swap3A_317 = tpu.vector_load %arg8[%swap3A_315, %swap3A_316] {strides = array<i32>} : memref<528x144xf32, #tpu.memory_space<vmem>>, vector<1x16xf32>,
        %swap3A_318 = vector.shape_cast %swap3A_317 : vector<1x16xf32> to vector<16xf32>
        %swap3A_319 = vector.shape_cast %add3A_314 : vector<16xf32> to vector<1x16xf32>
        tpu.vector_store %arg8[%swap3A_315, %swap3A_316], %swap3A_319 {strides = array<i32>} : memref<528x144xf32, #tpu.memory_space<vmem>>, vector<1x16xf32>,
        %get3A_320 = arith.index_cast %add3A_170 : i32 to index
        %get3A_321 = arith.constant 96 : index
        %get3A_322 = tpu.vector_load %arg14[%get3A_320, %get3A_321] {strides = array<i32>} : memref<64x128xf32, #tpu.memory_space<vmem>>, vector<1x16xf32>,
        %get3A_323 = vector.shape_cast %get3A_322 : vector<1x16xf32> to vector<16xf32>
        %mul3A_324 = arith.mulf %get3A_323, %gather3A_229 : vector<16xf32>
        %get3A_325 = arith.index_cast %min3A_176 : i32 to index
        %get3A_326 = arith.constant 96 : index
        %get3A_327 = tpu.vector_load %arg8[%get3A_325, %get3A_326] {strides = array<i32>} : memref<528x144xf32, #tpu.memory_space<vmem>>, vector<1x16xf32>,
        %get3A_328 = vector.shape_cast %get3A_327 : vector<1x16xf32> to vector<16xf32>
        %add3A_329 = arith.addf %get3A_328, %mul3A_324 : vector<16xf32>
        %swap3A_330 = arith.index_cast %min3A_176 : i32 to index
        %swap3A_331 = arith.constant 96 : index
        %swap3A_332 = tpu.vector_load %arg8[%swap3A_330, %swap3A_331] {strides = array<i32>} : memref<528x144xf32, #tpu.memory_space<vmem>>, vector<1x16xf32>,
        %swap3A_333 = vector.shape_cast %swap3A_332 : vector<1x16xf32> to vector<16xf32>
        %swap3A_334 = vector.shape_cast %add3A_329 : vector<16xf32> to vector<1x16xf32>
        tpu.vector_store %arg8[%swap3A_330, %swap3A_331], %swap3A_334 {strides = array<i32>} : memref<528x144xf32, #tpu.memory_space<vmem>>, vector<1x16xf32>,
        %get3A_335 = arith.index_cast %add3A_170 : i32 to index
        %get3A_336 = arith.constant 112 : index
        %get3A_337 = tpu.vector_load %arg14[%get3A_335, %get3A_336] {strides = array<i32>} : memref<64x128xf32, #tpu.memory_space<vmem>>, vector<1x16xf32>,
        %get3A_338 = vector.shape_cast %get3A_337 : vector<1x16xf32> to vector<16xf32>
        %mul3A_339 = arith.mulf %get3A_338, %gather3A_229 : vector<16xf32>
        %get3A_340 = arith.index_cast %min3A_176 : i32 to index
        %get3A_341 = arith.constant 112 : index
        %get3A_342 = tpu.vector_load %arg8[%get3A_340, %get3A_341] {strides = array<i32>} : memref<528x144xf32, #tpu.memory_space<vmem>>, vector<1x16xf32>,
        %get3A_343 = vector.shape_cast %get3A_342 : vector<1x16xf32> to vector<16xf32>
        %add3A_344 = arith.addf %get3A_343, %mul3A_339 : vector<16xf32>
        %swap3A_345 = arith.index_cast %min3A_176 : i32 to index
        %swap3A_346 = arith.constant 112 : index
        %swap3A_347 = tpu.vector_load %arg8[%swap3A_345, %swap3A_346] {strides = array<i32>} : memref<528x144xf32, #tpu.memory_space<vmem>>, vector<1x16xf32>,
        %swap3A_348 = vector.shape_cast %swap3A_347 : vector<1x16xf32> to vector<16xf32>
        %swap3A_349 = vector.shape_cast %add3A_344 : vector<16xf32> to vector<1x16xf32>
        tpu.vector_store %arg8[%swap3A_345, %swap3A_346], %swap3A_349 {strides = array<i32>} : memref<528x144xf32, #tpu.memory_space<vmem>>, vector<1x16xf32>,
        %mul3A_350 = arith.constant 16 : i32
        %mul3A_351 = arith.muli %scan3A_151, %mul3A_350 : i32
        %add3A_352 = arith.constant 1 : i32
        %add3A_353 = arith.addi %mul3A_351, %add3A_352 : i32
        %slice3A_354 = vector.extract_strided_slice %get3A_156 {offsets = [1], sizes = [1], strides = [1]} : vector<16xi32> to vector<1xi32>
        %squeeze3A_355 = vector.extract %slice3A_354[0] : i32 from vector<1xi32>
        %slice3A_356 = vector.extract_strided_slice %get3A_166 {offsets = [1], sizes = [1], strides = [1]} : vector<16xi32> to vector<1xi32>
        %squeeze3A_357 = vector.extract %slice3A_356[0] : i32 from vector<1xi32>
        %slice3A_358 = vector.extract_strided_slice %get3A_161 {offsets = [1], sizes = [1], strides = [1]} : vector<16xi32> to vector<1xi32>
        %squeeze3A_359 = vector.extract %slice3A_358[0] : i32 from vector<1xi32>
        %min3A_360 = arith.constant 524 : i32
        %min3A_361 = arith.minsi %squeeze3A_359, %min3A_360 : i32
        %and3A_362 = arith.constant 7 : i32
        %and3A_363 = arith.andi %squeeze3A_355, %and3A_362 : i32
        %mul3A_364 = arith.constant 16 : i32
        %mul3A_365 = arith.muli %and3A_363, %mul3A_364 : i32
        %and3A_366 = arith.constant 7 : i32
        %and3A_367 = arith.andi %squeeze3A_357, %and3A_366 : i32
        %mul3A_368 = arith.constant 16 : i32
        %mul3A_369 = arith.muli %and3A_367, %mul3A_368 : i32
        %get3A_370 = arith.index_cast %add3A_353 : i32 to index
        %get3A_371 = arith.index_cast %mul3A_365 : i32 to index
        %get3A_372 = tpu.vector_load %arg15[%get3A_370, %get3A_371] {strides = array<i32>} : memref<64x128xf32, #tpu.memory_space<vmem>>, vector<1x16xf32>,
        %get3A_373 = vector.shape_cast %get3A_372 : vector<1x16xf32> to vector<16xf32>
        %get3A_374 = arith.index_cast %add3A_353 : i32 to index
        %get3A_375 = arith.index_cast %mul3A_369 : i32 to index
        %get3A_376 = tpu.vector_load %arg16[%get3A_374, %get3A_375] {strides = array<i32>} : memref<64x128xf32, #tpu.memory_space<vmem>>, vector<1x16xf32>,
        %get3A_377 = vector.shape_cast %get3A_376 : vector<1x16xf32> to vector<16xf32>
        %broadcast_in_dim3A_378 = vector.shape_cast %min3A_10 : vector<16xi32> to vector<16x1xi32>
        %gather3A_379 = vector.shape_cast %broadcast_in_dim3A_378 : vector<16x1xi32> to vector<16xi32>
        %gather3A_380 = tpu.dynamic_gather %get3A_377[%gather3A_379] in [0] : vector<16xf32>, vector<16xi32> -> vector<16xf32>
        %add3A_381 = arith.addf %get3A_373, %gather3A_380 : vector<16xf32>
        %mul3A_382 = arith.constant 2.000000e-01 : f32
        %mul3A_383 = vector.broadcast %mul3A_382 : f32 to vector<16xf32>
        %mul3A_384 = arith.mulf %mul3A_383, %add3A_381 : vector<16xf32>
        %max3A_385 = arith.maximumf %add3A_381, %mul3A_384 : vector<16xf32>
        %exp3A_386 = math.exp %max3A_385 : vector<16xf32>
        %get3A_387 = arith.index_cast %min3A_361 : i32 to index
        %get3A_388 = arith.constant 128 : index
        %get3A_389 = tpu.vector_load %arg8[%get3A_387, %get3A_388] {strides = array<i32>} : memref<528x144xf32, #tpu.memory_space<vmem>>, vector<1x16xf32>,
        %get3A_390 = vector.shape_cast %get3A_389 : vector<1x16xf32> to vector<16xf32>
        %lt3A_391 = arith.constant 4 : i32
        %lt3A_392 = vector.broadcast %lt3A_391 : i32 to vector<16xi32>
        %lt3A_393 = arith.cmpi slt, %iota3A, %lt3A_392 : vector<16xi32>
        %select_n3A_394 = arith.select %lt3A_393, %exp3A_386, %broadcast_in_dim3A_1 : vector<16xi1>, vector<16xf32>
        %add3A_395 = arith.addf %get3A_390, %select_n3A_394 : vector<16xf32>
        %swap3A_396 = arith.index_cast %min3A_361 : i32 to index
        %swap3A_397 = arith.constant 128 : index
        %swap3A_398 = tpu.vector_load %arg8[%swap3A_396, %swap3A_397] {strides = array<i32>} : memref<528x144xf32, #tpu.memory_space<vmem>>, vector<1x16xf32>,
        %swap3A_399 = vector.shape_cast %swap3A_398 : vector<1x16xf32> to vector<16xf32>
        %swap3A_400 = vector.shape_cast %add3A_395 : vector<16xf32> to vector<1x16xf32>
        tpu.vector_store %arg8[%swap3A_396, %swap3A_397], %swap3A_400 {strides = array<i32>} : memref<528x144xf32, #tpu.memory_space<vmem>>, vector<1x16xf32>,
        %broadcast_in_dim3A_401 = arith.constant 0 : i32
        %broadcast_in_dim3A_402 = vector.broadcast %broadcast_in_dim3A_401 : i32 to vector<16xi32>
        %broadcast_in_dim3A_403 = vector.shape_cast %broadcast_in_dim3A_402 : vector<16xi32> to vector<16x1xi32>
        %gather3A_404 = vector.shape_cast %broadcast_in_dim3A_403 : vector<16x1xi32> to vector<16xi32>
        %gather3A_405 = tpu.dynamic_gather %exp3A_386[%gather3A_404] in [0] : vector<16xf32>, vector<16xi32> -> vector<16xf32>
        %broadcast_in_dim3A_406 = arith.constant 1 : i32
        %broadcast_in_dim3A_407 = vector.broadcast %broadcast_in_dim3A_406 : i32 to vector<16xi32>
        %broadcast_in_dim3A_408 = vector.shape_cast %broadcast_in_dim3A_407 : vector<16xi32> to vector<16x1xi32>
        %gather3A_409 = vector.shape_cast %broadcast_in_dim3A_408 : vector<16x1xi32> to vector<16xi32>
        %gather3A_410 = tpu.dynamic_gather %exp3A_386[%gather3A_409] in [0] : vector<16xf32>, vector<16xi32> -> vector<16xf32>
        %broadcast_in_dim3A_411 = arith.constant 2 : i32
        %broadcast_in_dim3A_412 = vector.broadcast %broadcast_in_dim3A_411 : i32 to vector<16xi32>
        %broadcast_in_dim3A_413 = vector.shape_cast %broadcast_in_dim3A_412 : vector<16xi32> to vector<16x1xi32>
        %gather3A_414 = vector.shape_cast %broadcast_in_dim3A_413 : vector<16x1xi32> to vector<16xi32>
        %gather3A_415 = tpu.dynamic_gather %exp3A_386[%gather3A_414] in [0] : vector<16xf32>, vector<16xi32> -> vector<16xf32>
        %broadcast_in_dim3A_416 = arith.constant 3 : i32
        %broadcast_in_dim3A_417 = vector.broadcast %broadcast_in_dim3A_416 : i32 to vector<16xi32>
        %broadcast_in_dim3A_418 = vector.shape_cast %broadcast_in_dim3A_417 : vector<16xi32> to vector<16x1xi32>
        %gather3A_419 = vector.shape_cast %broadcast_in_dim3A_418 : vector<16x1xi32> to vector<16xi32>
        %gather3A_420 = tpu.dynamic_gather %exp3A_386[%gather3A_419] in [0] : vector<16xf32>, vector<16xi32> -> vector<16xf32>
        %get3A_421 = arith.index_cast %add3A_353 : i32 to index
        %get3A_422 = arith.constant 0 : index
        %get3A_423 = tpu.vector_load %arg14[%get3A_421, %get3A_422] {strides = array<i32>} : memref<64x128xf32, #tpu.memory_space<vmem>>, vector<1x16xf32>,
        %get3A_424 = vector.shape_cast %get3A_423 : vector<1x16xf32> to vector<16xf32>
        %mul3A_425 = arith.mulf %get3A_424, %gather3A_405 : vector<16xf32>
        %get3A_426 = arith.index_cast %min3A_361 : i32 to index
        %get3A_427 = arith.constant 0 : index
        %get3A_428 = tpu.vector_load %arg8[%get3A_426, %get3A_427] {strides = array<i32>} : memref<528x144xf32, #tpu.memory_space<vmem>>, vector<1x16xf32>,
        %get3A_429 = vector.shape_cast %get3A_428 : vector<1x16xf32> to vector<16xf32>
        %add3A_430 = arith.addf %get3A_429, %mul3A_425 : vector<16xf32>
        %swap3A_431 = arith.index_cast %min3A_361 : i32 to index
        %swap3A_432 = arith.constant 0 : index
        %swap3A_433 = tpu.vector_load %arg8[%swap3A_431, %swap3A_432] {strides = array<i32>} : memref<528x144xf32, #tpu.memory_space<vmem>>, vector<1x16xf32>,
        %swap3A_434 = vector.shape_cast %swap3A_433 : vector<1x16xf32> to vector<16xf32>
        %swap3A_435 = vector.shape_cast %add3A_430 : vector<16xf32> to vector<1x16xf32>
        tpu.vector_store %arg8[%swap3A_431, %swap3A_432], %swap3A_435 {strides = array<i32>} : memref<528x144xf32, #tpu.memory_space<vmem>>, vector<1x16xf32>,
        %get3A_436 = arith.index_cast %add3A_353 : i32 to index
        %get3A_437 = arith.constant 16 : index
        %get3A_438 = tpu.vector_load %arg14[%get3A_436, %get3A_437] {strides = array<i32>} : memref<64x128xf32, #tpu.memory_space<vmem>>, vector<1x16xf32>,
        %get3A_439 = vector.shape_cast %get3A_438 : vector<1x16xf32> to vector<16xf32>
        %mul3A_440 = arith.mulf %get3A_439, %gather3A_405 : vector<16xf32>
        %get3A_441 = arith.index_cast %min3A_361 : i32 to index
        %get3A_442 = arith.constant 16 : index
        %get3A_443 = tpu.vector_load %arg8[%get3A_441, %get3A_442] {strides = array<i32>} : memref<528x144xf32, #tpu.memory_space<vmem>>, vector<1x16xf32>,
        %get3A_444 = vector.shape_cast %get3A_443 : vector<1x16xf32> to vector<16xf32>
        %add3A_445 = arith.addf %get3A_444, %mul3A_440 : vector<16xf32>
        %swap3A_446 = arith.index_cast %min3A_361 : i32 to index
        %swap3A_447 = arith.constant 16 : index
        %swap3A_448 = tpu.vector_load %arg8[%swap3A_446, %swap3A_447] {strides = array<i32>} : memref<528x144xf32, #tpu.memory_space<vmem>>, vector<1x16xf32>,
        %swap3A_449 = vector.shape_cast %swap3A_448 : vector<1x16xf32> to vector<16xf32>
        %swap3A_450 = vector.shape_cast %add3A_445 : vector<16xf32> to vector<1x16xf32>
        tpu.vector_store %arg8[%swap3A_446, %swap3A_447], %swap3A_450 {strides = array<i32>} : memref<528x144xf32, #tpu.memory_space<vmem>>, vector<1x16xf32>,
        %get3A_451 = arith.index_cast %add3A_353 : i32 to index
        %get3A_452 = arith.constant 32 : index
        %get3A_453 = tpu.vector_load %arg14[%get3A_451, %get3A_452] {strides = array<i32>} : memref<64x128xf32, #tpu.memory_space<vmem>>, vector<1x16xf32>,
        %get3A_454 = vector.shape_cast %get3A_453 : vector<1x16xf32> to vector<16xf32>
        %mul3A_455 = arith.mulf %get3A_454, %gather3A_410 : vector<16xf32>
        %get3A_456 = arith.index_cast %min3A_361 : i32 to index
        %get3A_457 = arith.constant 32 : index
        %get3A_458 = tpu.vector_load %arg8[%get3A_456, %get3A_457] {strides = array<i32>} : memref<528x144xf32, #tpu.memory_space<vmem>>, vector<1x16xf32>,
        %get3A_459 = vector.shape_cast %get3A_458 : vector<1x16xf32> to vector<16xf32>
        %add3A_460 = arith.addf %get3A_459, %mul3A_455 : vector<16xf32>
        %swap3A_461 = arith.index_cast %min3A_361 : i32 to index
        %swap3A_462 = arith.constant 32 : index
        %swap3A_463 = tpu.vector_load %arg8[%swap3A_461, %swap3A_462] {strides = array<i32>} : memref<528x144xf32, #tpu.memory_space<vmem>>, vector<1x16xf32>,
        %swap3A_464 = vector.shape_cast %swap3A_463 : vector<1x16xf32> to vector<16xf32>
        %swap3A_465 = vector.shape_cast %add3A_460 : vector<16xf32> to vector<1x16xf32>
        tpu.vector_store %arg8[%swap3A_461, %swap3A_462], %swap3A_465 {strides = array<i32>} : memref<528x144xf32, #tpu.memory_space<vmem>>, vector<1x16xf32>,
        %get3A_466 = arith.index_cast %add3A_353 : i32 to index
        %get3A_467 = arith.constant 48 : index
        %get3A_468 = tpu.vector_load %arg14[%get3A_466, %get3A_467] {strides = array<i32>} : memref<64x128xf32, #tpu.memory_space<vmem>>, vector<1x16xf32>,
        %get3A_469 = vector.shape_cast %get3A_468 : vector<1x16xf32> to vector<16xf32>
        %mul3A_470 = arith.mulf %get3A_469, %gather3A_410 : vector<16xf32>
        %get3A_471 = arith.index_cast %min3A_361 : i32 to index
        %get3A_472 = arith.constant 48 : index
        %get3A_473 = tpu.vector_load %arg8[%get3A_471, %get3A_472] {strides = array<i32>} : memref<528x144xf32, #tpu.memory_space<vmem>>, vector<1x16xf32>,
        %get3A_474 = vector.shape_cast %get3A_473 : vector<1x16xf32> to vector<16xf32>
        %add3A_475 = arith.addf %get3A_474, %mul3A_470 : vector<16xf32>
        %swap3A_476 = arith.index_cast %min3A_361 : i32 to index
        %swap3A_477 = arith.constant 48 : index
        %swap3A_478 = tpu.vector_load %arg8[%swap3A_476, %swap3A_477] {strides = array<i32>} : memref<528x144xf32, #tpu.memory_space<vmem>>, vector<1x16xf32>,
        %swap3A_479 = vector.shape_cast %swap3A_478 : vector<1x16xf32> to vector<16xf32>
        %swap3A_480 = vector.shape_cast %add3A_475 : vector<16xf32> to vector<1x16xf32>
        tpu.vector_store %arg8[%swap3A_476, %swap3A_477], %swap3A_480 {strides = array<i32>} : memref<528x144xf32, #tpu.memory_space<vmem>>, vector<1x16xf32>,
        %get3A_481 = arith.index_cast %add3A_353 : i32 to index
        %get3A_482 = arith.constant 64 : index
        %get3A_483 = tpu.vector_load %arg14[%get3A_481, %get3A_482] {strides = array<i32>} : memref<64x128xf32, #tpu.memory_space<vmem>>, vector<1x16xf32>,
        %get3A_484 = vector.shape_cast %get3A_483 : vector<1x16xf32> to vector<16xf32>
        %mul3A_485 = arith.mulf %get3A_484, %gather3A_415 : vector<16xf32>
        %get3A_486 = arith.index_cast %min3A_361 : i32 to index
        %get3A_487 = arith.constant 64 : index
        %get3A_488 = tpu.vector_load %arg8[%get3A_486, %get3A_487] {strides = array<i32>} : memref<528x144xf32, #tpu.memory_space<vmem>>, vector<1x16xf32>,
        %get3A_489 = vector.shape_cast %get3A_488 : vector<1x16xf32> to vector<16xf32>
        %add3A_490 = arith.addf %get3A_489, %mul3A_485 : vector<16xf32>
        %swap3A_491 = arith.index_cast %min3A_361 : i32 to index
        %swap3A_492 = arith.constant 64 : index
        %swap3A_493 = tpu.vector_load %arg8[%swap3A_491, %swap3A_492] {strides = array<i32>} : memref<528x144xf32, #tpu.memory_space<vmem>>, vector<1x16xf32>,
        %swap3A_494 = vector.shape_cast %swap3A_493 : vector<1x16xf32> to vector<16xf32>
        %swap3A_495 = vector.shape_cast %add3A_490 : vector<16xf32> to vector<1x16xf32>
        tpu.vector_store %arg8[%swap3A_491, %swap3A_492], %swap3A_495 {strides = array<i32>} : memref<528x144xf32, #tpu.memory_space<vmem>>, vector<1x16xf32>,
        %get3A_496 = arith.index_cast %add3A_353 : i32 to index
        %get3A_497 = arith.constant 80 : index
        %get3A_498 = tpu.vector_load %arg14[%get3A_496, %get3A_497] {strides = array<i32>} : memref<64x128xf32, #tpu.memory_space<vmem>>, vector<1x16xf32>,
        %get3A_499 = vector.shape_cast %get3A_498 : vector<1x16xf32> to vector<16xf32>
        %mul3A_500 = arith.mulf %get3A_499, %gather3A_415 : vector<16xf32>
        %get3A_501 = arith.index_cast %min3A_361 : i32 to index
        %get3A_502 = arith.constant 80 : index
        %get3A_503 = tpu.vector_load %arg8[%get3A_501, %get3A_502] {strides = array<i32>} : memref<528x144xf32, #tpu.memory_space<vmem>>, vector<1x16xf32>,
        %get3A_504 = vector.shape_cast %get3A_503 : vector<1x16xf32> to vector<16xf32>
        %add3A_505 = arith.addf %get3A_504, %mul3A_500 : vector<16xf32>
        %swap3A_506 = arith.index_cast %min3A_361 : i32 to index
        %swap3A_507 = arith.constant 80 : index
        %swap3A_508 = tpu.vector_load %arg8[%swap3A_506, %swap3A_507] {strides = array<i32>} : memref<528x144xf32, #tpu.memory_space<vmem>>, vector<1x16xf32>,
        %swap3A_509 = vector.shape_cast %swap3A_508 : vector<1x16xf32> to vector<16xf32>
        %swap3A_510 = vector.shape_cast %add3A_505 : vector<16xf32> to vector<1x16xf32>
        tpu.vector_store %arg8[%swap3A_506, %swap3A_507], %swap3A_510 {strides = array<i32>} : memref<528x144xf32, #tpu.memory_space<vmem>>, vector<1x16xf32>,
        %get3A_511 = arith.index_cast %add3A_353 : i32 to index
        %get3A_512 = arith.constant 96 : index
        %get3A_513 = tpu.vector_load %arg14[%get3A_511, %get3A_512] {strides = array<i32>} : memref<64x128xf32, #tpu.memory_space<vmem>>, vector<1x16xf32>,
        %get3A_514 = vector.shape_cast %get3A_513 : vector<1x16xf32> to vector<16xf32>
        %mul3A_515 = arith.mulf %get3A_514, %gather3A_420 : vector<16xf32>
        %get3A_516 = arith.index_cast %min3A_361 : i32 to index
        %get3A_517 = arith.constant 96 : index
        %get3A_518 = tpu.vector_load %arg8[%get3A_516, %get3A_517] {strides = array<i32>} : memref<528x144xf32, #tpu.memory_space<vmem>>, vector<1x16xf32>,
        %get3A_519 = vector.shape_cast %get3A_518 : vector<1x16xf32> to vector<16xf32>
        %add3A_520 = arith.addf %get3A_519, %mul3A_515 : vector<16xf32>
        %swap3A_521 = arith.index_cast %min3A_361 : i32 to index
        %swap3A_522 = arith.constant 96 : index
        %swap3A_523 = tpu.vector_load %arg8[%swap3A_521, %swap3A_522] {strides = array<i32>} : memref<528x144xf32, #tpu.memory_space<vmem>>, vector<1x16xf32>,
        %swap3A_524 = vector.shape_cast %swap3A_523 : vector<1x16xf32> to vector<16xf32>
        %swap3A_525 = vector.shape_cast %add3A_520 : vector<16xf32> to vector<1x16xf32>
        tpu.vector_store %arg8[%swap3A_521, %swap3A_522], %swap3A_525 {strides = array<i32>} : memref<528x144xf32, #tpu.memory_space<vmem>>, vector<1x16xf32>,
        %get3A_526 = arith.index_cast %add3A_353 : i32 to index
        %get3A_527 = arith.constant 112 : index
        %get3A_528 = tpu.vector_load %arg14[%get3A_526, %get3A_527] {strides = array<i32>} : memref<64x128xf32, #tpu.memory_space<vmem>>, vector<1x16xf32>,
        %get3A_529 = vector.shape_cast %get3A_528 : vector<1x16xf32> to vector<16xf32>
        %mul3A_530 = arith.mulf %get3A_529, %gather3A_420 : vector<16xf32>
        %get3A_531 = arith.index_cast %min3A_361 : i32 to index
        %get3A_532 = arith.constant 112 : index
        %get3A_533 = tpu.vector_load %arg8[%get3A_531, %get3A_532] {strides = array<i32>} : memref<528x144xf32, #tpu.memory_space<vmem>>, vector<1x16xf32>,
        %get3A_534 = vector.shape_cast %get3A_533 : vector<1x16xf32> to vector<16xf32>
        %add3A_535 = arith.addf %get3A_534, %mul3A_530 : vector<16xf32>
        %swap3A_536 = arith.index_cast %min3A_361 : i32 to index
        %swap3A_537 = arith.constant 112 : index
        %swap3A_538 = tpu.vector_load %arg8[%swap3A_536, %swap3A_537] {strides = array<i32>} : memref<528x144xf32, #tpu.memory_space<vmem>>, vector<1x16xf32>,
        %swap3A_539 = vector.shape_cast %swap3A_538 : vector<1x16xf32> to vector<16xf32>
        %swap3A_540 = vector.shape_cast %add3A_535 : vector<16xf32> to vector<1x16xf32>
        tpu.vector_store %arg8[%swap3A_536, %swap3A_537], %swap3A_540 {strides = array<i32>} : memref<528x144xf32, #tpu.memory_space<vmem>>, vector<1x16xf32>,
        %mul3A_541 = arith.constant 16 : i32
        %mul3A_542 = arith.muli %scan3A_151, %mul3A_541 : i32
        %add3A_543 = arith.constant 2 : i32
        %add3A_544 = arith.addi %mul3A_542, %add3A_543 : i32
        %slice3A_545 = vector.extract_strided_slice %get3A_156 {offsets = [2], sizes = [1], strides = [1]} : vector<16xi32> to vector<1xi32>
        %squeeze3A_546 = vector.extract %slice3A_545[0] : i32 from vector<1xi32>
        %slice3A_547 = vector.extract_strided_slice %get3A_166 {offsets = [2], sizes = [1], strides = [1]} : vector<16xi32> to vector<1xi32>
        %squeeze3A_548 = vector.extract %slice3A_547[0] : i32 from vector<1xi32>
        %slice3A_549 = vector.extract_strided_slice %get3A_161 {offsets = [2], sizes = [1], strides = [1]} : vector<16xi32> to vector<1xi32>
        %squeeze3A_550 = vector.extract %slice3A_549[0] : i32 from vector<1xi32>
        %min3A_551 = arith.constant 524 : i32
        %min3A_552 = arith.minsi %squeeze3A_550, %min3A_551 : i32
        %and3A_553 = arith.constant 7 : i32
        %and3A_554 = arith.andi %squeeze3A_546, %and3A_553 : i32
        %mul3A_555 = arith.constant 16 : i32
        %mul3A_556 = arith.muli %and3A_554, %mul3A_555 : i32
        %and3A_557 = arith.constant 7 : i32
        %and3A_558 = arith.andi %squeeze3A_548, %and3A_557 : i32
        %mul3A_559 = arith.constant 16 : i32
        %mul3A_560 = arith.muli %and3A_558, %mul3A_559 : i32
        %get3A_561 = arith.index_cast %add3A_544 : i32 to index
        %get3A_562 = arith.index_cast %mul3A_556 : i32 to index
        %get3A_563 = tpu.vector_load %arg15[%get3A_561, %get3A_562] {strides = array<i32>} : memref<64x128xf32, #tpu.memory_space<vmem>>, vector<1x16xf32>,
        %get3A_564 = vector.shape_cast %get3A_563 : vector<1x16xf32> to vector<16xf32>
        %get3A_565 = arith.index_cast %add3A_544 : i32 to index
        %get3A_566 = arith.index_cast %mul3A_560 : i32 to index
        %get3A_567 = tpu.vector_load %arg16[%get3A_565, %get3A_566] {strides = array<i32>} : memref<64x128xf32, #tpu.memory_space<vmem>>, vector<1x16xf32>,
        %get3A_568 = vector.shape_cast %get3A_567 : vector<1x16xf32> to vector<16xf32>
        %broadcast_in_dim3A_569 = vector.shape_cast %min3A_10 : vector<16xi32> to vector<16x1xi32>
        %gather3A_570 = vector.shape_cast %broadcast_in_dim3A_569 : vector<16x1xi32> to vector<16xi32>
        %gather3A_571 = tpu.dynamic_gather %get3A_568[%gather3A_570] in [0] : vector<16xf32>, vector<16xi32> -> vector<16xf32>
        %add3A_572 = arith.addf %get3A_564, %gather3A_571 : vector<16xf32>
        %mul3A_573 = arith.constant 2.000000e-01 : f32
        %mul3A_574 = vector.broadcast %mul3A_573 : f32 to vector<16xf32>
        %mul3A_575 = arith.mulf %mul3A_574, %add3A_572 : vector<16xf32>
        %max3A_576 = arith.maximumf %add3A_572, %mul3A_575 : vector<16xf32>
        %exp3A_577 = math.exp %max3A_576 : vector<16xf32>
        %get3A_578 = arith.index_cast %min3A_552 : i32 to index
        %get3A_579 = arith.constant 128 : index
        %get3A_580 = tpu.vector_load %arg8[%get3A_578, %get3A_579] {strides = array<i32>} : memref<528x144xf32, #tpu.memory_space<vmem>>, vector<1x16xf32>,
        %get3A_581 = vector.shape_cast %get3A_580 : vector<1x16xf32> to vector<16xf32>
        %lt3A_582 = arith.constant 4 : i32
        %lt3A_583 = vector.broadcast %lt3A_582 : i32 to vector<16xi32>
        %lt3A_584 = arith.cmpi slt, %iota3A, %lt3A_583 : vector<16xi32>
        %select_n3A_585 = arith.select %lt3A_584, %exp3A_577, %broadcast_in_dim3A_1 : vector<16xi1>, vector<16xf32>
        %add3A_586 = arith.addf %get3A_581, %select_n3A_585 : vector<16xf32>
        %swap3A_587 = arith.index_cast %min3A_552 : i32 to index
        %swap3A_588 = arith.constant 128 : index
        %swap3A_589 = tpu.vector_load %arg8[%swap3A_587, %swap3A_588] {strides = array<i32>} : memref<528x144xf32, #tpu.memory_space<vmem>>, vector<1x16xf32>,
        %swap3A_590 = vector.shape_cast %swap3A_589 : vector<1x16xf32> to vector<16xf32>
        %swap3A_591 = vector.shape_cast %add3A_586 : vector<16xf32> to vector<1x16xf32>
        tpu.vector_store %arg8[%swap3A_587, %swap3A_588], %swap3A_591 {strides = array<i32>} : memref<528x144xf32, #tpu.memory_space<vmem>>, vector<1x16xf32>,
        %broadcast_in_dim3A_592 = arith.constant 0 : i32
        %broadcast_in_dim3A_593 = vector.broadcast %broadcast_in_dim3A_592 : i32 to vector<16xi32>
        %broadcast_in_dim3A_594 = vector.shape_cast %broadcast_in_dim3A_593 : vector<16xi32> to vector<16x1xi32>
        %gather3A_595 = vector.shape_cast %broadcast_in_dim3A_594 : vector<16x1xi32> to vector<16xi32>
        %gather3A_596 = tpu.dynamic_gather %exp3A_577[%gather3A_595] in [0] : vector<16xf32>, vector<16xi32> -> vector<16xf32>
        %broadcast_in_dim3A_597 = arith.constant 1 : i32
        %broadcast_in_dim3A_598 = vector.broadcast %broadcast_in_dim3A_597 : i32 to vector<16xi32>
        %broadcast_in_dim3A_599 = vector.shape_cast %broadcast_in_dim3A_598 : vector<16xi32> to vector<16x1xi32>
        %gather3A_600 = vector.shape_cast %broadcast_in_dim3A_599 : vector<16x1xi32> to vector<16xi32>
        %gather3A_601 = tpu.dynamic_gather %exp3A_577[%gather3A_600] in [0] : vector<16xf32>, vector<16xi32> -> vector<16xf32>
        %broadcast_in_dim3A_602 = arith.constant 2 : i32
        %broadcast_in_dim3A_603 = vector.broadcast %broadcast_in_dim3A_602 : i32 to vector<16xi32>
        %broadcast_in_dim3A_604 = vector.shape_cast %broadcast_in_dim3A_603 : vector<16xi32> to vector<16x1xi32>
        %gather3A_605 = vector.shape_cast %broadcast_in_dim3A_604 : vector<16x1xi32> to vector<16xi32>
        %gather3A_606 = tpu.dynamic_gather %exp3A_577[%gather3A_605] in [0] : vector<16xf32>, vector<16xi32> -> vector<16xf32>
        %broadcast_in_dim3A_607 = arith.constant 3 : i32
        %broadcast_in_dim3A_608 = vector.broadcast %broadcast_in_dim3A_607 : i32 to vector<16xi32>
        %broadcast_in_dim3A_609 = vector.shape_cast %broadcast_in_dim3A_608 : vector<16xi32> to vector<16x1xi32>
        %gather3A_610 = vector.shape_cast %broadcast_in_dim3A_609 : vector<16x1xi32> to vector<16xi32>
        %gather3A_611 = tpu.dynamic_gather %exp3A_577[%gather3A_610] in [0] : vector<16xf32>, vector<16xi32> -> vector<16xf32>
        %get3A_612 = arith.index_cast %add3A_544 : i32 to index
        %get3A_613 = arith.constant 0 : index
        %get3A_614 = tpu.vector_load %arg14[%get3A_612, %get3A_613] {strides = array<i32>} : memref<64x128xf32, #tpu.memory_space<vmem>>, vector<1x16xf32>,
        %get3A_615 = vector.shape_cast %get3A_614 : vector<1x16xf32> to vector<16xf32>
        %mul3A_616 = arith.mulf %get3A_615, %gather3A_596 : vector<16xf32>
        %get3A_617 = arith.index_cast %min3A_552 : i32 to index
        %get3A_618 = arith.constant 0 : index
        %get3A_619 = tpu.vector_load %arg8[%get3A_617, %get3A_618] {strides = array<i32>} : memref<528x144xf32, #tpu.memory_space<vmem>>, vector<1x16xf32>,
        %get3A_620 = vector.shape_cast %get3A_619 : vector<1x16xf32> to vector<16xf32>
        %add3A_621 = arith.addf %get3A_620, %mul3A_616 : vector<16xf32>
        %swap3A_622 = arith.index_cast %min3A_552 : i32 to index
        %swap3A_623 = arith.constant 0 : index
        %swap3A_624 = tpu.vector_load %arg8[%swap3A_622, %swap3A_623] {strides = array<i32>} : memref<528x144xf32, #tpu.memory_space<vmem>>, vector<1x16xf32>,
        %swap3A_625 = vector.shape_cast %swap3A_624 : vector<1x16xf32> to vector<16xf32>
        %swap3A_626 = vector.shape_cast %add3A_621 : vector<16xf32> to vector<1x16xf32>
        tpu.vector_store %arg8[%swap3A_622, %swap3A_623], %swap3A_626 {strides = array<i32>} : memref<528x144xf32, #tpu.memory_space<vmem>>, vector<1x16xf32>,
        %get3A_627 = arith.index_cast %add3A_544 : i32 to index
        %get3A_628 = arith.constant 16 : index
        %get3A_629 = tpu.vector_load %arg14[%get3A_627, %get3A_628] {strides = array<i32>} : memref<64x128xf32, #tpu.memory_space<vmem>>, vector<1x16xf32>,
        %get3A_630 = vector.shape_cast %get3A_629 : vector<1x16xf32> to vector<16xf32>
        %mul3A_631 = arith.mulf %get3A_630, %gather3A_596 : vector<16xf32>
        %get3A_632 = arith.index_cast %min3A_552 : i32 to index
        %get3A_633 = arith.constant 16 : index
        %get3A_634 = tpu.vector_load %arg8[%get3A_632, %get3A_633] {strides = array<i32>} : memref<528x144xf32, #tpu.memory_space<vmem>>, vector<1x16xf32>,
        %get3A_635 = vector.shape_cast %get3A_634 : vector<1x16xf32> to vector<16xf32>
        %add3A_636 = arith.addf %get3A_635, %mul3A_631 : vector<16xf32>
        %swap3A_637 = arith.index_cast %min3A_552 : i32 to index
        %swap3A_638 = arith.constant 16 : index
        %swap3A_639 = tpu.vector_load %arg8[%swap3A_637, %swap3A_638] {strides = array<i32>} : memref<528x144xf32, #tpu.memory_space<vmem>>, vector<1x16xf32>,
        %swap3A_640 = vector.shape_cast %swap3A_639 : vector<1x16xf32> to vector<16xf32>
        %swap3A_641 = vector.shape_cast %add3A_636 : vector<16xf32> to vector<1x16xf32>
        tpu.vector_store %arg8[%swap3A_637, %swap3A_638], %swap3A_641 {strides = array<i32>} : memref<528x144xf32, #tpu.memory_space<vmem>>, vector<1x16xf32>,
        %get3A_642 = arith.index_cast %add3A_544 : i32 to index
        %get3A_643 = arith.constant 32 : index
        %get3A_644 = tpu.vector_load %arg14[%get3A_642, %get3A_643] {strides = array<i32>} : memref<64x128xf32, #tpu.memory_space<vmem>>, vector<1x16xf32>,
        %get3A_645 = vector.shape_cast %get3A_644 : vector<1x16xf32> to vector<16xf32>
        %mul3A_646 = arith.mulf %get3A_645, %gather3A_601 : vector<16xf32>
        %get3A_647 = arith.index_cast %min3A_552 : i32 to index
        %get3A_648 = arith.constant 32 : index
        %get3A_649 = tpu.vector_load %arg8[%get3A_647, %get3A_648] {strides = array<i32>} : memref<528x144xf32, #tpu.memory_space<vmem>>, vector<1x16xf32>,
        %get3A_650 = vector.shape_cast %get3A_649 : vector<1x16xf32> to vector<16xf32>
        %add3A_651 = arith.addf %get3A_650, %mul3A_646 : vector<16xf32>
        %swap3A_652 = arith.index_cast %min3A_552 : i32 to index
        %swap3A_653 = arith.constant 32 : index
        %swap3A_654 = tpu.vector_load %arg8[%swap3A_652, %swap3A_653] {strides = array<i32>} : memref<528x144xf32, #tpu.memory_space<vmem>>, vector<1x16xf32>,
        %swap3A_655 = vector.shape_cast %swap3A_654 : vector<1x16xf32> to vector<16xf32>
        %swap3A_656 = vector.shape_cast %add3A_651 : vector<16xf32> to vector<1x16xf32>
        tpu.vector_store %arg8[%swap3A_652, %swap3A_653], %swap3A_656 {strides = array<i32>} : memref<528x144xf32, #tpu.memory_space<vmem>>, vector<1x16xf32>,
        %get3A_657 = arith.index_cast %add3A_544 : i32 to index
        %get3A_658 = arith.constant 48 : index
        %get3A_659 = tpu.vector_load %arg14[%get3A_657, %get3A_658] {strides = array<i32>} : memref<64x128xf32, #tpu.memory_space<vmem>>, vector<1x16xf32>,
        %get3A_660 = vector.shape_cast %get3A_659 : vector<1x16xf32> to vector<16xf32>
        %mul3A_661 = arith.mulf %get3A_660, %gather3A_601 : vector<16xf32>
        %get3A_662 = arith.index_cast %min3A_552 : i32 to index
        %get3A_663 = arith.constant 48 : index
        %get3A_664 = tpu.vector_load %arg8[%get3A_662, %get3A_663] {strides = array<i32>} : memref<528x144xf32, #tpu.memory_space<vmem>>, vector<1x16xf32>,
        %get3A_665 = vector.shape_cast %get3A_664 : vector<1x16xf32> to vector<16xf32>
        %add3A_666 = arith.addf %get3A_665, %mul3A_661 : vector<16xf32>
        %swap3A_667 = arith.index_cast %min3A_552 : i32 to index
        %swap3A_668 = arith.constant 48 : index
        %swap3A_669 = tpu.vector_load %arg8[%swap3A_667, %swap3A_668] {strides = array<i32>} : memref<528x144xf32, #tpu.memory_space<vmem>>, vector<1x16xf32>,
        %swap3A_670 = vector.shape_cast %swap3A_669 : vector<1x16xf32> to vector<16xf32>
        %swap3A_671 = vector.shape_cast %add3A_666 : vector<16xf32> to vector<1x16xf32>
        tpu.vector_store %arg8[%swap3A_667, %swap3A_668], %swap3A_671 {strides = array<i32>} : memref<528x144xf32, #tpu.memory_space<vmem>>, vector<1x16xf32>,
        %get3A_672 = arith.index_cast %add3A_544 : i32 to index
        %get3A_673 = arith.constant 64 : index
        %get3A_674 = tpu.vector_load %arg14[%get3A_672, %get3A_673] {strides = array<i32>} : memref<64x128xf32, #tpu.memory_space<vmem>>, vector<1x16xf32>,
        %get3A_675 = vector.shape_cast %get3A_674 : vector<1x16xf32> to vector<16xf32>
        %mul3A_676 = arith.mulf %get3A_675, %gather3A_606 : vector<16xf32>
        %get3A_677 = arith.index_cast %min3A_552 : i32 to index
        %get3A_678 = arith.constant 64 : index
        %get3A_679 = tpu.vector_load %arg8[%get3A_677, %get3A_678] {strides = array<i32>} : memref<528x144xf32, #tpu.memory_space<vmem>>, vector<1x16xf32>,
        %get3A_680 = vector.shape_cast %get3A_679 : vector<1x16xf32> to vector<16xf32>
        %add3A_681 = arith.addf %get3A_680, %mul3A_676 : vector<16xf32>
        %swap3A_682 = arith.index_cast %min3A_552 : i32 to index
        %swap3A_683 = arith.constant 64 : index
        %swap3A_684 = tpu.vector_load %arg8[%swap3A_682, %swap3A_683] {strides = array<i32>} : memref<528x144xf32, #tpu.memory_space<vmem>>, vector<1x16xf32>,
        %swap3A_685 = vector.shape_cast %swap3A_684 : vector<1x16xf32> to vector<16xf32>
        %swap3A_686 = vector.shape_cast %add3A_681 : vector<16xf32> to vector<1x16xf32>
        tpu.vector_store %arg8[%swap3A_682, %swap3A_683], %swap3A_686 {strides = array<i32>} : memref<528x144xf32, #tpu.memory_space<vmem>>, vector<1x16xf32>,
        %get3A_687 = arith.index_cast %add3A_544 : i32 to index
        %get3A_688 = arith.constant 80 : index
        %get3A_689 = tpu.vector_load %arg14[%get3A_687, %get3A_688] {strides = array<i32>} : memref<64x128xf32, #tpu.memory_space<vmem>>, vector<1x16xf32>,
        %get3A_690 = vector.shape_cast %get3A_689 : vector<1x16xf32> to vector<16xf32>
        %mul3A_691 = arith.mulf %get3A_690, %gather3A_606 : vector<16xf32>
        %get3A_692 = arith.index_cast %min3A_552 : i32 to index
        %get3A_693 = arith.constant 80 : index
        %get3A_694 = tpu.vector_load %arg8[%get3A_692, %get3A_693] {strides = array<i32>} : memref<528x144xf32, #tpu.memory_space<vmem>>, vector<1x16xf32>,
        %get3A_695 = vector.shape_cast %get3A_694 : vector<1x16xf32> to vector<16xf32>
        %add3A_696 = arith.addf %get3A_695, %mul3A_691 : vector<16xf32>
        %swap3A_697 = arith.index_cast %min3A_552 : i32 to index
        %swap3A_698 = arith.constant 80 : index
        %swap3A_699 = tpu.vector_load %arg8[%swap3A_697, %swap3A_698] {strides = array<i32>} : memref<528x144xf32, #tpu.memory_space<vmem>>, vector<1x16xf32>,
        %swap3A_700 = vector.shape_cast %swap3A_699 : vector<1x16xf32> to vector<16xf32>
        %swap3A_701 = vector.shape_cast %add3A_696 : vector<16xf32> to vector<1x16xf32>
        tpu.vector_store %arg8[%swap3A_697, %swap3A_698], %swap3A_701 {strides = array<i32>} : memref<528x144xf32, #tpu.memory_space<vmem>>, vector<1x16xf32>,
        %get3A_702 = arith.index_cast %add3A_544 : i32 to index
        %get3A_703 = arith.constant 96 : index
        %get3A_704 = tpu.vector_load %arg14[%get3A_702, %get3A_703] {strides = array<i32>} : memref<64x128xf32, #tpu.memory_space<vmem>>, vector<1x16xf32>,
        %get3A_705 = vector.shape_cast %get3A_704 : vector<1x16xf32> to vector<16xf32>
        %mul3A_706 = arith.mulf %get3A_705, %gather3A_611 : vector<16xf32>
        %get3A_707 = arith.index_cast %min3A_552 : i32 to index
        %get3A_708 = arith.constant 96 : index
        %get3A_709 = tpu.vector_load %arg8[%get3A_707, %get3A_708] {strides = array<i32>} : memref<528x144xf32, #tpu.memory_space<vmem>>, vector<1x16xf32>,
        %get3A_710 = vector.shape_cast %get3A_709 : vector<1x16xf32> to vector<16xf32>
        %add3A_711 = arith.addf %get3A_710, %mul3A_706 : vector<16xf32>
        %swap3A_712 = arith.index_cast %min3A_552 : i32 to index
        %swap3A_713 = arith.constant 96 : index
        %swap3A_714 = tpu.vector_load %arg8[%swap3A_712, %swap3A_713] {strides = array<i32>} : memref<528x144xf32, #tpu.memory_space<vmem>>, vector<1x16xf32>,
        %swap3A_715 = vector.shape_cast %swap3A_714 : vector<1x16xf32> to vector<16xf32>
        %swap3A_716 = vector.shape_cast %add3A_711 : vector<16xf32> to vector<1x16xf32>
        tpu.vector_store %arg8[%swap3A_712, %swap3A_713], %swap3A_716 {strides = array<i32>} : memref<528x144xf32, #tpu.memory_space<vmem>>, vector<1x16xf32>,
        %get3A_717 = arith.index_cast %add3A_544 : i32 to index
        %get3A_718 = arith.constant 112 : index
        %get3A_719 = tpu.vector_load %arg14[%get3A_717, %get3A_718] {strides = array<i32>} : memref<64x128xf32, #tpu.memory_space<vmem>>, vector<1x16xf32>,
        %get3A_720 = vector.shape_cast %get3A_719 : vector<1x16xf32> to vector<16xf32>
        %mul3A_721 = arith.mulf %get3A_720, %gather3A_611 : vector<16xf32>
        %get3A_722 = arith.index_cast %min3A_552 : i32 to index
        %get3A_723 = arith.constant 112 : index
        %get3A_724 = tpu.vector_load %arg8[%get3A_722, %get3A_723] {strides = array<i32>} : memref<528x144xf32, #tpu.memory_space<vmem>>, vector<1x16xf32>,
        %get3A_725 = vector.shape_cast %get3A_724 : vector<1x16xf32> to vector<16xf32>
        %add3A_726 = arith.addf %get3A_725, %mul3A_721 : vector<16xf32>
        %swap3A_727 = arith.index_cast %min3A_552 : i32 to index
        %swap3A_728 = arith.constant 112 : index
        %swap3A_729 = tpu.vector_load %arg8[%swap3A_727, %swap3A_728] {strides = array<i32>} : memref<528x144xf32, #tpu.memory_space<vmem>>, vector<1x16xf32>,
        %swap3A_730 = vector.shape_cast %swap3A_729 : vector<1x16xf32> to vector<16xf32>
        %swap3A_731 = vector.shape_cast %add3A_726 : vector<16xf32> to vector<1x16xf32>
        tpu.vector_store %arg8[%swap3A_727, %swap3A_728], %swap3A_731 {strides = array<i32>} : memref<528x144xf32, #tpu.memory_space<vmem>>, vector<1x16xf32>,
        %mul3A_732 = arith.constant 16 : i32
        %mul3A_733 = arith.muli %scan3A_151, %mul3A_732 : i32
        %add3A_734 = arith.constant 3 : i32
        %add3A_735 = arith.addi %mul3A_733, %add3A_734 : i32
        %slice3A_736 = vector.extract_strided_slice %get3A_156 {offsets = [3], sizes = [1], strides = [1]} : vector<16xi32> to vector<1xi32>
        %squeeze3A_737 = vector.extract %slice3A_736[0] : i32 from vector<1xi32>
        %slice3A_738 = vector.extract_strided_slice %get3A_166 {offsets = [3], sizes = [1], strides = [1]} : vector<16xi32> to vector<1xi32>
        %squeeze3A_739 = vector.extract %slice3A_738[0] : i32 from vector<1xi32>
        %slice3A_740 = vector.extract_strided_slice %get3A_161 {offsets = [3], sizes = [1], strides = [1]} : vector<16xi32> to vector<1xi32>
        %squeeze3A_741 = vector.extract %slice3A_740[0] : i32 from vector<1xi32>
        %min3A_742 = arith.constant 524 : i32
        %min3A_743 = arith.minsi %squeeze3A_741, %min3A_742 : i32
        %and3A_744 = arith.constant 7 : i32
        %and3A_745 = arith.andi %squeeze3A_737, %and3A_744 : i32
        %mul3A_746 = arith.constant 16 : i32
        %mul3A_747 = arith.muli %and3A_745, %mul3A_746 : i32
        %and3A_748 = arith.constant 7 : i32
        %and3A_749 = arith.andi %squeeze3A_739, %and3A_748 : i32
        %mul3A_750 = arith.constant 16 : i32
        %mul3A_751 = arith.muli %and3A_749, %mul3A_750 : i32
        %get3A_752 = arith.index_cast %add3A_735 : i32 to index
        %get3A_753 = arith.index_cast %mul3A_747 : i32 to index
        %get3A_754 = tpu.vector_load %arg15[%get3A_752, %get3A_753] {strides = array<i32>} : memref<64x128xf32, #tpu.memory_space<vmem>>, vector<1x16xf32>,
        %get3A_755 = vector.shape_cast %get3A_754 : vector<1x16xf32> to vector<16xf32>
        %get3A_756 = arith.index_cast %add3A_735 : i32 to index
        %get3A_757 = arith.index_cast %mul3A_751 : i32 to index
        %get3A_758 = tpu.vector_load %arg16[%get3A_756, %get3A_757] {strides = array<i32>} : memref<64x128xf32, #tpu.memory_space<vmem>>, vector<1x16xf32>,
        %get3A_759 = vector.shape_cast %get3A_758 : vector<1x16xf32> to vector<16xf32>
        %broadcast_in_dim3A_760 = vector.shape_cast %min3A_10 : vector<16xi32> to vector<16x1xi32>
        %gather3A_761 = vector.shape_cast %broadcast_in_dim3A_760 : vector<16x1xi32> to vector<16xi32>
        %gather3A_762 = tpu.dynamic_gather %get3A_759[%gather3A_761] in [0] : vector<16xf32>, vector<16xi32> -> vector<16xf32>
        %add3A_763 = arith.addf %get3A_755, %gather3A_762 : vector<16xf32>
        %mul3A_764 = arith.constant 2.000000e-01 : f32
        %mul3A_765 = vector.broadcast %mul3A_764 : f32 to vector<16xf32>
        %mul3A_766 = arith.mulf %mul3A_765, %add3A_763 : vector<16xf32>
        %max3A_767 = arith.maximumf %add3A_763, %mul3A_766 : vector<16xf32>
        %exp3A_768 = math.exp %max3A_767 : vector<16xf32>
        %get3A_769 = arith.index_cast %min3A_743 : i32 to index
        %get3A_770 = arith.constant 128 : index
        %get3A_771 = tpu.vector_load %arg8[%get3A_769, %get3A_770] {strides = array<i32>} : memref<528x144xf32, #tpu.memory_space<vmem>>, vector<1x16xf32>,
        %get3A_772 = vector.shape_cast %get3A_771 : vector<1x16xf32> to vector<16xf32>
        %lt3A_773 = arith.constant 4 : i32
        %lt3A_774 = vector.broadcast %lt3A_773 : i32 to vector<16xi32>
        %lt3A_775 = arith.cmpi slt, %iota3A, %lt3A_774 : vector<16xi32>
        %select_n3A_776 = arith.select %lt3A_775, %exp3A_768, %broadcast_in_dim3A_1 : vector<16xi1>, vector<16xf32>
        %add3A_777 = arith.addf %get3A_772, %select_n3A_776 : vector<16xf32>
        %swap3A_778 = arith.index_cast %min3A_743 : i32 to index
        %swap3A_779 = arith.constant 128 : index
        %swap3A_780 = tpu.vector_load %arg8[%swap3A_778, %swap3A_779] {strides = array<i32>} : memref<528x144xf32, #tpu.memory_space<vmem>>, vector<1x16xf32>,
        %swap3A_781 = vector.shape_cast %swap3A_780 : vector<1x16xf32> to vector<16xf32>
        %swap3A_782 = vector.shape_cast %add3A_777 : vector<16xf32> to vector<1x16xf32>
        tpu.vector_store %arg8[%swap3A_778, %swap3A_779], %swap3A_782 {strides = array<i32>} : memref<528x144xf32, #tpu.memory_space<vmem>>, vector<1x16xf32>,
        %broadcast_in_dim3A_783 = arith.constant 0 : i32
        %broadcast_in_dim3A_784 = vector.broadcast %broadcast_in_dim3A_783 : i32 to vector<16xi32>
        %broadcast_in_dim3A_785 = vector.shape_cast %broadcast_in_dim3A_784 : vector<16xi32> to vector<16x1xi32>
        %gather3A_786 = vector.shape_cast %broadcast_in_dim3A_785 : vector<16x1xi32> to vector<16xi32>
        %gather3A_787 = tpu.dynamic_gather %exp3A_768[%gather3A_786] in [0] : vector<16xf32>, vector<16xi32> -> vector<16xf32>
        %broadcast_in_dim3A_788 = arith.constant 1 : i32
        %broadcast_in_dim3A_789 = vector.broadcast %broadcast_in_dim3A_788 : i32 to vector<16xi32>
        %broadcast_in_dim3A_790 = vector.shape_cast %broadcast_in_dim3A_789 : vector<16xi32> to vector<16x1xi32>
        %gather3A_791 = vector.shape_cast %broadcast_in_dim3A_790 : vector<16x1xi32> to vector<16xi32>
        %gather3A_792 = tpu.dynamic_gather %exp3A_768[%gather3A_791] in [0] : vector<16xf32>, vector<16xi32> -> vector<16xf32>
        %broadcast_in_dim3A_793 = arith.constant 2 : i32
        %broadcast_in_dim3A_794 = vector.broadcast %broadcast_in_dim3A_793 : i32 to vector<16xi32>
        %broadcast_in_dim3A_795 = vector.shape_cast %broadcast_in_dim3A_794 : vector<16xi32> to vector<16x1xi32>
        %gather3A_796 = vector.shape_cast %broadcast_in_dim3A_795 : vector<16x1xi32> to vector<16xi32>
        %gather3A_797 = tpu.dynamic_gather %exp3A_768[%gather3A_796] in [0] : vector<16xf32>, vector<16xi32> -> vector<16xf32>
        %broadcast_in_dim3A_798 = arith.constant 3 : i32
        %broadcast_in_dim3A_799 = vector.broadcast %broadcast_in_dim3A_798 : i32 to vector<16xi32>
        %broadcast_in_dim3A_800 = vector.shape_cast %broadcast_in_dim3A_799 : vector<16xi32> to vector<16x1xi32>
        %gather3A_801 = vector.shape_cast %broadcast_in_dim3A_800 : vector<16x1xi32> to vector<16xi32>
        %gather3A_802 = tpu.dynamic_gather %exp3A_768[%gather3A_801] in [0] : vector<16xf32>, vector<16xi32> -> vector<16xf32>
        %get3A_803 = arith.index_cast %add3A_735 : i32 to index
        %get3A_804 = arith.constant 0 : index
        %get3A_805 = tpu.vector_load %arg14[%get3A_803, %get3A_804] {strides = array<i32>} : memref<64x128xf32, #tpu.memory_space<vmem>>, vector<1x16xf32>,
        %get3A_806 = vector.shape_cast %get3A_805 : vector<1x16xf32> to vector<16xf32>
        %mul3A_807 = arith.mulf %get3A_806, %gather3A_787 : vector<16xf32>
        %get3A_808 = arith.index_cast %min3A_743 : i32 to index
        %get3A_809 = arith.constant 0 : index
        %get3A_810 = tpu.vector_load %arg8[%get3A_808, %get3A_809] {strides = array<i32>} : memref<528x144xf32, #tpu.memory_space<vmem>>, vector<1x16xf32>,
        %get3A_811 = vector.shape_cast %get3A_810 : vector<1x16xf32> to vector<16xf32>
        %add3A_812 = arith.addf %get3A_811, %mul3A_807 : vector<16xf32>
        %swap3A_813 = arith.index_cast %min3A_743 : i32 to index
        %swap3A_814 = arith.constant 0 : index
        %swap3A_815 = tpu.vector_load %arg8[%swap3A_813, %swap3A_814] {strides = array<i32>} : memref<528x144xf32, #tpu.memory_space<vmem>>, vector<1x16xf32>,
        %swap3A_816 = vector.shape_cast %swap3A_815 : vector<1x16xf32> to vector<16xf32>
        %swap3A_817 = vector.shape_cast %add3A_812 : vector<16xf32> to vector<1x16xf32>
        tpu.vector_store %arg8[%swap3A_813, %swap3A_814], %swap3A_817 {strides = array<i32>} : memref<528x144xf32, #tpu.memory_space<vmem>>, vector<1x16xf32>,
        %get3A_818 = arith.index_cast %add3A_735 : i32 to index
        %get3A_819 = arith.constant 16 : index
        %get3A_820 = tpu.vector_load %arg14[%get3A_818, %get3A_819] {strides = array<i32>} : memref<64x128xf32, #tpu.memory_space<vmem>>, vector<1x16xf32>,
        %get3A_821 = vector.shape_cast %get3A_820 : vector<1x16xf32> to vector<16xf32>
        %mul3A_822 = arith.mulf %get3A_821, %gather3A_787 : vector<16xf32>
        %get3A_823 = arith.index_cast %min3A_743 : i32 to index
        %get3A_824 = arith.constant 16 : index
        %get3A_825 = tpu.vector_load %arg8[%get3A_823, %get3A_824] {strides = array<i32>} : memref<528x144xf32, #tpu.memory_space<vmem>>, vector<1x16xf32>,
        %get3A_826 = vector.shape_cast %get3A_825 : vector<1x16xf32> to vector<16xf32>
        %add3A_827 = arith.addf %get3A_826, %mul3A_822 : vector<16xf32>
        %swap3A_828 = arith.index_cast %min3A_743 : i32 to index
        %swap3A_829 = arith.constant 16 : index
        %swap3A_830 = tpu.vector_load %arg8[%swap3A_828, %swap3A_829] {strides = array<i32>} : memref<528x144xf32, #tpu.memory_space<vmem>>, vector<1x16xf32>,
        %swap3A_831 = vector.shape_cast %swap3A_830 : vector<1x16xf32> to vector<16xf32>
        %swap3A_832 = vector.shape_cast %add3A_827 : vector<16xf32> to vector<1x16xf32>
        tpu.vector_store %arg8[%swap3A_828, %swap3A_829], %swap3A_832 {strides = array<i32>} : memref<528x144xf32, #tpu.memory_space<vmem>>, vector<1x16xf32>,
        %get3A_833 = arith.index_cast %add3A_735 : i32 to index
        %get3A_834 = arith.constant 32 : index
        %get3A_835 = tpu.vector_load %arg14[%get3A_833, %get3A_834] {strides = array<i32>} : memref<64x128xf32, #tpu.memory_space<vmem>>, vector<1x16xf32>,
        %get3A_836 = vector.shape_cast %get3A_835 : vector<1x16xf32> to vector<16xf32>
        %mul3A_837 = arith.mulf %get3A_836, %gather3A_792 : vector<16xf32>
        %get3A_838 = arith.index_cast %min3A_743 : i32 to index
        %get3A_839 = arith.constant 32 : index
        %get3A_840 = tpu.vector_load %arg8[%get3A_838, %get3A_839] {strides = array<i32>} : memref<528x144xf32, #tpu.memory_space<vmem>>, vector<1x16xf32>,
        %get3A_841 = vector.shape_cast %get3A_840 : vector<1x16xf32> to vector<16xf32>
        %add3A_842 = arith.addf %get3A_841, %mul3A_837 : vector<16xf32>
        %swap3A_843 = arith.index_cast %min3A_743 : i32 to index
        %swap3A_844 = arith.constant 32 : index
        %swap3A_845 = tpu.vector_load %arg8[%swap3A_843, %swap3A_844] {strides = array<i32>} : memref<528x144xf32, #tpu.memory_space<vmem>>, vector<1x16xf32>,
        %swap3A_846 = vector.shape_cast %swap3A_845 : vector<1x16xf32> to vector<16xf32>
        %swap3A_847 = vector.shape_cast %add3A_842 : vector<16xf32> to vector<1x16xf32>
        tpu.vector_store %arg8[%swap3A_843, %swap3A_844], %swap3A_847 {strides = array<i32>} : memref<528x144xf32, #tpu.memory_space<vmem>>, vector<1x16xf32>,
        %get3A_848 = arith.index_cast %add3A_735 : i32 to index
        %get3A_849 = arith.constant 48 : index
        %get3A_850 = tpu.vector_load %arg14[%get3A_848, %get3A_849] {strides = array<i32>} : memref<64x128xf32, #tpu.memory_space<vmem>>, vector<1x16xf32>,
        %get3A_851 = vector.shape_cast %get3A_850 : vector<1x16xf32> to vector<16xf32>
        %mul3A_852 = arith.mulf %get3A_851, %gather3A_792 : vector<16xf32>
        %get3A_853 = arith.index_cast %min3A_743 : i32 to index
        %get3A_854 = arith.constant 48 : index
        %get3A_855 = tpu.vector_load %arg8[%get3A_853, %get3A_854] {strides = array<i32>} : memref<528x144xf32, #tpu.memory_space<vmem>>, vector<1x16xf32>,
        %get3A_856 = vector.shape_cast %get3A_855 : vector<1x16xf32> to vector<16xf32>
        %add3A_857 = arith.addf %get3A_856, %mul3A_852 : vector<16xf32>
        %swap3A_858 = arith.index_cast %min3A_743 : i32 to index
        %swap3A_859 = arith.constant 48 : index
        %swap3A_860 = tpu.vector_load %arg8[%swap3A_858, %swap3A_859] {strides = array<i32>} : memref<528x144xf32, #tpu.memory_space<vmem>>, vector<1x16xf32>,
        %swap3A_861 = vector.shape_cast %swap3A_860 : vector<1x16xf32> to vector<16xf32>
        %swap3A_862 = vector.shape_cast %add3A_857 : vector<16xf32> to vector<1x16xf32>
        tpu.vector_store %arg8[%swap3A_858, %swap3A_859], %swap3A_862 {strides = array<i32>} : memref<528x144xf32, #tpu.memory_space<vmem>>, vector<1x16xf32>,
        %get3A_863 = arith.index_cast %add3A_735 : i32 to index
        %get3A_864 = arith.constant 64 : index
        %get3A_865 = tpu.vector_load %arg14[%get3A_863, %get3A_864] {strides = array<i32>} : memref<64x128xf32, #tpu.memory_space<vmem>>, vector<1x16xf32>,
        %get3A_866 = vector.shape_cast %get3A_865 : vector<1x16xf32> to vector<16xf32>
        %mul3A_867 = arith.mulf %get3A_866, %gather3A_797 : vector<16xf32>
        %get3A_868 = arith.index_cast %min3A_743 : i32 to index
        %get3A_869 = arith.constant 64 : index
        %get3A_870 = tpu.vector_load %arg8[%get3A_868, %get3A_869] {strides = array<i32>} : memref<528x144xf32, #tpu.memory_space<vmem>>, vector<1x16xf32>,
        %get3A_871 = vector.shape_cast %get3A_870 : vector<1x16xf32> to vector<16xf32>
        %add3A_872 = arith.addf %get3A_871, %mul3A_867 : vector<16xf32>
        %swap3A_873 = arith.index_cast %min3A_743 : i32 to index
        %swap3A_874 = arith.constant 64 : index
        %swap3A_875 = tpu.vector_load %arg8[%swap3A_873, %swap3A_874] {strides = array<i32>} : memref<528x144xf32, #tpu.memory_space<vmem>>, vector<1x16xf32>,
        %swap3A_876 = vector.shape_cast %swap3A_875 : vector<1x16xf32> to vector<16xf32>
        %swap3A_877 = vector.shape_cast %add3A_872 : vector<16xf32> to vector<1x16xf32>
        tpu.vector_store %arg8[%swap3A_873, %swap3A_874], %swap3A_877 {strides = array<i32>} : memref<528x144xf32, #tpu.memory_space<vmem>>, vector<1x16xf32>,
        %get3A_878 = arith.index_cast %add3A_735 : i32 to index
        %get3A_879 = arith.constant 80 : index
        %get3A_880 = tpu.vector_load %arg14[%get3A_878, %get3A_879] {strides = array<i32>} : memref<64x128xf32, #tpu.memory_space<vmem>>, vector<1x16xf32>,
        %get3A_881 = vector.shape_cast %get3A_880 : vector<1x16xf32> to vector<16xf32>
        %mul3A_882 = arith.mulf %get3A_881, %gather3A_797 : vector<16xf32>
        %get3A_883 = arith.index_cast %min3A_743 : i32 to index
        %get3A_884 = arith.constant 80 : index
        %get3A_885 = tpu.vector_load %arg8[%get3A_883, %get3A_884] {strides = array<i32>} : memref<528x144xf32, #tpu.memory_space<vmem>>, vector<1x16xf32>,
        %get3A_886 = vector.shape_cast %get3A_885 : vector<1x16xf32> to vector<16xf32>
        %add3A_887 = arith.addf %get3A_886, %mul3A_882 : vector<16xf32>
        %swap3A_888 = arith.index_cast %min3A_743 : i32 to index
        %swap3A_889 = arith.constant 80 : index
        %swap3A_890 = tpu.vector_load %arg8[%swap3A_888, %swap3A_889] {strides = array<i32>} : memref<528x144xf32, #tpu.memory_space<vmem>>, vector<1x16xf32>,
        %swap3A_891 = vector.shape_cast %swap3A_890 : vector<1x16xf32> to vector<16xf32>
        %swap3A_892 = vector.shape_cast %add3A_887 : vector<16xf32> to vector<1x16xf32>
        tpu.vector_store %arg8[%swap3A_888, %swap3A_889], %swap3A_892 {strides = array<i32>} : memref<528x144xf32, #tpu.memory_space<vmem>>, vector<1x16xf32>,
        %get3A_893 = arith.index_cast %add3A_735 : i32 to index
        %get3A_894 = arith.constant 96 : index
        %get3A_895 = tpu.vector_load %arg14[%get3A_893, %get3A_894] {strides = array<i32>} : memref<64x128xf32, #tpu.memory_space<vmem>>, vector<1x16xf32>,
        %get3A_896 = vector.shape_cast %get3A_895 : vector<1x16xf32> to vector<16xf32>
        %mul3A_897 = arith.mulf %get3A_896, %gather3A_802 : vector<16xf32>
        %get3A_898 = arith.index_cast %min3A_743 : i32 to index
        %get3A_899 = arith.constant 96 : index
        %get3A_900 = tpu.vector_load %arg8[%get3A_898, %get3A_899] {strides = array<i32>} : memref<528x144xf32, #tpu.memory_space<vmem>>, vector<1x16xf32>,
        %get3A_901 = vector.shape_cast %get3A_900 : vector<1x16xf32> to vector<16xf32>
        %add3A_902 = arith.addf %get3A_901, %mul3A_897 : vector<16xf32>
        %swap3A_903 = arith.index_cast %min3A_743 : i32 to index
        %swap3A_904 = arith.constant 96 : index
        %swap3A_905 = tpu.vector_load %arg8[%swap3A_903, %swap3A_904] {strides = array<i32>} : memref<528x144xf32, #tpu.memory_space<vmem>>, vector<1x16xf32>,
        %swap3A_906 = vector.shape_cast %swap3A_905 : vector<1x16xf32> to vector<16xf32>
        %swap3A_907 = vector.shape_cast %add3A_902 : vector<16xf32> to vector<1x16xf32>
        tpu.vector_store %arg8[%swap3A_903, %swap3A_904], %swap3A_907 {strides = array<i32>} : memref<528x144xf32, #tpu.memory_space<vmem>>, vector<1x16xf32>,
        %get3A_908 = arith.index_cast %add3A_735 : i32 to index
        %get3A_909 = arith.constant 112 : index
        %get3A_910 = tpu.vector_load %arg14[%get3A_908, %get3A_909] {strides = array<i32>} : memref<64x128xf32, #tpu.memory_space<vmem>>, vector<1x16xf32>,
        %get3A_911 = vector.shape_cast %get3A_910 : vector<1x16xf32> to vector<16xf32>
        %mul3A_912 = arith.mulf %get3A_911, %gather3A_802 : vector<16xf32>
        %get3A_913 = arith.index_cast %min3A_743 : i32 to index
        %get3A_914 = arith.constant 112 : index
        %get3A_915 = tpu.vector_load %arg8[%get3A_913, %get3A_914] {strides = array<i32>} : memref<528x144xf32, #tpu.memory_space<vmem>>, vector<1x16xf32>,
        %get3A_916 = vector.shape_cast %get3A_915 : vector<1x16xf32> to vector<16xf32>
        %add3A_917 = arith.addf %get3A_916, %mul3A_912 : vector<16xf32>
        %swap3A_918 = arith.index_cast %min3A_743 : i32 to index
        %swap3A_919 = arith.constant 112 : index
        %swap3A_920 = tpu.vector_load %arg8[%swap3A_918, %swap3A_919] {strides = array<i32>} : memref<528x144xf32, #tpu.memory_space<vmem>>, vector<1x16xf32>,
        %swap3A_921 = vector.shape_cast %swap3A_920 : vector<1x16xf32> to vector<16xf32>
        %swap3A_922 = vector.shape_cast %add3A_917 : vector<16xf32> to vector<1x16xf32>
        tpu.vector_store %arg8[%swap3A_918, %swap3A_919], %swap3A_922 {strides = array<i32>} : memref<528x144xf32, #tpu.memory_space<vmem>>, vector<1x16xf32>,
        %mul3A_923 = arith.constant 16 : i32
        %mul3A_924 = arith.muli %scan3A_151, %mul3A_923 : i32
        %add3A_925 = arith.constant 4 : i32
        %add3A_926 = arith.addi %mul3A_924, %add3A_925 : i32
        %slice3A_927 = vector.extract_strided_slice %get3A_156 {offsets = [4], sizes = [1], strides = [1]} : vector<16xi32> to vector<1xi32>
        %squeeze3A_928 = vector.extract %slice3A_927[0] : i32 from vector<1xi32>
        %slice3A_929 = vector.extract_strided_slice %get3A_166 {offsets = [4], sizes = [1], strides = [1]} : vector<16xi32> to vector<1xi32>
        %squeeze3A_930 = vector.extract %slice3A_929[0] : i32 from vector<1xi32>
        %slice3A_931 = vector.extract_strided_slice %get3A_161 {offsets = [4], sizes = [1], strides = [1]} : vector<16xi32> to vector<1xi32>
        %squeeze3A_932 = vector.extract %slice3A_931[0] : i32 from vector<1xi32>
        %min3A_933 = arith.constant 524 : i32
        %min3A_934 = arith.minsi %squeeze3A_932, %min3A_933 : i32
        %and3A_935 = arith.constant 7 : i32
        %and3A_936 = arith.andi %squeeze3A_928, %and3A_935 : i32
        %mul3A_937 = arith.constant 16 : i32
        %mul3A_938 = arith.muli %and3A_936, %mul3A_937 : i32
        %and3A_939 = arith.constant 7 : i32
        %and3A_940 = arith.andi %squeeze3A_930, %and3A_939 : i32
        %mul3A_941 = arith.constant 16 : i32
        %mul3A_942 = arith.muli %and3A_940, %mul3A_941 : i32
        %get3A_943 = arith.index_cast %add3A_926 : i32 to index
        %get3A_944 = arith.index_cast %mul3A_938 : i32 to index
        %get3A_945 = tpu.vector_load %arg15[%get3A_943, %get3A_944] {strides = array<i32>} : memref<64x128xf32, #tpu.memory_space<vmem>>, vector<1x16xf32>,
        %get3A_946 = vector.shape_cast %get3A_945 : vector<1x16xf32> to vector<16xf32>
        %get3A_947 = arith.index_cast %add3A_926 : i32 to index
        %get3A_948 = arith.index_cast %mul3A_942 : i32 to index
        %get3A_949 = tpu.vector_load %arg16[%get3A_947, %get3A_948] {strides = array<i32>} : memref<64x128xf32, #tpu.memory_space<vmem>>, vector<1x16xf32>,
        %get3A_950 = vector.shape_cast %get3A_949 : vector<1x16xf32> to vector<16xf32>
        %broadcast_in_dim3A_951 = vector.shape_cast %min3A_10 : vector<16xi32> to vector<16x1xi32>
        %gather3A_952 = vector.shape_cast %broadcast_in_dim3A_951 : vector<16x1xi32> to vector<16xi32>
        %gather3A_953 = tpu.dynamic_gather %get3A_950[%gather3A_952] in [0] : vector<16xf32>, vector<16xi32> -> vector<16xf32>
        %add3A_954 = arith.addf %get3A_946, %gather3A_953 : vector<16xf32>
        %mul3A_955 = arith.constant 2.000000e-01 : f32
        %mul3A_956 = vector.broadcast %mul3A_955 : f32 to vector<16xf32>
        %mul3A_957 = arith.mulf %mul3A_956, %add3A_954 : vector<16xf32>
        %max3A_958 = arith.maximumf %add3A_954, %mul3A_957 : vector<16xf32>
        %exp3A_959 = math.exp %max3A_958 : vector<16xf32>
        %get3A_960 = arith.index_cast %min3A_934 : i32 to index
        %get3A_961 = arith.constant 128 : index
        %get3A_962 = tpu.vector_load %arg8[%get3A_960, %get3A_961] {strides = array<i32>} : memref<528x144xf32, #tpu.memory_space<vmem>>, vector<1x16xf32>,
        %get3A_963 = vector.shape_cast %get3A_962 : vector<1x16xf32> to vector<16xf32>
        %lt3A_964 = arith.constant 4 : i32
        %lt3A_965 = vector.broadcast %lt3A_964 : i32 to vector<16xi32>
        %lt3A_966 = arith.cmpi slt, %iota3A, %lt3A_965 : vector<16xi32>
        %select_n3A_967 = arith.select %lt3A_966, %exp3A_959, %broadcast_in_dim3A_1 : vector<16xi1>, vector<16xf32>
        %add3A_968 = arith.addf %get3A_963, %select_n3A_967 : vector<16xf32>
        %swap3A_969 = arith.index_cast %min3A_934 : i32 to index
        %swap3A_970 = arith.constant 128 : index
        %swap3A_971 = tpu.vector_load %arg8[%swap3A_969, %swap3A_970] {strides = array<i32>} : memref<528x144xf32, #tpu.memory_space<vmem>>, vector<1x16xf32>,
        %swap3A_972 = vector.shape_cast %swap3A_971 : vector<1x16xf32> to vector<16xf32>
        %swap3A_973 = vector.shape_cast %add3A_968 : vector<16xf32> to vector<1x16xf32>
        tpu.vector_store %arg8[%swap3A_969, %swap3A_970], %swap3A_973 {strides = array<i32>} : memref<528x144xf32, #tpu.memory_space<vmem>>, vector<1x16xf32>,
        %broadcast_in_dim3A_974 = arith.constant 0 : i32
        %broadcast_in_dim3A_975 = vector.broadcast %broadcast_in_dim3A_974 : i32 to vector<16xi32>
        %broadcast_in_dim3A_976 = vector.shape_cast %broadcast_in_dim3A_975 : vector<16xi32> to vector<16x1xi32>
        %gather3A_977 = vector.shape_cast %broadcast_in_dim3A_976 : vector<16x1xi32> to vector<16xi32>
        %gather3A_978 = tpu.dynamic_gather %exp3A_959[%gather3A_977] in [0] : vector<16xf32>, vector<16xi32> -> vector<16xf32>
        %broadcast_in_dim3A_979 = arith.constant 1 : i32
        %broadcast_in_dim3A_980 = vector.broadcast %broadcast_in_dim3A_979 : i32 to vector<16xi32>
        %broadcast_in_dim3A_981 = vector.shape_cast %broadcast_in_dim3A_980 : vector<16xi32> to vector<16x1xi32>
        %gather3A_982 = vector.shape_cast %broadcast_in_dim3A_981 : vector<16x1xi32> to vector<16xi32>
        %gather3A_983 = tpu.dynamic_gather %exp3A_959[%gather3A_982] in [0] : vector<16xf32>, vector<16xi32> -> vector<16xf32>
        %broadcast_in_dim3A_984 = arith.constant 2 : i32
        %broadcast_in_dim3A_985 = vector.broadcast %broadcast_in_dim3A_984 : i32 to vector<16xi32>
        %broadcast_in_dim3A_986 = vector.shape_cast %broadcast_in_dim3A_985 : vector<16xi32> to vector<16x1xi32>
        %gather3A_987 = vector.shape_cast %broadcast_in_dim3A_986 : vector<16x1xi32> to vector<16xi32>
        %gather3A_988 = tpu.dynamic_gather %exp3A_959[%gather3A_987] in [0] : vector<16xf32>, vector<16xi32> -> vector<16xf32>
        %broadcast_in_dim3A_989 = arith.constant 3 : i32
        %broadcast_in_dim3A_990 = vector.broadcast %broadcast_in_dim3A_989 : i32 to vector<16xi32>
        %broadcast_in_dim3A_991 = vector.shape_cast %broadcast_in_dim3A_990 : vector<16xi32> to vector<16x1xi32>
        %gather3A_992 = vector.shape_cast %broadcast_in_dim3A_991 : vector<16x1xi32> to vector<16xi32>
        %gather3A_993 = tpu.dynamic_gather %exp3A_959[%gather3A_992] in [0] : vector<16xf32>, vector<16xi32> -> vector<16xf32>
        %get3A_994 = arith.index_cast %add3A_926 : i32 to index
        %get3A_995 = arith.constant 0 : index
        %get3A_996 = tpu.vector_load %arg14[%get3A_994, %get3A_995] {strides = array<i32>} : memref<64x128xf32, #tpu.memory_space<vmem>>, vector<1x16xf32>,
        %get3A_997 = vector.shape_cast %get3A_996 : vector<1x16xf32> to vector<16xf32>
        %mul3A_998 = arith.mulf %get3A_997, %gather3A_978 : vector<16xf32>
        %get3A_999 = arith.index_cast %min3A_934 : i32 to index
        %get3A_1000 = arith.constant 0 : index
        %get3A_1001 = tpu.vector_load %arg8[%get3A_999, %get3A_1000] {strides = array<i32>} : memref<528x144xf32, #tpu.memory_space<vmem>>, vector<1x16xf32>,
        %get3A_1002 = vector.shape_cast %get3A_1001 : vector<1x16xf32> to vector<16xf32>
        %add3A_1003 = arith.addf %get3A_1002, %mul3A_998 : vector<16xf32>
        %swap3A_1004 = arith.index_cast %min3A_934 : i32 to index
        %swap3A_1005 = arith.constant 0 : index
        %swap3A_1006 = tpu.vector_load %arg8[%swap3A_1004, %swap3A_1005] {strides = array<i32>} : memref<528x144xf32, #tpu.memory_space<vmem>>, vector<1x16xf32>,
        %swap3A_1007 = vector.shape_cast %swap3A_1006 : vector<1x16xf32> to vector<16xf32>
        %swap3A_1008 = vector.shape_cast %add3A_1003 : vector<16xf32> to vector<1x16xf32>
        tpu.vector_store %arg8[%swap3A_1004, %swap3A_1005], %swap3A_1008 {strides = array<i32>} : memref<528x144xf32, #tpu.memory_space<vmem>>, vector<1x16xf32>,
        %get3A_1009 = arith.index_cast %add3A_926 : i32 to index
        %get3A_1010 = arith.constant 16 : index
        %get3A_1011 = tpu.vector_load %arg14[%get3A_1009, %get3A_1010] {strides = array<i32>} : memref<64x128xf32, #tpu.memory_space<vmem>>, vector<1x16xf32>,
        %get3A_1012 = vector.shape_cast %get3A_1011 : vector<1x16xf32> to vector<16xf32>
        %mul3A_1013 = arith.mulf %get3A_1012, %gather3A_978 : vector<16xf32>
        %get3A_1014 = arith.index_cast %min3A_934 : i32 to index
        %get3A_1015 = arith.constant 16 : index
        %get3A_1016 = tpu.vector_load %arg8[%get3A_1014, %get3A_1015] {strides = array<i32>} : memref<528x144xf32, #tpu.memory_space<vmem>>, vector<1x16xf32>,
        %get3A_1017 = vector.shape_cast %get3A_1016 : vector<1x16xf32> to vector<16xf32>
        %add3A_1018 = arith.addf %get3A_1017, %mul3A_1013 : vector<16xf32>
        %swap3A_1019 = arith.index_cast %min3A_934 : i32 to index
        %swap3A_1020 = arith.constant 16 : index
        %swap3A_1021 = tpu.vector_load %arg8[%swap3A_1019, %swap3A_1020] {strides = array<i32>} : memref<528x144xf32, #tpu.memory_space<vmem>>, vector<1x16xf32>,
        %swap3A_1022 = vector.shape_cast %swap3A_1021 : vector<1x16xf32> to vector<16xf32>
        %swap3A_1023 = vector.shape_cast %add3A_1018 : vector<16xf32> to vector<1x16xf32>
        tpu.vector_store %arg8[%swap3A_1019, %swap3A_1020], %swap3A_1023 {strides = array<i32>} : memref<528x144xf32, #tpu.memory_space<vmem>>, vector<1x16xf32>,
        %get3A_1024 = arith.index_cast %add3A_926 : i32 to index
        %get3A_1025 = arith.constant 32 : index
        %get3A_1026 = tpu.vector_load %arg14[%get3A_1024, %get3A_1025] {strides = array<i32>} : memref<64x128xf32, #tpu.memory_space<vmem>>, vector<1x16xf32>,
        %get3A_1027 = vector.shape_cast %get3A_1026 : vector<1x16xf32> to vector<16xf32>
        %mul3A_1028 = arith.mulf %get3A_1027, %gather3A_983 : vector<16xf32>
        %get3A_1029 = arith.index_cast %min3A_934 : i32 to index
        %get3A_1030 = arith.constant 32 : index
        %get3A_1031 = tpu.vector_load %arg8[%get3A_1029, %get3A_1030] {strides = array<i32>} : memref<528x144xf32, #tpu.memory_space<vmem>>, vector<1x16xf32>,
        %get3A_1032 = vector.shape_cast %get3A_1031 : vector<1x16xf32> to vector<16xf32>
        %add3A_1033 = arith.addf %get3A_1032, %mul3A_1028 : vector<16xf32>
        %swap3A_1034 = arith.index_cast %min3A_934 : i32 to index
        %swap3A_1035 = arith.constant 32 : index
        %swap3A_1036 = tpu.vector_load %arg8[%swap3A_1034, %swap3A_1035] {strides = array<i32>} : memref<528x144xf32, #tpu.memory_space<vmem>>, vector<1x16xf32>,
        %swap3A_1037 = vector.shape_cast %swap3A_1036 : vector<1x16xf32> to vector<16xf32>
        %swap3A_1038 = vector.shape_cast %add3A_1033 : vector<16xf32> to vector<1x16xf32>
        tpu.vector_store %arg8[%swap3A_1034, %swap3A_1035], %swap3A_1038 {strides = array<i32>} : memref<528x144xf32, #tpu.memory_space<vmem>>, vector<1x16xf32>,
        %get3A_1039 = arith.index_cast %add3A_926 : i32 to index
        %get3A_1040 = arith.constant 48 : index
        %get3A_1041 = tpu.vector_load %arg14[%get3A_1039, %get3A_1040] {strides = array<i32>} : memref<64x128xf32, #tpu.memory_space<vmem>>, vector<1x16xf32>,
        %get3A_1042 = vector.shape_cast %get3A_1041 : vector<1x16xf32> to vector<16xf32>
        %mul3A_1043 = arith.mulf %get3A_1042, %gather3A_983 : vector<16xf32>
        %get3A_1044 = arith.index_cast %min3A_934 : i32 to index
        %get3A_1045 = arith.constant 48 : index
        %get3A_1046 = tpu.vector_load %arg8[%get3A_1044, %get3A_1045] {strides = array<i32>} : memref<528x144xf32, #tpu.memory_space<vmem>>, vector<1x16xf32>,
        %get3A_1047 = vector.shape_cast %get3A_1046 : vector<1x16xf32> to vector<16xf32>
        %add3A_1048 = arith.addf %get3A_1047, %mul3A_1043 : vector<16xf32>
        %swap3A_1049 = arith.index_cast %min3A_934 : i32 to index
        %swap3A_1050 = arith.constant 48 : index
        %swap3A_1051 = tpu.vector_load %arg8[%swap3A_1049, %swap3A_1050] {strides = array<i32>} : memref<528x144xf32, #tpu.memory_space<vmem>>, vector<1x16xf32>,
        %swap3A_1052 = vector.shape_cast %swap3A_1051 : vector<1x16xf32> to vector<16xf32>
        %swap3A_1053 = vector.shape_cast %add3A_1048 : vector<16xf32> to vector<1x16xf32>
        tpu.vector_store %arg8[%swap3A_1049, %swap3A_1050], %swap3A_1053 {strides = array<i32>} : memref<528x144xf32, #tpu.memory_space<vmem>>, vector<1x16xf32>,
        %get3A_1054 = arith.index_cast %add3A_926 : i32 to index
        %get3A_1055 = arith.constant 64 : index
        %get3A_1056 = tpu.vector_load %arg14[%get3A_1054, %get3A_1055] {strides = array<i32>} : memref<64x128xf32, #tpu.memory_space<vmem>>, vector<1x16xf32>,
        %get3A_1057 = vector.shape_cast %get3A_1056 : vector<1x16xf32> to vector<16xf32>
        %mul3A_1058 = arith.mulf %get3A_1057, %gather3A_988 : vector<16xf32>
        %get3A_1059 = arith.index_cast %min3A_934 : i32 to index
        %get3A_1060 = arith.constant 64 : index
        %get3A_1061 = tpu.vector_load %arg8[%get3A_1059, %get3A_1060] {strides = array<i32>} : memref<528x144xf32, #tpu.memory_space<vmem>>, vector<1x16xf32>,
        %get3A_1062 = vector.shape_cast %get3A_1061 : vector<1x16xf32> to vector<16xf32>
        %add3A_1063 = arith.addf %get3A_1062, %mul3A_1058 : vector<16xf32>
        %swap3A_1064 = arith.index_cast %min3A_934 : i32 to index
        %swap3A_1065 = arith.constant 64 : index
        %swap3A_1066 = tpu.vector_load %arg8[%swap3A_1064, %swap3A_1065] {strides = array<i32>} : memref<528x144xf32, #tpu.memory_space<vmem>>, vector<1x16xf32>,
        %swap3A_1067 = vector.shape_cast %swap3A_1066 : vector<1x16xf32> to vector<16xf32>
        %swap3A_1068 = vector.shape_cast %add3A_1063 : vector<16xf32> to vector<1x16xf32>
        tpu.vector_store %arg8[%swap3A_1064, %swap3A_1065], %swap3A_1068 {strides = array<i32>} : memref<528x144xf32, #tpu.memory_space<vmem>>, vector<1x16xf32>,
        %get3A_1069 = arith.index_cast %add3A_926 : i32 to index
        %get3A_1070 = arith.constant 80 : index
        %get3A_1071 = tpu.vector_load %arg14[%get3A_1069, %get3A_1070] {strides = array<i32>} : memref<64x128xf32, #tpu.memory_space<vmem>>, vector<1x16xf32>,
        %get3A_1072 = vector.shape_cast %get3A_1071 : vector<1x16xf32> to vector<16xf32>
        %mul3A_1073 = arith.mulf %get3A_1072, %gather3A_988 : vector<16xf32>
        %get3A_1074 = arith.index_cast %min3A_934 : i32 to index
        %get3A_1075 = arith.constant 80 : index
        %get3A_1076 = tpu.vector_load %arg8[%get3A_1074, %get3A_1075] {strides = array<i32>} : memref<528x144xf32, #tpu.memory_space<vmem>>, vector<1x16xf32>,
        %get3A_1077 = vector.shape_cast %get3A_1076 : vector<1x16xf32> to vector<16xf32>
        %add3A_1078 = arith.addf %get3A_1077, %mul3A_1073 : vector<16xf32>
        %swap3A_1079 = arith.index_cast %min3A_934 : i32 to index
        %swap3A_1080 = arith.constant 80 : index
        %swap3A_1081 = tpu.vector_load %arg8[%swap3A_1079, %swap3A_1080] {strides = array<i32>} : memref<528x144xf32, #tpu.memory_space<vmem>>, vector<1x16xf32>,
        %swap3A_1082 = vector.shape_cast %swap3A_1081 : vector<1x16xf32> to vector<16xf32>
        %swap3A_1083 = vector.shape_cast %add3A_1078 : vector<16xf32> to vector<1x16xf32>
        tpu.vector_store %arg8[%swap3A_1079, %swap3A_1080], %swap3A_1083 {strides = array<i32>} : memref<528x144xf32, #tpu.memory_space<vmem>>, vector<1x16xf32>,
        %get3A_1084 = arith.index_cast %add3A_926 : i32 to index
        %get3A_1085 = arith.constant 96 : index
        %get3A_1086 = tpu.vector_load %arg14[%get3A_1084, %get3A_1085] {strides = array<i32>} : memref<64x128xf32, #tpu.memory_space<vmem>>, vector<1x16xf32>,
        %get3A_1087 = vector.shape_cast %get3A_1086 : vector<1x16xf32> to vector<16xf32>
        %mul3A_1088 = arith.mulf %get3A_1087, %gather3A_993 : vector<16xf32>
        %get3A_1089 = arith.index_cast %min3A_934 : i32 to index
        %get3A_1090 = arith.constant 96 : index
        %get3A_1091 = tpu.vector_load %arg8[%get3A_1089, %get3A_1090] {strides = array<i32>} : memref<528x144xf32, #tpu.memory_space<vmem>>, vector<1x16xf32>,
        %get3A_1092 = vector.shape_cast %get3A_1091 : vector<1x16xf32> to vector<16xf32>
        %add3A_1093 = arith.addf %get3A_1092, %mul3A_1088 : vector<16xf32>
        %swap3A_1094 = arith.index_cast %min3A_934 : i32 to index
        %swap3A_1095 = arith.constant 96 : index
        %swap3A_1096 = tpu.vector_load %arg8[%swap3A_1094, %swap3A_1095] {strides = array<i32>} : memref<528x144xf32, #tpu.memory_space<vmem>>, vector<1x16xf32>,
        %swap3A_1097 = vector.shape_cast %swap3A_1096 : vector<1x16xf32> to vector<16xf32>
        %swap3A_1098 = vector.shape_cast %add3A_1093 : vector<16xf32> to vector<1x16xf32>
        tpu.vector_store %arg8[%swap3A_1094, %swap3A_1095], %swap3A_1098 {strides = array<i32>} : memref<528x144xf32, #tpu.memory_space<vmem>>, vector<1x16xf32>,
        %get3A_1099 = arith.index_cast %add3A_926 : i32 to index
        %get3A_1100 = arith.constant 112 : index
        %get3A_1101 = tpu.vector_load %arg14[%get3A_1099, %get3A_1100] {strides = array<i32>} : memref<64x128xf32, #tpu.memory_space<vmem>>, vector<1x16xf32>,
        %get3A_1102 = vector.shape_cast %get3A_1101 : vector<1x16xf32> to vector<16xf32>
        %mul3A_1103 = arith.mulf %get3A_1102, %gather3A_993 : vector<16xf32>
        %get3A_1104 = arith.index_cast %min3A_934 : i32 to index
        %get3A_1105 = arith.constant 112 : index
        %get3A_1106 = tpu.vector_load %arg8[%get3A_1104, %get3A_1105] {strides = array<i32>} : memref<528x144xf32, #tpu.memory_space<vmem>>, vector<1x16xf32>,
        %get3A_1107 = vector.shape_cast %get3A_1106 : vector<1x16xf32> to vector<16xf32>
        %add3A_1108 = arith.addf %get3A_1107, %mul3A_1103 : vector<16xf32>
        %swap3A_1109 = arith.index_cast %min3A_934 : i32 to index
        %swap3A_1110 = arith.constant 112 : index
        %swap3A_1111 = tpu.vector_load %arg8[%swap3A_1109, %swap3A_1110] {strides = array<i32>} : memref<528x144xf32, #tpu.memory_space<vmem>>, vector<1x16xf32>,
        %swap3A_1112 = vector.shape_cast %swap3A_1111 : vector<1x16xf32> to vector<16xf32>
        %swap3A_1113 = vector.shape_cast %add3A_1108 : vector<16xf32> to vector<1x16xf32>
        tpu.vector_store %arg8[%swap3A_1109, %swap3A_1110], %swap3A_1113 {strides = array<i32>} : memref<528x144xf32, #tpu.memory_space<vmem>>, vector<1x16xf32>,
        %mul3A_1114 = arith.constant 16 : i32
        %mul3A_1115 = arith.muli %scan3A_151, %mul3A_1114 : i32
        %add3A_1116 = arith.constant 5 : i32
        %add3A_1117 = arith.addi %mul3A_1115, %add3A_1116 : i32
        %slice3A_1118 = vector.extract_strided_slice %get3A_156 {offsets = [5], sizes = [1], strides = [1]} : vector<16xi32> to vector<1xi32>
        %squeeze3A_1119 = vector.extract %slice3A_1118[0] : i32 from vector<1xi32>
        %slice3A_1120 = vector.extract_strided_slice %get3A_166 {offsets = [5], sizes = [1], strides = [1]} : vector<16xi32> to vector<1xi32>
        %squeeze3A_1121 = vector.extract %slice3A_1120[0] : i32 from vector<1xi32>
        %slice3A_1122 = vector.extract_strided_slice %get3A_161 {offsets = [5], sizes = [1], strides = [1]} : vector<16xi32> to vector<1xi32>
        %squeeze3A_1123 = vector.extract %slice3A_1122[0] : i32 from vector<1xi32>
        %min3A_1124 = arith.constant 524 : i32
        %min3A_1125 = arith.minsi %squeeze3A_1123, %min3A_1124 : i32
        %and3A_1126 = arith.constant 7 : i32
        %and3A_1127 = arith.andi %squeeze3A_1119, %and3A_1126 : i32
        %mul3A_1128 = arith.constant 16 : i32
        %mul3A_1129 = arith.muli %and3A_1127, %mul3A_1128 : i32
        %and3A_1130 = arith.constant 7 : i32
        %and3A_1131 = arith.andi %squeeze3A_1121, %and3A_1130 : i32
        %mul3A_1132 = arith.constant 16 : i32
        %mul3A_1133 = arith.muli %and3A_1131, %mul3A_1132 : i32
        %get3A_1134 = arith.index_cast %add3A_1117 : i32 to index
        %get3A_1135 = arith.index_cast %mul3A_1129 : i32 to index
        %get3A_1136 = tpu.vector_load %arg15[%get3A_1134, %get3A_1135] {strides = array<i32>} : memref<64x128xf32, #tpu.memory_space<vmem>>, vector<1x16xf32>,
        %get3A_1137 = vector.shape_cast %get3A_1136 : vector<1x16xf32> to vector<16xf32>
        %get3A_1138 = arith.index_cast %add3A_1117 : i32 to index
        %get3A_1139 = arith.index_cast %mul3A_1133 : i32 to index
        %get3A_1140 = tpu.vector_load %arg16[%get3A_1138, %get3A_1139] {strides = array<i32>} : memref<64x128xf32, #tpu.memory_space<vmem>>, vector<1x16xf32>,
        %get3A_1141 = vector.shape_cast %get3A_1140 : vector<1x16xf32> to vector<16xf32>
        %broadcast_in_dim3A_1142 = vector.shape_cast %min3A_10 : vector<16xi32> to vector<16x1xi32>
        %gather3A_1143 = vector.shape_cast %broadcast_in_dim3A_1142 : vector<16x1xi32> to vector<16xi32>
        %gather3A_1144 = tpu.dynamic_gather %get3A_1141[%gather3A_1143] in [0] : vector<16xf32>, vector<16xi32> -> vector<16xf32>
        %add3A_1145 = arith.addf %get3A_1137, %gather3A_1144 : vector<16xf32>
        %mul3A_1146 = arith.constant 2.000000e-01 : f32
        %mul3A_1147 = vector.broadcast %mul3A_1146 : f32 to vector<16xf32>
        %mul3A_1148 = arith.mulf %mul3A_1147, %add3A_1145 : vector<16xf32>
        %max3A_1149 = arith.maximumf %add3A_1145, %mul3A_1148 : vector<16xf32>
        %exp3A_1150 = math.exp %max3A_1149 : vector<16xf32>
        %get3A_1151 = arith.index_cast %min3A_1125 : i32 to index
        %get3A_1152 = arith.constant 128 : index
        %get3A_1153 = tpu.vector_load %arg8[%get3A_1151, %get3A_1152] {strides = array<i32>} : memref<528x144xf32, #tpu.memory_space<vmem>>, vector<1x16xf32>,
        %get3A_1154 = vector.shape_cast %get3A_1153 : vector<1x16xf32> to vector<16xf32>
        %lt3A_1155 = arith.constant 4 : i32
        %lt3A_1156 = vector.broadcast %lt3A_1155 : i32 to vector<16xi32>
        %lt3A_1157 = arith.cmpi slt, %iota3A, %lt3A_1156 : vector<16xi32>
        %select_n3A_1158 = arith.select %lt3A_1157, %exp3A_1150, %broadcast_in_dim3A_1 : vector<16xi1>, vector<16xf32>
        %add3A_1159 = arith.addf %get3A_1154, %select_n3A_1158 : vector<16xf32>
        %swap3A_1160 = arith.index_cast %min3A_1125 : i32 to index
        %swap3A_1161 = arith.constant 128 : index
        %swap3A_1162 = tpu.vector_load %arg8[%swap3A_1160, %swap3A_1161] {strides = array<i32>} : memref<528x144xf32, #tpu.memory_space<vmem>>, vector<1x16xf32>,
        %swap3A_1163 = vector.shape_cast %swap3A_1162 : vector<1x16xf32> to vector<16xf32>
        %swap3A_1164 = vector.shape_cast %add3A_1159 : vector<16xf32> to vector<1x16xf32>
        tpu.vector_store %arg8[%swap3A_1160, %swap3A_1161], %swap3A_1164 {strides = array<i32>} : memref<528x144xf32, #tpu.memory_space<vmem>>, vector<1x16xf32>,
        %broadcast_in_dim3A_1165 = arith.constant 0 : i32
        %broadcast_in_dim3A_1166 = vector.broadcast %broadcast_in_dim3A_1165 : i32 to vector<16xi32>
        %broadcast_in_dim3A_1167 = vector.shape_cast %broadcast_in_dim3A_1166 : vector<16xi32> to vector<16x1xi32>
        %gather3A_1168 = vector.shape_cast %broadcast_in_dim3A_1167 : vector<16x1xi32> to vector<16xi32>
        %gather3A_1169 = tpu.dynamic_gather %exp3A_1150[%gather3A_1168] in [0] : vector<16xf32>, vector<16xi32> -> vector<16xf32>
        %broadcast_in_dim3A_1170 = arith.constant 1 : i32
        %broadcast_in_dim3A_1171 = vector.broadcast %broadcast_in_dim3A_1170 : i32 to vector<16xi32>
        %broadcast_in_dim3A_1172 = vector.shape_cast %broadcast_in_dim3A_1171 : vector<16xi32> to vector<16x1xi32>
        %gather3A_1173 = vector.shape_cast %broadcast_in_dim3A_1172 : vector<16x1xi32> to vector<16xi32>
        %gather3A_1174 = tpu.dynamic_gather %exp3A_1150[%gather3A_1173] in [0] : vector<16xf32>, vector<16xi32> -> vector<16xf32>
        %broadcast_in_dim3A_1175 = arith.constant 2 : i32
        %broadcast_in_dim3A_1176 = vector.broadcast %broadcast_in_dim3A_1175 : i32 to vector<16xi32>
        %broadcast_in_dim3A_1177 = vector.shape_cast %broadcast_in_dim3A_1176 : vector<16xi32> to vector<16x1xi32>
        %gather3A_1178 = vector.shape_cast %broadcast_in_dim3A_1177 : vector<16x1xi32> to vector<16xi32>
        %gather3A_1179 = tpu.dynamic_gather %exp3A_1150[%gather3A_1178] in [0] : vector<16xf32>, vector<16xi32> -> vector<16xf32>
        %broadcast_in_dim3A_1180 = arith.constant 3 : i32
        %broadcast_in_dim3A_1181 = vector.broadcast %broadcast_in_dim3A_1180 : i32 to vector<16xi32>
        %broadcast_in_dim3A_1182 = vector.shape_cast %broadcast_in_dim3A_1181 : vector<16xi32> to vector<16x1xi32>
        %gather3A_1183 = vector.shape_cast %broadcast_in_dim3A_1182 : vector<16x1xi32> to vector<16xi32>
        %gather3A_1184 = tpu.dynamic_gather %exp3A_1150[%gather3A_1183] in [0] : vector<16xf32>, vector<16xi32> -> vector<16xf32>
        %get3A_1185 = arith.index_cast %add3A_1117 : i32 to index
        %get3A_1186 = arith.constant 0 : index
        %get3A_1187 = tpu.vector_load %arg14[%get3A_1185, %get3A_1186] {strides = array<i32>} : memref<64x128xf32, #tpu.memory_space<vmem>>, vector<1x16xf32>,
        %get3A_1188 = vector.shape_cast %get3A_1187 : vector<1x16xf32> to vector<16xf32>
        %mul3A_1189 = arith.mulf %get3A_1188, %gather3A_1169 : vector<16xf32>
        %get3A_1190 = arith.index_cast %min3A_1125 : i32 to index
        %get3A_1191 = arith.constant 0 : index
        %get3A_1192 = tpu.vector_load %arg8[%get3A_1190, %get3A_1191] {strides = array<i32>} : memref<528x144xf32, #tpu.memory_space<vmem>>, vector<1x16xf32>,
        %get3A_1193 = vector.shape_cast %get3A_1192 : vector<1x16xf32> to vector<16xf32>
        %add3A_1194 = arith.addf %get3A_1193, %mul3A_1189 : vector<16xf32>
        %swap3A_1195 = arith.index_cast %min3A_1125 : i32 to index
        %swap3A_1196 = arith.constant 0 : index
        %swap3A_1197 = tpu.vector_load %arg8[%swap3A_1195, %swap3A_1196] {strides = array<i32>} : memref<528x144xf32, #tpu.memory_space<vmem>>, vector<1x16xf32>,
        %swap3A_1198 = vector.shape_cast %swap3A_1197 : vector<1x16xf32> to vector<16xf32>
        %swap3A_1199 = vector.shape_cast %add3A_1194 : vector<16xf32> to vector<1x16xf32>
        tpu.vector_store %arg8[%swap3A_1195, %swap3A_1196], %swap3A_1199 {strides = array<i32>} : memref<528x144xf32, #tpu.memory_space<vmem>>, vector<1x16xf32>,
        %get3A_1200 = arith.index_cast %add3A_1117 : i32 to index
        %get3A_1201 = arith.constant 16 : index
        %get3A_1202 = tpu.vector_load %arg14[%get3A_1200, %get3A_1201] {strides = array<i32>} : memref<64x128xf32, #tpu.memory_space<vmem>>, vector<1x16xf32>,
        %get3A_1203 = vector.shape_cast %get3A_1202 : vector<1x16xf32> to vector<16xf32>
        %mul3A_1204 = arith.mulf %get3A_1203, %gather3A_1169 : vector<16xf32>
        %get3A_1205 = arith.index_cast %min3A_1125 : i32 to index
        %get3A_1206 = arith.constant 16 : index
        %get3A_1207 = tpu.vector_load %arg8[%get3A_1205, %get3A_1206] {strides = array<i32>} : memref<528x144xf32, #tpu.memory_space<vmem>>, vector<1x16xf32>,
        %get3A_1208 = vector.shape_cast %get3A_1207 : vector<1x16xf32> to vector<16xf32>
        %add3A_1209 = arith.addf %get3A_1208, %mul3A_1204 : vector<16xf32>
        %swap3A_1210 = arith.index_cast %min3A_1125 : i32 to index
        %swap3A_1211 = arith.constant 16 : index
        %swap3A_1212 = tpu.vector_load %arg8[%swap3A_1210, %swap3A_1211] {strides = array<i32>} : memref<528x144xf32, #tpu.memory_space<vmem>>, vector<1x16xf32>,
        %swap3A_1213 = vector.shape_cast %swap3A_1212 : vector<1x16xf32> to vector<16xf32>
        %swap3A_1214 = vector.shape_cast %add3A_1209 : vector<16xf32> to vector<1x16xf32>
        tpu.vector_store %arg8[%swap3A_1210, %swap3A_1211], %swap3A_1214 {strides = array<i32>} : memref<528x144xf32, #tpu.memory_space<vmem>>, vector<1x16xf32>,
        %get3A_1215 = arith.index_cast %add3A_1117 : i32 to index
        %get3A_1216 = arith.constant 32 : index
        %get3A_1217 = tpu.vector_load %arg14[%get3A_1215, %get3A_1216] {strides = array<i32>} : memref<64x128xf32, #tpu.memory_space<vmem>>, vector<1x16xf32>,
        %get3A_1218 = vector.shape_cast %get3A_1217 : vector<1x16xf32> to vector<16xf32>
        %mul3A_1219 = arith.mulf %get3A_1218, %gather3A_1174 : vector<16xf32>
        %get3A_1220 = arith.index_cast %min3A_1125 : i32 to index
        %get3A_1221 = arith.constant 32 : index
        %get3A_1222 = tpu.vector_load %arg8[%get3A_1220, %get3A_1221] {strides = array<i32>} : memref<528x144xf32, #tpu.memory_space<vmem>>, vector<1x16xf32>,
        %get3A_1223 = vector.shape_cast %get3A_1222 : vector<1x16xf32> to vector<16xf32>
        %add3A_1224 = arith.addf %get3A_1223, %mul3A_1219 : vector<16xf32>
        %swap3A_1225 = arith.index_cast %min3A_1125 : i32 to index
        %swap3A_1226 = arith.constant 32 : index
        %swap3A_1227 = tpu.vector_load %arg8[%swap3A_1225, %swap3A_1226] {strides = array<i32>} : memref<528x144xf32, #tpu.memory_space<vmem>>, vector<1x16xf32>,
        %swap3A_1228 = vector.shape_cast %swap3A_1227 : vector<1x16xf32> to vector<16xf32>
        %swap3A_1229 = vector.shape_cast %add3A_1224 : vector<16xf32> to vector<1x16xf32>
        tpu.vector_store %arg8[%swap3A_1225, %swap3A_1226], %swap3A_1229 {strides = array<i32>} : memref<528x144xf32, #tpu.memory_space<vmem>>, vector<1x16xf32>,
        %get3A_1230 = arith.index_cast %add3A_1117 : i32 to index
        %get3A_1231 = arith.constant 48 : index
        %get3A_1232 = tpu.vector_load %arg14[%get3A_1230, %get3A_1231] {strides = array<i32>} : memref<64x128xf32, #tpu.memory_space<vmem>>, vector<1x16xf32>,
        %get3A_1233 = vector.shape_cast %get3A_1232 : vector<1x16xf32> to vector<16xf32>
        %mul3A_1234 = arith.mulf %get3A_1233, %gather3A_1174 : vector<16xf32>
        %get3A_1235 = arith.index_cast %min3A_1125 : i32 to index
        %get3A_1236 = arith.constant 48 : index
        %get3A_1237 = tpu.vector_load %arg8[%get3A_1235, %get3A_1236] {strides = array<i32>} : memref<528x144xf32, #tpu.memory_space<vmem>>, vector<1x16xf32>,
        %get3A_1238 = vector.shape_cast %get3A_1237 : vector<1x16xf32> to vector<16xf32>
        %add3A_1239 = arith.addf %get3A_1238, %mul3A_1234 : vector<16xf32>
        %swap3A_1240 = arith.index_cast %min3A_1125 : i32 to index
        %swap3A_1241 = arith.constant 48 : index
        %swap3A_1242 = tpu.vector_load %arg8[%swap3A_1240, %swap3A_1241] {strides = array<i32>} : memref<528x144xf32, #tpu.memory_space<vmem>>, vector<1x16xf32>,
        %swap3A_1243 = vector.shape_cast %swap3A_1242 : vector<1x16xf32> to vector<16xf32>
        %swap3A_1244 = vector.shape_cast %add3A_1239 : vector<16xf32> to vector<1x16xf32>
        tpu.vector_store %arg8[%swap3A_1240, %swap3A_1241], %swap3A_1244 {strides = array<i32>} : memref<528x144xf32, #tpu.memory_space<vmem>>, vector<1x16xf32>,
        %get3A_1245 = arith.index_cast %add3A_1117 : i32 to index
        %get3A_1246 = arith.constant 64 : index
        %get3A_1247 = tpu.vector_load %arg14[%get3A_1245, %get3A_1246] {strides = array<i32>} : memref<64x128xf32, #tpu.memory_space<vmem>>, vector<1x16xf32>,
        %get3A_1248 = vector.shape_cast %get3A_1247 : vector<1x16xf32> to vector<16xf32>
        %mul3A_1249 = arith.mulf %get3A_1248, %gather3A_1179 : vector<16xf32>
        %get3A_1250 = arith.index_cast %min3A_1125 : i32 to index
        %get3A_1251 = arith.constant 64 : index
        %get3A_1252 = tpu.vector_load %arg8[%get3A_1250, %get3A_1251] {strides = array<i32>} : memref<528x144xf32, #tpu.memory_space<vmem>>, vector<1x16xf32>,
        %get3A_1253 = vector.shape_cast %get3A_1252 : vector<1x16xf32> to vector<16xf32>
        %add3A_1254 = arith.addf %get3A_1253, %mul3A_1249 : vector<16xf32>
        %swap3A_1255 = arith.index_cast %min3A_1125 : i32 to index
        %swap3A_1256 = arith.constant 64 : index
        %swap3A_1257 = tpu.vector_load %arg8[%swap3A_1255, %swap3A_1256] {strides = array<i32>} : memref<528x144xf32, #tpu.memory_space<vmem>>, vector<1x16xf32>,
        %swap3A_1258 = vector.shape_cast %swap3A_1257 : vector<1x16xf32> to vector<16xf32>
        %swap3A_1259 = vector.shape_cast %add3A_1254 : vector<16xf32> to vector<1x16xf32>
        tpu.vector_store %arg8[%swap3A_1255, %swap3A_1256], %swap3A_1259 {strides = array<i32>} : memref<528x144xf32, #tpu.memory_space<vmem>>, vector<1x16xf32>,
        %get3A_1260 = arith.index_cast %add3A_1117 : i32 to index
        %get3A_1261 = arith.constant 80 : index
        %get3A_1262 = tpu.vector_load %arg14[%get3A_1260, %get3A_1261] {strides = array<i32>} : memref<64x128xf32, #tpu.memory_space<vmem>>, vector<1x16xf32>,
        %get3A_1263 = vector.shape_cast %get3A_1262 : vector<1x16xf32> to vector<16xf32>
        %mul3A_1264 = arith.mulf %get3A_1263, %gather3A_1179 : vector<16xf32>
        %get3A_1265 = arith.index_cast %min3A_1125 : i32 to index
        %get3A_1266 = arith.constant 80 : index
        %get3A_1267 = tpu.vector_load %arg8[%get3A_1265, %get3A_1266] {strides = array<i32>} : memref<528x144xf32, #tpu.memory_space<vmem>>, vector<1x16xf32>,
        %get3A_1268 = vector.shape_cast %get3A_1267 : vector<1x16xf32> to vector<16xf32>
        %add3A_1269 = arith.addf %get3A_1268, %mul3A_1264 : vector<16xf32>
        %swap3A_1270 = arith.index_cast %min3A_1125 : i32 to index
        %swap3A_1271 = arith.constant 80 : index
        %swap3A_1272 = tpu.vector_load %arg8[%swap3A_1270, %swap3A_1271] {strides = array<i32>} : memref<528x144xf32, #tpu.memory_space<vmem>>, vector<1x16xf32>,
        %swap3A_1273 = vector.shape_cast %swap3A_1272 : vector<1x16xf32> to vector<16xf32>
        %swap3A_1274 = vector.shape_cast %add3A_1269 : vector<16xf32> to vector<1x16xf32>
        tpu.vector_store %arg8[%swap3A_1270, %swap3A_1271], %swap3A_1274 {strides = array<i32>} : memref<528x144xf32, #tpu.memory_space<vmem>>, vector<1x16xf32>,
        %get3A_1275 = arith.index_cast %add3A_1117 : i32 to index
        %get3A_1276 = arith.constant 96 : index
        %get3A_1277 = tpu.vector_load %arg14[%get3A_1275, %get3A_1276] {strides = array<i32>} : memref<64x128xf32, #tpu.memory_space<vmem>>, vector<1x16xf32>,
        %get3A_1278 = vector.shape_cast %get3A_1277 : vector<1x16xf32> to vector<16xf32>
        %mul3A_1279 = arith.mulf %get3A_1278, %gather3A_1184 : vector<16xf32>
        %get3A_1280 = arith.index_cast %min3A_1125 : i32 to index
        %get3A_1281 = arith.constant 96 : index
        %get3A_1282 = tpu.vector_load %arg8[%get3A_1280, %get3A_1281] {strides = array<i32>} : memref<528x144xf32, #tpu.memory_space<vmem>>, vector<1x16xf32>,
        %get3A_1283 = vector.shape_cast %get3A_1282 : vector<1x16xf32> to vector<16xf32>
        %add3A_1284 = arith.addf %get3A_1283, %mul3A_1279 : vector<16xf32>
        %swap3A_1285 = arith.index_cast %min3A_1125 : i32 to index
        %swap3A_1286 = arith.constant 96 : index
        %swap3A_1287 = tpu.vector_load %arg8[%swap3A_1285, %swap3A_1286] {strides = array<i32>} : memref<528x144xf32, #tpu.memory_space<vmem>>, vector<1x16xf32>,
        %swap3A_1288 = vector.shape_cast %swap3A_1287 : vector<1x16xf32> to vector<16xf32>
        %swap3A_1289 = vector.shape_cast %add3A_1284 : vector<16xf32> to vector<1x16xf32>
        tpu.vector_store %arg8[%swap3A_1285, %swap3A_1286], %swap3A_1289 {strides = array<i32>} : memref<528x144xf32, #tpu.memory_space<vmem>>, vector<1x16xf32>,
        %get3A_1290 = arith.index_cast %add3A_1117 : i32 to index
        %get3A_1291 = arith.constant 112 : index
        %get3A_1292 = tpu.vector_load %arg14[%get3A_1290, %get3A_1291] {strides = array<i32>} : memref<64x128xf32, #tpu.memory_space<vmem>>, vector<1x16xf32>,
        %get3A_1293 = vector.shape_cast %get3A_1292 : vector<1x16xf32> to vector<16xf32>
        %mul3A_1294 = arith.mulf %get3A_1293, %gather3A_1184 : vector<16xf32>
        %get3A_1295 = arith.index_cast %min3A_1125 : i32 to index
        %get3A_1296 = arith.constant 112 : index
        %get3A_1297 = tpu.vector_load %arg8[%get3A_1295, %get3A_1296] {strides = array<i32>} : memref<528x144xf32, #tpu.memory_space<vmem>>, vector<1x16xf32>,
        %get3A_1298 = vector.shape_cast %get3A_1297 : vector<1x16xf32> to vector<16xf32>
        %add3A_1299 = arith.addf %get3A_1298, %mul3A_1294 : vector<16xf32>
        %swap3A_1300 = arith.index_cast %min3A_1125 : i32 to index
        %swap3A_1301 = arith.constant 112 : index
        %swap3A_1302 = tpu.vector_load %arg8[%swap3A_1300, %swap3A_1301] {strides = array<i32>} : memref<528x144xf32, #tpu.memory_space<vmem>>, vector<1x16xf32>,
        %swap3A_1303 = vector.shape_cast %swap3A_1302 : vector<1x16xf32> to vector<16xf32>
        %swap3A_1304 = vector.shape_cast %add3A_1299 : vector<16xf32> to vector<1x16xf32>
        tpu.vector_store %arg8[%swap3A_1300, %swap3A_1301], %swap3A_1304 {strides = array<i32>} : memref<528x144xf32, #tpu.memory_space<vmem>>, vector<1x16xf32>,
        %mul3A_1305 = arith.constant 16 : i32
        %mul3A_1306 = arith.muli %scan3A_151, %mul3A_1305 : i32
        %add3A_1307 = arith.constant 6 : i32
        %add3A_1308 = arith.addi %mul3A_1306, %add3A_1307 : i32
        %slice3A_1309 = vector.extract_strided_slice %get3A_156 {offsets = [6], sizes = [1], strides = [1]} : vector<16xi32> to vector<1xi32>
        %squeeze3A_1310 = vector.extract %slice3A_1309[0] : i32 from vector<1xi32>
        %slice3A_1311 = vector.extract_strided_slice %get3A_166 {offsets = [6], sizes = [1], strides = [1]} : vector<16xi32> to vector<1xi32>
        %squeeze3A_1312 = vector.extract %slice3A_1311[0] : i32 from vector<1xi32>
        %slice3A_1313 = vector.extract_strided_slice %get3A_161 {offsets = [6], sizes = [1], strides = [1]} : vector<16xi32> to vector<1xi32>
        %squeeze3A_1314 = vector.extract %slice3A_1313[0] : i32 from vector<1xi32>
        %min3A_1315 = arith.constant 524 : i32
        %min3A_1316 = arith.minsi %squeeze3A_1314, %min3A_1315 : i32
        %and3A_1317 = arith.constant 7 : i32
        %and3A_1318 = arith.andi %squeeze3A_1310, %and3A_1317 : i32
        %mul3A_1319 = arith.constant 16 : i32
        %mul3A_1320 = arith.muli %and3A_1318, %mul3A_1319 : i32
        %and3A_1321 = arith.constant 7 : i32
        %and3A_1322 = arith.andi %squeeze3A_1312, %and3A_1321 : i32
        %mul3A_1323 = arith.constant 16 : i32
        %mul3A_1324 = arith.muli %and3A_1322, %mul3A_1323 : i32
        %get3A_1325 = arith.index_cast %add3A_1308 : i32 to index
        %get3A_1326 = arith.index_cast %mul3A_1320 : i32 to index
        %get3A_1327 = tpu.vector_load %arg15[%get3A_1325, %get3A_1326] {strides = array<i32>} : memref<64x128xf32, #tpu.memory_space<vmem>>, vector<1x16xf32>,
        %get3A_1328 = vector.shape_cast %get3A_1327 : vector<1x16xf32> to vector<16xf32>
        %get3A_1329 = arith.index_cast %add3A_1308 : i32 to index
        %get3A_1330 = arith.index_cast %mul3A_1324 : i32 to index
        %get3A_1331 = tpu.vector_load %arg16[%get3A_1329, %get3A_1330] {strides = array<i32>} : memref<64x128xf32, #tpu.memory_space<vmem>>, vector<1x16xf32>,
        %get3A_1332 = vector.shape_cast %get3A_1331 : vector<1x16xf32> to vector<16xf32>
        %broadcast_in_dim3A_1333 = vector.shape_cast %min3A_10 : vector<16xi32> to vector<16x1xi32>
        %gather3A_1334 = vector.shape_cast %broadcast_in_dim3A_1333 : vector<16x1xi32> to vector<16xi32>
        %gather3A_1335 = tpu.dynamic_gather %get3A_1332[%gather3A_1334] in [0] : vector<16xf32>, vector<16xi32> -> vector<16xf32>
        %add3A_1336 = arith.addf %get3A_1328, %gather3A_1335 : vector<16xf32>
        %mul3A_1337 = arith.constant 2.000000e-01 : f32
        %mul3A_1338 = vector.broadcast %mul3A_1337 : f32 to vector<16xf32>
        %mul3A_1339 = arith.mulf %mul3A_1338, %add3A_1336 : vector<16xf32>
        %max3A_1340 = arith.maximumf %add3A_1336, %mul3A_1339 : vector<16xf32>
        %exp3A_1341 = math.exp %max3A_1340 : vector<16xf32>
        %get3A_1342 = arith.index_cast %min3A_1316 : i32 to index
        %get3A_1343 = arith.constant 128 : index
        %get3A_1344 = tpu.vector_load %arg8[%get3A_1342, %get3A_1343] {strides = array<i32>} : memref<528x144xf32, #tpu.memory_space<vmem>>, vector<1x16xf32>,
        %get3A_1345 = vector.shape_cast %get3A_1344 : vector<1x16xf32> to vector<16xf32>
        %lt3A_1346 = arith.constant 4 : i32
        %lt3A_1347 = vector.broadcast %lt3A_1346 : i32 to vector<16xi32>
        %lt3A_1348 = arith.cmpi slt, %iota3A, %lt3A_1347 : vector<16xi32>
        %select_n3A_1349 = arith.select %lt3A_1348, %exp3A_1341, %broadcast_in_dim3A_1 : vector<16xi1>, vector<16xf32>
        %add3A_1350 = arith.addf %get3A_1345, %select_n3A_1349 : vector<16xf32>
        %swap3A_1351 = arith.index_cast %min3A_1316 : i32 to index
        %swap3A_1352 = arith.constant 128 : index
        %swap3A_1353 = tpu.vector_load %arg8[%swap3A_1351, %swap3A_1352] {strides = array<i32>} : memref<528x144xf32, #tpu.memory_space<vmem>>, vector<1x16xf32>,
        %swap3A_1354 = vector.shape_cast %swap3A_1353 : vector<1x16xf32> to vector<16xf32>
        %swap3A_1355 = vector.shape_cast %add3A_1350 : vector<16xf32> to vector<1x16xf32>
        tpu.vector_store %arg8[%swap3A_1351, %swap3A_1352], %swap3A_1355 {strides = array<i32>} : memref<528x144xf32, #tpu.memory_space<vmem>>, vector<1x16xf32>,
        %broadcast_in_dim3A_1356 = arith.constant 0 : i32
        %broadcast_in_dim3A_1357 = vector.broadcast %broadcast_in_dim3A_1356 : i32 to vector<16xi32>
        %broadcast_in_dim3A_1358 = vector.shape_cast %broadcast_in_dim3A_1357 : vector<16xi32> to vector<16x1xi32>
        %gather3A_1359 = vector.shape_cast %broadcast_in_dim3A_1358 : vector<16x1xi32> to vector<16xi32>
        %gather3A_1360 = tpu.dynamic_gather %exp3A_1341[%gather3A_1359] in [0] : vector<16xf32>, vector<16xi32> -> vector<16xf32>
        %broadcast_in_dim3A_1361 = arith.constant 1 : i32
        %broadcast_in_dim3A_1362 = vector.broadcast %broadcast_in_dim3A_1361 : i32 to vector<16xi32>
        %broadcast_in_dim3A_1363 = vector.shape_cast %broadcast_in_dim3A_1362 : vector<16xi32> to vector<16x1xi32>
        %gather3A_1364 = vector.shape_cast %broadcast_in_dim3A_1363 : vector<16x1xi32> to vector<16xi32>
        %gather3A_1365 = tpu.dynamic_gather %exp3A_1341[%gather3A_1364] in [0] : vector<16xf32>, vector<16xi32> -> vector<16xf32>
        %broadcast_in_dim3A_1366 = arith.constant 2 : i32
        %broadcast_in_dim3A_1367 = vector.broadcast %broadcast_in_dim3A_1366 : i32 to vector<16xi32>
        %broadcast_in_dim3A_1368 = vector.shape_cast %broadcast_in_dim3A_1367 : vector<16xi32> to vector<16x1xi32>
        %gather3A_1369 = vector.shape_cast %broadcast_in_dim3A_1368 : vector<16x1xi32> to vector<16xi32>
        %gather3A_1370 = tpu.dynamic_gather %exp3A_1341[%gather3A_1369] in [0] : vector<16xf32>, vector<16xi32> -> vector<16xf32>
        %broadcast_in_dim3A_1371 = arith.constant 3 : i32
        %broadcast_in_dim3A_1372 = vector.broadcast %broadcast_in_dim3A_1371 : i32 to vector<16xi32>
        %broadcast_in_dim3A_1373 = vector.shape_cast %broadcast_in_dim3A_1372 : vector<16xi32> to vector<16x1xi32>
        %gather3A_1374 = vector.shape_cast %broadcast_in_dim3A_1373 : vector<16x1xi32> to vector<16xi32>
        %gather3A_1375 = tpu.dynamic_gather %exp3A_1341[%gather3A_1374] in [0] : vector<16xf32>, vector<16xi32> -> vector<16xf32>
        %get3A_1376 = arith.index_cast %add3A_1308 : i32 to index
        %get3A_1377 = arith.constant 0 : index
        %get3A_1378 = tpu.vector_load %arg14[%get3A_1376, %get3A_1377] {strides = array<i32>} : memref<64x128xf32, #tpu.memory_space<vmem>>, vector<1x16xf32>,
        %get3A_1379 = vector.shape_cast %get3A_1378 : vector<1x16xf32> to vector<16xf32>
        %mul3A_1380 = arith.mulf %get3A_1379, %gather3A_1360 : vector<16xf32>
        %get3A_1381 = arith.index_cast %min3A_1316 : i32 to index
        %get3A_1382 = arith.constant 0 : index
        %get3A_1383 = tpu.vector_load %arg8[%get3A_1381, %get3A_1382] {strides = array<i32>} : memref<528x144xf32, #tpu.memory_space<vmem>>, vector<1x16xf32>,
        %get3A_1384 = vector.shape_cast %get3A_1383 : vector<1x16xf32> to vector<16xf32>
        %add3A_1385 = arith.addf %get3A_1384, %mul3A_1380 : vector<16xf32>
        %swap3A_1386 = arith.index_cast %min3A_1316 : i32 to index
        %swap3A_1387 = arith.constant 0 : index
        %swap3A_1388 = tpu.vector_load %arg8[%swap3A_1386, %swap3A_1387] {strides = array<i32>} : memref<528x144xf32, #tpu.memory_space<vmem>>, vector<1x16xf32>,
        %swap3A_1389 = vector.shape_cast %swap3A_1388 : vector<1x16xf32> to vector<16xf32>
        %swap3A_1390 = vector.shape_cast %add3A_1385 : vector<16xf32> to vector<1x16xf32>
        tpu.vector_store %arg8[%swap3A_1386, %swap3A_1387], %swap3A_1390 {strides = array<i32>} : memref<528x144xf32, #tpu.memory_space<vmem>>, vector<1x16xf32>,
        %get3A_1391 = arith.index_cast %add3A_1308 : i32 to index
        %get3A_1392 = arith.constant 16 : index
        %get3A_1393 = tpu.vector_load %arg14[%get3A_1391, %get3A_1392] {strides = array<i32>} : memref<64x128xf32, #tpu.memory_space<vmem>>, vector<1x16xf32>,
        %get3A_1394 = vector.shape_cast %get3A_1393 : vector<1x16xf32> to vector<16xf32>
        %mul3A_1395 = arith.mulf %get3A_1394, %gather3A_1360 : vector<16xf32>
        %get3A_1396 = arith.index_cast %min3A_1316 : i32 to index
        %get3A_1397 = arith.constant 16 : index
        %get3A_1398 = tpu.vector_load %arg8[%get3A_1396, %get3A_1397] {strides = array<i32>} : memref<528x144xf32, #tpu.memory_space<vmem>>, vector<1x16xf32>,
        %get3A_1399 = vector.shape_cast %get3A_1398 : vector<1x16xf32> to vector<16xf32>
        %add3A_1400 = arith.addf %get3A_1399, %mul3A_1395 : vector<16xf32>
        %swap3A_1401 = arith.index_cast %min3A_1316 : i32 to index
        %swap3A_1402 = arith.constant 16 : index
        %swap3A_1403 = tpu.vector_load %arg8[%swap3A_1401, %swap3A_1402] {strides = array<i32>} : memref<528x144xf32, #tpu.memory_space<vmem>>, vector<1x16xf32>,
        %swap3A_1404 = vector.shape_cast %swap3A_1403 : vector<1x16xf32> to vector<16xf32>
        %swap3A_1405 = vector.shape_cast %add3A_1400 : vector<16xf32> to vector<1x16xf32>
        tpu.vector_store %arg8[%swap3A_1401, %swap3A_1402], %swap3A_1405 {strides = array<i32>} : memref<528x144xf32, #tpu.memory_space<vmem>>, vector<1x16xf32>,
        %get3A_1406 = arith.index_cast %add3A_1308 : i32 to index
        %get3A_1407 = arith.constant 32 : index
        %get3A_1408 = tpu.vector_load %arg14[%get3A_1406, %get3A_1407] {strides = array<i32>} : memref<64x128xf32, #tpu.memory_space<vmem>>, vector<1x16xf32>,
        %get3A_1409 = vector.shape_cast %get3A_1408 : vector<1x16xf32> to vector<16xf32>
        %mul3A_1410 = arith.mulf %get3A_1409, %gather3A_1365 : vector<16xf32>
        %get3A_1411 = arith.index_cast %min3A_1316 : i32 to index
        %get3A_1412 = arith.constant 32 : index
        %get3A_1413 = tpu.vector_load %arg8[%get3A_1411, %get3A_1412] {strides = array<i32>} : memref<528x144xf32, #tpu.memory_space<vmem>>, vector<1x16xf32>,
        %get3A_1414 = vector.shape_cast %get3A_1413 : vector<1x16xf32> to vector<16xf32>
        %add3A_1415 = arith.addf %get3A_1414, %mul3A_1410 : vector<16xf32>
        %swap3A_1416 = arith.index_cast %min3A_1316 : i32 to index
        %swap3A_1417 = arith.constant 32 : index
        %swap3A_1418 = tpu.vector_load %arg8[%swap3A_1416, %swap3A_1417] {strides = array<i32>} : memref<528x144xf32, #tpu.memory_space<vmem>>, vector<1x16xf32>,
        %swap3A_1419 = vector.shape_cast %swap3A_1418 : vector<1x16xf32> to vector<16xf32>
        %swap3A_1420 = vector.shape_cast %add3A_1415 : vector<16xf32> to vector<1x16xf32>
        tpu.vector_store %arg8[%swap3A_1416, %swap3A_1417], %swap3A_1420 {strides = array<i32>} : memref<528x144xf32, #tpu.memory_space<vmem>>, vector<1x16xf32>,
        %get3A_1421 = arith.index_cast %add3A_1308 : i32 to index
        %get3A_1422 = arith.constant 48 : index
        %get3A_1423 = tpu.vector_load %arg14[%get3A_1421, %get3A_1422] {strides = array<i32>} : memref<64x128xf32, #tpu.memory_space<vmem>>, vector<1x16xf32>,
        %get3A_1424 = vector.shape_cast %get3A_1423 : vector<1x16xf32> to vector<16xf32>
        %mul3A_1425 = arith.mulf %get3A_1424, %gather3A_1365 : vector<16xf32>
        %get3A_1426 = arith.index_cast %min3A_1316 : i32 to index
        %get3A_1427 = arith.constant 48 : index
        %get3A_1428 = tpu.vector_load %arg8[%get3A_1426, %get3A_1427] {strides = array<i32>} : memref<528x144xf32, #tpu.memory_space<vmem>>, vector<1x16xf32>,
        %get3A_1429 = vector.shape_cast %get3A_1428 : vector<1x16xf32> to vector<16xf32>
        %add3A_1430 = arith.addf %get3A_1429, %mul3A_1425 : vector<16xf32>
        %swap3A_1431 = arith.index_cast %min3A_1316 : i32 to index
        %swap3A_1432 = arith.constant 48 : index
        %swap3A_1433 = tpu.vector_load %arg8[%swap3A_1431, %swap3A_1432] {strides = array<i32>} : memref<528x144xf32, #tpu.memory_space<vmem>>, vector<1x16xf32>,
        %swap3A_1434 = vector.shape_cast %swap3A_1433 : vector<1x16xf32> to vector<16xf32>
        %swap3A_1435 = vector.shape_cast %add3A_1430 : vector<16xf32> to vector<1x16xf32>
        tpu.vector_store %arg8[%swap3A_1431, %swap3A_1432], %swap3A_1435 {strides = array<i32>} : memref<528x144xf32, #tpu.memory_space<vmem>>, vector<1x16xf32>,
        %get3A_1436 = arith.index_cast %add3A_1308 : i32 to index
        %get3A_1437 = arith.constant 64 : index
        %get3A_1438 = tpu.vector_load %arg14[%get3A_1436, %get3A_1437] {strides = array<i32>} : memref<64x128xf32, #tpu.memory_space<vmem>>, vector<1x16xf32>,
        %get3A_1439 = vector.shape_cast %get3A_1438 : vector<1x16xf32> to vector<16xf32>
        %mul3A_1440 = arith.mulf %get3A_1439, %gather3A_1370 : vector<16xf32>
        %get3A_1441 = arith.index_cast %min3A_1316 : i32 to index
        %get3A_1442 = arith.constant 64 : index
        %get3A_1443 = tpu.vector_load %arg8[%get3A_1441, %get3A_1442] {strides = array<i32>} : memref<528x144xf32, #tpu.memory_space<vmem>>, vector<1x16xf32>,
        %get3A_1444 = vector.shape_cast %get3A_1443 : vector<1x16xf32> to vector<16xf32>
        %add3A_1445 = arith.addf %get3A_1444, %mul3A_1440 : vector<16xf32>
        %swap3A_1446 = arith.index_cast %min3A_1316 : i32 to index
        %swap3A_1447 = arith.constant 64 : index
        %swap3A_1448 = tpu.vector_load %arg8[%swap3A_1446, %swap3A_1447] {strides = array<i32>} : memref<528x144xf32, #tpu.memory_space<vmem>>, vector<1x16xf32>,
        %swap3A_1449 = vector.shape_cast %swap3A_1448 : vector<1x16xf32> to vector<16xf32>
        %swap3A_1450 = vector.shape_cast %add3A_1445 : vector<16xf32> to vector<1x16xf32>
        tpu.vector_store %arg8[%swap3A_1446, %swap3A_1447], %swap3A_1450 {strides = array<i32>} : memref<528x144xf32, #tpu.memory_space<vmem>>, vector<1x16xf32>,
        %get3A_1451 = arith.index_cast %add3A_1308 : i32 to index
        %get3A_1452 = arith.constant 80 : index
        %get3A_1453 = tpu.vector_load %arg14[%get3A_1451, %get3A_1452] {strides = array<i32>} : memref<64x128xf32, #tpu.memory_space<vmem>>, vector<1x16xf32>,
        %get3A_1454 = vector.shape_cast %get3A_1453 : vector<1x16xf32> to vector<16xf32>
        %mul3A_1455 = arith.mulf %get3A_1454, %gather3A_1370 : vector<16xf32>
        %get3A_1456 = arith.index_cast %min3A_1316 : i32 to index
        %get3A_1457 = arith.constant 80 : index
        %get3A_1458 = tpu.vector_load %arg8[%get3A_1456, %get3A_1457] {strides = array<i32>} : memref<528x144xf32, #tpu.memory_space<vmem>>, vector<1x16xf32>,
        %get3A_1459 = vector.shape_cast %get3A_1458 : vector<1x16xf32> to vector<16xf32>
        %add3A_1460 = arith.addf %get3A_1459, %mul3A_1455 : vector<16xf32>
        %swap3A_1461 = arith.index_cast %min3A_1316 : i32 to index
        %swap3A_1462 = arith.constant 80 : index
        %swap3A_1463 = tpu.vector_load %arg8[%swap3A_1461, %swap3A_1462] {strides = array<i32>} : memref<528x144xf32, #tpu.memory_space<vmem>>, vector<1x16xf32>,
        %swap3A_1464 = vector.shape_cast %swap3A_1463 : vector<1x16xf32> to vector<16xf32>
        %swap3A_1465 = vector.shape_cast %add3A_1460 : vector<16xf32> to vector<1x16xf32>
        tpu.vector_store %arg8[%swap3A_1461, %swap3A_1462], %swap3A_1465 {strides = array<i32>} : memref<528x144xf32, #tpu.memory_space<vmem>>, vector<1x16xf32>,
        %get3A_1466 = arith.index_cast %add3A_1308 : i32 to index
        %get3A_1467 = arith.constant 96 : index
        %get3A_1468 = tpu.vector_load %arg14[%get3A_1466, %get3A_1467] {strides = array<i32>} : memref<64x128xf32, #tpu.memory_space<vmem>>, vector<1x16xf32>,
        %get3A_1469 = vector.shape_cast %get3A_1468 : vector<1x16xf32> to vector<16xf32>
        %mul3A_1470 = arith.mulf %get3A_1469, %gather3A_1375 : vector<16xf32>
        %get3A_1471 = arith.index_cast %min3A_1316 : i32 to index
        %get3A_1472 = arith.constant 96 : index
        %get3A_1473 = tpu.vector_load %arg8[%get3A_1471, %get3A_1472] {strides = array<i32>} : memref<528x144xf32, #tpu.memory_space<vmem>>, vector<1x16xf32>,
        %get3A_1474 = vector.shape_cast %get3A_1473 : vector<1x16xf32> to vector<16xf32>
        %add3A_1475 = arith.addf %get3A_1474, %mul3A_1470 : vector<16xf32>
        %swap3A_1476 = arith.index_cast %min3A_1316 : i32 to index
        %swap3A_1477 = arith.constant 96 : index
        %swap3A_1478 = tpu.vector_load %arg8[%swap3A_1476, %swap3A_1477] {strides = array<i32>} : memref<528x144xf32, #tpu.memory_space<vmem>>, vector<1x16xf32>,
        %swap3A_1479 = vector.shape_cast %swap3A_1478 : vector<1x16xf32> to vector<16xf32>
        %swap3A_1480 = vector.shape_cast %add3A_1475 : vector<16xf32> to vector<1x16xf32>
        tpu.vector_store %arg8[%swap3A_1476, %swap3A_1477], %swap3A_1480 {strides = array<i32>} : memref<528x144xf32, #tpu.memory_space<vmem>>, vector<1x16xf32>,
        %get3A_1481 = arith.index_cast %add3A_1308 : i32 to index
        %get3A_1482 = arith.constant 112 : index
        %get3A_1483 = tpu.vector_load %arg14[%get3A_1481, %get3A_1482] {strides = array<i32>} : memref<64x128xf32, #tpu.memory_space<vmem>>, vector<1x16xf32>,
        %get3A_1484 = vector.shape_cast %get3A_1483 : vector<1x16xf32> to vector<16xf32>
        %mul3A_1485 = arith.mulf %get3A_1484, %gather3A_1375 : vector<16xf32>
        %get3A_1486 = arith.index_cast %min3A_1316 : i32 to index
        %get3A_1487 = arith.constant 112 : index
        %get3A_1488 = tpu.vector_load %arg8[%get3A_1486, %get3A_1487] {strides = array<i32>} : memref<528x144xf32, #tpu.memory_space<vmem>>, vector<1x16xf32>,
        %get3A_1489 = vector.shape_cast %get3A_1488 : vector<1x16xf32> to vector<16xf32>
        %add3A_1490 = arith.addf %get3A_1489, %mul3A_1485 : vector<16xf32>
        %swap3A_1491 = arith.index_cast %min3A_1316 : i32 to index
        %swap3A_1492 = arith.constant 112 : index
        %swap3A_1493 = tpu.vector_load %arg8[%swap3A_1491, %swap3A_1492] {strides = array<i32>} : memref<528x144xf32, #tpu.memory_space<vmem>>, vector<1x16xf32>,
        %swap3A_1494 = vector.shape_cast %swap3A_1493 : vector<1x16xf32> to vector<16xf32>
        %swap3A_1495 = vector.shape_cast %add3A_1490 : vector<16xf32> to vector<1x16xf32>
        tpu.vector_store %arg8[%swap3A_1491, %swap3A_1492], %swap3A_1495 {strides = array<i32>} : memref<528x144xf32, #tpu.memory_space<vmem>>, vector<1x16xf32>,
        %mul3A_1496 = arith.constant 16 : i32
        %mul3A_1497 = arith.muli %scan3A_151, %mul3A_1496 : i32
        %add3A_1498 = arith.constant 7 : i32
        %add3A_1499 = arith.addi %mul3A_1497, %add3A_1498 : i32
        %slice3A_1500 = vector.extract_strided_slice %get3A_156 {offsets = [7], sizes = [1], strides = [1]} : vector<16xi32> to vector<1xi32>
        %squeeze3A_1501 = vector.extract %slice3A_1500[0] : i32 from vector<1xi32>
        %slice3A_1502 = vector.extract_strided_slice %get3A_166 {offsets = [7], sizes = [1], strides = [1]} : vector<16xi32> to vector<1xi32>
        %squeeze3A_1503 = vector.extract %slice3A_1502[0] : i32 from vector<1xi32>
        %slice3A_1504 = vector.extract_strided_slice %get3A_161 {offsets = [7], sizes = [1], strides = [1]} : vector<16xi32> to vector<1xi32>
        %squeeze3A_1505 = vector.extract %slice3A_1504[0] : i32 from vector<1xi32>
        %min3A_1506 = arith.constant 524 : i32
        %min3A_1507 = arith.minsi %squeeze3A_1505, %min3A_1506 : i32
        %and3A_1508 = arith.constant 7 : i32
        %and3A_1509 = arith.andi %squeeze3A_1501, %and3A_1508 : i32
        %mul3A_1510 = arith.constant 16 : i32
        %mul3A_1511 = arith.muli %and3A_1509, %mul3A_1510 : i32
        %and3A_1512 = arith.constant 7 : i32
        %and3A_1513 = arith.andi %squeeze3A_1503, %and3A_1512 : i32
        %mul3A_1514 = arith.constant 16 : i32
        %mul3A_1515 = arith.muli %and3A_1513, %mul3A_1514 : i32
        %get3A_1516 = arith.index_cast %add3A_1499 : i32 to index
        %get3A_1517 = arith.index_cast %mul3A_1511 : i32 to index
        %get3A_1518 = tpu.vector_load %arg15[%get3A_1516, %get3A_1517] {strides = array<i32>} : memref<64x128xf32, #tpu.memory_space<vmem>>, vector<1x16xf32>,
        %get3A_1519 = vector.shape_cast %get3A_1518 : vector<1x16xf32> to vector<16xf32>
        %get3A_1520 = arith.index_cast %add3A_1499 : i32 to index
        %get3A_1521 = arith.index_cast %mul3A_1515 : i32 to index
        %get3A_1522 = tpu.vector_load %arg16[%get3A_1520, %get3A_1521] {strides = array<i32>} : memref<64x128xf32, #tpu.memory_space<vmem>>, vector<1x16xf32>,
        %get3A_1523 = vector.shape_cast %get3A_1522 : vector<1x16xf32> to vector<16xf32>
        %broadcast_in_dim3A_1524 = vector.shape_cast %min3A_10 : vector<16xi32> to vector<16x1xi32>
        %gather3A_1525 = vector.shape_cast %broadcast_in_dim3A_1524 : vector<16x1xi32> to vector<16xi32>
        %gather3A_1526 = tpu.dynamic_gather %get3A_1523[%gather3A_1525] in [0] : vector<16xf32>, vector<16xi32> -> vector<16xf32>
        %add3A_1527 = arith.addf %get3A_1519, %gather3A_1526 : vector<16xf32>
        %mul3A_1528 = arith.constant 2.000000e-01 : f32
        %mul3A_1529 = vector.broadcast %mul3A_1528 : f32 to vector<16xf32>
        %mul3A_1530 = arith.mulf %mul3A_1529, %add3A_1527 : vector<16xf32>
        %max3A_1531 = arith.maximumf %add3A_1527, %mul3A_1530 : vector<16xf32>
        %exp3A_1532 = math.exp %max3A_1531 : vector<16xf32>
        %get3A_1533 = arith.index_cast %min3A_1507 : i32 to index
        %get3A_1534 = arith.constant 128 : index
        %get3A_1535 = tpu.vector_load %arg8[%get3A_1533, %get3A_1534] {strides = array<i32>} : memref<528x144xf32, #tpu.memory_space<vmem>>, vector<1x16xf32>,
        %get3A_1536 = vector.shape_cast %get3A_1535 : vector<1x16xf32> to vector<16xf32>
        %lt3A_1537 = arith.constant 4 : i32
        %lt3A_1538 = vector.broadcast %lt3A_1537 : i32 to vector<16xi32>
        %lt3A_1539 = arith.cmpi slt, %iota3A, %lt3A_1538 : vector<16xi32>
        %select_n3A_1540 = arith.select %lt3A_1539, %exp3A_1532, %broadcast_in_dim3A_1 : vector<16xi1>, vector<16xf32>
        %add3A_1541 = arith.addf %get3A_1536, %select_n3A_1540 : vector<16xf32>
        %swap3A_1542 = arith.index_cast %min3A_1507 : i32 to index
        %swap3A_1543 = arith.constant 128 : index
        %swap3A_1544 = tpu.vector_load %arg8[%swap3A_1542, %swap3A_1543] {strides = array<i32>} : memref<528x144xf32, #tpu.memory_space<vmem>>, vector<1x16xf32>,
        %swap3A_1545 = vector.shape_cast %swap3A_1544 : vector<1x16xf32> to vector<16xf32>
        %swap3A_1546 = vector.shape_cast %add3A_1541 : vector<16xf32> to vector<1x16xf32>
        tpu.vector_store %arg8[%swap3A_1542, %swap3A_1543], %swap3A_1546 {strides = array<i32>} : memref<528x144xf32, #tpu.memory_space<vmem>>, vector<1x16xf32>,
        %broadcast_in_dim3A_1547 = arith.constant 0 : i32
        %broadcast_in_dim3A_1548 = vector.broadcast %broadcast_in_dim3A_1547 : i32 to vector<16xi32>
        %broadcast_in_dim3A_1549 = vector.shape_cast %broadcast_in_dim3A_1548 : vector<16xi32> to vector<16x1xi32>
        %gather3A_1550 = vector.shape_cast %broadcast_in_dim3A_1549 : vector<16x1xi32> to vector<16xi32>
        %gather3A_1551 = tpu.dynamic_gather %exp3A_1532[%gather3A_1550] in [0] : vector<16xf32>, vector<16xi32> -> vector<16xf32>
        %broadcast_in_dim3A_1552 = arith.constant 1 : i32
        %broadcast_in_dim3A_1553 = vector.broadcast %broadcast_in_dim3A_1552 : i32 to vector<16xi32>
        %broadcast_in_dim3A_1554 = vector.shape_cast %broadcast_in_dim3A_1553 : vector<16xi32> to vector<16x1xi32>
        %gather3A_1555 = vector.shape_cast %broadcast_in_dim3A_1554 : vector<16x1xi32> to vector<16xi32>
        %gather3A_1556 = tpu.dynamic_gather %exp3A_1532[%gather3A_1555] in [0] : vector<16xf32>, vector<16xi32> -> vector<16xf32>
        %broadcast_in_dim3A_1557 = arith.constant 2 : i32
        %broadcast_in_dim3A_1558 = vector.broadcast %broadcast_in_dim3A_1557 : i32 to vector<16xi32>
        %broadcast_in_dim3A_1559 = vector.shape_cast %broadcast_in_dim3A_1558 : vector<16xi32> to vector<16x1xi32>
        %gather3A_1560 = vector.shape_cast %broadcast_in_dim3A_1559 : vector<16x1xi32> to vector<16xi32>
        %gather3A_1561 = tpu.dynamic_gather %exp3A_1532[%gather3A_1560] in [0] : vector<16xf32>, vector<16xi32> -> vector<16xf32>
        %broadcast_in_dim3A_1562 = arith.constant 3 : i32
        %broadcast_in_dim3A_1563 = vector.broadcast %broadcast_in_dim3A_1562 : i32 to vector<16xi32>
        %broadcast_in_dim3A_1564 = vector.shape_cast %broadcast_in_dim3A_1563 : vector<16xi32> to vector<16x1xi32>
        %gather3A_1565 = vector.shape_cast %broadcast_in_dim3A_1564 : vector<16x1xi32> to vector<16xi32>
        %gather3A_1566 = tpu.dynamic_gather %exp3A_1532[%gather3A_1565] in [0] : vector<16xf32>, vector<16xi32> -> vector<16xf32>
        %get3A_1567 = arith.index_cast %add3A_1499 : i32 to index
        %get3A_1568 = arith.constant 0 : index
        %get3A_1569 = tpu.vector_load %arg14[%get3A_1567, %get3A_1568] {strides = array<i32>} : memref<64x128xf32, #tpu.memory_space<vmem>>, vector<1x16xf32>,
        %get3A_1570 = vector.shape_cast %get3A_1569 : vector<1x16xf32> to vector<16xf32>
        %mul3A_1571 = arith.mulf %get3A_1570, %gather3A_1551 : vector<16xf32>
        %get3A_1572 = arith.index_cast %min3A_1507 : i32 to index
        %get3A_1573 = arith.constant 0 : index
        %get3A_1574 = tpu.vector_load %arg8[%get3A_1572, %get3A_1573] {strides = array<i32>} : memref<528x144xf32, #tpu.memory_space<vmem>>, vector<1x16xf32>,
        %get3A_1575 = vector.shape_cast %get3A_1574 : vector<1x16xf32> to vector<16xf32>
        %add3A_1576 = arith.addf %get3A_1575, %mul3A_1571 : vector<16xf32>
        %swap3A_1577 = arith.index_cast %min3A_1507 : i32 to index
        %swap3A_1578 = arith.constant 0 : index
        %swap3A_1579 = tpu.vector_load %arg8[%swap3A_1577, %swap3A_1578] {strides = array<i32>} : memref<528x144xf32, #tpu.memory_space<vmem>>, vector<1x16xf32>,
        %swap3A_1580 = vector.shape_cast %swap3A_1579 : vector<1x16xf32> to vector<16xf32>
        %swap3A_1581 = vector.shape_cast %add3A_1576 : vector<16xf32> to vector<1x16xf32>
        tpu.vector_store %arg8[%swap3A_1577, %swap3A_1578], %swap3A_1581 {strides = array<i32>} : memref<528x144xf32, #tpu.memory_space<vmem>>, vector<1x16xf32>,
        %get3A_1582 = arith.index_cast %add3A_1499 : i32 to index
        %get3A_1583 = arith.constant 16 : index
        %get3A_1584 = tpu.vector_load %arg14[%get3A_1582, %get3A_1583] {strides = array<i32>} : memref<64x128xf32, #tpu.memory_space<vmem>>, vector<1x16xf32>,
        %get3A_1585 = vector.shape_cast %get3A_1584 : vector<1x16xf32> to vector<16xf32>
        %mul3A_1586 = arith.mulf %get3A_1585, %gather3A_1551 : vector<16xf32>
        %get3A_1587 = arith.index_cast %min3A_1507 : i32 to index
        %get3A_1588 = arith.constant 16 : index
        %get3A_1589 = tpu.vector_load %arg8[%get3A_1587, %get3A_1588] {strides = array<i32>} : memref<528x144xf32, #tpu.memory_space<vmem>>, vector<1x16xf32>,
        %get3A_1590 = vector.shape_cast %get3A_1589 : vector<1x16xf32> to vector<16xf32>
        %add3A_1591 = arith.addf %get3A_1590, %mul3A_1586 : vector<16xf32>
        %swap3A_1592 = arith.index_cast %min3A_1507 : i32 to index
        %swap3A_1593 = arith.constant 16 : index
        %swap3A_1594 = tpu.vector_load %arg8[%swap3A_1592, %swap3A_1593] {strides = array<i32>} : memref<528x144xf32, #tpu.memory_space<vmem>>, vector<1x16xf32>,
        %swap3A_1595 = vector.shape_cast %swap3A_1594 : vector<1x16xf32> to vector<16xf32>
        %swap3A_1596 = vector.shape_cast %add3A_1591 : vector<16xf32> to vector<1x16xf32>
        tpu.vector_store %arg8[%swap3A_1592, %swap3A_1593], %swap3A_1596 {strides = array<i32>} : memref<528x144xf32, #tpu.memory_space<vmem>>, vector<1x16xf32>,
        %get3A_1597 = arith.index_cast %add3A_1499 : i32 to index
        %get3A_1598 = arith.constant 32 : index
        %get3A_1599 = tpu.vector_load %arg14[%get3A_1597, %get3A_1598] {strides = array<i32>} : memref<64x128xf32, #tpu.memory_space<vmem>>, vector<1x16xf32>,
        %get3A_1600 = vector.shape_cast %get3A_1599 : vector<1x16xf32> to vector<16xf32>
        %mul3A_1601 = arith.mulf %get3A_1600, %gather3A_1556 : vector<16xf32>
        %get3A_1602 = arith.index_cast %min3A_1507 : i32 to index
        %get3A_1603 = arith.constant 32 : index
        %get3A_1604 = tpu.vector_load %arg8[%get3A_1602, %get3A_1603] {strides = array<i32>} : memref<528x144xf32, #tpu.memory_space<vmem>>, vector<1x16xf32>,
        %get3A_1605 = vector.shape_cast %get3A_1604 : vector<1x16xf32> to vector<16xf32>
        %add3A_1606 = arith.addf %get3A_1605, %mul3A_1601 : vector<16xf32>
        %swap3A_1607 = arith.index_cast %min3A_1507 : i32 to index
        %swap3A_1608 = arith.constant 32 : index
        %swap3A_1609 = tpu.vector_load %arg8[%swap3A_1607, %swap3A_1608] {strides = array<i32>} : memref<528x144xf32, #tpu.memory_space<vmem>>, vector<1x16xf32>,
        %swap3A_1610 = vector.shape_cast %swap3A_1609 : vector<1x16xf32> to vector<16xf32>
        %swap3A_1611 = vector.shape_cast %add3A_1606 : vector<16xf32> to vector<1x16xf32>
        tpu.vector_store %arg8[%swap3A_1607, %swap3A_1608], %swap3A_1611 {strides = array<i32>} : memref<528x144xf32, #tpu.memory_space<vmem>>, vector<1x16xf32>,
        %get3A_1612 = arith.index_cast %add3A_1499 : i32 to index
        %get3A_1613 = arith.constant 48 : index
        %get3A_1614 = tpu.vector_load %arg14[%get3A_1612, %get3A_1613] {strides = array<i32>} : memref<64x128xf32, #tpu.memory_space<vmem>>, vector<1x16xf32>,
        %get3A_1615 = vector.shape_cast %get3A_1614 : vector<1x16xf32> to vector<16xf32>
        %mul3A_1616 = arith.mulf %get3A_1615, %gather3A_1556 : vector<16xf32>
        %get3A_1617 = arith.index_cast %min3A_1507 : i32 to index
        %get3A_1618 = arith.constant 48 : index
        %get3A_1619 = tpu.vector_load %arg8[%get3A_1617, %get3A_1618] {strides = array<i32>} : memref<528x144xf32, #tpu.memory_space<vmem>>, vector<1x16xf32>,
        %get3A_1620 = vector.shape_cast %get3A_1619 : vector<1x16xf32> to vector<16xf32>
        %add3A_1621 = arith.addf %get3A_1620, %mul3A_1616 : vector<16xf32>
        %swap3A_1622 = arith.index_cast %min3A_1507 : i32 to index
        %swap3A_1623 = arith.constant 48 : index
        %swap3A_1624 = tpu.vector_load %arg8[%swap3A_1622, %swap3A_1623] {strides = array<i32>} : memref<528x144xf32, #tpu.memory_space<vmem>>, vector<1x16xf32>,
        %swap3A_1625 = vector.shape_cast %swap3A_1624 : vector<1x16xf32> to vector<16xf32>
        %swap3A_1626 = vector.shape_cast %add3A_1621 : vector<16xf32> to vector<1x16xf32>
        tpu.vector_store %arg8[%swap3A_1622, %swap3A_1623], %swap3A_1626 {strides = array<i32>} : memref<528x144xf32, #tpu.memory_space<vmem>>, vector<1x16xf32>,
        %get3A_1627 = arith.index_cast %add3A_1499 : i32 to index
        %get3A_1628 = arith.constant 64 : index
        %get3A_1629 = tpu.vector_load %arg14[%get3A_1627, %get3A_1628] {strides = array<i32>} : memref<64x128xf32, #tpu.memory_space<vmem>>, vector<1x16xf32>,
        %get3A_1630 = vector.shape_cast %get3A_1629 : vector<1x16xf32> to vector<16xf32>
        %mul3A_1631 = arith.mulf %get3A_1630, %gather3A_1561 : vector<16xf32>
        %get3A_1632 = arith.index_cast %min3A_1507 : i32 to index
        %get3A_1633 = arith.constant 64 : index
        %get3A_1634 = tpu.vector_load %arg8[%get3A_1632, %get3A_1633] {strides = array<i32>} : memref<528x144xf32, #tpu.memory_space<vmem>>, vector<1x16xf32>,
        %get3A_1635 = vector.shape_cast %get3A_1634 : vector<1x16xf32> to vector<16xf32>
        %add3A_1636 = arith.addf %get3A_1635, %mul3A_1631 : vector<16xf32>
        %swap3A_1637 = arith.index_cast %min3A_1507 : i32 to index
        %swap3A_1638 = arith.constant 64 : index
        %swap3A_1639 = tpu.vector_load %arg8[%swap3A_1637, %swap3A_1638] {strides = array<i32>} : memref<528x144xf32, #tpu.memory_space<vmem>>, vector<1x16xf32>,
        %swap3A_1640 = vector.shape_cast %swap3A_1639 : vector<1x16xf32> to vector<16xf32>
        %swap3A_1641 = vector.shape_cast %add3A_1636 : vector<16xf32> to vector<1x16xf32>
        tpu.vector_store %arg8[%swap3A_1637, %swap3A_1638], %swap3A_1641 {strides = array<i32>} : memref<528x144xf32, #tpu.memory_space<vmem>>, vector<1x16xf32>,
        %get3A_1642 = arith.index_cast %add3A_1499 : i32 to index
        %get3A_1643 = arith.constant 80 : index
        %get3A_1644 = tpu.vector_load %arg14[%get3A_1642, %get3A_1643] {strides = array<i32>} : memref<64x128xf32, #tpu.memory_space<vmem>>, vector<1x16xf32>,
        %get3A_1645 = vector.shape_cast %get3A_1644 : vector<1x16xf32> to vector<16xf32>
        %mul3A_1646 = arith.mulf %get3A_1645, %gather3A_1561 : vector<16xf32>
        %get3A_1647 = arith.index_cast %min3A_1507 : i32 to index
        %get3A_1648 = arith.constant 80 : index
        %get3A_1649 = tpu.vector_load %arg8[%get3A_1647, %get3A_1648] {strides = array<i32>} : memref<528x144xf32, #tpu.memory_space<vmem>>, vector<1x16xf32>,
        %get3A_1650 = vector.shape_cast %get3A_1649 : vector<1x16xf32> to vector<16xf32>
        %add3A_1651 = arith.addf %get3A_1650, %mul3A_1646 : vector<16xf32>
        %swap3A_1652 = arith.index_cast %min3A_1507 : i32 to index
        %swap3A_1653 = arith.constant 80 : index
        %swap3A_1654 = tpu.vector_load %arg8[%swap3A_1652, %swap3A_1653] {strides = array<i32>} : memref<528x144xf32, #tpu.memory_space<vmem>>, vector<1x16xf32>,
        %swap3A_1655 = vector.shape_cast %swap3A_1654 : vector<1x16xf32> to vector<16xf32>
        %swap3A_1656 = vector.shape_cast %add3A_1651 : vector<16xf32> to vector<1x16xf32>
        tpu.vector_store %arg8[%swap3A_1652, %swap3A_1653], %swap3A_1656 {strides = array<i32>} : memref<528x144xf32, #tpu.memory_space<vmem>>, vector<1x16xf32>,
        %get3A_1657 = arith.index_cast %add3A_1499 : i32 to index
        %get3A_1658 = arith.constant 96 : index
        %get3A_1659 = tpu.vector_load %arg14[%get3A_1657, %get3A_1658] {strides = array<i32>} : memref<64x128xf32, #tpu.memory_space<vmem>>, vector<1x16xf32>,
        %get3A_1660 = vector.shape_cast %get3A_1659 : vector<1x16xf32> to vector<16xf32>
        %mul3A_1661 = arith.mulf %get3A_1660, %gather3A_1566 : vector<16xf32>
        %get3A_1662 = arith.index_cast %min3A_1507 : i32 to index
        %get3A_1663 = arith.constant 96 : index
        %get3A_1664 = tpu.vector_load %arg8[%get3A_1662, %get3A_1663] {strides = array<i32>} : memref<528x144xf32, #tpu.memory_space<vmem>>, vector<1x16xf32>,
        %get3A_1665 = vector.shape_cast %get3A_1664 : vector<1x16xf32> to vector<16xf32>
        %add3A_1666 = arith.addf %get3A_1665, %mul3A_1661 : vector<16xf32>
        %swap3A_1667 = arith.index_cast %min3A_1507 : i32 to index
        %swap3A_1668 = arith.constant 96 : index
        %swap3A_1669 = tpu.vector_load %arg8[%swap3A_1667, %swap3A_1668] {strides = array<i32>} : memref<528x144xf32, #tpu.memory_space<vmem>>, vector<1x16xf32>,
        %swap3A_1670 = vector.shape_cast %swap3A_1669 : vector<1x16xf32> to vector<16xf32>
        %swap3A_1671 = vector.shape_cast %add3A_1666 : vector<16xf32> to vector<1x16xf32>
        tpu.vector_store %arg8[%swap3A_1667, %swap3A_1668], %swap3A_1671 {strides = array<i32>} : memref<528x144xf32, #tpu.memory_space<vmem>>, vector<1x16xf32>,
        %get3A_1672 = arith.index_cast %add3A_1499 : i32 to index
        %get3A_1673 = arith.constant 112 : index
        %get3A_1674 = tpu.vector_load %arg14[%get3A_1672, %get3A_1673] {strides = array<i32>} : memref<64x128xf32, #tpu.memory_space<vmem>>, vector<1x16xf32>,
        %get3A_1675 = vector.shape_cast %get3A_1674 : vector<1x16xf32> to vector<16xf32>
        %mul3A_1676 = arith.mulf %get3A_1675, %gather3A_1566 : vector<16xf32>
        %get3A_1677 = arith.index_cast %min3A_1507 : i32 to index
        %get3A_1678 = arith.constant 112 : index
        %get3A_1679 = tpu.vector_load %arg8[%get3A_1677, %get3A_1678] {strides = array<i32>} : memref<528x144xf32, #tpu.memory_space<vmem>>, vector<1x16xf32>,
        %get3A_1680 = vector.shape_cast %get3A_1679 : vector<1x16xf32> to vector<16xf32>
        %add3A_1681 = arith.addf %get3A_1680, %mul3A_1676 : vector<16xf32>
        %swap3A_1682 = arith.index_cast %min3A_1507 : i32 to index
        %swap3A_1683 = arith.constant 112 : index
        %swap3A_1684 = tpu.vector_load %arg8[%swap3A_1682, %swap3A_1683] {strides = array<i32>} : memref<528x144xf32, #tpu.memory_space<vmem>>, vector<1x16xf32>,
        %swap3A_1685 = vector.shape_cast %swap3A_1684 : vector<1x16xf32> to vector<16xf32>
        %swap3A_1686 = vector.shape_cast %add3A_1681 : vector<16xf32> to vector<1x16xf32>
        tpu.vector_store %arg8[%swap3A_1682, %swap3A_1683], %swap3A_1686 {strides = array<i32>} : memref<528x144xf32, #tpu.memory_space<vmem>>, vector<1x16xf32>,
        %mul3A_1687 = arith.constant 16 : i32
        %mul3A_1688 = arith.muli %scan3A_151, %mul3A_1687 : i32
        %add3A_1689 = arith.constant 8 : i32
        %add3A_1690 = arith.addi %mul3A_1688, %add3A_1689 : i32
        %slice3A_1691 = vector.extract_strided_slice %get3A_156 {offsets = [8], sizes = [1], strides = [1]} : vector<16xi32> to vector<1xi32>
        %squeeze3A_1692 = vector.extract %slice3A_1691[0] : i32 from vector<1xi32>
        %slice3A_1693 = vector.extract_strided_slice %get3A_166 {offsets = [8], sizes = [1], strides = [1]} : vector<16xi32> to vector<1xi32>
        %squeeze3A_1694 = vector.extract %slice3A_1693[0] : i32 from vector<1xi32>
        %slice3A_1695 = vector.extract_strided_slice %get3A_161 {offsets = [8], sizes = [1], strides = [1]} : vector<16xi32> to vector<1xi32>
        %squeeze3A_1696 = vector.extract %slice3A_1695[0] : i32 from vector<1xi32>
        %min3A_1697 = arith.constant 524 : i32
        %min3A_1698 = arith.minsi %squeeze3A_1696, %min3A_1697 : i32
        %and3A_1699 = arith.constant 7 : i32
        %and3A_1700 = arith.andi %squeeze3A_1692, %and3A_1699 : i32
        %mul3A_1701 = arith.constant 16 : i32
        %mul3A_1702 = arith.muli %and3A_1700, %mul3A_1701 : i32
        %and3A_1703 = arith.constant 7 : i32
        %and3A_1704 = arith.andi %squeeze3A_1694, %and3A_1703 : i32
        %mul3A_1705 = arith.constant 16 : i32
        %mul3A_1706 = arith.muli %and3A_1704, %mul3A_1705 : i32
        %get3A_1707 = arith.index_cast %add3A_1690 : i32 to index
        %get3A_1708 = arith.index_cast %mul3A_1702 : i32 to index
        %get3A_1709 = tpu.vector_load %arg15[%get3A_1707, %get3A_1708] {strides = array<i32>} : memref<64x128xf32, #tpu.memory_space<vmem>>, vector<1x16xf32>,
        %get3A_1710 = vector.shape_cast %get3A_1709 : vector<1x16xf32> to vector<16xf32>
        %get3A_1711 = arith.index_cast %add3A_1690 : i32 to index
        %get3A_1712 = arith.index_cast %mul3A_1706 : i32 to index
        %get3A_1713 = tpu.vector_load %arg16[%get3A_1711, %get3A_1712] {strides = array<i32>} : memref<64x128xf32, #tpu.memory_space<vmem>>, vector<1x16xf32>,
        %get3A_1714 = vector.shape_cast %get3A_1713 : vector<1x16xf32> to vector<16xf32>
        %broadcast_in_dim3A_1715 = vector.shape_cast %min3A_10 : vector<16xi32> to vector<16x1xi32>
        %gather3A_1716 = vector.shape_cast %broadcast_in_dim3A_1715 : vector<16x1xi32> to vector<16xi32>
        %gather3A_1717 = tpu.dynamic_gather %get3A_1714[%gather3A_1716] in [0] : vector<16xf32>, vector<16xi32> -> vector<16xf32>
        %add3A_1718 = arith.addf %get3A_1710, %gather3A_1717 : vector<16xf32>
        %mul3A_1719 = arith.constant 2.000000e-01 : f32
        %mul3A_1720 = vector.broadcast %mul3A_1719 : f32 to vector<16xf32>
        %mul3A_1721 = arith.mulf %mul3A_1720, %add3A_1718 : vector<16xf32>
        %max3A_1722 = arith.maximumf %add3A_1718, %mul3A_1721 : vector<16xf32>
        %exp3A_1723 = math.exp %max3A_1722 : vector<16xf32>
        %get3A_1724 = arith.index_cast %min3A_1698 : i32 to index
        %get3A_1725 = arith.constant 128 : index
        %get3A_1726 = tpu.vector_load %arg8[%get3A_1724, %get3A_1725] {strides = array<i32>} : memref<528x144xf32, #tpu.memory_space<vmem>>, vector<1x16xf32>,
        %get3A_1727 = vector.shape_cast %get3A_1726 : vector<1x16xf32> to vector<16xf32>
        %lt3A_1728 = arith.constant 4 : i32
        %lt3A_1729 = vector.broadcast %lt3A_1728 : i32 to vector<16xi32>
        %lt3A_1730 = arith.cmpi slt, %iota3A, %lt3A_1729 : vector<16xi32>
        %select_n3A_1731 = arith.select %lt3A_1730, %exp3A_1723, %broadcast_in_dim3A_1 : vector<16xi1>, vector<16xf32>
        %add3A_1732 = arith.addf %get3A_1727, %select_n3A_1731 : vector<16xf32>
        %swap3A_1733 = arith.index_cast %min3A_1698 : i32 to index
        %swap3A_1734 = arith.constant 128 : index
        %swap3A_1735 = tpu.vector_load %arg8[%swap3A_1733, %swap3A_1734] {strides = array<i32>} : memref<528x144xf32, #tpu.memory_space<vmem>>, vector<1x16xf32>,
        %swap3A_1736 = vector.shape_cast %swap3A_1735 : vector<1x16xf32> to vector<16xf32>
        %swap3A_1737 = vector.shape_cast %add3A_1732 : vector<16xf32> to vector<1x16xf32>
        tpu.vector_store %arg8[%swap3A_1733, %swap3A_1734], %swap3A_1737 {strides = array<i32>} : memref<528x144xf32, #tpu.memory_space<vmem>>, vector<1x16xf32>,
        %broadcast_in_dim3A_1738 = arith.constant 0 : i32
        %broadcast_in_dim3A_1739 = vector.broadcast %broadcast_in_dim3A_1738 : i32 to vector<16xi32>
        %broadcast_in_dim3A_1740 = vector.shape_cast %broadcast_in_dim3A_1739 : vector<16xi32> to vector<16x1xi32>
        %gather3A_1741 = vector.shape_cast %broadcast_in_dim3A_1740 : vector<16x1xi32> to vector<16xi32>
        %gather3A_1742 = tpu.dynamic_gather %exp3A_1723[%gather3A_1741] in [0] : vector<16xf32>, vector<16xi32> -> vector<16xf32>
        %broadcast_in_dim3A_1743 = arith.constant 1 : i32
        %broadcast_in_dim3A_1744 = vector.broadcast %broadcast_in_dim3A_1743 : i32 to vector<16xi32>
        %broadcast_in_dim3A_1745 = vector.shape_cast %broadcast_in_dim3A_1744 : vector<16xi32> to vector<16x1xi32>
        %gather3A_1746 = vector.shape_cast %broadcast_in_dim3A_1745 : vector<16x1xi32> to vector<16xi32>
        %gather3A_1747 = tpu.dynamic_gather %exp3A_1723[%gather3A_1746] in [0] : vector<16xf32>, vector<16xi32> -> vector<16xf32>
        %broadcast_in_dim3A_1748 = arith.constant 2 : i32
        %broadcast_in_dim3A_1749 = vector.broadcast %broadcast_in_dim3A_1748 : i32 to vector<16xi32>
        %broadcast_in_dim3A_1750 = vector.shape_cast %broadcast_in_dim3A_1749 : vector<16xi32> to vector<16x1xi32>
        %gather3A_1751 = vector.shape_cast %broadcast_in_dim3A_1750 : vector<16x1xi32> to vector<16xi32>
        %gather3A_1752 = tpu.dynamic_gather %exp3A_1723[%gather3A_1751] in [0] : vector<16xf32>, vector<16xi32> -> vector<16xf32>
        %broadcast_in_dim3A_1753 = arith.constant 3 : i32
        %broadcast_in_dim3A_1754 = vector.broadcast %broadcast_in_dim3A_1753 : i32 to vector<16xi32>
        %broadcast_in_dim3A_1755 = vector.shape_cast %broadcast_in_dim3A_1754 : vector<16xi32> to vector<16x1xi32>
        %gather3A_1756 = vector.shape_cast %broadcast_in_dim3A_1755 : vector<16x1xi32> to vector<16xi32>
        %gather3A_1757 = tpu.dynamic_gather %exp3A_1723[%gather3A_1756] in [0] : vector<16xf32>, vector<16xi32> -> vector<16xf32>
        %get3A_1758 = arith.index_cast %add3A_1690 : i32 to index
        %get3A_1759 = arith.constant 0 : index
        %get3A_1760 = tpu.vector_load %arg14[%get3A_1758, %get3A_1759] {strides = array<i32>} : memref<64x128xf32, #tpu.memory_space<vmem>>, vector<1x16xf32>,
        %get3A_1761 = vector.shape_cast %get3A_1760 : vector<1x16xf32> to vector<16xf32>
        %mul3A_1762 = arith.mulf %get3A_1761, %gather3A_1742 : vector<16xf32>
        %get3A_1763 = arith.index_cast %min3A_1698 : i32 to index
        %get3A_1764 = arith.constant 0 : index
        %get3A_1765 = tpu.vector_load %arg8[%get3A_1763, %get3A_1764] {strides = array<i32>} : memref<528x144xf32, #tpu.memory_space<vmem>>, vector<1x16xf32>,
        %get3A_1766 = vector.shape_cast %get3A_1765 : vector<1x16xf32> to vector<16xf32>
        %add3A_1767 = arith.addf %get3A_1766, %mul3A_1762 : vector<16xf32>
        %swap3A_1768 = arith.index_cast %min3A_1698 : i32 to index
        %swap3A_1769 = arith.constant 0 : index
        %swap3A_1770 = tpu.vector_load %arg8[%swap3A_1768, %swap3A_1769] {strides = array<i32>} : memref<528x144xf32, #tpu.memory_space<vmem>>, vector<1x16xf32>,
        %swap3A_1771 = vector.shape_cast %swap3A_1770 : vector<1x16xf32> to vector<16xf32>
        %swap3A_1772 = vector.shape_cast %add3A_1767 : vector<16xf32> to vector<1x16xf32>
        tpu.vector_store %arg8[%swap3A_1768, %swap3A_1769], %swap3A_1772 {strides = array<i32>} : memref<528x144xf32, #tpu.memory_space<vmem>>, vector<1x16xf32>,
        %get3A_1773 = arith.index_cast %add3A_1690 : i32 to index
        %get3A_1774 = arith.constant 16 : index
        %get3A_1775 = tpu.vector_load %arg14[%get3A_1773, %get3A_1774] {strides = array<i32>} : memref<64x128xf32, #tpu.memory_space<vmem>>, vector<1x16xf32>,
        %get3A_1776 = vector.shape_cast %get3A_1775 : vector<1x16xf32> to vector<16xf32>
        %mul3A_1777 = arith.mulf %get3A_1776, %gather3A_1742 : vector<16xf32>
        %get3A_1778 = arith.index_cast %min3A_1698 : i32 to index
        %get3A_1779 = arith.constant 16 : index
        %get3A_1780 = tpu.vector_load %arg8[%get3A_1778, %get3A_1779] {strides = array<i32>} : memref<528x144xf32, #tpu.memory_space<vmem>>, vector<1x16xf32>,
        %get3A_1781 = vector.shape_cast %get3A_1780 : vector<1x16xf32> to vector<16xf32>
        %add3A_1782 = arith.addf %get3A_1781, %mul3A_1777 : vector<16xf32>
        %swap3A_1783 = arith.index_cast %min3A_1698 : i32 to index
        %swap3A_1784 = arith.constant 16 : index
        %swap3A_1785 = tpu.vector_load %arg8[%swap3A_1783, %swap3A_1784] {strides = array<i32>} : memref<528x144xf32, #tpu.memory_space<vmem>>, vector<1x16xf32>,
        %swap3A_1786 = vector.shape_cast %swap3A_1785 : vector<1x16xf32> to vector<16xf32>
        %swap3A_1787 = vector.shape_cast %add3A_1782 : vector<16xf32> to vector<1x16xf32>
        tpu.vector_store %arg8[%swap3A_1783, %swap3A_1784], %swap3A_1787 {strides = array<i32>} : memref<528x144xf32, #tpu.memory_space<vmem>>, vector<1x16xf32>,
        %get3A_1788 = arith.index_cast %add3A_1690 : i32 to index
        %get3A_1789 = arith.constant 32 : index
        %get3A_1790 = tpu.vector_load %arg14[%get3A_1788, %get3A_1789] {strides = array<i32>} : memref<64x128xf32, #tpu.memory_space<vmem>>, vector<1x16xf32>,
        %get3A_1791 = vector.shape_cast %get3A_1790 : vector<1x16xf32> to vector<16xf32>
        %mul3A_1792 = arith.mulf %get3A_1791, %gather3A_1747 : vector<16xf32>
        %get3A_1793 = arith.index_cast %min3A_1698 : i32 to index
        %get3A_1794 = arith.constant 32 : index
        %get3A_1795 = tpu.vector_load %arg8[%get3A_1793, %get3A_1794] {strides = array<i32>} : memref<528x144xf32, #tpu.memory_space<vmem>>, vector<1x16xf32>,
        %get3A_1796 = vector.shape_cast %get3A_1795 : vector<1x16xf32> to vector<16xf32>
        %add3A_1797 = arith.addf %get3A_1796, %mul3A_1792 : vector<16xf32>
        %swap3A_1798 = arith.index_cast %min3A_1698 : i32 to index
        %swap3A_1799 = arith.constant 32 : index
        %swap3A_1800 = tpu.vector_load %arg8[%swap3A_1798, %swap3A_1799] {strides = array<i32>} : memref<528x144xf32, #tpu.memory_space<vmem>>, vector<1x16xf32>,
        %swap3A_1801 = vector.shape_cast %swap3A_1800 : vector<1x16xf32> to vector<16xf32>
        %swap3A_1802 = vector.shape_cast %add3A_1797 : vector<16xf32> to vector<1x16xf32>
        tpu.vector_store %arg8[%swap3A_1798, %swap3A_1799], %swap3A_1802 {strides = array<i32>} : memref<528x144xf32, #tpu.memory_space<vmem>>, vector<1x16xf32>,
        %get3A_1803 = arith.index_cast %add3A_1690 : i32 to index
        %get3A_1804 = arith.constant 48 : index
        %get3A_1805 = tpu.vector_load %arg14[%get3A_1803, %get3A_1804] {strides = array<i32>} : memref<64x128xf32, #tpu.memory_space<vmem>>, vector<1x16xf32>,
        %get3A_1806 = vector.shape_cast %get3A_1805 : vector<1x16xf32> to vector<16xf32>
        %mul3A_1807 = arith.mulf %get3A_1806, %gather3A_1747 : vector<16xf32>
        %get3A_1808 = arith.index_cast %min3A_1698 : i32 to index
        %get3A_1809 = arith.constant 48 : index
        %get3A_1810 = tpu.vector_load %arg8[%get3A_1808, %get3A_1809] {strides = array<i32>} : memref<528x144xf32, #tpu.memory_space<vmem>>, vector<1x16xf32>,
        %get3A_1811 = vector.shape_cast %get3A_1810 : vector<1x16xf32> to vector<16xf32>
        %add3A_1812 = arith.addf %get3A_1811, %mul3A_1807 : vector<16xf32>
        %swap3A_1813 = arith.index_cast %min3A_1698 : i32 to index
        %swap3A_1814 = arith.constant 48 : index
        %swap3A_1815 = tpu.vector_load %arg8[%swap3A_1813, %swap3A_1814] {strides = array<i32>} : memref<528x144xf32, #tpu.memory_space<vmem>>, vector<1x16xf32>,
        %swap3A_1816 = vector.shape_cast %swap3A_1815 : vector<1x16xf32> to vector<16xf32>
        %swap3A_1817 = vector.shape_cast %add3A_1812 : vector<16xf32> to vector<1x16xf32>
        tpu.vector_store %arg8[%swap3A_1813, %swap3A_1814], %swap3A_1817 {strides = array<i32>} : memref<528x144xf32, #tpu.memory_space<vmem>>, vector<1x16xf32>,
        %get3A_1818 = arith.index_cast %add3A_1690 : i32 to index
        %get3A_1819 = arith.constant 64 : index
        %get3A_1820 = tpu.vector_load %arg14[%get3A_1818, %get3A_1819] {strides = array<i32>} : memref<64x128xf32, #tpu.memory_space<vmem>>, vector<1x16xf32>,
        %get3A_1821 = vector.shape_cast %get3A_1820 : vector<1x16xf32> to vector<16xf32>
        %mul3A_1822 = arith.mulf %get3A_1821, %gather3A_1752 : vector<16xf32>
        %get3A_1823 = arith.index_cast %min3A_1698 : i32 to index
        %get3A_1824 = arith.constant 64 : index
        %get3A_1825 = tpu.vector_load %arg8[%get3A_1823, %get3A_1824] {strides = array<i32>} : memref<528x144xf32, #tpu.memory_space<vmem>>, vector<1x16xf32>,
        %get3A_1826 = vector.shape_cast %get3A_1825 : vector<1x16xf32> to vector<16xf32>
        %add3A_1827 = arith.addf %get3A_1826, %mul3A_1822 : vector<16xf32>
        %swap3A_1828 = arith.index_cast %min3A_1698 : i32 to index
        %swap3A_1829 = arith.constant 64 : index
        %swap3A_1830 = tpu.vector_load %arg8[%swap3A_1828, %swap3A_1829] {strides = array<i32>} : memref<528x144xf32, #tpu.memory_space<vmem>>, vector<1x16xf32>,
        %swap3A_1831 = vector.shape_cast %swap3A_1830 : vector<1x16xf32> to vector<16xf32>
        %swap3A_1832 = vector.shape_cast %add3A_1827 : vector<16xf32> to vector<1x16xf32>
        tpu.vector_store %arg8[%swap3A_1828, %swap3A_1829], %swap3A_1832 {strides = array<i32>} : memref<528x144xf32, #tpu.memory_space<vmem>>, vector<1x16xf32>,
        %get3A_1833 = arith.index_cast %add3A_1690 : i32 to index
        %get3A_1834 = arith.constant 80 : index
        %get3A_1835 = tpu.vector_load %arg14[%get3A_1833, %get3A_1834] {strides = array<i32>} : memref<64x128xf32, #tpu.memory_space<vmem>>, vector<1x16xf32>,
        %get3A_1836 = vector.shape_cast %get3A_1835 : vector<1x16xf32> to vector<16xf32>
        %mul3A_1837 = arith.mulf %get3A_1836, %gather3A_1752 : vector<16xf32>
        %get3A_1838 = arith.index_cast %min3A_1698 : i32 to index
        %get3A_1839 = arith.constant 80 : index
        %get3A_1840 = tpu.vector_load %arg8[%get3A_1838, %get3A_1839] {strides = array<i32>} : memref<528x144xf32, #tpu.memory_space<vmem>>, vector<1x16xf32>,
        %get3A_1841 = vector.shape_cast %get3A_1840 : vector<1x16xf32> to vector<16xf32>
        %add3A_1842 = arith.addf %get3A_1841, %mul3A_1837 : vector<16xf32>
        %swap3A_1843 = arith.index_cast %min3A_1698 : i32 to index
        %swap3A_1844 = arith.constant 80 : index
        %swap3A_1845 = tpu.vector_load %arg8[%swap3A_1843, %swap3A_1844] {strides = array<i32>} : memref<528x144xf32, #tpu.memory_space<vmem>>, vector<1x16xf32>,
        %swap3A_1846 = vector.shape_cast %swap3A_1845 : vector<1x16xf32> to vector<16xf32>
        %swap3A_1847 = vector.shape_cast %add3A_1842 : vector<16xf32> to vector<1x16xf32>
        tpu.vector_store %arg8[%swap3A_1843, %swap3A_1844], %swap3A_1847 {strides = array<i32>} : memref<528x144xf32, #tpu.memory_space<vmem>>, vector<1x16xf32>,
        %get3A_1848 = arith.index_cast %add3A_1690 : i32 to index
        %get3A_1849 = arith.constant 96 : index
        %get3A_1850 = tpu.vector_load %arg14[%get3A_1848, %get3A_1849] {strides = array<i32>} : memref<64x128xf32, #tpu.memory_space<vmem>>, vector<1x16xf32>,
        %get3A_1851 = vector.shape_cast %get3A_1850 : vector<1x16xf32> to vector<16xf32>
        %mul3A_1852 = arith.mulf %get3A_1851, %gather3A_1757 : vector<16xf32>
        %get3A_1853 = arith.index_cast %min3A_1698 : i32 to index
        %get3A_1854 = arith.constant 96 : index
        %get3A_1855 = tpu.vector_load %arg8[%get3A_1853, %get3A_1854] {strides = array<i32>} : memref<528x144xf32, #tpu.memory_space<vmem>>, vector<1x16xf32>,
        %get3A_1856 = vector.shape_cast %get3A_1855 : vector<1x16xf32> to vector<16xf32>
        %add3A_1857 = arith.addf %get3A_1856, %mul3A_1852 : vector<16xf32>
        %swap3A_1858 = arith.index_cast %min3A_1698 : i32 to index
        %swap3A_1859 = arith.constant 96 : index
        %swap3A_1860 = tpu.vector_load %arg8[%swap3A_1858, %swap3A_1859] {strides = array<i32>} : memref<528x144xf32, #tpu.memory_space<vmem>>, vector<1x16xf32>,
        %swap3A_1861 = vector.shape_cast %swap3A_1860 : vector<1x16xf32> to vector<16xf32>
        %swap3A_1862 = vector.shape_cast %add3A_1857 : vector<16xf32> to vector<1x16xf32>
        tpu.vector_store %arg8[%swap3A_1858, %swap3A_1859], %swap3A_1862 {strides = array<i32>} : memref<528x144xf32, #tpu.memory_space<vmem>>, vector<1x16xf32>,
        %get3A_1863 = arith.index_cast %add3A_1690 : i32 to index
        %get3A_1864 = arith.constant 112 : index
        %get3A_1865 = tpu.vector_load %arg14[%get3A_1863, %get3A_1864] {strides = array<i32>} : memref<64x128xf32, #tpu.memory_space<vmem>>, vector<1x16xf32>,
        %get3A_1866 = vector.shape_cast %get3A_1865 : vector<1x16xf32> to vector<16xf32>
        %mul3A_1867 = arith.mulf %get3A_1866, %gather3A_1757 : vector<16xf32>
        %get3A_1868 = arith.index_cast %min3A_1698 : i32 to index
        %get3A_1869 = arith.constant 112 : index
        %get3A_1870 = tpu.vector_load %arg8[%get3A_1868, %get3A_1869] {strides = array<i32>} : memref<528x144xf32, #tpu.memory_space<vmem>>, vector<1x16xf32>,
        %get3A_1871 = vector.shape_cast %get3A_1870 : vector<1x16xf32> to vector<16xf32>
        %add3A_1872 = arith.addf %get3A_1871, %mul3A_1867 : vector<16xf32>
        %swap3A_1873 = arith.index_cast %min3A_1698 : i32 to index
        %swap3A_1874 = arith.constant 112 : index
        %swap3A_1875 = tpu.vector_load %arg8[%swap3A_1873, %swap3A_1874] {strides = array<i32>} : memref<528x144xf32, #tpu.memory_space<vmem>>, vector<1x16xf32>,
        %swap3A_1876 = vector.shape_cast %swap3A_1875 : vector<1x16xf32> to vector<16xf32>
        %swap3A_1877 = vector.shape_cast %add3A_1872 : vector<16xf32> to vector<1x16xf32>
        tpu.vector_store %arg8[%swap3A_1873, %swap3A_1874], %swap3A_1877 {strides = array<i32>} : memref<528x144xf32, #tpu.memory_space<vmem>>, vector<1x16xf32>,
        %mul3A_1878 = arith.constant 16 : i32
        %mul3A_1879 = arith.muli %scan3A_151, %mul3A_1878 : i32
        %add3A_1880 = arith.constant 9 : i32
        %add3A_1881 = arith.addi %mul3A_1879, %add3A_1880 : i32
        %slice3A_1882 = vector.extract_strided_slice %get3A_156 {offsets = [9], sizes = [1], strides = [1]} : vector<16xi32> to vector<1xi32>
        %squeeze3A_1883 = vector.extract %slice3A_1882[0] : i32 from vector<1xi32>
        %slice3A_1884 = vector.extract_strided_slice %get3A_166 {offsets = [9], sizes = [1], strides = [1]} : vector<16xi32> to vector<1xi32>
        %squeeze3A_1885 = vector.extract %slice3A_1884[0] : i32 from vector<1xi32>
        %slice3A_1886 = vector.extract_strided_slice %get3A_161 {offsets = [9], sizes = [1], strides = [1]} : vector<16xi32> to vector<1xi32>
        %squeeze3A_1887 = vector.extract %slice3A_1886[0] : i32 from vector<1xi32>
        %min3A_1888 = arith.constant 524 : i32
        %min3A_1889 = arith.minsi %squeeze3A_1887, %min3A_1888 : i32
        %and3A_1890 = arith.constant 7 : i32
        %and3A_1891 = arith.andi %squeeze3A_1883, %and3A_1890 : i32
        %mul3A_1892 = arith.constant 16 : i32
        %mul3A_1893 = arith.muli %and3A_1891, %mul3A_1892 : i32
        %and3A_1894 = arith.constant 7 : i32
        %and3A_1895 = arith.andi %squeeze3A_1885, %and3A_1894 : i32
        %mul3A_1896 = arith.constant 16 : i32
        %mul3A_1897 = arith.muli %and3A_1895, %mul3A_1896 : i32
        %get3A_1898 = arith.index_cast %add3A_1881 : i32 to index
        %get3A_1899 = arith.index_cast %mul3A_1893 : i32 to index
        %get3A_1900 = tpu.vector_load %arg15[%get3A_1898, %get3A_1899] {strides = array<i32>} : memref<64x128xf32, #tpu.memory_space<vmem>>, vector<1x16xf32>,
        %get3A_1901 = vector.shape_cast %get3A_1900 : vector<1x16xf32> to vector<16xf32>
        %get3A_1902 = arith.index_cast %add3A_1881 : i32 to index
        %get3A_1903 = arith.index_cast %mul3A_1897 : i32 to index
        %get3A_1904 = tpu.vector_load %arg16[%get3A_1902, %get3A_1903] {strides = array<i32>} : memref<64x128xf32, #tpu.memory_space<vmem>>, vector<1x16xf32>,
        %get3A_1905 = vector.shape_cast %get3A_1904 : vector<1x16xf32> to vector<16xf32>
        %broadcast_in_dim3A_1906 = vector.shape_cast %min3A_10 : vector<16xi32> to vector<16x1xi32>
        %gather3A_1907 = vector.shape_cast %broadcast_in_dim3A_1906 : vector<16x1xi32> to vector<16xi32>
        %gather3A_1908 = tpu.dynamic_gather %get3A_1905[%gather3A_1907] in [0] : vector<16xf32>, vector<16xi32> -> vector<16xf32>
        %add3A_1909 = arith.addf %get3A_1901, %gather3A_1908 : vector<16xf32>
        %mul3A_1910 = arith.constant 2.000000e-01 : f32
        %mul3A_1911 = vector.broadcast %mul3A_1910 : f32 to vector<16xf32>
        %mul3A_1912 = arith.mulf %mul3A_1911, %add3A_1909 : vector<16xf32>
        %max3A_1913 = arith.maximumf %add3A_1909, %mul3A_1912 : vector<16xf32>
        %exp3A_1914 = math.exp %max3A_1913 : vector<16xf32>
        %get3A_1915 = arith.index_cast %min3A_1889 : i32 to index
        %get3A_1916 = arith.constant 128 : index
        %get3A_1917 = tpu.vector_load %arg8[%get3A_1915, %get3A_1916] {strides = array<i32>} : memref<528x144xf32, #tpu.memory_space<vmem>>, vector<1x16xf32>,
        %get3A_1918 = vector.shape_cast %get3A_1917 : vector<1x16xf32> to vector<16xf32>
        %lt3A_1919 = arith.constant 4 : i32
        %lt3A_1920 = vector.broadcast %lt3A_1919 : i32 to vector<16xi32>
        %lt3A_1921 = arith.cmpi slt, %iota3A, %lt3A_1920 : vector<16xi32>
        %select_n3A_1922 = arith.select %lt3A_1921, %exp3A_1914, %broadcast_in_dim3A_1 : vector<16xi1>, vector<16xf32>
        %add3A_1923 = arith.addf %get3A_1918, %select_n3A_1922 : vector<16xf32>
        %swap3A_1924 = arith.index_cast %min3A_1889 : i32 to index
        %swap3A_1925 = arith.constant 128 : index
        %swap3A_1926 = tpu.vector_load %arg8[%swap3A_1924, %swap3A_1925] {strides = array<i32>} : memref<528x144xf32, #tpu.memory_space<vmem>>, vector<1x16xf32>,
        %swap3A_1927 = vector.shape_cast %swap3A_1926 : vector<1x16xf32> to vector<16xf32>
        %swap3A_1928 = vector.shape_cast %add3A_1923 : vector<16xf32> to vector<1x16xf32>
        tpu.vector_store %arg8[%swap3A_1924, %swap3A_1925], %swap3A_1928 {strides = array<i32>} : memref<528x144xf32, #tpu.memory_space<vmem>>, vector<1x16xf32>,
        %broadcast_in_dim3A_1929 = arith.constant 0 : i32
        %broadcast_in_dim3A_1930 = vector.broadcast %broadcast_in_dim3A_1929 : i32 to vector<16xi32>
        %broadcast_in_dim3A_1931 = vector.shape_cast %broadcast_in_dim3A_1930 : vector<16xi32> to vector<16x1xi32>
        %gather3A_1932 = vector.shape_cast %broadcast_in_dim3A_1931 : vector<16x1xi32> to vector<16xi32>
        %gather3A_1933 = tpu.dynamic_gather %exp3A_1914[%gather3A_1932] in [0] : vector<16xf32>, vector<16xi32> -> vector<16xf32>
        %broadcast_in_dim3A_1934 = arith.constant 1 : i32
        %broadcast_in_dim3A_1935 = vector.broadcast %broadcast_in_dim3A_1934 : i32 to vector<16xi32>
        %broadcast_in_dim3A_1936 = vector.shape_cast %broadcast_in_dim3A_1935 : vector<16xi32> to vector<16x1xi32>
        %gather3A_1937 = vector.shape_cast %broadcast_in_dim3A_1936 : vector<16x1xi32> to vector<16xi32>
        %gather3A_1938 = tpu.dynamic_gather %exp3A_1914[%gather3A_1937] in [0] : vector<16xf32>, vector<16xi32> -> vector<16xf32>
        %broadcast_in_dim3A_1939 = arith.constant 2 : i32
        %broadcast_in_dim3A_1940 = vector.broadcast %broadcast_in_dim3A_1939 : i32 to vector<16xi32>
        %broadcast_in_dim3A_1941 = vector.shape_cast %broadcast_in_dim3A_1940 : vector<16xi32> to vector<16x1xi32>
        %gather3A_1942 = vector.shape_cast %broadcast_in_dim3A_1941 : vector<16x1xi32> to vector<16xi32>
        %gather3A_1943 = tpu.dynamic_gather %exp3A_1914[%gather3A_1942] in [0] : vector<16xf32>, vector<16xi32> -> vector<16xf32>
        %broadcast_in_dim3A_1944 = arith.constant 3 : i32
        %broadcast_in_dim3A_1945 = vector.broadcast %broadcast_in_dim3A_1944 : i32 to vector<16xi32>
        %broadcast_in_dim3A_1946 = vector.shape_cast %broadcast_in_dim3A_1945 : vector<16xi32> to vector<16x1xi32>
        %gather3A_1947 = vector.shape_cast %broadcast_in_dim3A_1946 : vector<16x1xi32> to vector<16xi32>
        %gather3A_1948 = tpu.dynamic_gather %exp3A_1914[%gather3A_1947] in [0] : vector<16xf32>, vector<16xi32> -> vector<16xf32>
        %get3A_1949 = arith.index_cast %add3A_1881 : i32 to index
        %get3A_1950 = arith.constant 0 : index
        %get3A_1951 = tpu.vector_load %arg14[%get3A_1949, %get3A_1950] {strides = array<i32>} : memref<64x128xf32, #tpu.memory_space<vmem>>, vector<1x16xf32>,
        %get3A_1952 = vector.shape_cast %get3A_1951 : vector<1x16xf32> to vector<16xf32>
        %mul3A_1953 = arith.mulf %get3A_1952, %gather3A_1933 : vector<16xf32>
        %get3A_1954 = arith.index_cast %min3A_1889 : i32 to index
        %get3A_1955 = arith.constant 0 : index
        %get3A_1956 = tpu.vector_load %arg8[%get3A_1954, %get3A_1955] {strides = array<i32>} : memref<528x144xf32, #tpu.memory_space<vmem>>, vector<1x16xf32>,
        %get3A_1957 = vector.shape_cast %get3A_1956 : vector<1x16xf32> to vector<16xf32>
        %add3A_1958 = arith.addf %get3A_1957, %mul3A_1953 : vector<16xf32>
        %swap3A_1959 = arith.index_cast %min3A_1889 : i32 to index
        %swap3A_1960 = arith.constant 0 : index
        %swap3A_1961 = tpu.vector_load %arg8[%swap3A_1959, %swap3A_1960] {strides = array<i32>} : memref<528x144xf32, #tpu.memory_space<vmem>>, vector<1x16xf32>,
        %swap3A_1962 = vector.shape_cast %swap3A_1961 : vector<1x16xf32> to vector<16xf32>
        %swap3A_1963 = vector.shape_cast %add3A_1958 : vector<16xf32> to vector<1x16xf32>
        tpu.vector_store %arg8[%swap3A_1959, %swap3A_1960], %swap3A_1963 {strides = array<i32>} : memref<528x144xf32, #tpu.memory_space<vmem>>, vector<1x16xf32>,
        %get3A_1964 = arith.index_cast %add3A_1881 : i32 to index
        %get3A_1965 = arith.constant 16 : index
        %get3A_1966 = tpu.vector_load %arg14[%get3A_1964, %get3A_1965] {strides = array<i32>} : memref<64x128xf32, #tpu.memory_space<vmem>>, vector<1x16xf32>,
        %get3A_1967 = vector.shape_cast %get3A_1966 : vector<1x16xf32> to vector<16xf32>
        %mul3A_1968 = arith.mulf %get3A_1967, %gather3A_1933 : vector<16xf32>
        %get3A_1969 = arith.index_cast %min3A_1889 : i32 to index
        %get3A_1970 = arith.constant 16 : index
        %get3A_1971 = tpu.vector_load %arg8[%get3A_1969, %get3A_1970] {strides = array<i32>} : memref<528x144xf32, #tpu.memory_space<vmem>>, vector<1x16xf32>,
        %get3A_1972 = vector.shape_cast %get3A_1971 : vector<1x16xf32> to vector<16xf32>
        %add3A_1973 = arith.addf %get3A_1972, %mul3A_1968 : vector<16xf32>
        %swap3A_1974 = arith.index_cast %min3A_1889 : i32 to index
        %swap3A_1975 = arith.constant 16 : index
        %swap3A_1976 = tpu.vector_load %arg8[%swap3A_1974, %swap3A_1975] {strides = array<i32>} : memref<528x144xf32, #tpu.memory_space<vmem>>, vector<1x16xf32>,
        %swap3A_1977 = vector.shape_cast %swap3A_1976 : vector<1x16xf32> to vector<16xf32>
        %swap3A_1978 = vector.shape_cast %add3A_1973 : vector<16xf32> to vector<1x16xf32>
        tpu.vector_store %arg8[%swap3A_1974, %swap3A_1975], %swap3A_1978 {strides = array<i32>} : memref<528x144xf32, #tpu.memory_space<vmem>>, vector<1x16xf32>,
        %get3A_1979 = arith.index_cast %add3A_1881 : i32 to index
        %get3A_1980 = arith.constant 32 : index
        %get3A_1981 = tpu.vector_load %arg14[%get3A_1979, %get3A_1980] {strides = array<i32>} : memref<64x128xf32, #tpu.memory_space<vmem>>, vector<1x16xf32>,
        %get3A_1982 = vector.shape_cast %get3A_1981 : vector<1x16xf32> to vector<16xf32>
        %mul3A_1983 = arith.mulf %get3A_1982, %gather3A_1938 : vector<16xf32>
        %get3A_1984 = arith.index_cast %min3A_1889 : i32 to index
        %get3A_1985 = arith.constant 32 : index
        %get3A_1986 = tpu.vector_load %arg8[%get3A_1984, %get3A_1985] {strides = array<i32>} : memref<528x144xf32, #tpu.memory_space<vmem>>, vector<1x16xf32>,
        %get3A_1987 = vector.shape_cast %get3A_1986 : vector<1x16xf32> to vector<16xf32>
        %add3A_1988 = arith.addf %get3A_1987, %mul3A_1983 : vector<16xf32>
        %swap3A_1989 = arith.index_cast %min3A_1889 : i32 to index
        %swap3A_1990 = arith.constant 32 : index
        %swap3A_1991 = tpu.vector_load %arg8[%swap3A_1989, %swap3A_1990] {strides = array<i32>} : memref<528x144xf32, #tpu.memory_space<vmem>>, vector<1x16xf32>,
        %swap3A_1992 = vector.shape_cast %swap3A_1991 : vector<1x16xf32> to vector<16xf32>
        %swap3A_1993 = vector.shape_cast %add3A_1988 : vector<16xf32> to vector<1x16xf32>
        tpu.vector_store %arg8[%swap3A_1989, %swap3A_1990], %swap3A_1993 {strides = array<i32>} : memref<528x144xf32, #tpu.memory_space<vmem>>, vector<1x16xf32>,
        %get3A_1994 = arith.index_cast %add3A_1881 : i32 to index
        %get3A_1995 = arith.constant 48 : index
        %get3A_1996 = tpu.vector_load %arg14[%get3A_1994, %get3A_1995] {strides = array<i32>} : memref<64x128xf32, #tpu.memory_space<vmem>>, vector<1x16xf32>,
        %get3A_1997 = vector.shape_cast %get3A_1996 : vector<1x16xf32> to vector<16xf32>
        %mul3A_1998 = arith.mulf %get3A_1997, %gather3A_1938 : vector<16xf32>
        %get3A_1999 = arith.index_cast %min3A_1889 : i32 to index
        %get3A_2000 = arith.constant 48 : index
        %get3A_2001 = tpu.vector_load %arg8[%get3A_1999, %get3A_2000] {strides = array<i32>} : memref<528x144xf32, #tpu.memory_space<vmem>>, vector<1x16xf32>,
        %get3A_2002 = vector.shape_cast %get3A_2001 : vector<1x16xf32> to vector<16xf32>
        %add3A_2003 = arith.addf %get3A_2002, %mul3A_1998 : vector<16xf32>
        %swap3A_2004 = arith.index_cast %min3A_1889 : i32 to index
        %swap3A_2005 = arith.constant 48 : index
        %swap3A_2006 = tpu.vector_load %arg8[%swap3A_2004, %swap3A_2005] {strides = array<i32>} : memref<528x144xf32, #tpu.memory_space<vmem>>, vector<1x16xf32>,
        %swap3A_2007 = vector.shape_cast %swap3A_2006 : vector<1x16xf32> to vector<16xf32>
        %swap3A_2008 = vector.shape_cast %add3A_2003 : vector<16xf32> to vector<1x16xf32>
        tpu.vector_store %arg8[%swap3A_2004, %swap3A_2005], %swap3A_2008 {strides = array<i32>} : memref<528x144xf32, #tpu.memory_space<vmem>>, vector<1x16xf32>,
        %get3A_2009 = arith.index_cast %add3A_1881 : i32 to index
        %get3A_2010 = arith.constant 64 : index
        %get3A_2011 = tpu.vector_load %arg14[%get3A_2009, %get3A_2010] {strides = array<i32>} : memref<64x128xf32, #tpu.memory_space<vmem>>, vector<1x16xf32>,
        %get3A_2012 = vector.shape_cast %get3A_2011 : vector<1x16xf32> to vector<16xf32>
        %mul3A_2013 = arith.mulf %get3A_2012, %gather3A_1943 : vector<16xf32>
        %get3A_2014 = arith.index_cast %min3A_1889 : i32 to index
        %get3A_2015 = arith.constant 64 : index
        %get3A_2016 = tpu.vector_load %arg8[%get3A_2014, %get3A_2015] {strides = array<i32>} : memref<528x144xf32, #tpu.memory_space<vmem>>, vector<1x16xf32>,
        %get3A_2017 = vector.shape_cast %get3A_2016 : vector<1x16xf32> to vector<16xf32>
        %add3A_2018 = arith.addf %get3A_2017, %mul3A_2013 : vector<16xf32>
        %swap3A_2019 = arith.index_cast %min3A_1889 : i32 to index
        %swap3A_2020 = arith.constant 64 : index
        %swap3A_2021 = tpu.vector_load %arg8[%swap3A_2019, %swap3A_2020] {strides = array<i32>} : memref<528x144xf32, #tpu.memory_space<vmem>>, vector<1x16xf32>,
        %swap3A_2022 = vector.shape_cast %swap3A_2021 : vector<1x16xf32> to vector<16xf32>
        %swap3A_2023 = vector.shape_cast %add3A_2018 : vector<16xf32> to vector<1x16xf32>
        tpu.vector_store %arg8[%swap3A_2019, %swap3A_2020], %swap3A_2023 {strides = array<i32>} : memref<528x144xf32, #tpu.memory_space<vmem>>, vector<1x16xf32>,
        %get3A_2024 = arith.index_cast %add3A_1881 : i32 to index
        %get3A_2025 = arith.constant 80 : index
        %get3A_2026 = tpu.vector_load %arg14[%get3A_2024, %get3A_2025] {strides = array<i32>} : memref<64x128xf32, #tpu.memory_space<vmem>>, vector<1x16xf32>,
        %get3A_2027 = vector.shape_cast %get3A_2026 : vector<1x16xf32> to vector<16xf32>
        %mul3A_2028 = arith.mulf %get3A_2027, %gather3A_1943 : vector<16xf32>
        %get3A_2029 = arith.index_cast %min3A_1889 : i32 to index
        %get3A_2030 = arith.constant 80 : index
        %get3A_2031 = tpu.vector_load %arg8[%get3A_2029, %get3A_2030] {strides = array<i32>} : memref<528x144xf32, #tpu.memory_space<vmem>>, vector<1x16xf32>,
        %get3A_2032 = vector.shape_cast %get3A_2031 : vector<1x16xf32> to vector<16xf32>
        %add3A_2033 = arith.addf %get3A_2032, %mul3A_2028 : vector<16xf32>
        %swap3A_2034 = arith.index_cast %min3A_1889 : i32 to index
        %swap3A_2035 = arith.constant 80 : index
        %swap3A_2036 = tpu.vector_load %arg8[%swap3A_2034, %swap3A_2035] {strides = array<i32>} : memref<528x144xf32, #tpu.memory_space<vmem>>, vector<1x16xf32>,
        %swap3A_2037 = vector.shape_cast %swap3A_2036 : vector<1x16xf32> to vector<16xf32>
        %swap3A_2038 = vector.shape_cast %add3A_2033 : vector<16xf32> to vector<1x16xf32>
        tpu.vector_store %arg8[%swap3A_2034, %swap3A_2035], %swap3A_2038 {strides = array<i32>} : memref<528x144xf32, #tpu.memory_space<vmem>>, vector<1x16xf32>,
        %get3A_2039 = arith.index_cast %add3A_1881 : i32 to index
        %get3A_2040 = arith.constant 96 : index
        %get3A_2041 = tpu.vector_load %arg14[%get3A_2039, %get3A_2040] {strides = array<i32>} : memref<64x128xf32, #tpu.memory_space<vmem>>, vector<1x16xf32>,
        %get3A_2042 = vector.shape_cast %get3A_2041 : vector<1x16xf32> to vector<16xf32>
        %mul3A_2043 = arith.mulf %get3A_2042, %gather3A_1948 : vector<16xf32>
        %get3A_2044 = arith.index_cast %min3A_1889 : i32 to index
        %get3A_2045 = arith.constant 96 : index
        %get3A_2046 = tpu.vector_load %arg8[%get3A_2044, %get3A_2045] {strides = array<i32>} : memref<528x144xf32, #tpu.memory_space<vmem>>, vector<1x16xf32>,
        %get3A_2047 = vector.shape_cast %get3A_2046 : vector<1x16xf32> to vector<16xf32>
        %add3A_2048 = arith.addf %get3A_2047, %mul3A_2043 : vector<16xf32>
        %swap3A_2049 = arith.index_cast %min3A_1889 : i32 to index
        %swap3A_2050 = arith.constant 96 : index
        %swap3A_2051 = tpu.vector_load %arg8[%swap3A_2049, %swap3A_2050] {strides = array<i32>} : memref<528x144xf32, #tpu.memory_space<vmem>>, vector<1x16xf32>,
        %swap3A_2052 = vector.shape_cast %swap3A_2051 : vector<1x16xf32> to vector<16xf32>
        %swap3A_2053 = vector.shape_cast %add3A_2048 : vector<16xf32> to vector<1x16xf32>
        tpu.vector_store %arg8[%swap3A_2049, %swap3A_2050], %swap3A_2053 {strides = array<i32>} : memref<528x144xf32, #tpu.memory_space<vmem>>, vector<1x16xf32>,
        %get3A_2054 = arith.index_cast %add3A_1881 : i32 to index
        %get3A_2055 = arith.constant 112 : index
        %get3A_2056 = tpu.vector_load %arg14[%get3A_2054, %get3A_2055] {strides = array<i32>} : memref<64x128xf32, #tpu.memory_space<vmem>>, vector<1x16xf32>,
        %get3A_2057 = vector.shape_cast %get3A_2056 : vector<1x16xf32> to vector<16xf32>
        %mul3A_2058 = arith.mulf %get3A_2057, %gather3A_1948 : vector<16xf32>
        %get3A_2059 = arith.index_cast %min3A_1889 : i32 to index
        %get3A_2060 = arith.constant 112 : index
        %get3A_2061 = tpu.vector_load %arg8[%get3A_2059, %get3A_2060] {strides = array<i32>} : memref<528x144xf32, #tpu.memory_space<vmem>>, vector<1x16xf32>,
        %get3A_2062 = vector.shape_cast %get3A_2061 : vector<1x16xf32> to vector<16xf32>
        %add3A_2063 = arith.addf %get3A_2062, %mul3A_2058 : vector<16xf32>
        %swap3A_2064 = arith.index_cast %min3A_1889 : i32 to index
        %swap3A_2065 = arith.constant 112 : index
        %swap3A_2066 = tpu.vector_load %arg8[%swap3A_2064, %swap3A_2065] {strides = array<i32>} : memref<528x144xf32, #tpu.memory_space<vmem>>, vector<1x16xf32>,
        %swap3A_2067 = vector.shape_cast %swap3A_2066 : vector<1x16xf32> to vector<16xf32>
        %swap3A_2068 = vector.shape_cast %add3A_2063 : vector<16xf32> to vector<1x16xf32>
        tpu.vector_store %arg8[%swap3A_2064, %swap3A_2065], %swap3A_2068 {strides = array<i32>} : memref<528x144xf32, #tpu.memory_space<vmem>>, vector<1x16xf32>,
        %mul3A_2069 = arith.constant 16 : i32
        %mul3A_2070 = arith.muli %scan3A_151, %mul3A_2069 : i32
        %add3A_2071 = arith.constant 10 : i32
        %add3A_2072 = arith.addi %mul3A_2070, %add3A_2071 : i32
        %slice3A_2073 = vector.extract_strided_slice %get3A_156 {offsets = [10], sizes = [1], strides = [1]} : vector<16xi32> to vector<1xi32>
        %squeeze3A_2074 = vector.extract %slice3A_2073[0] : i32 from vector<1xi32>
        %slice3A_2075 = vector.extract_strided_slice %get3A_166 {offsets = [10], sizes = [1], strides = [1]} : vector<16xi32> to vector<1xi32>
        %squeeze3A_2076 = vector.extract %slice3A_2075[0] : i32 from vector<1xi32>
        %slice3A_2077 = vector.extract_strided_slice %get3A_161 {offsets = [10], sizes = [1], strides = [1]} : vector<16xi32> to vector<1xi32>
        %squeeze3A_2078 = vector.extract %slice3A_2077[0] : i32 from vector<1xi32>
        %min3A_2079 = arith.constant 524 : i32
        %min3A_2080 = arith.minsi %squeeze3A_2078, %min3A_2079 : i32
        %and3A_2081 = arith.constant 7 : i32
        %and3A_2082 = arith.andi %squeeze3A_2074, %and3A_2081 : i32
        %mul3A_2083 = arith.constant 16 : i32
        %mul3A_2084 = arith.muli %and3A_2082, %mul3A_2083 : i32
        %and3A_2085 = arith.constant 7 : i32
        %and3A_2086 = arith.andi %squeeze3A_2076, %and3A_2085 : i32
        %mul3A_2087 = arith.constant 16 : i32
        %mul3A_2088 = arith.muli %and3A_2086, %mul3A_2087 : i32
        %get3A_2089 = arith.index_cast %add3A_2072 : i32 to index
        %get3A_2090 = arith.index_cast %mul3A_2084 : i32 to index
        %get3A_2091 = tpu.vector_load %arg15[%get3A_2089, %get3A_2090] {strides = array<i32>} : memref<64x128xf32, #tpu.memory_space<vmem>>, vector<1x16xf32>,
        %get3A_2092 = vector.shape_cast %get3A_2091 : vector<1x16xf32> to vector<16xf32>
        %get3A_2093 = arith.index_cast %add3A_2072 : i32 to index
        %get3A_2094 = arith.index_cast %mul3A_2088 : i32 to index
        %get3A_2095 = tpu.vector_load %arg16[%get3A_2093, %get3A_2094] {strides = array<i32>} : memref<64x128xf32, #tpu.memory_space<vmem>>, vector<1x16xf32>,
        %get3A_2096 = vector.shape_cast %get3A_2095 : vector<1x16xf32> to vector<16xf32>
        %broadcast_in_dim3A_2097 = vector.shape_cast %min3A_10 : vector<16xi32> to vector<16x1xi32>
        %gather3A_2098 = vector.shape_cast %broadcast_in_dim3A_2097 : vector<16x1xi32> to vector<16xi32>
        %gather3A_2099 = tpu.dynamic_gather %get3A_2096[%gather3A_2098] in [0] : vector<16xf32>, vector<16xi32> -> vector<16xf32>
        %add3A_2100 = arith.addf %get3A_2092, %gather3A_2099 : vector<16xf32>
        %mul3A_2101 = arith.constant 2.000000e-01 : f32
        %mul3A_2102 = vector.broadcast %mul3A_2101 : f32 to vector<16xf32>
        %mul3A_2103 = arith.mulf %mul3A_2102, %add3A_2100 : vector<16xf32>
        %max3A_2104 = arith.maximumf %add3A_2100, %mul3A_2103 : vector<16xf32>
        %exp3A_2105 = math.exp %max3A_2104 : vector<16xf32>
        %get3A_2106 = arith.index_cast %min3A_2080 : i32 to index
        %get3A_2107 = arith.constant 128 : index
        %get3A_2108 = tpu.vector_load %arg8[%get3A_2106, %get3A_2107] {strides = array<i32>} : memref<528x144xf32, #tpu.memory_space<vmem>>, vector<1x16xf32>,
        %get3A_2109 = vector.shape_cast %get3A_2108 : vector<1x16xf32> to vector<16xf32>
        %lt3A_2110 = arith.constant 4 : i32
        %lt3A_2111 = vector.broadcast %lt3A_2110 : i32 to vector<16xi32>
        %lt3A_2112 = arith.cmpi slt, %iota3A, %lt3A_2111 : vector<16xi32>
        %select_n3A_2113 = arith.select %lt3A_2112, %exp3A_2105, %broadcast_in_dim3A_1 : vector<16xi1>, vector<16xf32>
        %add3A_2114 = arith.addf %get3A_2109, %select_n3A_2113 : vector<16xf32>
        %swap3A_2115 = arith.index_cast %min3A_2080 : i32 to index
        %swap3A_2116 = arith.constant 128 : index
        %swap3A_2117 = tpu.vector_load %arg8[%swap3A_2115, %swap3A_2116] {strides = array<i32>} : memref<528x144xf32, #tpu.memory_space<vmem>>, vector<1x16xf32>,
        %swap3A_2118 = vector.shape_cast %swap3A_2117 : vector<1x16xf32> to vector<16xf32>
        %swap3A_2119 = vector.shape_cast %add3A_2114 : vector<16xf32> to vector<1x16xf32>
        tpu.vector_store %arg8[%swap3A_2115, %swap3A_2116], %swap3A_2119 {strides = array<i32>} : memref<528x144xf32, #tpu.memory_space<vmem>>, vector<1x16xf32>,
        %broadcast_in_dim3A_2120 = arith.constant 0 : i32
        %broadcast_in_dim3A_2121 = vector.broadcast %broadcast_in_dim3A_2120 : i32 to vector<16xi32>
        %broadcast_in_dim3A_2122 = vector.shape_cast %broadcast_in_dim3A_2121 : vector<16xi32> to vector<16x1xi32>
        %gather3A_2123 = vector.shape_cast %broadcast_in_dim3A_2122 : vector<16x1xi32> to vector<16xi32>
        %gather3A_2124 = tpu.dynamic_gather %exp3A_2105[%gather3A_2123] in [0] : vector<16xf32>, vector<16xi32> -> vector<16xf32>
        %broadcast_in_dim3A_2125 = arith.constant 1 : i32
        %broadcast_in_dim3A_2126 = vector.broadcast %broadcast_in_dim3A_2125 : i32 to vector<16xi32>
        %broadcast_in_dim3A_2127 = vector.shape_cast %broadcast_in_dim3A_2126 : vector<16xi32> to vector<16x1xi32>
        %gather3A_2128 = vector.shape_cast %broadcast_in_dim3A_2127 : vector<16x1xi32> to vector<16xi32>
        %gather3A_2129 = tpu.dynamic_gather %exp3A_2105[%gather3A_2128] in [0] : vector<16xf32>, vector<16xi32> -> vector<16xf32>
        %broadcast_in_dim3A_2130 = arith.constant 2 : i32
        %broadcast_in_dim3A_2131 = vector.broadcast %broadcast_in_dim3A_2130 : i32 to vector<16xi32>
        %broadcast_in_dim3A_2132 = vector.shape_cast %broadcast_in_dim3A_2131 : vector<16xi32> to vector<16x1xi32>
        %gather3A_2133 = vector.shape_cast %broadcast_in_dim3A_2132 : vector<16x1xi32> to vector<16xi32>
        %gather3A_2134 = tpu.dynamic_gather %exp3A_2105[%gather3A_2133] in [0] : vector<16xf32>, vector<16xi32> -> vector<16xf32>
        %broadcast_in_dim3A_2135 = arith.constant 3 : i32
        %broadcast_in_dim3A_2136 = vector.broadcast %broadcast_in_dim3A_2135 : i32 to vector<16xi32>
        %broadcast_in_dim3A_2137 = vector.shape_cast %broadcast_in_dim3A_2136 : vector<16xi32> to vector<16x1xi32>
        %gather3A_2138 = vector.shape_cast %broadcast_in_dim3A_2137 : vector<16x1xi32> to vector<16xi32>
        %gather3A_2139 = tpu.dynamic_gather %exp3A_2105[%gather3A_2138] in [0] : vector<16xf32>, vector<16xi32> -> vector<16xf32>
        %get3A_2140 = arith.index_cast %add3A_2072 : i32 to index
        %get3A_2141 = arith.constant 0 : index
        %get3A_2142 = tpu.vector_load %arg14[%get3A_2140, %get3A_2141] {strides = array<i32>} : memref<64x128xf32, #tpu.memory_space<vmem>>, vector<1x16xf32>,
        %get3A_2143 = vector.shape_cast %get3A_2142 : vector<1x16xf32> to vector<16xf32>
        %mul3A_2144 = arith.mulf %get3A_2143, %gather3A_2124 : vector<16xf32>
        %get3A_2145 = arith.index_cast %min3A_2080 : i32 to index
        %get3A_2146 = arith.constant 0 : index
        %get3A_2147 = tpu.vector_load %arg8[%get3A_2145, %get3A_2146] {strides = array<i32>} : memref<528x144xf32, #tpu.memory_space<vmem>>, vector<1x16xf32>,
        %get3A_2148 = vector.shape_cast %get3A_2147 : vector<1x16xf32> to vector<16xf32>
        %add3A_2149 = arith.addf %get3A_2148, %mul3A_2144 : vector<16xf32>
        %swap3A_2150 = arith.index_cast %min3A_2080 : i32 to index
        %swap3A_2151 = arith.constant 0 : index
        %swap3A_2152 = tpu.vector_load %arg8[%swap3A_2150, %swap3A_2151] {strides = array<i32>} : memref<528x144xf32, #tpu.memory_space<vmem>>, vector<1x16xf32>,
        %swap3A_2153 = vector.shape_cast %swap3A_2152 : vector<1x16xf32> to vector<16xf32>
        %swap3A_2154 = vector.shape_cast %add3A_2149 : vector<16xf32> to vector<1x16xf32>
        tpu.vector_store %arg8[%swap3A_2150, %swap3A_2151], %swap3A_2154 {strides = array<i32>} : memref<528x144xf32, #tpu.memory_space<vmem>>, vector<1x16xf32>,
        %get3A_2155 = arith.index_cast %add3A_2072 : i32 to index
        %get3A_2156 = arith.constant 16 : index
        %get3A_2157 = tpu.vector_load %arg14[%get3A_2155, %get3A_2156] {strides = array<i32>} : memref<64x128xf32, #tpu.memory_space<vmem>>, vector<1x16xf32>,
        %get3A_2158 = vector.shape_cast %get3A_2157 : vector<1x16xf32> to vector<16xf32>
        %mul3A_2159 = arith.mulf %get3A_2158, %gather3A_2124 : vector<16xf32>
        %get3A_2160 = arith.index_cast %min3A_2080 : i32 to index
        %get3A_2161 = arith.constant 16 : index
        %get3A_2162 = tpu.vector_load %arg8[%get3A_2160, %get3A_2161] {strides = array<i32>} : memref<528x144xf32, #tpu.memory_space<vmem>>, vector<1x16xf32>,
        %get3A_2163 = vector.shape_cast %get3A_2162 : vector<1x16xf32> to vector<16xf32>
        %add3A_2164 = arith.addf %get3A_2163, %mul3A_2159 : vector<16xf32>
        %swap3A_2165 = arith.index_cast %min3A_2080 : i32 to index
        %swap3A_2166 = arith.constant 16 : index
        %swap3A_2167 = tpu.vector_load %arg8[%swap3A_2165, %swap3A_2166] {strides = array<i32>} : memref<528x144xf32, #tpu.memory_space<vmem>>, vector<1x16xf32>,
        %swap3A_2168 = vector.shape_cast %swap3A_2167 : vector<1x16xf32> to vector<16xf32>
        %swap3A_2169 = vector.shape_cast %add3A_2164 : vector<16xf32> to vector<1x16xf32>
        tpu.vector_store %arg8[%swap3A_2165, %swap3A_2166], %swap3A_2169 {strides = array<i32>} : memref<528x144xf32, #tpu.memory_space<vmem>>, vector<1x16xf32>,
        %get3A_2170 = arith.index_cast %add3A_2072 : i32 to index
        %get3A_2171 = arith.constant 32 : index
        %get3A_2172 = tpu.vector_load %arg14[%get3A_2170, %get3A_2171] {strides = array<i32>} : memref<64x128xf32, #tpu.memory_space<vmem>>, vector<1x16xf32>,
        %get3A_2173 = vector.shape_cast %get3A_2172 : vector<1x16xf32> to vector<16xf32>
        %mul3A_2174 = arith.mulf %get3A_2173, %gather3A_2129 : vector<16xf32>
        %get3A_2175 = arith.index_cast %min3A_2080 : i32 to index
        %get3A_2176 = arith.constant 32 : index
        %get3A_2177 = tpu.vector_load %arg8[%get3A_2175, %get3A_2176] {strides = array<i32>} : memref<528x144xf32, #tpu.memory_space<vmem>>, vector<1x16xf32>,
        %get3A_2178 = vector.shape_cast %get3A_2177 : vector<1x16xf32> to vector<16xf32>
        %add3A_2179 = arith.addf %get3A_2178, %mul3A_2174 : vector<16xf32>
        %swap3A_2180 = arith.index_cast %min3A_2080 : i32 to index
        %swap3A_2181 = arith.constant 32 : index
        %swap3A_2182 = tpu.vector_load %arg8[%swap3A_2180, %swap3A_2181] {strides = array<i32>} : memref<528x144xf32, #tpu.memory_space<vmem>>, vector<1x16xf32>,
        %swap3A_2183 = vector.shape_cast %swap3A_2182 : vector<1x16xf32> to vector<16xf32>
        %swap3A_2184 = vector.shape_cast %add3A_2179 : vector<16xf32> to vector<1x16xf32>
        tpu.vector_store %arg8[%swap3A_2180, %swap3A_2181], %swap3A_2184 {strides = array<i32>} : memref<528x144xf32, #tpu.memory_space<vmem>>, vector<1x16xf32>,
        %get3A_2185 = arith.index_cast %add3A_2072 : i32 to index
        %get3A_2186 = arith.constant 48 : index
        %get3A_2187 = tpu.vector_load %arg14[%get3A_2185, %get3A_2186] {strides = array<i32>} : memref<64x128xf32, #tpu.memory_space<vmem>>, vector<1x16xf32>,
        %get3A_2188 = vector.shape_cast %get3A_2187 : vector<1x16xf32> to vector<16xf32>
        %mul3A_2189 = arith.mulf %get3A_2188, %gather3A_2129 : vector<16xf32>
        %get3A_2190 = arith.index_cast %min3A_2080 : i32 to index
        %get3A_2191 = arith.constant 48 : index
        %get3A_2192 = tpu.vector_load %arg8[%get3A_2190, %get3A_2191] {strides = array<i32>} : memref<528x144xf32, #tpu.memory_space<vmem>>, vector<1x16xf32>,
        %get3A_2193 = vector.shape_cast %get3A_2192 : vector<1x16xf32> to vector<16xf32>
        %add3A_2194 = arith.addf %get3A_2193, %mul3A_2189 : vector<16xf32>
        %swap3A_2195 = arith.index_cast %min3A_2080 : i32 to index
        %swap3A_2196 = arith.constant 48 : index
        %swap3A_2197 = tpu.vector_load %arg8[%swap3A_2195, %swap3A_2196] {strides = array<i32>} : memref<528x144xf32, #tpu.memory_space<vmem>>, vector<1x16xf32>,
        %swap3A_2198 = vector.shape_cast %swap3A_2197 : vector<1x16xf32> to vector<16xf32>
        %swap3A_2199 = vector.shape_cast %add3A_2194 : vector<16xf32> to vector<1x16xf32>
        tpu.vector_store %arg8[%swap3A_2195, %swap3A_2196], %swap3A_2199 {strides = array<i32>} : memref<528x144xf32, #tpu.memory_space<vmem>>, vector<1x16xf32>,
        %get3A_2200 = arith.index_cast %add3A_2072 : i32 to index
        %get3A_2201 = arith.constant 64 : index
        %get3A_2202 = tpu.vector_load %arg14[%get3A_2200, %get3A_2201] {strides = array<i32>} : memref<64x128xf32, #tpu.memory_space<vmem>>, vector<1x16xf32>,
        %get3A_2203 = vector.shape_cast %get3A_2202 : vector<1x16xf32> to vector<16xf32>
        %mul3A_2204 = arith.mulf %get3A_2203, %gather3A_2134 : vector<16xf32>
        %get3A_2205 = arith.index_cast %min3A_2080 : i32 to index
        %get3A_2206 = arith.constant 64 : index
        %get3A_2207 = tpu.vector_load %arg8[%get3A_2205, %get3A_2206] {strides = array<i32>} : memref<528x144xf32, #tpu.memory_space<vmem>>, vector<1x16xf32>,
        %get3A_2208 = vector.shape_cast %get3A_2207 : vector<1x16xf32> to vector<16xf32>
        %add3A_2209 = arith.addf %get3A_2208, %mul3A_2204 : vector<16xf32>
        %swap3A_2210 = arith.index_cast %min3A_2080 : i32 to index
        %swap3A_2211 = arith.constant 64 : index
        %swap3A_2212 = tpu.vector_load %arg8[%swap3A_2210, %swap3A_2211] {strides = array<i32>} : memref<528x144xf32, #tpu.memory_space<vmem>>, vector<1x16xf32>,
        %swap3A_2213 = vector.shape_cast %swap3A_2212 : vector<1x16xf32> to vector<16xf32>
        %swap3A_2214 = vector.shape_cast %add3A_2209 : vector<16xf32> to vector<1x16xf32>
        tpu.vector_store %arg8[%swap3A_2210, %swap3A_2211], %swap3A_2214 {strides = array<i32>} : memref<528x144xf32, #tpu.memory_space<vmem>>, vector<1x16xf32>,
        %get3A_2215 = arith.index_cast %add3A_2072 : i32 to index
        %get3A_2216 = arith.constant 80 : index
        %get3A_2217 = tpu.vector_load %arg14[%get3A_2215, %get3A_2216] {strides = array<i32>} : memref<64x128xf32, #tpu.memory_space<vmem>>, vector<1x16xf32>,
        %get3A_2218 = vector.shape_cast %get3A_2217 : vector<1x16xf32> to vector<16xf32>
        %mul3A_2219 = arith.mulf %get3A_2218, %gather3A_2134 : vector<16xf32>
        %get3A_2220 = arith.index_cast %min3A_2080 : i32 to index
        %get3A_2221 = arith.constant 80 : index
        %get3A_2222 = tpu.vector_load %arg8[%get3A_2220, %get3A_2221] {strides = array<i32>} : memref<528x144xf32, #tpu.memory_space<vmem>>, vector<1x16xf32>,
        %get3A_2223 = vector.shape_cast %get3A_2222 : vector<1x16xf32> to vector<16xf32>
        %add3A_2224 = arith.addf %get3A_2223, %mul3A_2219 : vector<16xf32>
        %swap3A_2225 = arith.index_cast %min3A_2080 : i32 to index
        %swap3A_2226 = arith.constant 80 : index
        %swap3A_2227 = tpu.vector_load %arg8[%swap3A_2225, %swap3A_2226] {strides = array<i32>} : memref<528x144xf32, #tpu.memory_space<vmem>>, vector<1x16xf32>,
        %swap3A_2228 = vector.shape_cast %swap3A_2227 : vector<1x16xf32> to vector<16xf32>
        %swap3A_2229 = vector.shape_cast %add3A_2224 : vector<16xf32> to vector<1x16xf32>
        tpu.vector_store %arg8[%swap3A_2225, %swap3A_2226], %swap3A_2229 {strides = array<i32>} : memref<528x144xf32, #tpu.memory_space<vmem>>, vector<1x16xf32>,
        %get3A_2230 = arith.index_cast %add3A_2072 : i32 to index
        %get3A_2231 = arith.constant 96 : index
        %get3A_2232 = tpu.vector_load %arg14[%get3A_2230, %get3A_2231] {strides = array<i32>} : memref<64x128xf32, #tpu.memory_space<vmem>>, vector<1x16xf32>,
        %get3A_2233 = vector.shape_cast %get3A_2232 : vector<1x16xf32> to vector<16xf32>
        %mul3A_2234 = arith.mulf %get3A_2233, %gather3A_2139 : vector<16xf32>
        %get3A_2235 = arith.index_cast %min3A_2080 : i32 to index
        %get3A_2236 = arith.constant 96 : index
        %get3A_2237 = tpu.vector_load %arg8[%get3A_2235, %get3A_2236] {strides = array<i32>} : memref<528x144xf32, #tpu.memory_space<vmem>>, vector<1x16xf32>,
        %get3A_2238 = vector.shape_cast %get3A_2237 : vector<1x16xf32> to vector<16xf32>
        %add3A_2239 = arith.addf %get3A_2238, %mul3A_2234 : vector<16xf32>
        %swap3A_2240 = arith.index_cast %min3A_2080 : i32 to index
        %swap3A_2241 = arith.constant 96 : index
        %swap3A_2242 = tpu.vector_load %arg8[%swap3A_2240, %swap3A_2241] {strides = array<i32>} : memref<528x144xf32, #tpu.memory_space<vmem>>, vector<1x16xf32>,
        %swap3A_2243 = vector.shape_cast %swap3A_2242 : vector<1x16xf32> to vector<16xf32>
        %swap3A_2244 = vector.shape_cast %add3A_2239 : vector<16xf32> to vector<1x16xf32>
        tpu.vector_store %arg8[%swap3A_2240, %swap3A_2241], %swap3A_2244 {strides = array<i32>} : memref<528x144xf32, #tpu.memory_space<vmem>>, vector<1x16xf32>,
        %get3A_2245 = arith.index_cast %add3A_2072 : i32 to index
        %get3A_2246 = arith.constant 112 : index
        %get3A_2247 = tpu.vector_load %arg14[%get3A_2245, %get3A_2246] {strides = array<i32>} : memref<64x128xf32, #tpu.memory_space<vmem>>, vector<1x16xf32>,
        %get3A_2248 = vector.shape_cast %get3A_2247 : vector<1x16xf32> to vector<16xf32>
        %mul3A_2249 = arith.mulf %get3A_2248, %gather3A_2139 : vector<16xf32>
        %get3A_2250 = arith.index_cast %min3A_2080 : i32 to index
        %get3A_2251 = arith.constant 112 : index
        %get3A_2252 = tpu.vector_load %arg8[%get3A_2250, %get3A_2251] {strides = array<i32>} : memref<528x144xf32, #tpu.memory_space<vmem>>, vector<1x16xf32>,
        %get3A_2253 = vector.shape_cast %get3A_2252 : vector<1x16xf32> to vector<16xf32>
        %add3A_2254 = arith.addf %get3A_2253, %mul3A_2249 : vector<16xf32>
        %swap3A_2255 = arith.index_cast %min3A_2080 : i32 to index
        %swap3A_2256 = arith.constant 112 : index
        %swap3A_2257 = tpu.vector_load %arg8[%swap3A_2255, %swap3A_2256] {strides = array<i32>} : memref<528x144xf32, #tpu.memory_space<vmem>>, vector<1x16xf32>,
        %swap3A_2258 = vector.shape_cast %swap3A_2257 : vector<1x16xf32> to vector<16xf32>
        %swap3A_2259 = vector.shape_cast %add3A_2254 : vector<16xf32> to vector<1x16xf32>
        tpu.vector_store %arg8[%swap3A_2255, %swap3A_2256], %swap3A_2259 {strides = array<i32>} : memref<528x144xf32, #tpu.memory_space<vmem>>, vector<1x16xf32>,
        %mul3A_2260 = arith.constant 16 : i32
        %mul3A_2261 = arith.muli %scan3A_151, %mul3A_2260 : i32
        %add3A_2262 = arith.constant 11 : i32
        %add3A_2263 = arith.addi %mul3A_2261, %add3A_2262 : i32
        %slice3A_2264 = vector.extract_strided_slice %get3A_156 {offsets = [11], sizes = [1], strides = [1]} : vector<16xi32> to vector<1xi32>
        %squeeze3A_2265 = vector.extract %slice3A_2264[0] : i32 from vector<1xi32>
        %slice3A_2266 = vector.extract_strided_slice %get3A_166 {offsets = [11], sizes = [1], strides = [1]} : vector<16xi32> to vector<1xi32>
        %squeeze3A_2267 = vector.extract %slice3A_2266[0] : i32 from vector<1xi32>
        %slice3A_2268 = vector.extract_strided_slice %get3A_161 {offsets = [11], sizes = [1], strides = [1]} : vector<16xi32> to vector<1xi32>
        %squeeze3A_2269 = vector.extract %slice3A_2268[0] : i32 from vector<1xi32>
        %min3A_2270 = arith.constant 524 : i32
        %min3A_2271 = arith.minsi %squeeze3A_2269, %min3A_2270 : i32
        %and3A_2272 = arith.constant 7 : i32
        %and3A_2273 = arith.andi %squeeze3A_2265, %and3A_2272 : i32
        %mul3A_2274 = arith.constant 16 : i32
        %mul3A_2275 = arith.muli %and3A_2273, %mul3A_2274 : i32
        %and3A_2276 = arith.constant 7 : i32
        %and3A_2277 = arith.andi %squeeze3A_2267, %and3A_2276 : i32
        %mul3A_2278 = arith.constant 16 : i32
        %mul3A_2279 = arith.muli %and3A_2277, %mul3A_2278 : i32
        %get3A_2280 = arith.index_cast %add3A_2263 : i32 to index
        %get3A_2281 = arith.index_cast %mul3A_2275 : i32 to index
        %get3A_2282 = tpu.vector_load %arg15[%get3A_2280, %get3A_2281] {strides = array<i32>} : memref<64x128xf32, #tpu.memory_space<vmem>>, vector<1x16xf32>,
        %get3A_2283 = vector.shape_cast %get3A_2282 : vector<1x16xf32> to vector<16xf32>
        %get3A_2284 = arith.index_cast %add3A_2263 : i32 to index
        %get3A_2285 = arith.index_cast %mul3A_2279 : i32 to index
        %get3A_2286 = tpu.vector_load %arg16[%get3A_2284, %get3A_2285] {strides = array<i32>} : memref<64x128xf32, #tpu.memory_space<vmem>>, vector<1x16xf32>,
        %get3A_2287 = vector.shape_cast %get3A_2286 : vector<1x16xf32> to vector<16xf32>
        %broadcast_in_dim3A_2288 = vector.shape_cast %min3A_10 : vector<16xi32> to vector<16x1xi32>
        %gather3A_2289 = vector.shape_cast %broadcast_in_dim3A_2288 : vector<16x1xi32> to vector<16xi32>
        %gather3A_2290 = tpu.dynamic_gather %get3A_2287[%gather3A_2289] in [0] : vector<16xf32>, vector<16xi32> -> vector<16xf32>
        %add3A_2291 = arith.addf %get3A_2283, %gather3A_2290 : vector<16xf32>
        %mul3A_2292 = arith.constant 2.000000e-01 : f32
        %mul3A_2293 = vector.broadcast %mul3A_2292 : f32 to vector<16xf32>
        %mul3A_2294 = arith.mulf %mul3A_2293, %add3A_2291 : vector<16xf32>
        %max3A_2295 = arith.maximumf %add3A_2291, %mul3A_2294 : vector<16xf32>
        %exp3A_2296 = math.exp %max3A_2295 : vector<16xf32>
        %get3A_2297 = arith.index_cast %min3A_2271 : i32 to index
        %get3A_2298 = arith.constant 128 : index
        %get3A_2299 = tpu.vector_load %arg8[%get3A_2297, %get3A_2298] {strides = array<i32>} : memref<528x144xf32, #tpu.memory_space<vmem>>, vector<1x16xf32>,
        %get3A_2300 = vector.shape_cast %get3A_2299 : vector<1x16xf32> to vector<16xf32>
        %lt3A_2301 = arith.constant 4 : i32
        %lt3A_2302 = vector.broadcast %lt3A_2301 : i32 to vector<16xi32>
        %lt3A_2303 = arith.cmpi slt, %iota3A, %lt3A_2302 : vector<16xi32>
        %select_n3A_2304 = arith.select %lt3A_2303, %exp3A_2296, %broadcast_in_dim3A_1 : vector<16xi1>, vector<16xf32>
        %add3A_2305 = arith.addf %get3A_2300, %select_n3A_2304 : vector<16xf32>
        %swap3A_2306 = arith.index_cast %min3A_2271 : i32 to index
        %swap3A_2307 = arith.constant 128 : index
        %swap3A_2308 = tpu.vector_load %arg8[%swap3A_2306, %swap3A_2307] {strides = array<i32>} : memref<528x144xf32, #tpu.memory_space<vmem>>, vector<1x16xf32>,
        %swap3A_2309 = vector.shape_cast %swap3A_2308 : vector<1x16xf32> to vector<16xf32>
        %swap3A_2310 = vector.shape_cast %add3A_2305 : vector<16xf32> to vector<1x16xf32>
        tpu.vector_store %arg8[%swap3A_2306, %swap3A_2307], %swap3A_2310 {strides = array<i32>} : memref<528x144xf32, #tpu.memory_space<vmem>>, vector<1x16xf32>,
        %broadcast_in_dim3A_2311 = arith.constant 0 : i32
        %broadcast_in_dim3A_2312 = vector.broadcast %broadcast_in_dim3A_2311 : i32 to vector<16xi32>
        %broadcast_in_dim3A_2313 = vector.shape_cast %broadcast_in_dim3A_2312 : vector<16xi32> to vector<16x1xi32>
        %gather3A_2314 = vector.shape_cast %broadcast_in_dim3A_2313 : vector<16x1xi32> to vector<16xi32>
        %gather3A_2315 = tpu.dynamic_gather %exp3A_2296[%gather3A_2314] in [0] : vector<16xf32>, vector<16xi32> -> vector<16xf32>
        %broadcast_in_dim3A_2316 = arith.constant 1 : i32
        %broadcast_in_dim3A_2317 = vector.broadcast %broadcast_in_dim3A_2316 : i32 to vector<16xi32>
        %broadcast_in_dim3A_2318 = vector.shape_cast %broadcast_in_dim3A_2317 : vector<16xi32> to vector<16x1xi32>
        %gather3A_2319 = vector.shape_cast %broadcast_in_dim3A_2318 : vector<16x1xi32> to vector<16xi32>
        %gather3A_2320 = tpu.dynamic_gather %exp3A_2296[%gather3A_2319] in [0] : vector<16xf32>, vector<16xi32> -> vector<16xf32>
        %broadcast_in_dim3A_2321 = arith.constant 2 : i32
        %broadcast_in_dim3A_2322 = vector.broadcast %broadcast_in_dim3A_2321 : i32 to vector<16xi32>
        %broadcast_in_dim3A_2323 = vector.shape_cast %broadcast_in_dim3A_2322 : vector<16xi32> to vector<16x1xi32>
        %gather3A_2324 = vector.shape_cast %broadcast_in_dim3A_2323 : vector<16x1xi32> to vector<16xi32>
        %gather3A_2325 = tpu.dynamic_gather %exp3A_2296[%gather3A_2324] in [0] : vector<16xf32>, vector<16xi32> -> vector<16xf32>
        %broadcast_in_dim3A_2326 = arith.constant 3 : i32
        %broadcast_in_dim3A_2327 = vector.broadcast %broadcast_in_dim3A_2326 : i32 to vector<16xi32>
        %broadcast_in_dim3A_2328 = vector.shape_cast %broadcast_in_dim3A_2327 : vector<16xi32> to vector<16x1xi32>
        %gather3A_2329 = vector.shape_cast %broadcast_in_dim3A_2328 : vector<16x1xi32> to vector<16xi32>
        %gather3A_2330 = tpu.dynamic_gather %exp3A_2296[%gather3A_2329] in [0] : vector<16xf32>, vector<16xi32> -> vector<16xf32>
        %get3A_2331 = arith.index_cast %add3A_2263 : i32 to index
        %get3A_2332 = arith.constant 0 : index
        %get3A_2333 = tpu.vector_load %arg14[%get3A_2331, %get3A_2332] {strides = array<i32>} : memref<64x128xf32, #tpu.memory_space<vmem>>, vector<1x16xf32>,
        %get3A_2334 = vector.shape_cast %get3A_2333 : vector<1x16xf32> to vector<16xf32>
        %mul3A_2335 = arith.mulf %get3A_2334, %gather3A_2315 : vector<16xf32>
        %get3A_2336 = arith.index_cast %min3A_2271 : i32 to index
        %get3A_2337 = arith.constant 0 : index
        %get3A_2338 = tpu.vector_load %arg8[%get3A_2336, %get3A_2337] {strides = array<i32>} : memref<528x144xf32, #tpu.memory_space<vmem>>, vector<1x16xf32>,
        %get3A_2339 = vector.shape_cast %get3A_2338 : vector<1x16xf32> to vector<16xf32>
        %add3A_2340 = arith.addf %get3A_2339, %mul3A_2335 : vector<16xf32>
        %swap3A_2341 = arith.index_cast %min3A_2271 : i32 to index
        %swap3A_2342 = arith.constant 0 : index
        %swap3A_2343 = tpu.vector_load %arg8[%swap3A_2341, %swap3A_2342] {strides = array<i32>} : memref<528x144xf32, #tpu.memory_space<vmem>>, vector<1x16xf32>,
        %swap3A_2344 = vector.shape_cast %swap3A_2343 : vector<1x16xf32> to vector<16xf32>
        %swap3A_2345 = vector.shape_cast %add3A_2340 : vector<16xf32> to vector<1x16xf32>
        tpu.vector_store %arg8[%swap3A_2341, %swap3A_2342], %swap3A_2345 {strides = array<i32>} : memref<528x144xf32, #tpu.memory_space<vmem>>, vector<1x16xf32>,
        %get3A_2346 = arith.index_cast %add3A_2263 : i32 to index
        %get3A_2347 = arith.constant 16 : index
        %get3A_2348 = tpu.vector_load %arg14[%get3A_2346, %get3A_2347] {strides = array<i32>} : memref<64x128xf32, #tpu.memory_space<vmem>>, vector<1x16xf32>,
        %get3A_2349 = vector.shape_cast %get3A_2348 : vector<1x16xf32> to vector<16xf32>
        %mul3A_2350 = arith.mulf %get3A_2349, %gather3A_2315 : vector<16xf32>
        %get3A_2351 = arith.index_cast %min3A_2271 : i32 to index
        %get3A_2352 = arith.constant 16 : index
        %get3A_2353 = tpu.vector_load %arg8[%get3A_2351, %get3A_2352] {strides = array<i32>} : memref<528x144xf32, #tpu.memory_space<vmem>>, vector<1x16xf32>,
        %get3A_2354 = vector.shape_cast %get3A_2353 : vector<1x16xf32> to vector<16xf32>
        %add3A_2355 = arith.addf %get3A_2354, %mul3A_2350 : vector<16xf32>
        %swap3A_2356 = arith.index_cast %min3A_2271 : i32 to index
        %swap3A_2357 = arith.constant 16 : index
        %swap3A_2358 = tpu.vector_load %arg8[%swap3A_2356, %swap3A_2357] {strides = array<i32>} : memref<528x144xf32, #tpu.memory_space<vmem>>, vector<1x16xf32>,
        %swap3A_2359 = vector.shape_cast %swap3A_2358 : vector<1x16xf32> to vector<16xf32>
        %swap3A_2360 = vector.shape_cast %add3A_2355 : vector<16xf32> to vector<1x16xf32>
        tpu.vector_store %arg8[%swap3A_2356, %swap3A_2357], %swap3A_2360 {strides = array<i32>} : memref<528x144xf32, #tpu.memory_space<vmem>>, vector<1x16xf32>,
        %get3A_2361 = arith.index_cast %add3A_2263 : i32 to index
        %get3A_2362 = arith.constant 32 : index
        %get3A_2363 = tpu.vector_load %arg14[%get3A_2361, %get3A_2362] {strides = array<i32>} : memref<64x128xf32, #tpu.memory_space<vmem>>, vector<1x16xf32>,
        %get3A_2364 = vector.shape_cast %get3A_2363 : vector<1x16xf32> to vector<16xf32>
        %mul3A_2365 = arith.mulf %get3A_2364, %gather3A_2320 : vector<16xf32>
        %get3A_2366 = arith.index_cast %min3A_2271 : i32 to index
        %get3A_2367 = arith.constant 32 : index
        %get3A_2368 = tpu.vector_load %arg8[%get3A_2366, %get3A_2367] {strides = array<i32>} : memref<528x144xf32, #tpu.memory_space<vmem>>, vector<1x16xf32>,
        %get3A_2369 = vector.shape_cast %get3A_2368 : vector<1x16xf32> to vector<16xf32>
        %add3A_2370 = arith.addf %get3A_2369, %mul3A_2365 : vector<16xf32>
        %swap3A_2371 = arith.index_cast %min3A_2271 : i32 to index
        %swap3A_2372 = arith.constant 32 : index
        %swap3A_2373 = tpu.vector_load %arg8[%swap3A_2371, %swap3A_2372] {strides = array<i32>} : memref<528x144xf32, #tpu.memory_space<vmem>>, vector<1x16xf32>,
        %swap3A_2374 = vector.shape_cast %swap3A_2373 : vector<1x16xf32> to vector<16xf32>
        %swap3A_2375 = vector.shape_cast %add3A_2370 : vector<16xf32> to vector<1x16xf32>
        tpu.vector_store %arg8[%swap3A_2371, %swap3A_2372], %swap3A_2375 {strides = array<i32>} : memref<528x144xf32, #tpu.memory_space<vmem>>, vector<1x16xf32>,
        %get3A_2376 = arith.index_cast %add3A_2263 : i32 to index
        %get3A_2377 = arith.constant 48 : index
        %get3A_2378 = tpu.vector_load %arg14[%get3A_2376, %get3A_2377] {strides = array<i32>} : memref<64x128xf32, #tpu.memory_space<vmem>>, vector<1x16xf32>,
        %get3A_2379 = vector.shape_cast %get3A_2378 : vector<1x16xf32> to vector<16xf32>
        %mul3A_2380 = arith.mulf %get3A_2379, %gather3A_2320 : vector<16xf32>
        %get3A_2381 = arith.index_cast %min3A_2271 : i32 to index
        %get3A_2382 = arith.constant 48 : index
        %get3A_2383 = tpu.vector_load %arg8[%get3A_2381, %get3A_2382] {strides = array<i32>} : memref<528x144xf32, #tpu.memory_space<vmem>>, vector<1x16xf32>,
        %get3A_2384 = vector.shape_cast %get3A_2383 : vector<1x16xf32> to vector<16xf32>
        %add3A_2385 = arith.addf %get3A_2384, %mul3A_2380 : vector<16xf32>
        %swap3A_2386 = arith.index_cast %min3A_2271 : i32 to index
        %swap3A_2387 = arith.constant 48 : index
        %swap3A_2388 = tpu.vector_load %arg8[%swap3A_2386, %swap3A_2387] {strides = array<i32>} : memref<528x144xf32, #tpu.memory_space<vmem>>, vector<1x16xf32>,
        %swap3A_2389 = vector.shape_cast %swap3A_2388 : vector<1x16xf32> to vector<16xf32>
        %swap3A_2390 = vector.shape_cast %add3A_2385 : vector<16xf32> to vector<1x16xf32>
        tpu.vector_store %arg8[%swap3A_2386, %swap3A_2387], %swap3A_2390 {strides = array<i32>} : memref<528x144xf32, #tpu.memory_space<vmem>>, vector<1x16xf32>,
        %get3A_2391 = arith.index_cast %add3A_2263 : i32 to index
        %get3A_2392 = arith.constant 64 : index
        %get3A_2393 = tpu.vector_load %arg14[%get3A_2391, %get3A_2392] {strides = array<i32>} : memref<64x128xf32, #tpu.memory_space<vmem>>, vector<1x16xf32>,
        %get3A_2394 = vector.shape_cast %get3A_2393 : vector<1x16xf32> to vector<16xf32>
        %mul3A_2395 = arith.mulf %get3A_2394, %gather3A_2325 : vector<16xf32>
        %get3A_2396 = arith.index_cast %min3A_2271 : i32 to index
        %get3A_2397 = arith.constant 64 : index
        %get3A_2398 = tpu.vector_load %arg8[%get3A_2396, %get3A_2397] {strides = array<i32>} : memref<528x144xf32, #tpu.memory_space<vmem>>, vector<1x16xf32>,
        %get3A_2399 = vector.shape_cast %get3A_2398 : vector<1x16xf32> to vector<16xf32>
        %add3A_2400 = arith.addf %get3A_2399, %mul3A_2395 : vector<16xf32>
        %swap3A_2401 = arith.index_cast %min3A_2271 : i32 to index
        %swap3A_2402 = arith.constant 64 : index
        %swap3A_2403 = tpu.vector_load %arg8[%swap3A_2401, %swap3A_2402] {strides = array<i32>} : memref<528x144xf32, #tpu.memory_space<vmem>>, vector<1x16xf32>,
        %swap3A_2404 = vector.shape_cast %swap3A_2403 : vector<1x16xf32> to vector<16xf32>
        %swap3A_2405 = vector.shape_cast %add3A_2400 : vector<16xf32> to vector<1x16xf32>
        tpu.vector_store %arg8[%swap3A_2401, %swap3A_2402], %swap3A_2405 {strides = array<i32>} : memref<528x144xf32, #tpu.memory_space<vmem>>, vector<1x16xf32>,
        %get3A_2406 = arith.index_cast %add3A_2263 : i32 to index
        %get3A_2407 = arith.constant 80 : index
        %get3A_2408 = tpu.vector_load %arg14[%get3A_2406, %get3A_2407] {strides = array<i32>} : memref<64x128xf32, #tpu.memory_space<vmem>>, vector<1x16xf32>,
        %get3A_2409 = vector.shape_cast %get3A_2408 : vector<1x16xf32> to vector<16xf32>
        %mul3A_2410 = arith.mulf %get3A_2409, %gather3A_2325 : vector<16xf32>
        %get3A_2411 = arith.index_cast %min3A_2271 : i32 to index
        %get3A_2412 = arith.constant 80 : index
        %get3A_2413 = tpu.vector_load %arg8[%get3A_2411, %get3A_2412] {strides = array<i32>} : memref<528x144xf32, #tpu.memory_space<vmem>>, vector<1x16xf32>,
        %get3A_2414 = vector.shape_cast %get3A_2413 : vector<1x16xf32> to vector<16xf32>
        %add3A_2415 = arith.addf %get3A_2414, %mul3A_2410 : vector<16xf32>
        %swap3A_2416 = arith.index_cast %min3A_2271 : i32 to index
        %swap3A_2417 = arith.constant 80 : index
        %swap3A_2418 = tpu.vector_load %arg8[%swap3A_2416, %swap3A_2417] {strides = array<i32>} : memref<528x144xf32, #tpu.memory_space<vmem>>, vector<1x16xf32>,
        %swap3A_2419 = vector.shape_cast %swap3A_2418 : vector<1x16xf32> to vector<16xf32>
        %swap3A_2420 = vector.shape_cast %add3A_2415 : vector<16xf32> to vector<1x16xf32>
        tpu.vector_store %arg8[%swap3A_2416, %swap3A_2417], %swap3A_2420 {strides = array<i32>} : memref<528x144xf32, #tpu.memory_space<vmem>>, vector<1x16xf32>,
        %get3A_2421 = arith.index_cast %add3A_2263 : i32 to index
        %get3A_2422 = arith.constant 96 : index
        %get3A_2423 = tpu.vector_load %arg14[%get3A_2421, %get3A_2422] {strides = array<i32>} : memref<64x128xf32, #tpu.memory_space<vmem>>, vector<1x16xf32>,
        %get3A_2424 = vector.shape_cast %get3A_2423 : vector<1x16xf32> to vector<16xf32>
        %mul3A_2425 = arith.mulf %get3A_2424, %gather3A_2330 : vector<16xf32>
        %get3A_2426 = arith.index_cast %min3A_2271 : i32 to index
        %get3A_2427 = arith.constant 96 : index
        %get3A_2428 = tpu.vector_load %arg8[%get3A_2426, %get3A_2427] {strides = array<i32>} : memref<528x144xf32, #tpu.memory_space<vmem>>, vector<1x16xf32>,
        %get3A_2429 = vector.shape_cast %get3A_2428 : vector<1x16xf32> to vector<16xf32>
        %add3A_2430 = arith.addf %get3A_2429, %mul3A_2425 : vector<16xf32>
        %swap3A_2431 = arith.index_cast %min3A_2271 : i32 to index
        %swap3A_2432 = arith.constant 96 : index
        %swap3A_2433 = tpu.vector_load %arg8[%swap3A_2431, %swap3A_2432] {strides = array<i32>} : memref<528x144xf32, #tpu.memory_space<vmem>>, vector<1x16xf32>,
        %swap3A_2434 = vector.shape_cast %swap3A_2433 : vector<1x16xf32> to vector<16xf32>
        %swap3A_2435 = vector.shape_cast %add3A_2430 : vector<16xf32> to vector<1x16xf32>
        tpu.vector_store %arg8[%swap3A_2431, %swap3A_2432], %swap3A_2435 {strides = array<i32>} : memref<528x144xf32, #tpu.memory_space<vmem>>, vector<1x16xf32>,
        %get3A_2436 = arith.index_cast %add3A_2263 : i32 to index
        %get3A_2437 = arith.constant 112 : index
        %get3A_2438 = tpu.vector_load %arg14[%get3A_2436, %get3A_2437] {strides = array<i32>} : memref<64x128xf32, #tpu.memory_space<vmem>>, vector<1x16xf32>,
        %get3A_2439 = vector.shape_cast %get3A_2438 : vector<1x16xf32> to vector<16xf32>
        %mul3A_2440 = arith.mulf %get3A_2439, %gather3A_2330 : vector<16xf32>
        %get3A_2441 = arith.index_cast %min3A_2271 : i32 to index
        %get3A_2442 = arith.constant 112 : index
        %get3A_2443 = tpu.vector_load %arg8[%get3A_2441, %get3A_2442] {strides = array<i32>} : memref<528x144xf32, #tpu.memory_space<vmem>>, vector<1x16xf32>,
        %get3A_2444 = vector.shape_cast %get3A_2443 : vector<1x16xf32> to vector<16xf32>
        %add3A_2445 = arith.addf %get3A_2444, %mul3A_2440 : vector<16xf32>
        %swap3A_2446 = arith.index_cast %min3A_2271 : i32 to index
        %swap3A_2447 = arith.constant 112 : index
        %swap3A_2448 = tpu.vector_load %arg8[%swap3A_2446, %swap3A_2447] {strides = array<i32>} : memref<528x144xf32, #tpu.memory_space<vmem>>, vector<1x16xf32>,
        %swap3A_2449 = vector.shape_cast %swap3A_2448 : vector<1x16xf32> to vector<16xf32>
        %swap3A_2450 = vector.shape_cast %add3A_2445 : vector<16xf32> to vector<1x16xf32>
        tpu.vector_store %arg8[%swap3A_2446, %swap3A_2447], %swap3A_2450 {strides = array<i32>} : memref<528x144xf32, #tpu.memory_space<vmem>>, vector<1x16xf32>,
        %mul3A_2451 = arith.constant 16 : i32
        %mul3A_2452 = arith.muli %scan3A_151, %mul3A_2451 : i32
        %add3A_2453 = arith.constant 12 : i32
        %add3A_2454 = arith.addi %mul3A_2452, %add3A_2453 : i32
        %slice3A_2455 = vector.extract_strided_slice %get3A_156 {offsets = [12], sizes = [1], strides = [1]} : vector<16xi32> to vector<1xi32>
        %squeeze3A_2456 = vector.extract %slice3A_2455[0] : i32 from vector<1xi32>
        %slice3A_2457 = vector.extract_strided_slice %get3A_166 {offsets = [12], sizes = [1], strides = [1]} : vector<16xi32> to vector<1xi32>
        %squeeze3A_2458 = vector.extract %slice3A_2457[0] : i32 from vector<1xi32>
        %slice3A_2459 = vector.extract_strided_slice %get3A_161 {offsets = [12], sizes = [1], strides = [1]} : vector<16xi32> to vector<1xi32>
        %squeeze3A_2460 = vector.extract %slice3A_2459[0] : i32 from vector<1xi32>
        %min3A_2461 = arith.constant 524 : i32
        %min3A_2462 = arith.minsi %squeeze3A_2460, %min3A_2461 : i32
        %and3A_2463 = arith.constant 7 : i32
        %and3A_2464 = arith.andi %squeeze3A_2456, %and3A_2463 : i32
        %mul3A_2465 = arith.constant 16 : i32
        %mul3A_2466 = arith.muli %and3A_2464, %mul3A_2465 : i32
        %and3A_2467 = arith.constant 7 : i32
        %and3A_2468 = arith.andi %squeeze3A_2458, %and3A_2467 : i32
        %mul3A_2469 = arith.constant 16 : i32
        %mul3A_2470 = arith.muli %and3A_2468, %mul3A_2469 : i32
        %get3A_2471 = arith.index_cast %add3A_2454 : i32 to index
        %get3A_2472 = arith.index_cast %mul3A_2466 : i32 to index
        %get3A_2473 = tpu.vector_load %arg15[%get3A_2471, %get3A_2472] {strides = array<i32>} : memref<64x128xf32, #tpu.memory_space<vmem>>, vector<1x16xf32>,
        %get3A_2474 = vector.shape_cast %get3A_2473 : vector<1x16xf32> to vector<16xf32>
        %get3A_2475 = arith.index_cast %add3A_2454 : i32 to index
        %get3A_2476 = arith.index_cast %mul3A_2470 : i32 to index
        %get3A_2477 = tpu.vector_load %arg16[%get3A_2475, %get3A_2476] {strides = array<i32>} : memref<64x128xf32, #tpu.memory_space<vmem>>, vector<1x16xf32>,
        %get3A_2478 = vector.shape_cast %get3A_2477 : vector<1x16xf32> to vector<16xf32>
        %broadcast_in_dim3A_2479 = vector.shape_cast %min3A_10 : vector<16xi32> to vector<16x1xi32>
        %gather3A_2480 = vector.shape_cast %broadcast_in_dim3A_2479 : vector<16x1xi32> to vector<16xi32>
        %gather3A_2481 = tpu.dynamic_gather %get3A_2478[%gather3A_2480] in [0] : vector<16xf32>, vector<16xi32> -> vector<16xf32>
        %add3A_2482 = arith.addf %get3A_2474, %gather3A_2481 : vector<16xf32>
        %mul3A_2483 = arith.constant 2.000000e-01 : f32
        %mul3A_2484 = vector.broadcast %mul3A_2483 : f32 to vector<16xf32>
        %mul3A_2485 = arith.mulf %mul3A_2484, %add3A_2482 : vector<16xf32>
        %max3A_2486 = arith.maximumf %add3A_2482, %mul3A_2485 : vector<16xf32>
        %exp3A_2487 = math.exp %max3A_2486 : vector<16xf32>
        %get3A_2488 = arith.index_cast %min3A_2462 : i32 to index
        %get3A_2489 = arith.constant 128 : index
        %get3A_2490 = tpu.vector_load %arg8[%get3A_2488, %get3A_2489] {strides = array<i32>} : memref<528x144xf32, #tpu.memory_space<vmem>>, vector<1x16xf32>,
        %get3A_2491 = vector.shape_cast %get3A_2490 : vector<1x16xf32> to vector<16xf32>
        %lt3A_2492 = arith.constant 4 : i32
        %lt3A_2493 = vector.broadcast %lt3A_2492 : i32 to vector<16xi32>
        %lt3A_2494 = arith.cmpi slt, %iota3A, %lt3A_2493 : vector<16xi32>
        %select_n3A_2495 = arith.select %lt3A_2494, %exp3A_2487, %broadcast_in_dim3A_1 : vector<16xi1>, vector<16xf32>
        %add3A_2496 = arith.addf %get3A_2491, %select_n3A_2495 : vector<16xf32>
        %swap3A_2497 = arith.index_cast %min3A_2462 : i32 to index
        %swap3A_2498 = arith.constant 128 : index
        %swap3A_2499 = tpu.vector_load %arg8[%swap3A_2497, %swap3A_2498] {strides = array<i32>} : memref<528x144xf32, #tpu.memory_space<vmem>>, vector<1x16xf32>,
        %swap3A_2500 = vector.shape_cast %swap3A_2499 : vector<1x16xf32> to vector<16xf32>
        %swap3A_2501 = vector.shape_cast %add3A_2496 : vector<16xf32> to vector<1x16xf32>
        tpu.vector_store %arg8[%swap3A_2497, %swap3A_2498], %swap3A_2501 {strides = array<i32>} : memref<528x144xf32, #tpu.memory_space<vmem>>, vector<1x16xf32>,
        %broadcast_in_dim3A_2502 = arith.constant 0 : i32
        %broadcast_in_dim3A_2503 = vector.broadcast %broadcast_in_dim3A_2502 : i32 to vector<16xi32>
        %broadcast_in_dim3A_2504 = vector.shape_cast %broadcast_in_dim3A_2503 : vector<16xi32> to vector<16x1xi32>
        %gather3A_2505 = vector.shape_cast %broadcast_in_dim3A_2504 : vector<16x1xi32> to vector<16xi32>
        %gather3A_2506 = tpu.dynamic_gather %exp3A_2487[%gather3A_2505] in [0] : vector<16xf32>, vector<16xi32> -> vector<16xf32>
        %broadcast_in_dim3A_2507 = arith.constant 1 : i32
        %broadcast_in_dim3A_2508 = vector.broadcast %broadcast_in_dim3A_2507 : i32 to vector<16xi32>
        %broadcast_in_dim3A_2509 = vector.shape_cast %broadcast_in_dim3A_2508 : vector<16xi32> to vector<16x1xi32>
        %gather3A_2510 = vector.shape_cast %broadcast_in_dim3A_2509 : vector<16x1xi32> to vector<16xi32>
        %gather3A_2511 = tpu.dynamic_gather %exp3A_2487[%gather3A_2510] in [0] : vector<16xf32>, vector<16xi32> -> vector<16xf32>
        %broadcast_in_dim3A_2512 = arith.constant 2 : i32
        %broadcast_in_dim3A_2513 = vector.broadcast %broadcast_in_dim3A_2512 : i32 to vector<16xi32>
        %broadcast_in_dim3A_2514 = vector.shape_cast %broadcast_in_dim3A_2513 : vector<16xi32> to vector<16x1xi32>
        %gather3A_2515 = vector.shape_cast %broadcast_in_dim3A_2514 : vector<16x1xi32> to vector<16xi32>
        %gather3A_2516 = tpu.dynamic_gather %exp3A_2487[%gather3A_2515] in [0] : vector<16xf32>, vector<16xi32> -> vector<16xf32>
        %broadcast_in_dim3A_2517 = arith.constant 3 : i32
        %broadcast_in_dim3A_2518 = vector.broadcast %broadcast_in_dim3A_2517 : i32 to vector<16xi32>
        %broadcast_in_dim3A_2519 = vector.shape_cast %broadcast_in_dim3A_2518 : vector<16xi32> to vector<16x1xi32>
        %gather3A_2520 = vector.shape_cast %broadcast_in_dim3A_2519 : vector<16x1xi32> to vector<16xi32>
        %gather3A_2521 = tpu.dynamic_gather %exp3A_2487[%gather3A_2520] in [0] : vector<16xf32>, vector<16xi32> -> vector<16xf32>
        %get3A_2522 = arith.index_cast %add3A_2454 : i32 to index
        %get3A_2523 = arith.constant 0 : index
        %get3A_2524 = tpu.vector_load %arg14[%get3A_2522, %get3A_2523] {strides = array<i32>} : memref<64x128xf32, #tpu.memory_space<vmem>>, vector<1x16xf32>,
        %get3A_2525 = vector.shape_cast %get3A_2524 : vector<1x16xf32> to vector<16xf32>
        %mul3A_2526 = arith.mulf %get3A_2525, %gather3A_2506 : vector<16xf32>
        %get3A_2527 = arith.index_cast %min3A_2462 : i32 to index
        %get3A_2528 = arith.constant 0 : index
        %get3A_2529 = tpu.vector_load %arg8[%get3A_2527, %get3A_2528] {strides = array<i32>} : memref<528x144xf32, #tpu.memory_space<vmem>>, vector<1x16xf32>,
        %get3A_2530 = vector.shape_cast %get3A_2529 : vector<1x16xf32> to vector<16xf32>
        %add3A_2531 = arith.addf %get3A_2530, %mul3A_2526 : vector<16xf32>
        %swap3A_2532 = arith.index_cast %min3A_2462 : i32 to index
        %swap3A_2533 = arith.constant 0 : index
        %swap3A_2534 = tpu.vector_load %arg8[%swap3A_2532, %swap3A_2533] {strides = array<i32>} : memref<528x144xf32, #tpu.memory_space<vmem>>, vector<1x16xf32>,
        %swap3A_2535 = vector.shape_cast %swap3A_2534 : vector<1x16xf32> to vector<16xf32>
        %swap3A_2536 = vector.shape_cast %add3A_2531 : vector<16xf32> to vector<1x16xf32>
        tpu.vector_store %arg8[%swap3A_2532, %swap3A_2533], %swap3A_2536 {strides = array<i32>} : memref<528x144xf32, #tpu.memory_space<vmem>>, vector<1x16xf32>,
        %get3A_2537 = arith.index_cast %add3A_2454 : i32 to index
        %get3A_2538 = arith.constant 16 : index
        %get3A_2539 = tpu.vector_load %arg14[%get3A_2537, %get3A_2538] {strides = array<i32>} : memref<64x128xf32, #tpu.memory_space<vmem>>, vector<1x16xf32>,
        %get3A_2540 = vector.shape_cast %get3A_2539 : vector<1x16xf32> to vector<16xf32>
        %mul3A_2541 = arith.mulf %get3A_2540, %gather3A_2506 : vector<16xf32>
        %get3A_2542 = arith.index_cast %min3A_2462 : i32 to index
        %get3A_2543 = arith.constant 16 : index
        %get3A_2544 = tpu.vector_load %arg8[%get3A_2542, %get3A_2543] {strides = array<i32>} : memref<528x144xf32, #tpu.memory_space<vmem>>, vector<1x16xf32>,
        %get3A_2545 = vector.shape_cast %get3A_2544 : vector<1x16xf32> to vector<16xf32>
        %add3A_2546 = arith.addf %get3A_2545, %mul3A_2541 : vector<16xf32>
        %swap3A_2547 = arith.index_cast %min3A_2462 : i32 to index
        %swap3A_2548 = arith.constant 16 : index
        %swap3A_2549 = tpu.vector_load %arg8[%swap3A_2547, %swap3A_2548] {strides = array<i32>} : memref<528x144xf32, #tpu.memory_space<vmem>>, vector<1x16xf32>,
        %swap3A_2550 = vector.shape_cast %swap3A_2549 : vector<1x16xf32> to vector<16xf32>
        %swap3A_2551 = vector.shape_cast %add3A_2546 : vector<16xf32> to vector<1x16xf32>
        tpu.vector_store %arg8[%swap3A_2547, %swap3A_2548], %swap3A_2551 {strides = array<i32>} : memref<528x144xf32, #tpu.memory_space<vmem>>, vector<1x16xf32>,
        %get3A_2552 = arith.index_cast %add3A_2454 : i32 to index
        %get3A_2553 = arith.constant 32 : index
        %get3A_2554 = tpu.vector_load %arg14[%get3A_2552, %get3A_2553] {strides = array<i32>} : memref<64x128xf32, #tpu.memory_space<vmem>>, vector<1x16xf32>,
        %get3A_2555 = vector.shape_cast %get3A_2554 : vector<1x16xf32> to vector<16xf32>
        %mul3A_2556 = arith.mulf %get3A_2555, %gather3A_2511 : vector<16xf32>
        %get3A_2557 = arith.index_cast %min3A_2462 : i32 to index
        %get3A_2558 = arith.constant 32 : index
        %get3A_2559 = tpu.vector_load %arg8[%get3A_2557, %get3A_2558] {strides = array<i32>} : memref<528x144xf32, #tpu.memory_space<vmem>>, vector<1x16xf32>,
        %get3A_2560 = vector.shape_cast %get3A_2559 : vector<1x16xf32> to vector<16xf32>
        %add3A_2561 = arith.addf %get3A_2560, %mul3A_2556 : vector<16xf32>
        %swap3A_2562 = arith.index_cast %min3A_2462 : i32 to index
        %swap3A_2563 = arith.constant 32 : index
        %swap3A_2564 = tpu.vector_load %arg8[%swap3A_2562, %swap3A_2563] {strides = array<i32>} : memref<528x144xf32, #tpu.memory_space<vmem>>, vector<1x16xf32>,
        %swap3A_2565 = vector.shape_cast %swap3A_2564 : vector<1x16xf32> to vector<16xf32>
        %swap3A_2566 = vector.shape_cast %add3A_2561 : vector<16xf32> to vector<1x16xf32>
        tpu.vector_store %arg8[%swap3A_2562, %swap3A_2563], %swap3A_2566 {strides = array<i32>} : memref<528x144xf32, #tpu.memory_space<vmem>>, vector<1x16xf32>,
        %get3A_2567 = arith.index_cast %add3A_2454 : i32 to index
        %get3A_2568 = arith.constant 48 : index
        %get3A_2569 = tpu.vector_load %arg14[%get3A_2567, %get3A_2568] {strides = array<i32>} : memref<64x128xf32, #tpu.memory_space<vmem>>, vector<1x16xf32>,
        %get3A_2570 = vector.shape_cast %get3A_2569 : vector<1x16xf32> to vector<16xf32>
        %mul3A_2571 = arith.mulf %get3A_2570, %gather3A_2511 : vector<16xf32>
        %get3A_2572 = arith.index_cast %min3A_2462 : i32 to index
        %get3A_2573 = arith.constant 48 : index
        %get3A_2574 = tpu.vector_load %arg8[%get3A_2572, %get3A_2573] {strides = array<i32>} : memref<528x144xf32, #tpu.memory_space<vmem>>, vector<1x16xf32>,
        %get3A_2575 = vector.shape_cast %get3A_2574 : vector<1x16xf32> to vector<16xf32>
        %add3A_2576 = arith.addf %get3A_2575, %mul3A_2571 : vector<16xf32>
        %swap3A_2577 = arith.index_cast %min3A_2462 : i32 to index
        %swap3A_2578 = arith.constant 48 : index
        %swap3A_2579 = tpu.vector_load %arg8[%swap3A_2577, %swap3A_2578] {strides = array<i32>} : memref<528x144xf32, #tpu.memory_space<vmem>>, vector<1x16xf32>,
        %swap3A_2580 = vector.shape_cast %swap3A_2579 : vector<1x16xf32> to vector<16xf32>
        %swap3A_2581 = vector.shape_cast %add3A_2576 : vector<16xf32> to vector<1x16xf32>
        tpu.vector_store %arg8[%swap3A_2577, %swap3A_2578], %swap3A_2581 {strides = array<i32>} : memref<528x144xf32, #tpu.memory_space<vmem>>, vector<1x16xf32>,
        %get3A_2582 = arith.index_cast %add3A_2454 : i32 to index
        %get3A_2583 = arith.constant 64 : index
        %get3A_2584 = tpu.vector_load %arg14[%get3A_2582, %get3A_2583] {strides = array<i32>} : memref<64x128xf32, #tpu.memory_space<vmem>>, vector<1x16xf32>,
        %get3A_2585 = vector.shape_cast %get3A_2584 : vector<1x16xf32> to vector<16xf32>
        %mul3A_2586 = arith.mulf %get3A_2585, %gather3A_2516 : vector<16xf32>
        %get3A_2587 = arith.index_cast %min3A_2462 : i32 to index
        %get3A_2588 = arith.constant 64 : index
        %get3A_2589 = tpu.vector_load %arg8[%get3A_2587, %get3A_2588] {strides = array<i32>} : memref<528x144xf32, #tpu.memory_space<vmem>>, vector<1x16xf32>,
        %get3A_2590 = vector.shape_cast %get3A_2589 : vector<1x16xf32> to vector<16xf32>
        %add3A_2591 = arith.addf %get3A_2590, %mul3A_2586 : vector<16xf32>
        %swap3A_2592 = arith.index_cast %min3A_2462 : i32 to index
        %swap3A_2593 = arith.constant 64 : index
        %swap3A_2594 = tpu.vector_load %arg8[%swap3A_2592, %swap3A_2593] {strides = array<i32>} : memref<528x144xf32, #tpu.memory_space<vmem>>, vector<1x16xf32>,
        %swap3A_2595 = vector.shape_cast %swap3A_2594 : vector<1x16xf32> to vector<16xf32>
        %swap3A_2596 = vector.shape_cast %add3A_2591 : vector<16xf32> to vector<1x16xf32>
        tpu.vector_store %arg8[%swap3A_2592, %swap3A_2593], %swap3A_2596 {strides = array<i32>} : memref<528x144xf32, #tpu.memory_space<vmem>>, vector<1x16xf32>,
        %get3A_2597 = arith.index_cast %add3A_2454 : i32 to index
        %get3A_2598 = arith.constant 80 : index
        %get3A_2599 = tpu.vector_load %arg14[%get3A_2597, %get3A_2598] {strides = array<i32>} : memref<64x128xf32, #tpu.memory_space<vmem>>, vector<1x16xf32>,
        %get3A_2600 = vector.shape_cast %get3A_2599 : vector<1x16xf32> to vector<16xf32>
        %mul3A_2601 = arith.mulf %get3A_2600, %gather3A_2516 : vector<16xf32>
        %get3A_2602 = arith.index_cast %min3A_2462 : i32 to index
        %get3A_2603 = arith.constant 80 : index
        %get3A_2604 = tpu.vector_load %arg8[%get3A_2602, %get3A_2603] {strides = array<i32>} : memref<528x144xf32, #tpu.memory_space<vmem>>, vector<1x16xf32>,
        %get3A_2605 = vector.shape_cast %get3A_2604 : vector<1x16xf32> to vector<16xf32>
        %add3A_2606 = arith.addf %get3A_2605, %mul3A_2601 : vector<16xf32>
        %swap3A_2607 = arith.index_cast %min3A_2462 : i32 to index
        %swap3A_2608 = arith.constant 80 : index
        %swap3A_2609 = tpu.vector_load %arg8[%swap3A_2607, %swap3A_2608] {strides = array<i32>} : memref<528x144xf32, #tpu.memory_space<vmem>>, vector<1x16xf32>,
        %swap3A_2610 = vector.shape_cast %swap3A_2609 : vector<1x16xf32> to vector<16xf32>
        %swap3A_2611 = vector.shape_cast %add3A_2606 : vector<16xf32> to vector<1x16xf32>
        tpu.vector_store %arg8[%swap3A_2607, %swap3A_2608], %swap3A_2611 {strides = array<i32>} : memref<528x144xf32, #tpu.memory_space<vmem>>, vector<1x16xf32>,
        %get3A_2612 = arith.index_cast %add3A_2454 : i32 to index
        %get3A_2613 = arith.constant 96 : index
        %get3A_2614 = tpu.vector_load %arg14[%get3A_2612, %get3A_2613] {strides = array<i32>} : memref<64x128xf32, #tpu.memory_space<vmem>>, vector<1x16xf32>,
        %get3A_2615 = vector.shape_cast %get3A_2614 : vector<1x16xf32> to vector<16xf32>
        %mul3A_2616 = arith.mulf %get3A_2615, %gather3A_2521 : vector<16xf32>
        %get3A_2617 = arith.index_cast %min3A_2462 : i32 to index
        %get3A_2618 = arith.constant 96 : index
        %get3A_2619 = tpu.vector_load %arg8[%get3A_2617, %get3A_2618] {strides = array<i32>} : memref<528x144xf32, #tpu.memory_space<vmem>>, vector<1x16xf32>,
        %get3A_2620 = vector.shape_cast %get3A_2619 : vector<1x16xf32> to vector<16xf32>
        %add3A_2621 = arith.addf %get3A_2620, %mul3A_2616 : vector<16xf32>
        %swap3A_2622 = arith.index_cast %min3A_2462 : i32 to index
        %swap3A_2623 = arith.constant 96 : index
        %swap3A_2624 = tpu.vector_load %arg8[%swap3A_2622, %swap3A_2623] {strides = array<i32>} : memref<528x144xf32, #tpu.memory_space<vmem>>, vector<1x16xf32>,
        %swap3A_2625 = vector.shape_cast %swap3A_2624 : vector<1x16xf32> to vector<16xf32>
        %swap3A_2626 = vector.shape_cast %add3A_2621 : vector<16xf32> to vector<1x16xf32>
        tpu.vector_store %arg8[%swap3A_2622, %swap3A_2623], %swap3A_2626 {strides = array<i32>} : memref<528x144xf32, #tpu.memory_space<vmem>>, vector<1x16xf32>,
        %get3A_2627 = arith.index_cast %add3A_2454 : i32 to index
        %get3A_2628 = arith.constant 112 : index
        %get3A_2629 = tpu.vector_load %arg14[%get3A_2627, %get3A_2628] {strides = array<i32>} : memref<64x128xf32, #tpu.memory_space<vmem>>, vector<1x16xf32>,
        %get3A_2630 = vector.shape_cast %get3A_2629 : vector<1x16xf32> to vector<16xf32>
        %mul3A_2631 = arith.mulf %get3A_2630, %gather3A_2521 : vector<16xf32>
        %get3A_2632 = arith.index_cast %min3A_2462 : i32 to index
        %get3A_2633 = arith.constant 112 : index
        %get3A_2634 = tpu.vector_load %arg8[%get3A_2632, %get3A_2633] {strides = array<i32>} : memref<528x144xf32, #tpu.memory_space<vmem>>, vector<1x16xf32>,
        %get3A_2635 = vector.shape_cast %get3A_2634 : vector<1x16xf32> to vector<16xf32>
        %add3A_2636 = arith.addf %get3A_2635, %mul3A_2631 : vector<16xf32>
        %swap3A_2637 = arith.index_cast %min3A_2462 : i32 to index
        %swap3A_2638 = arith.constant 112 : index
        %swap3A_2639 = tpu.vector_load %arg8[%swap3A_2637, %swap3A_2638] {strides = array<i32>} : memref<528x144xf32, #tpu.memory_space<vmem>>, vector<1x16xf32>,
        %swap3A_2640 = vector.shape_cast %swap3A_2639 : vector<1x16xf32> to vector<16xf32>
        %swap3A_2641 = vector.shape_cast %add3A_2636 : vector<16xf32> to vector<1x16xf32>
        tpu.vector_store %arg8[%swap3A_2637, %swap3A_2638], %swap3A_2641 {strides = array<i32>} : memref<528x144xf32, #tpu.memory_space<vmem>>, vector<1x16xf32>,
        %mul3A_2642 = arith.constant 16 : i32
        %mul3A_2643 = arith.muli %scan3A_151, %mul3A_2642 : i32
        %add3A_2644 = arith.constant 13 : i32
        %add3A_2645 = arith.addi %mul3A_2643, %add3A_2644 : i32
        %slice3A_2646 = vector.extract_strided_slice %get3A_156 {offsets = [13], sizes = [1], strides = [1]} : vector<16xi32> to vector<1xi32>
        %squeeze3A_2647 = vector.extract %slice3A_2646[0] : i32 from vector<1xi32>
        %slice3A_2648 = vector.extract_strided_slice %get3A_166 {offsets = [13], sizes = [1], strides = [1]} : vector<16xi32> to vector<1xi32>
        %squeeze3A_2649 = vector.extract %slice3A_2648[0] : i32 from vector<1xi32>
        %slice3A_2650 = vector.extract_strided_slice %get3A_161 {offsets = [13], sizes = [1], strides = [1]} : vector<16xi32> to vector<1xi32>
        %squeeze3A_2651 = vector.extract %slice3A_2650[0] : i32 from vector<1xi32>
        %min3A_2652 = arith.constant 524 : i32
        %min3A_2653 = arith.minsi %squeeze3A_2651, %min3A_2652 : i32
        %and3A_2654 = arith.constant 7 : i32
        %and3A_2655 = arith.andi %squeeze3A_2647, %and3A_2654 : i32
        %mul3A_2656 = arith.constant 16 : i32
        %mul3A_2657 = arith.muli %and3A_2655, %mul3A_2656 : i32
        %and3A_2658 = arith.constant 7 : i32
        %and3A_2659 = arith.andi %squeeze3A_2649, %and3A_2658 : i32
        %mul3A_2660 = arith.constant 16 : i32
        %mul3A_2661 = arith.muli %and3A_2659, %mul3A_2660 : i32
        %get3A_2662 = arith.index_cast %add3A_2645 : i32 to index
        %get3A_2663 = arith.index_cast %mul3A_2657 : i32 to index
        %get3A_2664 = tpu.vector_load %arg15[%get3A_2662, %get3A_2663] {strides = array<i32>} : memref<64x128xf32, #tpu.memory_space<vmem>>, vector<1x16xf32>,
        %get3A_2665 = vector.shape_cast %get3A_2664 : vector<1x16xf32> to vector<16xf32>
        %get3A_2666 = arith.index_cast %add3A_2645 : i32 to index
        %get3A_2667 = arith.index_cast %mul3A_2661 : i32 to index
        %get3A_2668 = tpu.vector_load %arg16[%get3A_2666, %get3A_2667] {strides = array<i32>} : memref<64x128xf32, #tpu.memory_space<vmem>>, vector<1x16xf32>,
        %get3A_2669 = vector.shape_cast %get3A_2668 : vector<1x16xf32> to vector<16xf32>
        %broadcast_in_dim3A_2670 = vector.shape_cast %min3A_10 : vector<16xi32> to vector<16x1xi32>
        %gather3A_2671 = vector.shape_cast %broadcast_in_dim3A_2670 : vector<16x1xi32> to vector<16xi32>
        %gather3A_2672 = tpu.dynamic_gather %get3A_2669[%gather3A_2671] in [0] : vector<16xf32>, vector<16xi32> -> vector<16xf32>
        %add3A_2673 = arith.addf %get3A_2665, %gather3A_2672 : vector<16xf32>
        %mul3A_2674 = arith.constant 2.000000e-01 : f32
        %mul3A_2675 = vector.broadcast %mul3A_2674 : f32 to vector<16xf32>
        %mul3A_2676 = arith.mulf %mul3A_2675, %add3A_2673 : vector<16xf32>
        %max3A_2677 = arith.maximumf %add3A_2673, %mul3A_2676 : vector<16xf32>
        %exp3A_2678 = math.exp %max3A_2677 : vector<16xf32>
        %get3A_2679 = arith.index_cast %min3A_2653 : i32 to index
        %get3A_2680 = arith.constant 128 : index
        %get3A_2681 = tpu.vector_load %arg8[%get3A_2679, %get3A_2680] {strides = array<i32>} : memref<528x144xf32, #tpu.memory_space<vmem>>, vector<1x16xf32>,
        %get3A_2682 = vector.shape_cast %get3A_2681 : vector<1x16xf32> to vector<16xf32>
        %lt3A_2683 = arith.constant 4 : i32
        %lt3A_2684 = vector.broadcast %lt3A_2683 : i32 to vector<16xi32>
        %lt3A_2685 = arith.cmpi slt, %iota3A, %lt3A_2684 : vector<16xi32>
        %select_n3A_2686 = arith.select %lt3A_2685, %exp3A_2678, %broadcast_in_dim3A_1 : vector<16xi1>, vector<16xf32>
        %add3A_2687 = arith.addf %get3A_2682, %select_n3A_2686 : vector<16xf32>
        %swap3A_2688 = arith.index_cast %min3A_2653 : i32 to index
        %swap3A_2689 = arith.constant 128 : index
        %swap3A_2690 = tpu.vector_load %arg8[%swap3A_2688, %swap3A_2689] {strides = array<i32>} : memref<528x144xf32, #tpu.memory_space<vmem>>, vector<1x16xf32>,
        %swap3A_2691 = vector.shape_cast %swap3A_2690 : vector<1x16xf32> to vector<16xf32>
        %swap3A_2692 = vector.shape_cast %add3A_2687 : vector<16xf32> to vector<1x16xf32>
        tpu.vector_store %arg8[%swap3A_2688, %swap3A_2689], %swap3A_2692 {strides = array<i32>} : memref<528x144xf32, #tpu.memory_space<vmem>>, vector<1x16xf32>,
        %broadcast_in_dim3A_2693 = arith.constant 0 : i32
        %broadcast_in_dim3A_2694 = vector.broadcast %broadcast_in_dim3A_2693 : i32 to vector<16xi32>
        %broadcast_in_dim3A_2695 = vector.shape_cast %broadcast_in_dim3A_2694 : vector<16xi32> to vector<16x1xi32>
        %gather3A_2696 = vector.shape_cast %broadcast_in_dim3A_2695 : vector<16x1xi32> to vector<16xi32>
        %gather3A_2697 = tpu.dynamic_gather %exp3A_2678[%gather3A_2696] in [0] : vector<16xf32>, vector<16xi32> -> vector<16xf32>
        %broadcast_in_dim3A_2698 = arith.constant 1 : i32
        %broadcast_in_dim3A_2699 = vector.broadcast %broadcast_in_dim3A_2698 : i32 to vector<16xi32>
        %broadcast_in_dim3A_2700 = vector.shape_cast %broadcast_in_dim3A_2699 : vector<16xi32> to vector<16x1xi32>
        %gather3A_2701 = vector.shape_cast %broadcast_in_dim3A_2700 : vector<16x1xi32> to vector<16xi32>
        %gather3A_2702 = tpu.dynamic_gather %exp3A_2678[%gather3A_2701] in [0] : vector<16xf32>, vector<16xi32> -> vector<16xf32>
        %broadcast_in_dim3A_2703 = arith.constant 2 : i32
        %broadcast_in_dim3A_2704 = vector.broadcast %broadcast_in_dim3A_2703 : i32 to vector<16xi32>
        %broadcast_in_dim3A_2705 = vector.shape_cast %broadcast_in_dim3A_2704 : vector<16xi32> to vector<16x1xi32>
        %gather3A_2706 = vector.shape_cast %broadcast_in_dim3A_2705 : vector<16x1xi32> to vector<16xi32>
        %gather3A_2707 = tpu.dynamic_gather %exp3A_2678[%gather3A_2706] in [0] : vector<16xf32>, vector<16xi32> -> vector<16xf32>
        %broadcast_in_dim3A_2708 = arith.constant 3 : i32
        %broadcast_in_dim3A_2709 = vector.broadcast %broadcast_in_dim3A_2708 : i32 to vector<16xi32>
        %broadcast_in_dim3A_2710 = vector.shape_cast %broadcast_in_dim3A_2709 : vector<16xi32> to vector<16x1xi32>
        %gather3A_2711 = vector.shape_cast %broadcast_in_dim3A_2710 : vector<16x1xi32> to vector<16xi32>
        %gather3A_2712 = tpu.dynamic_gather %exp3A_2678[%gather3A_2711] in [0] : vector<16xf32>, vector<16xi32> -> vector<16xf32>
        %get3A_2713 = arith.index_cast %add3A_2645 : i32 to index
        %get3A_2714 = arith.constant 0 : index
        %get3A_2715 = tpu.vector_load %arg14[%get3A_2713, %get3A_2714] {strides = array<i32>} : memref<64x128xf32, #tpu.memory_space<vmem>>, vector<1x16xf32>,
        %get3A_2716 = vector.shape_cast %get3A_2715 : vector<1x16xf32> to vector<16xf32>
        %mul3A_2717 = arith.mulf %get3A_2716, %gather3A_2697 : vector<16xf32>
        %get3A_2718 = arith.index_cast %min3A_2653 : i32 to index
        %get3A_2719 = arith.constant 0 : index
        %get3A_2720 = tpu.vector_load %arg8[%get3A_2718, %get3A_2719] {strides = array<i32>} : memref<528x144xf32, #tpu.memory_space<vmem>>, vector<1x16xf32>,
        %get3A_2721 = vector.shape_cast %get3A_2720 : vector<1x16xf32> to vector<16xf32>
        %add3A_2722 = arith.addf %get3A_2721, %mul3A_2717 : vector<16xf32>
        %swap3A_2723 = arith.index_cast %min3A_2653 : i32 to index
        %swap3A_2724 = arith.constant 0 : index
        %swap3A_2725 = tpu.vector_load %arg8[%swap3A_2723, %swap3A_2724] {strides = array<i32>} : memref<528x144xf32, #tpu.memory_space<vmem>>, vector<1x16xf32>,
        %swap3A_2726 = vector.shape_cast %swap3A_2725 : vector<1x16xf32> to vector<16xf32>
        %swap3A_2727 = vector.shape_cast %add3A_2722 : vector<16xf32> to vector<1x16xf32>
        tpu.vector_store %arg8[%swap3A_2723, %swap3A_2724], %swap3A_2727 {strides = array<i32>} : memref<528x144xf32, #tpu.memory_space<vmem>>, vector<1x16xf32>,
        %get3A_2728 = arith.index_cast %add3A_2645 : i32 to index
        %get3A_2729 = arith.constant 16 : index
        %get3A_2730 = tpu.vector_load %arg14[%get3A_2728, %get3A_2729] {strides = array<i32>} : memref<64x128xf32, #tpu.memory_space<vmem>>, vector<1x16xf32>,
        %get3A_2731 = vector.shape_cast %get3A_2730 : vector<1x16xf32> to vector<16xf32>
        %mul3A_2732 = arith.mulf %get3A_2731, %gather3A_2697 : vector<16xf32>
        %get3A_2733 = arith.index_cast %min3A_2653 : i32 to index
        %get3A_2734 = arith.constant 16 : index
        %get3A_2735 = tpu.vector_load %arg8[%get3A_2733, %get3A_2734] {strides = array<i32>} : memref<528x144xf32, #tpu.memory_space<vmem>>, vector<1x16xf32>,
        %get3A_2736 = vector.shape_cast %get3A_2735 : vector<1x16xf32> to vector<16xf32>
        %add3A_2737 = arith.addf %get3A_2736, %mul3A_2732 : vector<16xf32>
        %swap3A_2738 = arith.index_cast %min3A_2653 : i32 to index
        %swap3A_2739 = arith.constant 16 : index
        %swap3A_2740 = tpu.vector_load %arg8[%swap3A_2738, %swap3A_2739] {strides = array<i32>} : memref<528x144xf32, #tpu.memory_space<vmem>>, vector<1x16xf32>,
        %swap3A_2741 = vector.shape_cast %swap3A_2740 : vector<1x16xf32> to vector<16xf32>
        %swap3A_2742 = vector.shape_cast %add3A_2737 : vector<16xf32> to vector<1x16xf32>
        tpu.vector_store %arg8[%swap3A_2738, %swap3A_2739], %swap3A_2742 {strides = array<i32>} : memref<528x144xf32, #tpu.memory_space<vmem>>, vector<1x16xf32>,
        %get3A_2743 = arith.index_cast %add3A_2645 : i32 to index
        %get3A_2744 = arith.constant 32 : index
        %get3A_2745 = tpu.vector_load %arg14[%get3A_2743, %get3A_2744] {strides = array<i32>} : memref<64x128xf32, #tpu.memory_space<vmem>>, vector<1x16xf32>,
        %get3A_2746 = vector.shape_cast %get3A_2745 : vector<1x16xf32> to vector<16xf32>
        %mul3A_2747 = arith.mulf %get3A_2746, %gather3A_2702 : vector<16xf32>
        %get3A_2748 = arith.index_cast %min3A_2653 : i32 to index
        %get3A_2749 = arith.constant 32 : index
        %get3A_2750 = tpu.vector_load %arg8[%get3A_2748, %get3A_2749] {strides = array<i32>} : memref<528x144xf32, #tpu.memory_space<vmem>>, vector<1x16xf32>,
        %get3A_2751 = vector.shape_cast %get3A_2750 : vector<1x16xf32> to vector<16xf32>
        %add3A_2752 = arith.addf %get3A_2751, %mul3A_2747 : vector<16xf32>
        %swap3A_2753 = arith.index_cast %min3A_2653 : i32 to index
        %swap3A_2754 = arith.constant 32 : index
        %swap3A_2755 = tpu.vector_load %arg8[%swap3A_2753, %swap3A_2754] {strides = array<i32>} : memref<528x144xf32, #tpu.memory_space<vmem>>, vector<1x16xf32>,
        %swap3A_2756 = vector.shape_cast %swap3A_2755 : vector<1x16xf32> to vector<16xf32>
        %swap3A_2757 = vector.shape_cast %add3A_2752 : vector<16xf32> to vector<1x16xf32>
        tpu.vector_store %arg8[%swap3A_2753, %swap3A_2754], %swap3A_2757 {strides = array<i32>} : memref<528x144xf32, #tpu.memory_space<vmem>>, vector<1x16xf32>,
        %get3A_2758 = arith.index_cast %add3A_2645 : i32 to index
        %get3A_2759 = arith.constant 48 : index
        %get3A_2760 = tpu.vector_load %arg14[%get3A_2758, %get3A_2759] {strides = array<i32>} : memref<64x128xf32, #tpu.memory_space<vmem>>, vector<1x16xf32>,
        %get3A_2761 = vector.shape_cast %get3A_2760 : vector<1x16xf32> to vector<16xf32>
        %mul3A_2762 = arith.mulf %get3A_2761, %gather3A_2702 : vector<16xf32>
        %get3A_2763 = arith.index_cast %min3A_2653 : i32 to index
        %get3A_2764 = arith.constant 48 : index
        %get3A_2765 = tpu.vector_load %arg8[%get3A_2763, %get3A_2764] {strides = array<i32>} : memref<528x144xf32, #tpu.memory_space<vmem>>, vector<1x16xf32>,
        %get3A_2766 = vector.shape_cast %get3A_2765 : vector<1x16xf32> to vector<16xf32>
        %add3A_2767 = arith.addf %get3A_2766, %mul3A_2762 : vector<16xf32>
        %swap3A_2768 = arith.index_cast %min3A_2653 : i32 to index
        %swap3A_2769 = arith.constant 48 : index
        %swap3A_2770 = tpu.vector_load %arg8[%swap3A_2768, %swap3A_2769] {strides = array<i32>} : memref<528x144xf32, #tpu.memory_space<vmem>>, vector<1x16xf32>,
        %swap3A_2771 = vector.shape_cast %swap3A_2770 : vector<1x16xf32> to vector<16xf32>
        %swap3A_2772 = vector.shape_cast %add3A_2767 : vector<16xf32> to vector<1x16xf32>
        tpu.vector_store %arg8[%swap3A_2768, %swap3A_2769], %swap3A_2772 {strides = array<i32>} : memref<528x144xf32, #tpu.memory_space<vmem>>, vector<1x16xf32>,
        %get3A_2773 = arith.index_cast %add3A_2645 : i32 to index
        %get3A_2774 = arith.constant 64 : index
        %get3A_2775 = tpu.vector_load %arg14[%get3A_2773, %get3A_2774] {strides = array<i32>} : memref<64x128xf32, #tpu.memory_space<vmem>>, vector<1x16xf32>,
        %get3A_2776 = vector.shape_cast %get3A_2775 : vector<1x16xf32> to vector<16xf32>
        %mul3A_2777 = arith.mulf %get3A_2776, %gather3A_2707 : vector<16xf32>
        %get3A_2778 = arith.index_cast %min3A_2653 : i32 to index
        %get3A_2779 = arith.constant 64 : index
        %get3A_2780 = tpu.vector_load %arg8[%get3A_2778, %get3A_2779] {strides = array<i32>} : memref<528x144xf32, #tpu.memory_space<vmem>>, vector<1x16xf32>,
        %get3A_2781 = vector.shape_cast %get3A_2780 : vector<1x16xf32> to vector<16xf32>
        %add3A_2782 = arith.addf %get3A_2781, %mul3A_2777 : vector<16xf32>
        %swap3A_2783 = arith.index_cast %min3A_2653 : i32 to index
        %swap3A_2784 = arith.constant 64 : index
        %swap3A_2785 = tpu.vector_load %arg8[%swap3A_2783, %swap3A_2784] {strides = array<i32>} : memref<528x144xf32, #tpu.memory_space<vmem>>, vector<1x16xf32>,
        %swap3A_2786 = vector.shape_cast %swap3A_2785 : vector<1x16xf32> to vector<16xf32>
        %swap3A_2787 = vector.shape_cast %add3A_2782 : vector<16xf32> to vector<1x16xf32>
        tpu.vector_store %arg8[%swap3A_2783, %swap3A_2784], %swap3A_2787 {strides = array<i32>} : memref<528x144xf32, #tpu.memory_space<vmem>>, vector<1x16xf32>,
        %get3A_2788 = arith.index_cast %add3A_2645 : i32 to index
        %get3A_2789 = arith.constant 80 : index
        %get3A_2790 = tpu.vector_load %arg14[%get3A_2788, %get3A_2789] {strides = array<i32>} : memref<64x128xf32, #tpu.memory_space<vmem>>, vector<1x16xf32>,
        %get3A_2791 = vector.shape_cast %get3A_2790 : vector<1x16xf32> to vector<16xf32>
        %mul3A_2792 = arith.mulf %get3A_2791, %gather3A_2707 : vector<16xf32>
        %get3A_2793 = arith.index_cast %min3A_2653 : i32 to index
        %get3A_2794 = arith.constant 80 : index
        %get3A_2795 = tpu.vector_load %arg8[%get3A_2793, %get3A_2794] {strides = array<i32>} : memref<528x144xf32, #tpu.memory_space<vmem>>, vector<1x16xf32>,
        %get3A_2796 = vector.shape_cast %get3A_2795 : vector<1x16xf32> to vector<16xf32>
        %add3A_2797 = arith.addf %get3A_2796, %mul3A_2792 : vector<16xf32>
        %swap3A_2798 = arith.index_cast %min3A_2653 : i32 to index
        %swap3A_2799 = arith.constant 80 : index
        %swap3A_2800 = tpu.vector_load %arg8[%swap3A_2798, %swap3A_2799] {strides = array<i32>} : memref<528x144xf32, #tpu.memory_space<vmem>>, vector<1x16xf32>,
        %swap3A_2801 = vector.shape_cast %swap3A_2800 : vector<1x16xf32> to vector<16xf32>
        %swap3A_2802 = vector.shape_cast %add3A_2797 : vector<16xf32> to vector<1x16xf32>
        tpu.vector_store %arg8[%swap3A_2798, %swap3A_2799], %swap3A_2802 {strides = array<i32>} : memref<528x144xf32, #tpu.memory_space<vmem>>, vector<1x16xf32>,
        %get3A_2803 = arith.index_cast %add3A_2645 : i32 to index
        %get3A_2804 = arith.constant 96 : index
        %get3A_2805 = tpu.vector_load %arg14[%get3A_2803, %get3A_2804] {strides = array<i32>} : memref<64x128xf32, #tpu.memory_space<vmem>>, vector<1x16xf32>,
        %get3A_2806 = vector.shape_cast %get3A_2805 : vector<1x16xf32> to vector<16xf32>
        %mul3A_2807 = arith.mulf %get3A_2806, %gather3A_2712 : vector<16xf32>
        %get3A_2808 = arith.index_cast %min3A_2653 : i32 to index
        %get3A_2809 = arith.constant 96 : index
        %get3A_2810 = tpu.vector_load %arg8[%get3A_2808, %get3A_2809] {strides = array<i32>} : memref<528x144xf32, #tpu.memory_space<vmem>>, vector<1x16xf32>,
        %get3A_2811 = vector.shape_cast %get3A_2810 : vector<1x16xf32> to vector<16xf32>
        %add3A_2812 = arith.addf %get3A_2811, %mul3A_2807 : vector<16xf32>
        %swap3A_2813 = arith.index_cast %min3A_2653 : i32 to index
        %swap3A_2814 = arith.constant 96 : index
        %swap3A_2815 = tpu.vector_load %arg8[%swap3A_2813, %swap3A_2814] {strides = array<i32>} : memref<528x144xf32, #tpu.memory_space<vmem>>, vector<1x16xf32>,
        %swap3A_2816 = vector.shape_cast %swap3A_2815 : vector<1x16xf32> to vector<16xf32>
        %swap3A_2817 = vector.shape_cast %add3A_2812 : vector<16xf32> to vector<1x16xf32>
        tpu.vector_store %arg8[%swap3A_2813, %swap3A_2814], %swap3A_2817 {strides = array<i32>} : memref<528x144xf32, #tpu.memory_space<vmem>>, vector<1x16xf32>,
        %get3A_2818 = arith.index_cast %add3A_2645 : i32 to index
        %get3A_2819 = arith.constant 112 : index
        %get3A_2820 = tpu.vector_load %arg14[%get3A_2818, %get3A_2819] {strides = array<i32>} : memref<64x128xf32, #tpu.memory_space<vmem>>, vector<1x16xf32>,
        %get3A_2821 = vector.shape_cast %get3A_2820 : vector<1x16xf32> to vector<16xf32>
        %mul3A_2822 = arith.mulf %get3A_2821, %gather3A_2712 : vector<16xf32>
        %get3A_2823 = arith.index_cast %min3A_2653 : i32 to index
        %get3A_2824 = arith.constant 112 : index
        %get3A_2825 = tpu.vector_load %arg8[%get3A_2823, %get3A_2824] {strides = array<i32>} : memref<528x144xf32, #tpu.memory_space<vmem>>, vector<1x16xf32>,
        %get3A_2826 = vector.shape_cast %get3A_2825 : vector<1x16xf32> to vector<16xf32>
        %add3A_2827 = arith.addf %get3A_2826, %mul3A_2822 : vector<16xf32>
        %swap3A_2828 = arith.index_cast %min3A_2653 : i32 to index
        %swap3A_2829 = arith.constant 112 : index
        %swap3A_2830 = tpu.vector_load %arg8[%swap3A_2828, %swap3A_2829] {strides = array<i32>} : memref<528x144xf32, #tpu.memory_space<vmem>>, vector<1x16xf32>,
        %swap3A_2831 = vector.shape_cast %swap3A_2830 : vector<1x16xf32> to vector<16xf32>
        %swap3A_2832 = vector.shape_cast %add3A_2827 : vector<16xf32> to vector<1x16xf32>
        tpu.vector_store %arg8[%swap3A_2828, %swap3A_2829], %swap3A_2832 {strides = array<i32>} : memref<528x144xf32, #tpu.memory_space<vmem>>, vector<1x16xf32>,
        %mul3A_2833 = arith.constant 16 : i32
        %mul3A_2834 = arith.muli %scan3A_151, %mul3A_2833 : i32
        %add3A_2835 = arith.constant 14 : i32
        %add3A_2836 = arith.addi %mul3A_2834, %add3A_2835 : i32
        %slice3A_2837 = vector.extract_strided_slice %get3A_156 {offsets = [14], sizes = [1], strides = [1]} : vector<16xi32> to vector<1xi32>
        %squeeze3A_2838 = vector.extract %slice3A_2837[0] : i32 from vector<1xi32>
        %slice3A_2839 = vector.extract_strided_slice %get3A_166 {offsets = [14], sizes = [1], strides = [1]} : vector<16xi32> to vector<1xi32>
        %squeeze3A_2840 = vector.extract %slice3A_2839[0] : i32 from vector<1xi32>
        %slice3A_2841 = vector.extract_strided_slice %get3A_161 {offsets = [14], sizes = [1], strides = [1]} : vector<16xi32> to vector<1xi32>
        %squeeze3A_2842 = vector.extract %slice3A_2841[0] : i32 from vector<1xi32>
        %min3A_2843 = arith.constant 524 : i32
        %min3A_2844 = arith.minsi %squeeze3A_2842, %min3A_2843 : i32
        %and3A_2845 = arith.constant 7 : i32
        %and3A_2846 = arith.andi %squeeze3A_2838, %and3A_2845 : i32
        %mul3A_2847 = arith.constant 16 : i32
        %mul3A_2848 = arith.muli %and3A_2846, %mul3A_2847 : i32
        %and3A_2849 = arith.constant 7 : i32
        %and3A_2850 = arith.andi %squeeze3A_2840, %and3A_2849 : i32
        %mul3A_2851 = arith.constant 16 : i32
        %mul3A_2852 = arith.muli %and3A_2850, %mul3A_2851 : i32
        %get3A_2853 = arith.index_cast %add3A_2836 : i32 to index
        %get3A_2854 = arith.index_cast %mul3A_2848 : i32 to index
        %get3A_2855 = tpu.vector_load %arg15[%get3A_2853, %get3A_2854] {strides = array<i32>} : memref<64x128xf32, #tpu.memory_space<vmem>>, vector<1x16xf32>,
        %get3A_2856 = vector.shape_cast %get3A_2855 : vector<1x16xf32> to vector<16xf32>
        %get3A_2857 = arith.index_cast %add3A_2836 : i32 to index
        %get3A_2858 = arith.index_cast %mul3A_2852 : i32 to index
        %get3A_2859 = tpu.vector_load %arg16[%get3A_2857, %get3A_2858] {strides = array<i32>} : memref<64x128xf32, #tpu.memory_space<vmem>>, vector<1x16xf32>,
        %get3A_2860 = vector.shape_cast %get3A_2859 : vector<1x16xf32> to vector<16xf32>
        %broadcast_in_dim3A_2861 = vector.shape_cast %min3A_10 : vector<16xi32> to vector<16x1xi32>
        %gather3A_2862 = vector.shape_cast %broadcast_in_dim3A_2861 : vector<16x1xi32> to vector<16xi32>
        %gather3A_2863 = tpu.dynamic_gather %get3A_2860[%gather3A_2862] in [0] : vector<16xf32>, vector<16xi32> -> vector<16xf32>
        %add3A_2864 = arith.addf %get3A_2856, %gather3A_2863 : vector<16xf32>
        %mul3A_2865 = arith.constant 2.000000e-01 : f32
        %mul3A_2866 = vector.broadcast %mul3A_2865 : f32 to vector<16xf32>
        %mul3A_2867 = arith.mulf %mul3A_2866, %add3A_2864 : vector<16xf32>
        %max3A_2868 = arith.maximumf %add3A_2864, %mul3A_2867 : vector<16xf32>
        %exp3A_2869 = math.exp %max3A_2868 : vector<16xf32>
        %get3A_2870 = arith.index_cast %min3A_2844 : i32 to index
        %get3A_2871 = arith.constant 128 : index
        %get3A_2872 = tpu.vector_load %arg8[%get3A_2870, %get3A_2871] {strides = array<i32>} : memref<528x144xf32, #tpu.memory_space<vmem>>, vector<1x16xf32>,
        %get3A_2873 = vector.shape_cast %get3A_2872 : vector<1x16xf32> to vector<16xf32>
        %lt3A_2874 = arith.constant 4 : i32
        %lt3A_2875 = vector.broadcast %lt3A_2874 : i32 to vector<16xi32>
        %lt3A_2876 = arith.cmpi slt, %iota3A, %lt3A_2875 : vector<16xi32>
        %select_n3A_2877 = arith.select %lt3A_2876, %exp3A_2869, %broadcast_in_dim3A_1 : vector<16xi1>, vector<16xf32>
        %add3A_2878 = arith.addf %get3A_2873, %select_n3A_2877 : vector<16xf32>
        %swap3A_2879 = arith.index_cast %min3A_2844 : i32 to index
        %swap3A_2880 = arith.constant 128 : index
        %swap3A_2881 = tpu.vector_load %arg8[%swap3A_2879, %swap3A_2880] {strides = array<i32>} : memref<528x144xf32, #tpu.memory_space<vmem>>, vector<1x16xf32>,
        %swap3A_2882 = vector.shape_cast %swap3A_2881 : vector<1x16xf32> to vector<16xf32>
        %swap3A_2883 = vector.shape_cast %add3A_2878 : vector<16xf32> to vector<1x16xf32>
        tpu.vector_store %arg8[%swap3A_2879, %swap3A_2880], %swap3A_2883 {strides = array<i32>} : memref<528x144xf32, #tpu.memory_space<vmem>>, vector<1x16xf32>,
        %broadcast_in_dim3A_2884 = arith.constant 0 : i32
        %broadcast_in_dim3A_2885 = vector.broadcast %broadcast_in_dim3A_2884 : i32 to vector<16xi32>
        %broadcast_in_dim3A_2886 = vector.shape_cast %broadcast_in_dim3A_2885 : vector<16xi32> to vector<16x1xi32>
        %gather3A_2887 = vector.shape_cast %broadcast_in_dim3A_2886 : vector<16x1xi32> to vector<16xi32>
        %gather3A_2888 = tpu.dynamic_gather %exp3A_2869[%gather3A_2887] in [0] : vector<16xf32>, vector<16xi32> -> vector<16xf32>
        %broadcast_in_dim3A_2889 = arith.constant 1 : i32
        %broadcast_in_dim3A_2890 = vector.broadcast %broadcast_in_dim3A_2889 : i32 to vector<16xi32>
        %broadcast_in_dim3A_2891 = vector.shape_cast %broadcast_in_dim3A_2890 : vector<16xi32> to vector<16x1xi32>
        %gather3A_2892 = vector.shape_cast %broadcast_in_dim3A_2891 : vector<16x1xi32> to vector<16xi32>
        %gather3A_2893 = tpu.dynamic_gather %exp3A_2869[%gather3A_2892] in [0] : vector<16xf32>, vector<16xi32> -> vector<16xf32>
        %broadcast_in_dim3A_2894 = arith.constant 2 : i32
        %broadcast_in_dim3A_2895 = vector.broadcast %broadcast_in_dim3A_2894 : i32 to vector<16xi32>
        %broadcast_in_dim3A_2896 = vector.shape_cast %broadcast_in_dim3A_2895 : vector<16xi32> to vector<16x1xi32>
        %gather3A_2897 = vector.shape_cast %broadcast_in_dim3A_2896 : vector<16x1xi32> to vector<16xi32>
        %gather3A_2898 = tpu.dynamic_gather %exp3A_2869[%gather3A_2897] in [0] : vector<16xf32>, vector<16xi32> -> vector<16xf32>
        %broadcast_in_dim3A_2899 = arith.constant 3 : i32
        %broadcast_in_dim3A_2900 = vector.broadcast %broadcast_in_dim3A_2899 : i32 to vector<16xi32>
        %broadcast_in_dim3A_2901 = vector.shape_cast %broadcast_in_dim3A_2900 : vector<16xi32> to vector<16x1xi32>
        %gather3A_2902 = vector.shape_cast %broadcast_in_dim3A_2901 : vector<16x1xi32> to vector<16xi32>
        %gather3A_2903 = tpu.dynamic_gather %exp3A_2869[%gather3A_2902] in [0] : vector<16xf32>, vector<16xi32> -> vector<16xf32>
        %get3A_2904 = arith.index_cast %add3A_2836 : i32 to index
        %get3A_2905 = arith.constant 0 : index
        %get3A_2906 = tpu.vector_load %arg14[%get3A_2904, %get3A_2905] {strides = array<i32>} : memref<64x128xf32, #tpu.memory_space<vmem>>, vector<1x16xf32>,
        %get3A_2907 = vector.shape_cast %get3A_2906 : vector<1x16xf32> to vector<16xf32>
        %mul3A_2908 = arith.mulf %get3A_2907, %gather3A_2888 : vector<16xf32>
        %get3A_2909 = arith.index_cast %min3A_2844 : i32 to index
        %get3A_2910 = arith.constant 0 : index
        %get3A_2911 = tpu.vector_load %arg8[%get3A_2909, %get3A_2910] {strides = array<i32>} : memref<528x144xf32, #tpu.memory_space<vmem>>, vector<1x16xf32>,
        %get3A_2912 = vector.shape_cast %get3A_2911 : vector<1x16xf32> to vector<16xf32>
        %add3A_2913 = arith.addf %get3A_2912, %mul3A_2908 : vector<16xf32>
        %swap3A_2914 = arith.index_cast %min3A_2844 : i32 to index
        %swap3A_2915 = arith.constant 0 : index
        %swap3A_2916 = tpu.vector_load %arg8[%swap3A_2914, %swap3A_2915] {strides = array<i32>} : memref<528x144xf32, #tpu.memory_space<vmem>>, vector<1x16xf32>,
        %swap3A_2917 = vector.shape_cast %swap3A_2916 : vector<1x16xf32> to vector<16xf32>
        %swap3A_2918 = vector.shape_cast %add3A_2913 : vector<16xf32> to vector<1x16xf32>
        tpu.vector_store %arg8[%swap3A_2914, %swap3A_2915], %swap3A_2918 {strides = array<i32>} : memref<528x144xf32, #tpu.memory_space<vmem>>, vector<1x16xf32>,
        %get3A_2919 = arith.index_cast %add3A_2836 : i32 to index
        %get3A_2920 = arith.constant 16 : index
        %get3A_2921 = tpu.vector_load %arg14[%get3A_2919, %get3A_2920] {strides = array<i32>} : memref<64x128xf32, #tpu.memory_space<vmem>>, vector<1x16xf32>,
        %get3A_2922 = vector.shape_cast %get3A_2921 : vector<1x16xf32> to vector<16xf32>
        %mul3A_2923 = arith.mulf %get3A_2922, %gather3A_2888 : vector<16xf32>
        %get3A_2924 = arith.index_cast %min3A_2844 : i32 to index
        %get3A_2925 = arith.constant 16 : index
        %get3A_2926 = tpu.vector_load %arg8[%get3A_2924, %get3A_2925] {strides = array<i32>} : memref<528x144xf32, #tpu.memory_space<vmem>>, vector<1x16xf32>,
        %get3A_2927 = vector.shape_cast %get3A_2926 : vector<1x16xf32> to vector<16xf32>
        %add3A_2928 = arith.addf %get3A_2927, %mul3A_2923 : vector<16xf32>
        %swap3A_2929 = arith.index_cast %min3A_2844 : i32 to index
        %swap3A_2930 = arith.constant 16 : index
        %swap3A_2931 = tpu.vector_load %arg8[%swap3A_2929, %swap3A_2930] {strides = array<i32>} : memref<528x144xf32, #tpu.memory_space<vmem>>, vector<1x16xf32>,
        %swap3A_2932 = vector.shape_cast %swap3A_2931 : vector<1x16xf32> to vector<16xf32>
        %swap3A_2933 = vector.shape_cast %add3A_2928 : vector<16xf32> to vector<1x16xf32>
        tpu.vector_store %arg8[%swap3A_2929, %swap3A_2930], %swap3A_2933 {strides = array<i32>} : memref<528x144xf32, #tpu.memory_space<vmem>>, vector<1x16xf32>,
        %get3A_2934 = arith.index_cast %add3A_2836 : i32 to index
        %get3A_2935 = arith.constant 32 : index
        %get3A_2936 = tpu.vector_load %arg14[%get3A_2934, %get3A_2935] {strides = array<i32>} : memref<64x128xf32, #tpu.memory_space<vmem>>, vector<1x16xf32>,
        %get3A_2937 = vector.shape_cast %get3A_2936 : vector<1x16xf32> to vector<16xf32>
        %mul3A_2938 = arith.mulf %get3A_2937, %gather3A_2893 : vector<16xf32>
        %get3A_2939 = arith.index_cast %min3A_2844 : i32 to index
        %get3A_2940 = arith.constant 32 : index
        %get3A_2941 = tpu.vector_load %arg8[%get3A_2939, %get3A_2940] {strides = array<i32>} : memref<528x144xf32, #tpu.memory_space<vmem>>, vector<1x16xf32>,
        %get3A_2942 = vector.shape_cast %get3A_2941 : vector<1x16xf32> to vector<16xf32>
        %add3A_2943 = arith.addf %get3A_2942, %mul3A_2938 : vector<16xf32>
        %swap3A_2944 = arith.index_cast %min3A_2844 : i32 to index
        %swap3A_2945 = arith.constant 32 : index
        %swap3A_2946 = tpu.vector_load %arg8[%swap3A_2944, %swap3A_2945] {strides = array<i32>} : memref<528x144xf32, #tpu.memory_space<vmem>>, vector<1x16xf32>,
        %swap3A_2947 = vector.shape_cast %swap3A_2946 : vector<1x16xf32> to vector<16xf32>
        %swap3A_2948 = vector.shape_cast %add3A_2943 : vector<16xf32> to vector<1x16xf32>
        tpu.vector_store %arg8[%swap3A_2944, %swap3A_2945], %swap3A_2948 {strides = array<i32>} : memref<528x144xf32, #tpu.memory_space<vmem>>, vector<1x16xf32>,
        %get3A_2949 = arith.index_cast %add3A_2836 : i32 to index
        %get3A_2950 = arith.constant 48 : index
        %get3A_2951 = tpu.vector_load %arg14[%get3A_2949, %get3A_2950] {strides = array<i32>} : memref<64x128xf32, #tpu.memory_space<vmem>>, vector<1x16xf32>,
        %get3A_2952 = vector.shape_cast %get3A_2951 : vector<1x16xf32> to vector<16xf32>
        %mul3A_2953 = arith.mulf %get3A_2952, %gather3A_2893 : vector<16xf32>
        %get3A_2954 = arith.index_cast %min3A_2844 : i32 to index
        %get3A_2955 = arith.constant 48 : index
        %get3A_2956 = tpu.vector_load %arg8[%get3A_2954, %get3A_2955] {strides = array<i32>} : memref<528x144xf32, #tpu.memory_space<vmem>>, vector<1x16xf32>,
        %get3A_2957 = vector.shape_cast %get3A_2956 : vector<1x16xf32> to vector<16xf32>
        %add3A_2958 = arith.addf %get3A_2957, %mul3A_2953 : vector<16xf32>
        %swap3A_2959 = arith.index_cast %min3A_2844 : i32 to index
        %swap3A_2960 = arith.constant 48 : index
        %swap3A_2961 = tpu.vector_load %arg8[%swap3A_2959, %swap3A_2960] {strides = array<i32>} : memref<528x144xf32, #tpu.memory_space<vmem>>, vector<1x16xf32>,
        %swap3A_2962 = vector.shape_cast %swap3A_2961 : vector<1x16xf32> to vector<16xf32>
        %swap3A_2963 = vector.shape_cast %add3A_2958 : vector<16xf32> to vector<1x16xf32>
        tpu.vector_store %arg8[%swap3A_2959, %swap3A_2960], %swap3A_2963 {strides = array<i32>} : memref<528x144xf32, #tpu.memory_space<vmem>>, vector<1x16xf32>,
        %get3A_2964 = arith.index_cast %add3A_2836 : i32 to index
        %get3A_2965 = arith.constant 64 : index
        %get3A_2966 = tpu.vector_load %arg14[%get3A_2964, %get3A_2965] {strides = array<i32>} : memref<64x128xf32, #tpu.memory_space<vmem>>, vector<1x16xf32>,
        %get3A_2967 = vector.shape_cast %get3A_2966 : vector<1x16xf32> to vector<16xf32>
        %mul3A_2968 = arith.mulf %get3A_2967, %gather3A_2898 : vector<16xf32>
        %get3A_2969 = arith.index_cast %min3A_2844 : i32 to index
        %get3A_2970 = arith.constant 64 : index
        %get3A_2971 = tpu.vector_load %arg8[%get3A_2969, %get3A_2970] {strides = array<i32>} : memref<528x144xf32, #tpu.memory_space<vmem>>, vector<1x16xf32>,
        %get3A_2972 = vector.shape_cast %get3A_2971 : vector<1x16xf32> to vector<16xf32>
        %add3A_2973 = arith.addf %get3A_2972, %mul3A_2968 : vector<16xf32>
        %swap3A_2974 = arith.index_cast %min3A_2844 : i32 to index
        %swap3A_2975 = arith.constant 64 : index
        %swap3A_2976 = tpu.vector_load %arg8[%swap3A_2974, %swap3A_2975] {strides = array<i32>} : memref<528x144xf32, #tpu.memory_space<vmem>>, vector<1x16xf32>,
        %swap3A_2977 = vector.shape_cast %swap3A_2976 : vector<1x16xf32> to vector<16xf32>
        %swap3A_2978 = vector.shape_cast %add3A_2973 : vector<16xf32> to vector<1x16xf32>
        tpu.vector_store %arg8[%swap3A_2974, %swap3A_2975], %swap3A_2978 {strides = array<i32>} : memref<528x144xf32, #tpu.memory_space<vmem>>, vector<1x16xf32>,
        %get3A_2979 = arith.index_cast %add3A_2836 : i32 to index
        %get3A_2980 = arith.constant 80 : index
        %get3A_2981 = tpu.vector_load %arg14[%get3A_2979, %get3A_2980] {strides = array<i32>} : memref<64x128xf32, #tpu.memory_space<vmem>>, vector<1x16xf32>,
        %get3A_2982 = vector.shape_cast %get3A_2981 : vector<1x16xf32> to vector<16xf32>
        %mul3A_2983 = arith.mulf %get3A_2982, %gather3A_2898 : vector<16xf32>
        %get3A_2984 = arith.index_cast %min3A_2844 : i32 to index
        %get3A_2985 = arith.constant 80 : index
        %get3A_2986 = tpu.vector_load %arg8[%get3A_2984, %get3A_2985] {strides = array<i32>} : memref<528x144xf32, #tpu.memory_space<vmem>>, vector<1x16xf32>,
        %get3A_2987 = vector.shape_cast %get3A_2986 : vector<1x16xf32> to vector<16xf32>
        %add3A_2988 = arith.addf %get3A_2987, %mul3A_2983 : vector<16xf32>
        %swap3A_2989 = arith.index_cast %min3A_2844 : i32 to index
        %swap3A_2990 = arith.constant 80 : index
        %swap3A_2991 = tpu.vector_load %arg8[%swap3A_2989, %swap3A_2990] {strides = array<i32>} : memref<528x144xf32, #tpu.memory_space<vmem>>, vector<1x16xf32>,
        %swap3A_2992 = vector.shape_cast %swap3A_2991 : vector<1x16xf32> to vector<16xf32>
        %swap3A_2993 = vector.shape_cast %add3A_2988 : vector<16xf32> to vector<1x16xf32>
        tpu.vector_store %arg8[%swap3A_2989, %swap3A_2990], %swap3A_2993 {strides = array<i32>} : memref<528x144xf32, #tpu.memory_space<vmem>>, vector<1x16xf32>,
        %get3A_2994 = arith.index_cast %add3A_2836 : i32 to index
        %get3A_2995 = arith.constant 96 : index
        %get3A_2996 = tpu.vector_load %arg14[%get3A_2994, %get3A_2995] {strides = array<i32>} : memref<64x128xf32, #tpu.memory_space<vmem>>, vector<1x16xf32>,
        %get3A_2997 = vector.shape_cast %get3A_2996 : vector<1x16xf32> to vector<16xf32>
        %mul3A_2998 = arith.mulf %get3A_2997, %gather3A_2903 : vector<16xf32>
        %get3A_2999 = arith.index_cast %min3A_2844 : i32 to index
        %get3A_3000 = arith.constant 96 : index
        %get3A_3001 = tpu.vector_load %arg8[%get3A_2999, %get3A_3000] {strides = array<i32>} : memref<528x144xf32, #tpu.memory_space<vmem>>, vector<1x16xf32>,
        %get3A_3002 = vector.shape_cast %get3A_3001 : vector<1x16xf32> to vector<16xf32>
        %add3A_3003 = arith.addf %get3A_3002, %mul3A_2998 : vector<16xf32>
        %swap3A_3004 = arith.index_cast %min3A_2844 : i32 to index
        %swap3A_3005 = arith.constant 96 : index
        %swap3A_3006 = tpu.vector_load %arg8[%swap3A_3004, %swap3A_3005] {strides = array<i32>} : memref<528x144xf32, #tpu.memory_space<vmem>>, vector<1x16xf32>,
        %swap3A_3007 = vector.shape_cast %swap3A_3006 : vector<1x16xf32> to vector<16xf32>
        %swap3A_3008 = vector.shape_cast %add3A_3003 : vector<16xf32> to vector<1x16xf32>
        tpu.vector_store %arg8[%swap3A_3004, %swap3A_3005], %swap3A_3008 {strides = array<i32>} : memref<528x144xf32, #tpu.memory_space<vmem>>, vector<1x16xf32>,
        %get3A_3009 = arith.index_cast %add3A_2836 : i32 to index
        %get3A_3010 = arith.constant 112 : index
        %get3A_3011 = tpu.vector_load %arg14[%get3A_3009, %get3A_3010] {strides = array<i32>} : memref<64x128xf32, #tpu.memory_space<vmem>>, vector<1x16xf32>,
        %get3A_3012 = vector.shape_cast %get3A_3011 : vector<1x16xf32> to vector<16xf32>
        %mul3A_3013 = arith.mulf %get3A_3012, %gather3A_2903 : vector<16xf32>
        %get3A_3014 = arith.index_cast %min3A_2844 : i32 to index
        %get3A_3015 = arith.constant 112 : index
        %get3A_3016 = tpu.vector_load %arg8[%get3A_3014, %get3A_3015] {strides = array<i32>} : memref<528x144xf32, #tpu.memory_space<vmem>>, vector<1x16xf32>,
        %get3A_3017 = vector.shape_cast %get3A_3016 : vector<1x16xf32> to vector<16xf32>
        %add3A_3018 = arith.addf %get3A_3017, %mul3A_3013 : vector<16xf32>
        %swap3A_3019 = arith.index_cast %min3A_2844 : i32 to index
        %swap3A_3020 = arith.constant 112 : index
        %swap3A_3021 = tpu.vector_load %arg8[%swap3A_3019, %swap3A_3020] {strides = array<i32>} : memref<528x144xf32, #tpu.memory_space<vmem>>, vector<1x16xf32>,
        %swap3A_3022 = vector.shape_cast %swap3A_3021 : vector<1x16xf32> to vector<16xf32>
        %swap3A_3023 = vector.shape_cast %add3A_3018 : vector<16xf32> to vector<1x16xf32>
        tpu.vector_store %arg8[%swap3A_3019, %swap3A_3020], %swap3A_3023 {strides = array<i32>} : memref<528x144xf32, #tpu.memory_space<vmem>>, vector<1x16xf32>,
        %mul3A_3024 = arith.constant 16 : i32
        %mul3A_3025 = arith.muli %scan3A_151, %mul3A_3024 : i32
        %add3A_3026 = arith.constant 15 : i32
        %add3A_3027 = arith.addi %mul3A_3025, %add3A_3026 : i32
        %slice3A_3028 = vector.extract_strided_slice %get3A_156 {offsets = [15], sizes = [1], strides = [1]} : vector<16xi32> to vector<1xi32>
        %squeeze3A_3029 = vector.extract %slice3A_3028[0] : i32 from vector<1xi32>
        %slice3A_3030 = vector.extract_strided_slice %get3A_166 {offsets = [15], sizes = [1], strides = [1]} : vector<16xi32> to vector<1xi32>
        %squeeze3A_3031 = vector.extract %slice3A_3030[0] : i32 from vector<1xi32>
        %slice3A_3032 = vector.extract_strided_slice %get3A_161 {offsets = [15], sizes = [1], strides = [1]} : vector<16xi32> to vector<1xi32>
        %squeeze3A_3033 = vector.extract %slice3A_3032[0] : i32 from vector<1xi32>
        %min3A_3034 = arith.constant 524 : i32
        %min3A_3035 = arith.minsi %squeeze3A_3033, %min3A_3034 : i32
        %and3A_3036 = arith.constant 7 : i32
        %and3A_3037 = arith.andi %squeeze3A_3029, %and3A_3036 : i32
        %mul3A_3038 = arith.constant 16 : i32
        %mul3A_3039 = arith.muli %and3A_3037, %mul3A_3038 : i32
        %and3A_3040 = arith.constant 7 : i32
        %and3A_3041 = arith.andi %squeeze3A_3031, %and3A_3040 : i32
        %mul3A_3042 = arith.constant 16 : i32
        %mul3A_3043 = arith.muli %and3A_3041, %mul3A_3042 : i32
        %get3A_3044 = arith.index_cast %add3A_3027 : i32 to index
        %get3A_3045 = arith.index_cast %mul3A_3039 : i32 to index
        %get3A_3046 = tpu.vector_load %arg15[%get3A_3044, %get3A_3045] {strides = array<i32>} : memref<64x128xf32, #tpu.memory_space<vmem>>, vector<1x16xf32>,
        %get3A_3047 = vector.shape_cast %get3A_3046 : vector<1x16xf32> to vector<16xf32>
        %get3A_3048 = arith.index_cast %add3A_3027 : i32 to index
        %get3A_3049 = arith.index_cast %mul3A_3043 : i32 to index
        %get3A_3050 = tpu.vector_load %arg16[%get3A_3048, %get3A_3049] {strides = array<i32>} : memref<64x128xf32, #tpu.memory_space<vmem>>, vector<1x16xf32>,
        %get3A_3051 = vector.shape_cast %get3A_3050 : vector<1x16xf32> to vector<16xf32>
        %broadcast_in_dim3A_3052 = vector.shape_cast %min3A_10 : vector<16xi32> to vector<16x1xi32>
        %gather3A_3053 = vector.shape_cast %broadcast_in_dim3A_3052 : vector<16x1xi32> to vector<16xi32>
        %gather3A_3054 = tpu.dynamic_gather %get3A_3051[%gather3A_3053] in [0] : vector<16xf32>, vector<16xi32> -> vector<16xf32>
        %add3A_3055 = arith.addf %get3A_3047, %gather3A_3054 : vector<16xf32>
        %mul3A_3056 = arith.constant 2.000000e-01 : f32
        %mul3A_3057 = vector.broadcast %mul3A_3056 : f32 to vector<16xf32>
        %mul3A_3058 = arith.mulf %mul3A_3057, %add3A_3055 : vector<16xf32>
        %max3A_3059 = arith.maximumf %add3A_3055, %mul3A_3058 : vector<16xf32>
        %exp3A_3060 = math.exp %max3A_3059 : vector<16xf32>
        %get3A_3061 = arith.index_cast %min3A_3035 : i32 to index
        %get3A_3062 = arith.constant 128 : index
        %get3A_3063 = tpu.vector_load %arg8[%get3A_3061, %get3A_3062] {strides = array<i32>} : memref<528x144xf32, #tpu.memory_space<vmem>>, vector<1x16xf32>,
        %get3A_3064 = vector.shape_cast %get3A_3063 : vector<1x16xf32> to vector<16xf32>
        %lt3A_3065 = arith.constant 4 : i32
        %lt3A_3066 = vector.broadcast %lt3A_3065 : i32 to vector<16xi32>
        %lt3A_3067 = arith.cmpi slt, %iota3A, %lt3A_3066 : vector<16xi32>
        %select_n3A_3068 = arith.select %lt3A_3067, %exp3A_3060, %broadcast_in_dim3A_1 : vector<16xi1>, vector<16xf32>
        %add3A_3069 = arith.addf %get3A_3064, %select_n3A_3068 : vector<16xf32>
        %swap3A_3070 = arith.index_cast %min3A_3035 : i32 to index
        %swap3A_3071 = arith.constant 128 : index
        %swap3A_3072 = tpu.vector_load %arg8[%swap3A_3070, %swap3A_3071] {strides = array<i32>} : memref<528x144xf32, #tpu.memory_space<vmem>>, vector<1x16xf32>,
        %swap3A_3073 = vector.shape_cast %swap3A_3072 : vector<1x16xf32> to vector<16xf32>
        %swap3A_3074 = vector.shape_cast %add3A_3069 : vector<16xf32> to vector<1x16xf32>
        tpu.vector_store %arg8[%swap3A_3070, %swap3A_3071], %swap3A_3074 {strides = array<i32>} : memref<528x144xf32, #tpu.memory_space<vmem>>, vector<1x16xf32>,
        %broadcast_in_dim3A_3075 = arith.constant 0 : i32
        %broadcast_in_dim3A_3076 = vector.broadcast %broadcast_in_dim3A_3075 : i32 to vector<16xi32>
        %broadcast_in_dim3A_3077 = vector.shape_cast %broadcast_in_dim3A_3076 : vector<16xi32> to vector<16x1xi32>
        %gather3A_3078 = vector.shape_cast %broadcast_in_dim3A_3077 : vector<16x1xi32> to vector<16xi32>
        %gather3A_3079 = tpu.dynamic_gather %exp3A_3060[%gather3A_3078] in [0] : vector<16xf32>, vector<16xi32> -> vector<16xf32>
        %broadcast_in_dim3A_3080 = arith.constant 1 : i32
        %broadcast_in_dim3A_3081 = vector.broadcast %broadcast_in_dim3A_3080 : i32 to vector<16xi32>
        %broadcast_in_dim3A_3082 = vector.shape_cast %broadcast_in_dim3A_3081 : vector<16xi32> to vector<16x1xi32>
        %gather3A_3083 = vector.shape_cast %broadcast_in_dim3A_3082 : vector<16x1xi32> to vector<16xi32>
        %gather3A_3084 = tpu.dynamic_gather %exp3A_3060[%gather3A_3083] in [0] : vector<16xf32>, vector<16xi32> -> vector<16xf32>
        %broadcast_in_dim3A_3085 = arith.constant 2 : i32
        %broadcast_in_dim3A_3086 = vector.broadcast %broadcast_in_dim3A_3085 : i32 to vector<16xi32>
        %broadcast_in_dim3A_3087 = vector.shape_cast %broadcast_in_dim3A_3086 : vector<16xi32> to vector<16x1xi32>
        %gather3A_3088 = vector.shape_cast %broadcast_in_dim3A_3087 : vector<16x1xi32> to vector<16xi32>
        %gather3A_3089 = tpu.dynamic_gather %exp3A_3060[%gather3A_3088] in [0] : vector<16xf32>, vector<16xi32> -> vector<16xf32>
        %broadcast_in_dim3A_3090 = arith.constant 3 : i32
        %broadcast_in_dim3A_3091 = vector.broadcast %broadcast_in_dim3A_3090 : i32 to vector<16xi32>
        %broadcast_in_dim3A_3092 = vector.shape_cast %broadcast_in_dim3A_3091 : vector<16xi32> to vector<16x1xi32>
        %gather3A_3093 = vector.shape_cast %broadcast_in_dim3A_3092 : vector<16x1xi32> to vector<16xi32>
        %gather3A_3094 = tpu.dynamic_gather %exp3A_3060[%gather3A_3093] in [0] : vector<16xf32>, vector<16xi32> -> vector<16xf32>
        %get3A_3095 = arith.index_cast %add3A_3027 : i32 to index
        %get3A_3096 = arith.constant 0 : index
        %get3A_3097 = tpu.vector_load %arg14[%get3A_3095, %get3A_3096] {strides = array<i32>} : memref<64x128xf32, #tpu.memory_space<vmem>>, vector<1x16xf32>,
        %get3A_3098 = vector.shape_cast %get3A_3097 : vector<1x16xf32> to vector<16xf32>
        %mul3A_3099 = arith.mulf %get3A_3098, %gather3A_3079 : vector<16xf32>
        %get3A_3100 = arith.index_cast %min3A_3035 : i32 to index
        %get3A_3101 = arith.constant 0 : index
        %get3A_3102 = tpu.vector_load %arg8[%get3A_3100, %get3A_3101] {strides = array<i32>} : memref<528x144xf32, #tpu.memory_space<vmem>>, vector<1x16xf32>,
        %get3A_3103 = vector.shape_cast %get3A_3102 : vector<1x16xf32> to vector<16xf32>
        %add3A_3104 = arith.addf %get3A_3103, %mul3A_3099 : vector<16xf32>
        %swap3A_3105 = arith.index_cast %min3A_3035 : i32 to index
        %swap3A_3106 = arith.constant 0 : index
        %swap3A_3107 = tpu.vector_load %arg8[%swap3A_3105, %swap3A_3106] {strides = array<i32>} : memref<528x144xf32, #tpu.memory_space<vmem>>, vector<1x16xf32>,
        %swap3A_3108 = vector.shape_cast %swap3A_3107 : vector<1x16xf32> to vector<16xf32>
        %swap3A_3109 = vector.shape_cast %add3A_3104 : vector<16xf32> to vector<1x16xf32>
        tpu.vector_store %arg8[%swap3A_3105, %swap3A_3106], %swap3A_3109 {strides = array<i32>} : memref<528x144xf32, #tpu.memory_space<vmem>>, vector<1x16xf32>,
        %get3A_3110 = arith.index_cast %add3A_3027 : i32 to index
        %get3A_3111 = arith.constant 16 : index
        %get3A_3112 = tpu.vector_load %arg14[%get3A_3110, %get3A_3111] {strides = array<i32>} : memref<64x128xf32, #tpu.memory_space<vmem>>, vector<1x16xf32>,
        %get3A_3113 = vector.shape_cast %get3A_3112 : vector<1x16xf32> to vector<16xf32>
        %mul3A_3114 = arith.mulf %get3A_3113, %gather3A_3079 : vector<16xf32>
        %get3A_3115 = arith.index_cast %min3A_3035 : i32 to index
        %get3A_3116 = arith.constant 16 : index
        %get3A_3117 = tpu.vector_load %arg8[%get3A_3115, %get3A_3116] {strides = array<i32>} : memref<528x144xf32, #tpu.memory_space<vmem>>, vector<1x16xf32>,
        %get3A_3118 = vector.shape_cast %get3A_3117 : vector<1x16xf32> to vector<16xf32>
        %add3A_3119 = arith.addf %get3A_3118, %mul3A_3114 : vector<16xf32>
        %swap3A_3120 = arith.index_cast %min3A_3035 : i32 to index
        %swap3A_3121 = arith.constant 16 : index
        %swap3A_3122 = tpu.vector_load %arg8[%swap3A_3120, %swap3A_3121] {strides = array<i32>} : memref<528x144xf32, #tpu.memory_space<vmem>>, vector<1x16xf32>,
        %swap3A_3123 = vector.shape_cast %swap3A_3122 : vector<1x16xf32> to vector<16xf32>
        %swap3A_3124 = vector.shape_cast %add3A_3119 : vector<16xf32> to vector<1x16xf32>
        tpu.vector_store %arg8[%swap3A_3120, %swap3A_3121], %swap3A_3124 {strides = array<i32>} : memref<528x144xf32, #tpu.memory_space<vmem>>, vector<1x16xf32>,
        %get3A_3125 = arith.index_cast %add3A_3027 : i32 to index
        %get3A_3126 = arith.constant 32 : index
        %get3A_3127 = tpu.vector_load %arg14[%get3A_3125, %get3A_3126] {strides = array<i32>} : memref<64x128xf32, #tpu.memory_space<vmem>>, vector<1x16xf32>,
        %get3A_3128 = vector.shape_cast %get3A_3127 : vector<1x16xf32> to vector<16xf32>
        %mul3A_3129 = arith.mulf %get3A_3128, %gather3A_3084 : vector<16xf32>
        %get3A_3130 = arith.index_cast %min3A_3035 : i32 to index
        %get3A_3131 = arith.constant 32 : index
        %get3A_3132 = tpu.vector_load %arg8[%get3A_3130, %get3A_3131] {strides = array<i32>} : memref<528x144xf32, #tpu.memory_space<vmem>>, vector<1x16xf32>,
        %get3A_3133 = vector.shape_cast %get3A_3132 : vector<1x16xf32> to vector<16xf32>
        %add3A_3134 = arith.addf %get3A_3133, %mul3A_3129 : vector<16xf32>
        %swap3A_3135 = arith.index_cast %min3A_3035 : i32 to index
        %swap3A_3136 = arith.constant 32 : index
        %swap3A_3137 = tpu.vector_load %arg8[%swap3A_3135, %swap3A_3136] {strides = array<i32>} : memref<528x144xf32, #tpu.memory_space<vmem>>, vector<1x16xf32>,
        %swap3A_3138 = vector.shape_cast %swap3A_3137 : vector<1x16xf32> to vector<16xf32>
        %swap3A_3139 = vector.shape_cast %add3A_3134 : vector<16xf32> to vector<1x16xf32>
        tpu.vector_store %arg8[%swap3A_3135, %swap3A_3136], %swap3A_3139 {strides = array<i32>} : memref<528x144xf32, #tpu.memory_space<vmem>>, vector<1x16xf32>,
        %get3A_3140 = arith.index_cast %add3A_3027 : i32 to index
        %get3A_3141 = arith.constant 48 : index
        %get3A_3142 = tpu.vector_load %arg14[%get3A_3140, %get3A_3141] {strides = array<i32>} : memref<64x128xf32, #tpu.memory_space<vmem>>, vector<1x16xf32>,
        %get3A_3143 = vector.shape_cast %get3A_3142 : vector<1x16xf32> to vector<16xf32>
        %mul3A_3144 = arith.mulf %get3A_3143, %gather3A_3084 : vector<16xf32>
        %get3A_3145 = arith.index_cast %min3A_3035 : i32 to index
        %get3A_3146 = arith.constant 48 : index
        %get3A_3147 = tpu.vector_load %arg8[%get3A_3145, %get3A_3146] {strides = array<i32>} : memref<528x144xf32, #tpu.memory_space<vmem>>, vector<1x16xf32>,
        %get3A_3148 = vector.shape_cast %get3A_3147 : vector<1x16xf32> to vector<16xf32>
        %add3A_3149 = arith.addf %get3A_3148, %mul3A_3144 : vector<16xf32>
        %swap3A_3150 = arith.index_cast %min3A_3035 : i32 to index
        %swap3A_3151 = arith.constant 48 : index
        %swap3A_3152 = tpu.vector_load %arg8[%swap3A_3150, %swap3A_3151] {strides = array<i32>} : memref<528x144xf32, #tpu.memory_space<vmem>>, vector<1x16xf32>,
        %swap3A_3153 = vector.shape_cast %swap3A_3152 : vector<1x16xf32> to vector<16xf32>
        %swap3A_3154 = vector.shape_cast %add3A_3149 : vector<16xf32> to vector<1x16xf32>
        tpu.vector_store %arg8[%swap3A_3150, %swap3A_3151], %swap3A_3154 {strides = array<i32>} : memref<528x144xf32, #tpu.memory_space<vmem>>, vector<1x16xf32>,
        %get3A_3155 = arith.index_cast %add3A_3027 : i32 to index
        %get3A_3156 = arith.constant 64 : index
        %get3A_3157 = tpu.vector_load %arg14[%get3A_3155, %get3A_3156] {strides = array<i32>} : memref<64x128xf32, #tpu.memory_space<vmem>>, vector<1x16xf32>,
        %get3A_3158 = vector.shape_cast %get3A_3157 : vector<1x16xf32> to vector<16xf32>
        %mul3A_3159 = arith.mulf %get3A_3158, %gather3A_3089 : vector<16xf32>
        %get3A_3160 = arith.index_cast %min3A_3035 : i32 to index
        %get3A_3161 = arith.constant 64 : index
        %get3A_3162 = tpu.vector_load %arg8[%get3A_3160, %get3A_3161] {strides = array<i32>} : memref<528x144xf32, #tpu.memory_space<vmem>>, vector<1x16xf32>,
        %get3A_3163 = vector.shape_cast %get3A_3162 : vector<1x16xf32> to vector<16xf32>
        %add3A_3164 = arith.addf %get3A_3163, %mul3A_3159 : vector<16xf32>
        %swap3A_3165 = arith.index_cast %min3A_3035 : i32 to index
        %swap3A_3166 = arith.constant 64 : index
        %swap3A_3167 = tpu.vector_load %arg8[%swap3A_3165, %swap3A_3166] {strides = array<i32>} : memref<528x144xf32, #tpu.memory_space<vmem>>, vector<1x16xf32>,
        %swap3A_3168 = vector.shape_cast %swap3A_3167 : vector<1x16xf32> to vector<16xf32>
        %swap3A_3169 = vector.shape_cast %add3A_3164 : vector<16xf32> to vector<1x16xf32>
        tpu.vector_store %arg8[%swap3A_3165, %swap3A_3166], %swap3A_3169 {strides = array<i32>} : memref<528x144xf32, #tpu.memory_space<vmem>>, vector<1x16xf32>,
        %get3A_3170 = arith.index_cast %add3A_3027 : i32 to index
        %get3A_3171 = arith.constant 80 : index
        %get3A_3172 = tpu.vector_load %arg14[%get3A_3170, %get3A_3171] {strides = array<i32>} : memref<64x128xf32, #tpu.memory_space<vmem>>, vector<1x16xf32>,
        %get3A_3173 = vector.shape_cast %get3A_3172 : vector<1x16xf32> to vector<16xf32>
        %mul3A_3174 = arith.mulf %get3A_3173, %gather3A_3089 : vector<16xf32>
        %get3A_3175 = arith.index_cast %min3A_3035 : i32 to index
        %get3A_3176 = arith.constant 80 : index
        %get3A_3177 = tpu.vector_load %arg8[%get3A_3175, %get3A_3176] {strides = array<i32>} : memref<528x144xf32, #tpu.memory_space<vmem>>, vector<1x16xf32>,
        %get3A_3178 = vector.shape_cast %get3A_3177 : vector<1x16xf32> to vector<16xf32>
        %add3A_3179 = arith.addf %get3A_3178, %mul3A_3174 : vector<16xf32>
        %swap3A_3180 = arith.index_cast %min3A_3035 : i32 to index
        %swap3A_3181 = arith.constant 80 : index
        %swap3A_3182 = tpu.vector_load %arg8[%swap3A_3180, %swap3A_3181] {strides = array<i32>} : memref<528x144xf32, #tpu.memory_space<vmem>>, vector<1x16xf32>,
        %swap3A_3183 = vector.shape_cast %swap3A_3182 : vector<1x16xf32> to vector<16xf32>
        %swap3A_3184 = vector.shape_cast %add3A_3179 : vector<16xf32> to vector<1x16xf32>
        tpu.vector_store %arg8[%swap3A_3180, %swap3A_3181], %swap3A_3184 {strides = array<i32>} : memref<528x144xf32, #tpu.memory_space<vmem>>, vector<1x16xf32>,
        %get3A_3185 = arith.index_cast %add3A_3027 : i32 to index
        %get3A_3186 = arith.constant 96 : index
        %get3A_3187 = tpu.vector_load %arg14[%get3A_3185, %get3A_3186] {strides = array<i32>} : memref<64x128xf32, #tpu.memory_space<vmem>>, vector<1x16xf32>,
        %get3A_3188 = vector.shape_cast %get3A_3187 : vector<1x16xf32> to vector<16xf32>
        %mul3A_3189 = arith.mulf %get3A_3188, %gather3A_3094 : vector<16xf32>
        %get3A_3190 = arith.index_cast %min3A_3035 : i32 to index
        %get3A_3191 = arith.constant 96 : index
        %get3A_3192 = tpu.vector_load %arg8[%get3A_3190, %get3A_3191] {strides = array<i32>} : memref<528x144xf32, #tpu.memory_space<vmem>>, vector<1x16xf32>,
        %get3A_3193 = vector.shape_cast %get3A_3192 : vector<1x16xf32> to vector<16xf32>
        %add3A_3194 = arith.addf %get3A_3193, %mul3A_3189 : vector<16xf32>
        %swap3A_3195 = arith.index_cast %min3A_3035 : i32 to index
        %swap3A_3196 = arith.constant 96 : index
        %swap3A_3197 = tpu.vector_load %arg8[%swap3A_3195, %swap3A_3196] {strides = array<i32>} : memref<528x144xf32, #tpu.memory_space<vmem>>, vector<1x16xf32>,
        %swap3A_3198 = vector.shape_cast %swap3A_3197 : vector<1x16xf32> to vector<16xf32>
        %swap3A_3199 = vector.shape_cast %add3A_3194 : vector<16xf32> to vector<1x16xf32>
        tpu.vector_store %arg8[%swap3A_3195, %swap3A_3196], %swap3A_3199 {strides = array<i32>} : memref<528x144xf32, #tpu.memory_space<vmem>>, vector<1x16xf32>,
        %get3A_3200 = arith.index_cast %add3A_3027 : i32 to index
        %get3A_3201 = arith.constant 112 : index
        %get3A_3202 = tpu.vector_load %arg14[%get3A_3200, %get3A_3201] {strides = array<i32>} : memref<64x128xf32, #tpu.memory_space<vmem>>, vector<1x16xf32>,
        %get3A_3203 = vector.shape_cast %get3A_3202 : vector<1x16xf32> to vector<16xf32>
        %mul3A_3204 = arith.mulf %get3A_3203, %gather3A_3094 : vector<16xf32>
        %get3A_3205 = arith.index_cast %min3A_3035 : i32 to index
        %get3A_3206 = arith.constant 112 : index
        %get3A_3207 = tpu.vector_load %arg8[%get3A_3205, %get3A_3206] {strides = array<i32>} : memref<528x144xf32, #tpu.memory_space<vmem>>, vector<1x16xf32>,
        %get3A_3208 = vector.shape_cast %get3A_3207 : vector<1x16xf32> to vector<16xf32>
        %add3A_3209 = arith.addf %get3A_3208, %mul3A_3204 : vector<16xf32>
        %swap3A_3210 = arith.index_cast %min3A_3035 : i32 to index
        %swap3A_3211 = arith.constant 112 : index
        %swap3A_3212 = tpu.vector_load %arg8[%swap3A_3210, %swap3A_3211] {strides = array<i32>} : memref<528x144xf32, #tpu.memory_space<vmem>>, vector<1x16xf32>,
        %swap3A_3213 = vector.shape_cast %swap3A_3212 : vector<1x16xf32> to vector<16xf32>
        %swap3A_3214 = vector.shape_cast %add3A_3209 : vector<16xf32> to vector<1x16xf32>
        tpu.vector_store %arg8[%swap3A_3210, %swap3A_3211], %swap3A_3214 {strides = array<i32>} : memref<528x144xf32, #tpu.memory_space<vmem>>, vector<1x16xf32>,
      }
      %scan3A_150 = arith.constant 4 : i32
    }
    %scan3A_15 = arith.constant 157 : i32
    "tpu.region"() ({
      %run_scoped3A = tpu.sem_alloc : memref<!tpu.dma_semaphore, #tpu.memory_space<semaphore_mem>>
      %dma_start3A = arith.constant 0 : i32
      %dma_start3A_16 = arith.constant 0 : i32
      %dma_start3A_17 = tpu.memref_slice %arg7[%add3A, %dma_start3A, %dma_start3A_16] : memref<32x528x144xf32, #tpu.memory_space<hbm>> -> memref<1x528x144xf32, #tpu.memory_space<hbm>>
      %dma_start3A_18 = tpu.memref_squeeze %dma_start3A_17 : memref<1x528x144xf32, #tpu.memory_space<hbm>> -> memref<528x144xf32, #tpu.memory_space<hbm>>
      %dma_start3A_19 = arith.constant 0 : i32
      %dma_start3A_20 = arith.constant 0 : i32
      %dma_start3A_21 = tpu.memref_slice %arg7[%add3A, %dma_start3A_19, %dma_start3A_20] : memref<32x528x144xf32, #tpu.memory_space<hbm>> -> memref<1x528x144xf32, #tpu.memory_space<hbm>>
      %dma_start3A_22 = tpu.memref_squeeze %dma_start3A_21 : memref<1x528x144xf32, #tpu.memory_space<hbm>> -> memref<528x144xf32, #tpu.memory_space<hbm>>
      tpu.enqueue_dma source(%arg8 : memref<528x144xf32, #tpu.memory_space<vmem>>) target(%dma_start3A_22 : memref<528x144xf32, #tpu.memory_space<hbm>>) target_semaphore(%run_scoped3A : memref<!tpu.dma_semaphore, #tpu.memory_space<semaphore_mem>>)
      %dma_wait3A = arith.constant 0 : i32
      %dma_wait3A_23 = arith.constant 0 : i32
      %dma_wait3A_24 = tpu.memref_slice %arg7[%add3A, %dma_wait3A, %dma_wait3A_23] : memref<32x528x144xf32, #tpu.memory_space<hbm>> -> memref<1x528x144xf32, #tpu.memory_space<hbm>>
      %dma_wait3A_25 = tpu.memref_squeeze %dma_wait3A_24 : memref<1x528x144xf32, #tpu.memory_space<hbm>> -> memref<528x144xf32, #tpu.memory_space<hbm>>
      %dma_wait3A_26 = arith.constant 0 : i32
      %dma_wait3A_27 = arith.constant 0 : i32
      %dma_wait3A_28 = tpu.memref_slice %arg7[%add3A, %dma_wait3A_26, %dma_wait3A_27] : memref<32x528x144xf32, #tpu.memory_space<hbm>> -> memref<1x528x144xf32, #tpu.memory_space<hbm>>
      %dma_wait3A_29 = tpu.memref_squeeze %dma_wait3A_28 : memref<1x528x144xf32, #tpu.memory_space<hbm>> -> memref<528x144xf32, #tpu.memory_space<hbm>>
      tpu.wait_dma2 semaphore(%run_scoped3A : memref<!tpu.dma_semaphore, #tpu.memory_space<semaphore_mem>>) src(%arg8 : memref<528x144xf32, #tpu.memory_space<vmem>>) dst(%dma_wait3A_29 : memref<528x144xf32, #tpu.memory_space<hbm>>)
      tpu.yield
    }) : () -> ()
    return
  }
}

module attributes {stable_mosaic.version = 14 : i64} {
  func.func @_fc_body(%arg0: i32, %arg1: memref<1000x128xf32, #tpu.memory_space<vmem>>, %arg2: memref<128x128xf32, #tpu.memory_space<vmem>>, %arg3: memref<128x16xf32, #tpu.memory_space<vmem>>, %arg4: memref<1000x128xf32, #tpu.memory_space<vmem>>, %arg5: memref<1000x16xf32, #tpu.memory_space<vmem>>) attributes {dimension_semantics = [#tpu.dimension_semantics<arbitrary>], iteration_bounds = array<i64: 10>, scalar_prefetch = 0 : i64, scratch_operands = 0 : i64, tpu.core_type = #tpu.core_type<tc>, window_params = [{transform_indices = @transform_0, window_bounds = array<i64: 1000, 128>}, {pipeline_mode = #tpu.pipeline_mode<synchronous>, transform_indices = @transform_1, window_bounds = array<i64: 128, 128>}, {pipeline_mode = #tpu.pipeline_mode<synchronous>, transform_indices = @transform_2, window_bounds = array<i64: 128, 16>}, {transform_indices = @transform_3, window_bounds = array<i64: 1000, 128>}, {transform_indices = @transform_4, window_bounds = array<i64: 1000, 16>}]} {
    %get3A = arith.constant 0 : index
    %get3A_0 = arith.constant 0 : index
    %get3A_1 = vector.load %arg1[%get3A, %get3A_0] : memref<1000x128xf32, #tpu.memory_space<vmem>>, vector<1000x128xf32>
    %get3A_2 = arith.constant 0 : index
    %get3A_3 = arith.constant 0 : index
    %get3A_4 = vector.load %arg2[%get3A_2, %get3A_3] : memref<128x128xf32, #tpu.memory_space<vmem>>, vector<128x128xf32>
    %dot_general3A = arith.constant dense<0.000000e+00> : vector<1000x128xf32>
    %dot_general3A_5 = tpu.matmul %get3A_1, %get3A_4, %dot_general3A {dimension_numbers = #tpu.dot_dimension_numbers<[1], [0], [0], [1], [0, 0, 1, 1], [], []>, transpose_lhs_hint = false} : vector<1000x128xf32>, vector<128x128xf32>, vector<1000x128xf32> -> vector<1000x128xf32>
    %swap3A = arith.constant 0 : index
    %swap3A_6 = arith.constant 0 : index
    %swap3A_7 = vector.load %arg4[%swap3A, %swap3A_6] : memref<1000x128xf32, #tpu.memory_space<vmem>>, vector<1000x128xf32>
    tpu.vector_store %arg4[%swap3A, %swap3A_6], %dot_general3A_5 {strides = array<i32>} : memref<1000x128xf32, #tpu.memory_space<vmem>>, vector<1000x128xf32>,
    %get3A_8 = arith.constant 0 : index
    %get3A_9 = arith.constant 0 : index
    %get3A_10 = vector.load %arg3[%get3A_8, %get3A_9] : memref<128x16xf32, #tpu.memory_space<vmem>>, vector<128x16xf32>
    %dot_general3A_11 = arith.constant dense<0.000000e+00> : vector<1000x16xf32>
    %dot_general3A_12 = tpu.matmul %dot_general3A_5, %get3A_10, %dot_general3A_11 {dimension_numbers = #tpu.dot_dimension_numbers<[1], [0], [0], [1], [0, 0, 1, 1], [], []>, transpose_lhs_hint = false} : vector<1000x128xf32>, vector<128x16xf32>, vector<1000x16xf32> -> vector<1000x16xf32>
    %swap3A_13 = arith.constant 0 : index
    %swap3A_14 = arith.constant 0 : index
    %swap3A_15 = vector.load %arg5[%swap3A_13, %swap3A_14] : memref<1000x16xf32, #tpu.memory_space<vmem>>, vector<1000x16xf32>
    tpu.vector_store %arg5[%swap3A_13, %swap3A_14], %dot_general3A_12 {strides = array<i32>} : memref<1000x16xf32, #tpu.memory_space<vmem>>, vector<1000x16xf32>,
    return
  }
  func.func @transform_0(%arg0: i32) -> (i32, i32) {
    %c0_i32 = arith.constant 0 : i32
    %c0_i32_0 = arith.constant 0 : i32
    return %arg0, %c0_i32 : i32, i32
  }
  func.func @transform_1(%arg0: i32) -> (i32, i32) {
    %c0_i32 = arith.constant 0 : i32
    %c0_i32_0 = arith.constant 0 : i32
    %c0_i32_1 = arith.constant 0 : i32
    return %c0_i32, %c0_i32_0 : i32, i32
  }
  func.func @transform_2(%arg0: i32) -> (i32, i32) {
    %c0_i32 = arith.constant 0 : i32
    %c0_i32_0 = arith.constant 0 : i32
    %c0_i32_1 = arith.constant 0 : i32
    return %c0_i32, %c0_i32_0 : i32, i32
  }
  func.func @transform_3(%arg0: i32) -> (i32, i32) {
    %c0_i32 = arith.constant 0 : i32
    %c0_i32_0 = arith.constant 0 : i32
    return %arg0, %c0_i32 : i32, i32
  }
  func.func @transform_4(%arg0: i32) -> (i32, i32) {
    %c0_i32 = arith.constant 0 : i32
    %c0_i32_0 = arith.constant 0 : i32
    return %arg0, %c0_i32 : i32, i32
  }
}

module attributes {stable_mosaic.version = 14 : i64} {
  func.func @_place_body(%arg0: i32, %arg1: memref<1x528x144xf32, #tpu.memory_space<vmem>>, %arg2: memref<32xi32, #tpu.memory_space<smem>>, %arg3: memref<10528x144xf32, #tpu.memory_space<vmem>>, %arg4: memref<10528x144xf32, #tpu.memory_space<vmem>>) attributes {dimension_semantics = [#tpu.dimension_semantics<arbitrary>], iteration_bounds = array<i64: 32>, scalar_prefetch = 0 : i64, scratch_operands = 1 : i64, tpu.core_type = #tpu.core_type<tc>, window_params = [{transform_indices = @transform_0, window_bounds = array<i64: 1, 528, 144>}, {transform_indices = @transform_1, window_bounds = array<i64: 32>}, {pipeline_mode = #tpu.pipeline_mode<synchronous>, transform_indices = @transform_2, window_bounds = array<i64: 10528, 144>}]} {
    %eq3A = arith.constant 0 : i32
    %eq3A_0 = arith.cmpi eq, %arg0, %eq3A : i32
    %convert_element_type3A = arith.extui %eq3A_0 : i1 to i32
    %cond3A = arith.constant 0 : i32
    %cond3A_1 = arith.cmpi ne, %convert_element_type3A, %cond3A : i32
    scf.if %cond3A_1 {
      %broadcast_in_dim3A = arith.constant 0.000000e+00 : f32
      %broadcast_in_dim3A_18 = vector.broadcast %broadcast_in_dim3A : f32 to vector<10528x144xf32>
      %swap3A_19 = arith.constant 0 : index
      %swap3A_20 = arith.constant 0 : index
      %swap3A_21 = vector.load %arg4[%swap3A_19, %swap3A_20] : memref<10528x144xf32, #tpu.memory_space<vmem>>, vector<10528x144xf32>
      tpu.vector_store %arg4[%swap3A_19, %swap3A_20], %broadcast_in_dim3A_18 {strides = array<i32>} : memref<10528x144xf32, #tpu.memory_space<vmem>>, vector<10528x144xf32>,
    } else {
    }
    %get3A = arith.index_cast %arg0 : i32 to index
    %get3A_2 = memref.load %arg2[%get3A] : memref<32xi32, #tpu.memory_space<smem>>
    %multiple_of3A = tpu.assume_multiple %get3A_2, 8 : i32
    %get3A_3 = arith.index_cast %multiple_of3A : i32 to index
    %get3A_4 = arith.constant 0 : index
    %get3A_5 = vector.load %arg4[%get3A_3, %get3A_4] : memref<10528x144xf32, #tpu.memory_space<vmem>>, vector<520x144xf32>
    %get3A_6 = arith.constant 0 : index
    %get3A_7 = arith.constant 0 : index
    %get3A_8 = arith.constant 0 : index
    %get3A_9 = vector.load %arg1[%get3A_6, %get3A_7, %get3A_8] : memref<1x528x144xf32, #tpu.memory_space<vmem>>, vector<1x520x144xf32>
    %get3A_10 = vector.shape_cast %get3A_9 : vector<1x520x144xf32> to vector<520x144xf32>
    %add3A = arith.addf %get3A_5, %get3A_10 : vector<520x144xf32>
    %swap3A = arith.index_cast %multiple_of3A : i32 to index
    %swap3A_11 = arith.constant 0 : index
    %swap3A_12 = vector.load %arg4[%swap3A, %swap3A_11] : memref<10528x144xf32, #tpu.memory_space<vmem>>, vector<520x144xf32>
    tpu.vector_store %arg4[%swap3A, %swap3A_11], %add3A {strides = array<i32>} : memref<10528x144xf32, #tpu.memory_space<vmem>>, vector<520x144xf32>,
    %eq3A_13 = arith.constant 31 : i32
    %eq3A_14 = arith.cmpi eq, %arg0, %eq3A_13 : i32
    %convert_element_type3A_15 = arith.extui %eq3A_14 : i1 to i32
    %cond3A_16 = arith.constant 0 : i32
    %cond3A_17 = arith.cmpi ne, %convert_element_type3A_15, %cond3A_16 : i32
    scf.if %cond3A_17 {
      %get3A_18 = arith.constant 0 : index
      %get3A_19 = arith.constant 0 : index
      %get3A_20 = vector.load %arg4[%get3A_18, %get3A_19] : memref<10528x144xf32, #tpu.memory_space<vmem>>, vector<10528x144xf32>
      %swap3A_21 = arith.constant 0 : index
      %swap3A_22 = arith.constant 0 : index
      %swap3A_23 = vector.load %arg3[%swap3A_21, %swap3A_22] : memref<10528x144xf32, #tpu.memory_space<vmem>>, vector<10528x144xf32>
      tpu.vector_store %arg3[%swap3A_21, %swap3A_22], %get3A_20 {strides = array<i32>} : memref<10528x144xf32, #tpu.memory_space<vmem>>, vector<10528x144xf32>,
    } else {
    }
    return
  }
  func.func @transform_0(%arg0: i32) -> (i32, i32, i32) {
    %c0_i32 = arith.constant 0 : i32
    %c0_i32_0 = arith.constant 0 : i32
    %c0_i32_1 = arith.constant 0 : i32
    return %arg0, %c0_i32, %c0_i32_0 : i32, i32, i32
  }
  func.func @transform_1(%arg0: i32) -> i32 {
    %c0_i32 = arith.constant 0 : i32
    %c0_i32_0 = arith.constant 0 : i32
    return %c0_i32 : i32
  }
  func.func @transform_2(%arg0: i32) -> (i32, i32) {
    %c0_i32 = arith.constant 0 : i32
    %c0_i32_0 = arith.constant 0 : i32
    %c0_i32_1 = arith.constant 0 : i32
    return %c0_i32, %c0_i32_0 : i32, i32
  }
}

module attributes {stable_mosaic.version = 14 : i64} {
  func.func @_norm_body(%arg0: i32, %arg1: memref<1000x144xf32, #tpu.memory_space<vmem>>, %arg2: memref<4x1000x32xf32, #tpu.memory_space<vmem>>) attributes {dimension_semantics = [#tpu.dimension_semantics<arbitrary>], iteration_bounds = array<i64: 10>, scalar_prefetch = 0 : i64, scratch_operands = 0 : i64, tpu.core_type = #tpu.core_type<tc>, window_params = [{transform_indices = @transform_0, window_bounds = array<i64: 1000, 144>}, {transform_indices = @transform_1, window_bounds = array<i64: 4, 1000, 32>}]} {
    %get3A = arith.constant 0 : index
    %get3A_0 = arith.constant 0 : index
    %get3A_1 = vector.load %arg1[%get3A, %get3A_0] : memref<1000x144xf32, #tpu.memory_space<vmem>>, vector<1000x144xf32>
    %slice3A = vector.extract_strided_slice %get3A_1 {offsets = [0, 128], sizes = [1000, 1], strides = [1, 1]} : vector<1000x144xf32> to vector<1000x1xf32>
    %add3A = arith.constant 1.000000e-16 : f32
    %add3A_2 = vector.broadcast %add3A : f32 to vector<1000x1xf32>
    %add3A_3 = arith.addf %slice3A, %add3A_2 : vector<1000x1xf32>
    %slice3A_4 = vector.extract_strided_slice %get3A_1 {offsets = [0, 0], sizes = [1000, 32], strides = [1, 1]} : vector<1000x144xf32> to vector<1000x32xf32>
    %div3A = vector.broadcast %add3A_3 : vector<1000x1xf32> to vector<1000x32xf32>
    %div3A_5 = arith.divf %slice3A_4, %div3A : vector<1000x32xf32>
    %swap3A = arith.constant 0 : index
    %swap3A_6 = arith.constant 0 : index
    %swap3A_7 = arith.constant 0 : index
    %swap3A_8 = vector.load %arg2[%swap3A, %swap3A_6, %swap3A_7] : memref<4x1000x32xf32, #tpu.memory_space<vmem>>, vector<1x1000x32xf32>
    %swap3A_9 = vector.shape_cast %swap3A_8 : vector<1x1000x32xf32> to vector<1000x32xf32>
    %swap3A_10 = vector.shape_cast %div3A_5 : vector<1000x32xf32> to vector<1x1000x32xf32>
    tpu.vector_store %arg2[%swap3A, %swap3A_6, %swap3A_7], %swap3A_10 {strides = array<i32>} : memref<4x1000x32xf32, #tpu.memory_space<vmem>>, vector<1x1000x32xf32>,
    %slice3A_11 = vector.extract_strided_slice %get3A_1 {offsets = [0, 129], sizes = [1000, 1], strides = [1, 1]} : vector<1000x144xf32> to vector<1000x1xf32>
    %add3A_12 = arith.constant 1.000000e-16 : f32
    %add3A_13 = vector.broadcast %add3A_12 : f32 to vector<1000x1xf32>
    %add3A_14 = arith.addf %slice3A_11, %add3A_13 : vector<1000x1xf32>
    %slice3A_15 = vector.extract_strided_slice %get3A_1 {offsets = [0, 32], sizes = [1000, 32], strides = [1, 1]} : vector<1000x144xf32> to vector<1000x32xf32>
    %div3A_16 = vector.broadcast %add3A_14 : vector<1000x1xf32> to vector<1000x32xf32>
    %div3A_17 = arith.divf %slice3A_15, %div3A_16 : vector<1000x32xf32>
    %swap3A_18 = arith.constant 1 : index
    %swap3A_19 = arith.constant 0 : index
    %swap3A_20 = arith.constant 0 : index
    %swap3A_21 = vector.load %arg2[%swap3A_18, %swap3A_19, %swap3A_20] : memref<4x1000x32xf32, #tpu.memory_space<vmem>>, vector<1x1000x32xf32>
    %swap3A_22 = vector.shape_cast %swap3A_21 : vector<1x1000x32xf32> to vector<1000x32xf32>
    %swap3A_23 = vector.shape_cast %div3A_17 : vector<1000x32xf32> to vector<1x1000x32xf32>
    tpu.vector_store %arg2[%swap3A_18, %swap3A_19, %swap3A_20], %swap3A_23 {strides = array<i32>} : memref<4x1000x32xf32, #tpu.memory_space<vmem>>, vector<1x1000x32xf32>,
    %slice3A_24 = vector.extract_strided_slice %get3A_1 {offsets = [0, 130], sizes = [1000, 1], strides = [1, 1]} : vector<1000x144xf32> to vector<1000x1xf32>
    %add3A_25 = arith.constant 1.000000e-16 : f32
    %add3A_26 = vector.broadcast %add3A_25 : f32 to vector<1000x1xf32>
    %add3A_27 = arith.addf %slice3A_24, %add3A_26 : vector<1000x1xf32>
    %slice3A_28 = vector.extract_strided_slice %get3A_1 {offsets = [0, 64], sizes = [1000, 32], strides = [1, 1]} : vector<1000x144xf32> to vector<1000x32xf32>
    %div3A_29 = vector.broadcast %add3A_27 : vector<1000x1xf32> to vector<1000x32xf32>
    %div3A_30 = arith.divf %slice3A_28, %div3A_29 : vector<1000x32xf32>
    %swap3A_31 = arith.constant 2 : index
    %swap3A_32 = arith.constant 0 : index
    %swap3A_33 = arith.constant 0 : index
    %swap3A_34 = vector.load %arg2[%swap3A_31, %swap3A_32, %swap3A_33] : memref<4x1000x32xf32, #tpu.memory_space<vmem>>, vector<1x1000x32xf32>
    %swap3A_35 = vector.shape_cast %swap3A_34 : vector<1x1000x32xf32> to vector<1000x32xf32>
    %swap3A_36 = vector.shape_cast %div3A_30 : vector<1000x32xf32> to vector<1x1000x32xf32>
    tpu.vector_store %arg2[%swap3A_31, %swap3A_32, %swap3A_33], %swap3A_36 {strides = array<i32>} : memref<4x1000x32xf32, #tpu.memory_space<vmem>>, vector<1x1000x32xf32>,
    %slice3A_37 = vector.extract_strided_slice %get3A_1 {offsets = [0, 131], sizes = [1000, 1], strides = [1, 1]} : vector<1000x144xf32> to vector<1000x1xf32>
    %add3A_38 = arith.constant 1.000000e-16 : f32
    %add3A_39 = vector.broadcast %add3A_38 : f32 to vector<1000x1xf32>
    %add3A_40 = arith.addf %slice3A_37, %add3A_39 : vector<1000x1xf32>
    %slice3A_41 = vector.extract_strided_slice %get3A_1 {offsets = [0, 96], sizes = [1000, 32], strides = [1, 1]} : vector<1000x144xf32> to vector<1000x32xf32>
    %div3A_42 = vector.broadcast %add3A_40 : vector<1000x1xf32> to vector<1000x32xf32>
    %div3A_43 = arith.divf %slice3A_41, %div3A_42 : vector<1000x32xf32>
    %swap3A_44 = arith.constant 3 : index
    %swap3A_45 = arith.constant 0 : index
    %swap3A_46 = arith.constant 0 : index
    %swap3A_47 = vector.load %arg2[%swap3A_44, %swap3A_45, %swap3A_46] : memref<4x1000x32xf32, #tpu.memory_space<vmem>>, vector<1x1000x32xf32>
    %swap3A_48 = vector.shape_cast %swap3A_47 : vector<1x1000x32xf32> to vector<1000x32xf32>
    %swap3A_49 = vector.shape_cast %div3A_43 : vector<1000x32xf32> to vector<1x1000x32xf32>
    tpu.vector_store %arg2[%swap3A_44, %swap3A_45, %swap3A_46], %swap3A_49 {strides = array<i32>} : memref<4x1000x32xf32, #tpu.memory_space<vmem>>, vector<1x1000x32xf32>,
    return
  }
  func.func @transform_0(%arg0: i32) -> (i32, i32) {
    %c0_i32 = arith.constant 0 : i32
    %c0_i32_0 = arith.constant 0 : i32
    return %arg0, %c0_i32 : i32, i32
  }
  func.func @transform_1(%arg0: i32) -> (i32, i32, i32) {
    %c0_i32 = arith.constant 0 : i32
    %c0_i32_0 = arith.constant 0 : i32
    %c0_i32_1 = arith.constant 0 : i32
    return %c0_i32, %arg0, %c0_i32_0 : i32, i32, i32
  }
}

</mosaic_0001>

<sc_bundles>
// kernel: gather_offload_async_start.1
scs
__scs_entry_jumppad:
0x0: {  	(pc) =	sbr.rel $0x88, $3  }
0x1: {  	(tag) =	ssettag $0x0;
	lr =	simm.s32 $0x1  }
0x2: {  	[smem:$0x3F9C] =	sst lr;
	_ =	strace $0xD0000000  }
0x3: {  	_ = 	snop  }
0x4: {  	_ = 	snop  }
0x5: {  	_ = 	snop  }
0x6: {  	_ = 	snop  }
0x7: {  	_ = 	snop  }
__scs_overlays_trampoline_lowered:
0x8: {  	[smem:$0x3FAB] =	sst s0  }
0x9: {  	[smem:$0x3FAC] =	sst s1  }
0xa: {  	[smem:$0x3FAD] =	sst s2  }
0xb: {  	[smem:$0x3FAE] =	sst s3  }
0xc: {  	[smem:$0x3FAF] =	sst s4  }
0xd: {  	[smem:$0x3FB0] =	sst s5  }
0xe: {  	[smem:$0x3FB1] =	sst s6  }
0xf: {  	[smem:$0x3FB2] =	sst s7  }
0x10: {  	[smem:$0x3FB3] =	sst s8  }
0x11: {  	[smem:$0x3FB4] =	sst s9;
	s0 =	simm.s32 @!p0 $0x0  }
0x12: {  	s1 =	sld [smem:$0x3F9A];
	s0 =	simm.s32 @p0 $0x1  }
0x13: {  	[smem:$0x3FB5] =	sst s0;
	s0 =	simm.s32 @!p1 $0x0  }
0x14: {  	s2 =	sld [smem:$0x3F99];
	s0 =	simm.s32 @p1 $0x1  }
0x15: {  	[smem:$0x3FB6] =	sst s0;
	s0 =	simm.s32 @!p2 $0x0  }
0x16: {  	s3 =	sld [smem:$0x3FDB];
	s0 =	simm.s32 @p2 $0x1  }
0x17: {  	s4 =	simm.s32 $0x1BF5;
	[smem:$0x3FB8] =	sst s0  }
0x18: {  	s0 =	sld [smem:$0x3F9B];
	_ =	swait.ge [sflag:s4], $0x0  }
0x19: {  	s7 =	sld [smem:$0x3F9C]  }
0x1a: {  	s8 =	sadd.s32 $0xFFFFE003, lr  }
0x1b: {  	s9 =	sadd.s32 $0xFFFFFEF7, lr;
	s5 =	simm.s32 $0xFFFFFFFF;
	p2 =	slt.u32 s8, $0xFFFFF086  }
0x1c: {  	p1 =	slt.u32 s9, $0xF7A;
	s5 =	simm.s32 @!p2 $0x0  }
0x1d: {  	s5 =	simm.s32 @p1 $0x1;
	p0 =	seq.s32 s7, s2  }
0x1e: {  	s7 =	smul.u32 @!p0 $0xF7A, s2;
	p2 =	seq.s32 @!p0 s5, $0x0  }
0x1f: {  	s9 =	smul.u32 $0xF7A, s1;
	s8 =	simm.s32 @!p0 $0x1BF5;
	p2 =	por !p2, p0  }
0x20: {  	[sflag:s8] =	ssyncset.s32 @!p0 $0xFFFFF086;
	s6 =	sadd.s32 @!p0 s3, s7;
	s7 =	simm.s32 @!p0 $0x108  }
0x21: {  	s3 =	sadd.s32 s3, s9;
	s6 =	sadd.s32 @!p0 $0x88, s6;
	s7 =	simm.s32 @p2 $0x1082  }
0x22: {  	[simem:s7], [sflag:s8] =	dma.local @!p0 [hbm:s6], $0xF7A  }
0x23: {  	s9 =	sor.u32 $0xD0000000, s2;
	s6 =	simm.s32 $0x108;
	_ =	swait.ge @!p0 [sflag:s8], $0x0  }
0x24: {  	s3 =	sadd.s32 $0x88, s3;
	s6 =	simm.s32 @!p1 $0x1082;
	[sflag:s4] =	ssyncset.s32 $0xFFFFF086  }
0x25: {  	[simem:s6], [sflag:s4] =	dma.local [hbm:s3], $0xF7A  }
0x26: {  	[smem:$0x3F9C] =	sst s1;
	(tag) =	ssettag s2;
	_ =	strace s9  }
0x27: {  	s1 =	sld [smem:$0x3FAC]  }
0x28: {  	s2 =	sld [smem:$0x3FAD]  }
0x29: {  	s4 =	sld [smem:$0x3FAF]  }
0x2a: {  	p0 =	seq.s32 s5, $0x0;
	s5 =	sld [smem:$0x3FB0]  }
0x2b: {  	s6 =	sld [smem:$0x3FB1]  }
0x2c: {  	s7 =	sld [smem:$0x3FB2]  }
0x2d: {  	s3 =	simm.s32 $0x108;
	s8 =	sld [smem:$0x3FB3]  }
0x2e: {  	s3 =	simm.s32 @!p0 $0x1082;
	s9 =	sld [smem:$0x3FB4]  }
0x2f: {  	lr =	sadd.s32 s0, s3;
	s0 =	sld [smem:$0x3FAB]  }
0x30: {  	s3 =	sld [smem:$0x3FAE]  }
0x31: {  	[smem:$0x3FB7] =	sst s10  }
0x32: {  	s10 =	sld [smem:$0x3FB5];
	_ =	sdelay $0x3  }
0x33: {  	p0 =	seq.s32 s10, $0x1;
	s10 =	sld [smem:$0x3FB7];
	_ =	sdelay $0x3  }
0x34: {  	[smem:$0x3FB7] =	sst s10  }
0x35: {  	s10 =	sld [smem:$0x3FB6];
	_ =	sdelay $0x3  }
0x36: {  	p1 =	seq.s32 s10, $0x1;
	s10 =	sld [smem:$0x3FB7];
	_ =	sdelay $0x3  }
0x37: {  	[smem:$0x3FB7] =	sst s10  }
0x38: {  	s10 =	sld [smem:$0x3FB8]  }
0x39: {  	_ = 	snop;
	(pc) =	sbr.ind lr, $3  }
0x3a: {  	_ = 	snop  }
0x3b: {  	_ = 	snop  }
0x3c: {  	p2 =	seq.s32 s10, $0x1;
	s10 =	sld [smem:$0x3FB7]  }
0x3d: {  	_ =	shalt  }
0x3e: {  	_ =	shalt  }
0x3f: {  	_ =	shalt  }
0x40: {  	_ =	shalt  }
0x41: {  	_ =	shalt  }
0x42: {  	_ =	shalt  }
0x43: {  	_ =	shalt  }
0x44: {  	_ =	shalt  }
0x45: {  	_ =	shalt  }
0x46: {  	_ =	shalt  }
0x47: {  	_ =	shalt  }
0x48: {  	_ =	shalt  }
0x49: {  	_ =	shalt  }
0x4a: {  	_ =	shalt  }
0x4b: {  	_ =	shalt  }
0x4c: {  	_ =	shalt  }
0x4d: {  	_ =	shalt  }
0x4e: {  	_ =	shalt  }
0x4f: {  	_ =	shalt  }
0x50: {  	_ =	shalt  }
0x51: {  	_ =	shalt  }
0x52: {  	_ =	shalt  }
0x53: {  	_ =	shalt  }
0x54: {  	_ =	shalt  }
0x55: {  	_ =	shalt  }
0x56: {  	_ =	shalt  }
0x57: {  	_ =	shalt  }
0x58: {  	_ =	shalt  }
0x59: {  	_ =	shalt  }
0x5a: {  	_ =	shalt  }
0x5b: {  	_ =	shalt  }
0x5c: {  	_ =	shalt  }
0x5d: {  	_ =	shalt  }
0x5e: {  	_ =	shalt  }
0x5f: {  	_ =	shalt  }
0x60: {  	_ =	shalt  }
0x61: {  	_ =	shalt  }
0x62: {  	_ =	shalt  }
0x63: {  	_ =	shalt  }
0x64: {  	_ =	shalt  }
0x65: {  	_ =	shalt  }
0x66: {  	_ =	shalt  }
0x67: {  	_ =	shalt  }
0x68: {  	_ =	shalt  }
0x69: {  	_ =	shalt  }
0x6a: {  	_ =	shalt  }
0x6b: {  	_ =	shalt  }
0x6c: {  	_ =	shalt  }
0x6d: {  	_ =	shalt  }
0x6e: {  	_ =	shalt  }
0x6f: {  	_ =	shalt  }
0x70: {  	_ =	shalt  }
0x71: {  	_ =	shalt  }
0x72: {  	_ =	shalt  }
0x73: {  	_ =	shalt  }
0x74: {  	_ =	shalt  }
0x75: {  	_ =	shalt  }
0x76: {  	_ =	shalt  }
0x77: {  	_ =	shalt  }
0x78: {  	_ =	shalt  }
0x79: {  	_ =	shalt  }
0x7a: {  	_ =	shalt  }
0x7b: {  	_ =	shalt  }
0x7c: {  	_ =	shalt  }
0x7d: {  	_ =	shalt  }
0x7e: {  	_ =	shalt  }
0x7f: {  	_ =	shalt  }
0x80: {  	_ =	shalt  }
0x81: {  	_ =	shalt  }
0x82: {  	_ =	shalt  }
0x83: {  	_ =	shalt  }
0x84: {  	_ =	shalt  }
0x85: {  	_ =	shalt  }
0x86: {  	_ =	shalt  }
0x87: {  	_ =	shalt  }
.Lfunc_end0:
.L_simem_size_0:
called_computation.1_lowered:
.L_overlay_start_0:
0x88: {  	s2 =	sld [smem:$0x3FD9]  }
0x89: {  	s3 =	sld [smem:$0x3FFE];
	_ =	sdelay $0x1  }
0x8a: {  	s1 =	srdreg.scid  }
0x8b: {  	s0 =	sand.u32 $0x1, s1  }
0x8c: {  	s16 =	sshll.u32 s0, $0xA;
	s2 =	sadd.s32 s3, s2  }
0x8d: {  	s2 =	sadd.s32 s2, s16  }
0x8e: {  	[smem:$0x3FC3] =	sst s2  }
0x8f: {  	_ = 	snop  }
0x90: {  	(tm) =	ssettm $0x1  }
0x91: {  	s17 =	sld [smem:$0x3FFB];
	_ =	sdelay $0x3  }
0x92: {  	_ =	strace s17  }
0x93: {  	s2 =	sld [smem:$0x3FFC];
	_ =	sdelay $0x3  }
0x94: {  	_ =	strace s2  }
0x95: {  	s2 =	sld [smem:$0x3FFD];
	_ =	sdelay $0x3  }
0x96: {  	_ =	strace s2  }
0x97: {  	_ =	strace $0x8FFFFFFF  }
0x98: {  	s18 =	sld [smem:$0x3FDB];
	_ =	sdelay $0x1  }
0x99: {  	s19 =	simm.s32 $_scs_section_size  }
0x9a: {  	s4 =	simm.s32 $_size__tile_overlayer_lowered;
	s5 =	simm.s32 $_tile_overlayer_lowered  }
0x9b: {  	s22 =	simm.s32 $0x1BFF;
	s21 =	sshll.u32 s5, $0x1;
	s2 =	sadd.s32 s19, s18  }
0x9c: {  	s6 =	simm.s32 $0x0;
	s20 =	sshll.u32 s4, $0x1;
	s4 =	sadd.s32 s21, s2  }
0x9d: {  	[timem:s6], [sflag:s22] =	dma.local [hbm:s4], s20  }
0x9e: {  	_ =	swait.ge [sflag:s22], s20  }
0x9f: {  	s3 =	ssub.s32 $0x0, s20;
	[sflag:s22] =	ssyncset.done $0x0  }
0xa0: {  	[sflag:s22] =	ssyncadd.s32 s3;
	_ =	sdelay $0x1  }
0xa1: {  	s23 =	simm.s32 $0x1B8B  }
0xa2: {  	_ =	swait.ge [sflag:s23], $0x1  }
0xa3: {  	[sflag:s23] =	ssyncset.done $0x0  }
0xa4: {  	s25 =	simm.s32 $0x1B8E;
	s24 =	sld [smem:$0x3FFE];
	[sflag:s23] =	ssyncadd.s32 $0xFFFFFFFF  }
0xa5: {  	s26 =	simm.s32 $execute0_lowered;
	[smem:$0x3FD2] =	sst s25  }
0xa6: {  	s4 =	sshll.u32 s26, $0x1;
	_ =	strace $0x80000046;
	[dreg:$0x1] =	wrdreg $0xFFFFFFFF  }
0xa7: {  	s28 =	simm.s32 $_size_execute0_lowered;
	s2 =	sadd.s32 s2, s4;
	[dreg:$0x0] =	wrdreg $0x0  }
0xa8: {  	s4 =	sshll.u32 s28, $0x1;
	[dreg:$0x2] =	wrdreg s2  }
0xa9: {  	[dreg:$0x3] =	wrdreg s4  }
0xaa: {  	[dreg:$0x4] =	wrdreg $0xC0  }
0xab: {  	_ =	task [dreg:s6], $0x5FFFF  }
0xac: {  	[dreg:$0x1] =	wrdreg $0xFFFFFFFF  }
0xad: {  	[dreg:$0x0] =	wrdreg $0x60  }
0xae: {  	[dreg:$0x2] =	wrdreg s24  }
0xaf: {  	[dreg:$0x3] =	wrdreg $0x9  }
0xb0: {  	_ =	task.clear_ibuf [dreg:s6], $0x4FFFF;
	_ =	strace $0x90000046  }
0xb1: {  	s29 =	simm.s32 $0x9;
	_ =	strace $0x80000048  }
0xb2: {  	_ =	swait.ge [sflag:s29], $0x1  }
0xb3: {  	[sflag:s29] =	ssyncadd.s32 $0xFFFFFFFF  }
0xb4: {  	_ =	strace $0x90000048  }
0xb5: {  	_ =	sfence  }
0xb6: {  	s30 =	sld [smem:$0x0];
	_ =	sdelay $0x2  }
0xb7: {  	s31 =	sshll.u32 s1, $0xD;
	s1 =	sshrl.u32 s1, $0x2  }
0xb8: {  	s3 =	sand.u32 $0x4000, s31;
	s1 =	sadd.s32 s1, s30  }
0xb9: {  	s0 =	sor.u32 s3, s0;
	s1 =	sshll.u32 s1, $0x11  }
0xba: {  	s0 =	sor.u32 s1, s0  }
0xbb: {  	s0 =	sadd.s32 $0x8F2B, s0  }
0xbc: {  	[sflag:s0] =	ssyncadd.remote.s32 $0x1  }
0xbd: {  	_ =	sfence.sel $0xFFFF  }
0xbe: {  	[dreg:$0x0] =	wrdreg $0xFFFFFFFF;
	(pc) =	sbr.abs _section_cstart, $3  }
0xbf: {  	[dreg:$0x1] =	wrdreg $0xFFFFFFFF  }
0xc0: {  	_ =	task.clear_ibuf [dreg:s6], $0x2FFFF;
	_ =	strace $0x9FFFFFFF  }
0xc1: {  	(tm) =	ssettm $0x7FFFFFFF  }
tec
execute0_lowered:
.L_overlay_start_1:
0x0: {  	(tag) =	ssettag $0x1  }
0x1: {  	s2 =	rddreg [dreg:$0x0]  }
0x2: {  	s0 =	rddreg [dreg:$0x1];
	s1 =	stileid.u32  }
0x3: {  	s3 =	srdreg.scid;
	_ =	strace $0x80000047;
	s4 =	simm.s32 $0x1  }
0x4: {  	s7 =	simm.s32 $0x1;
	s8 =	simm.s32 $0x1;
	s9 =	simm.s32 $0x3  }
0x5: {  	s10 =	simm.s32 $0x0;
	s5 =	sand.u32 $0x1, s3;
	s6 =	sshll.u32 s1, $0x1  }
0x6: {  	s13 =	simm.s32 $0x0;
	s12 =	simm.s32 $0x0;
	s5 =	sor.u32 s6, s5  }
.Ltmp0:
0x7: {  	[sflag:s4] =	ssyncpa.u1 $0x0;
	p0 =	slt.u32 s5, $0x9;
	(pc) =	sbr.rel .LBB2_1-.Ltmp0, $4  }
0x8: {  	s6 =	simm.s32 $0x2;
	s7 =	simm.s32 @!p0 $0x0;
	p0 =	sne.s32 s5, $0x8  }
0x9: {  	[sflag:s6] =	ssyncpa.u1 $0x0;
	s5 =	smul.u32 $0x1F40, s5;
	s8 =	simm.s32 @!p0 $0x0  }
0xa: {  	s3 =	sadd.s32 $0x13C00, s2;
	[sflag:s9] =	ssyncpa.u1 $0x0;
	s7 =	sadd.s32 s8, s7  }
0xb: {  	vm0 =	vmmov $0xffff;
	s8 =	sadd.s32 $0x44C00, s2;
	s11 =	smov.u32 s5;
	s9 =	sadd.s32 $0x1, s7  }
.LBB2_4:
0xc: {  	v2 =	vnsel vm1, $0x0, v2  }
0xd: {  	vm1 =	vgt.s32 v0, $0x0;
	v2 =	vmin.u32 v2, $0x4E1FF  }
0xe: {  	v0 =	vnsel vm1, $0x0, v0  }
0xf: {  	v0 =	vmin.u32 v0, $0x4E1FF  }
0x10: {  	[tilespmem:s18], [sflag:$0x1] =	stream.indirect_vreg.gather [hbm4b:s2+s10], $0x1, v1, vm0, $0x4038;
	[tilespmem:$0x7D00] =	vst v63  }
0x11: {  	(ifvalue) =	ssetifvalue $0x7FFFFFFF  }
0x12: {  	[tilespmem:s15], [sflag:$0x1] =	stream.indirect_vreg.gather [hbm4b:s2+s10], $0x1, v2, vm0, $0x4038;
	[tilespmem:$0x7D00] =	vst v63  }
0x13: {  	s29 =	sadd.s32 $0x10, s15;
	(ifvalue) =	ssetifvalue $0x7FFFFFFF  }
0x14: {  	[tilespmem:s29], [sflag:$0x1] =	stream.indirect_vreg.gather [hbm4b:s2+s10], $0x1, v0, vm0, $0x4038;
	[tilespmem:$0x7D00] =	vst v63  }
0x15: {  	_ =	swait.ge [sflag:s4], $0x1F40  }
0x16: {  	s30 =	sshrl.u32 s13, $0x3;
	[sflag:s4] =	ssyncset.done $0x0  }
0x17: {  	s31 =	sand.u32 $0x7, s13;
	s15 =	sadd.s32 s8, s30;
	[sflag:s4] =	ssyncadd.s32 $0xFFFFE0C0  }
0x18: {  	[hbm4b:s15+s31] =	stream.linear.scatter [tilespmem:s14], [sflag:$0x3], $0x1F40, $0x38;
	[tilespmem:$0x7D00] =	vst v63  }
.LBB2_5:
0x19: {  	s15 =	sadd.s32 $0x3E800, s11  }
0x1a: {  	p1 =	sgt.s32 s15, $0x4E1FF  }
0x1b: {  	s15 =	smov.u32 @p1 s5;
	p1 =	sne.s32 s12, s9  }
.Ltmp1:
0x1c: {  	p0 =	slt.u32 s12, $0x2;
	(pc) =	sbr.rel @!p1 .LBB2_6-.Ltmp1, $4  }
0x1d: {  	s14 =	simm.s32 @!p0 $0x3  }
0x1e: {  	_ =	swait.ge @!p0 [sflag:s14], $0x1F40  }
0x1f: {  	s16 =	sadd.s32 $0x1, s12;
	s13 =	smov.u32 s11;
	[sflag:s14] =	ssyncset.done @!p0 $0x0  }
0x20: {  	s12 =	smov.u32 s16;
	s11 =	smov.u32 s15;
	[sflag:s14] =	ssyncadd.s32 @!p0 $0xFFFFE0C0  }
.LBB2_1:
0x21: {  	p0 =	sge.u32 s12, s7  }
0x22: {  	s14 =	sxor.u32 @!p0 $0x1, s12  }
0x23: {  	s14 =	smul.u32 @!p0 $0x7D00, s14  }
0x24: {  	s31 =	sadd.s32 $0xFFFFFFFF, s12;
	s15 =	sshrl.u32 @!p0 s11, $0x3  }
0x25: {  	s16 =	sand.u32 @!p0 $0x7, s11;
	s15 =	sadd.s32 @!p0 s3, s15;
	s14 =	sshra.s32 @!p0 s14, $0x2  }
0x26: {  	[tilespmem:s14], [sflag:$0x2] =	stream.linear.gather @!p0 [hbm4b:s15+s16], $0x1F40, $0x38;
	[tilespmem:$0x7D00] =	vst v63  }
0x27: {  	p0 =	sge.u32 s31, s7  }
.Ltmp2:
0x28: {  	_ = 	snop;
	(pc) =	sbr.rel @p0 .LBB2_5-.Ltmp2, $1  }
0x29: {  	_ =	sdelay $0x3  }
0x2a: {  	s14 =	sand.u32 $0x1, s12  }
0x2b: {  	_ =	swait.ge [sflag:s6], $0x1F40;
	p0 =	seq.s32 s14, $0x1;
	s14 =	simm.s32 $0x1F40  }
0x2c: {  	[sflag:s6] =	ssyncset.done $0x0;
	s14 =	simm.s32 @!p0 $0x0  }
0x2d: {  	[sflag:s6] =	ssyncadd.s32 $0xFFFFE0C0;
	(ifvalue) =	ssetifvalue $0x7FFFFFFF;
	v0 =	vld.msk [tilespmem:s14+$0x0 ss:$0x1], $0xffff;
	_ =	sdelay $0x4  }
0x2e: {  	s15 =	sadd.s32 $0x10, s14;
	vm1 =	vgt.s32 v0, $0x0  }
0x2f: {  	v2 =	vld.msk [tilespmem:s15+$0x0 ss:$0x1], $0xffff;
	v1 =	vnsel vm1, $0x0, v0  }
0x30: {  	v1 =	vmin.u32 v1, $0x4E1FF;
	_ =	sdelay $0x2  }
0x31: {  	s17 =	simm.s32 $0x20;
	s14 =	sadd.s32 $0x3E80, s14;
	s16 =	sadd.s32 $0x10, s15  }
0x32: {  	s15 =	sadd.s32 $0x10, s14;
	s18 =	smov.u32 s14;
	v0 =	vld.msk [tilespmem:s16+$0x0 ss:$0x1], $0xffff;
	vm1 =	vgt.s32 v2, $0x0;
	(ifvalue) =	ssetifvalue $0x7FFFFFFF  }
.LBB2_3:
0x33: {  	[tilespmem:s18], [sflag:$0x1] =	stream.indirect_vreg.gather [hbm4b:s2+s10], $0x1, v1, vm0, $0x4038;
	[tilespmem:$0x7D00] =	vst v63  }
0x34: {  	s17 =	sadd.s32 $0x10, s17  }
0x35: {  	v2 =	vnsel vm1, $0x0, v2;
	p0 =	slt.u32 s17, $0x1F30  }
.Ltmp3:
0x36: {  	s18 =	smov.u32 s15;
	v1 =	vmin.u32 v2, $0x4E1FF;
	(pc) =	sbr.rel @p0 .LBB2_3-.Ltmp3, $3  }
0x37: {  	_ =	sdelay $0x1  }
0x38: {  	s16 =	sadd.s32 $0x10, s16  }
0x39: {  	vm1 =	vgt.s32 v0, $0x0;
	s15 =	sadd.s32 $0x10, s15;
	v2 =	vmov v0;
	(ifvalue) =	ssetifvalue $0x7FFFFFFF;
	v0 =	vld.msk [tilespmem:s16+$0x0 ss:$0x1], $0xffff  }
.Ltmp4:
0x3a: {  	_ = 	snop;
	(pc) =	sbr.rel .LBB2_4-.Ltmp4, $1  }
0x3b: {  	_ =	sdelay $0x3  }
.LBB2_6:
0x3c: {  	_ =	sfence.sel $0x180000  }
0x3d: {  	s2 =	simm.s32 $0x2;
	[bflag:$0x0] =	sbarrier.arrive $0xFFFF  }
0x3e: {  	s30 =	simm.s32 $0x3;
	[sflag:s2] =	ssyncpa.u1 $0x1  }
0x3f: {  	s31 =	simm.s32 $0x1;
	[sflag:s30] =	ssyncpa.u1 $0x1  }
0x40: {  	[sflag:s31] =	ssyncpa.u1 $0x1  }
0x41: {  	p0 =	sne.s32 s1, $0x0;
	_ =	strace $0x90000047  }
0x42: {  	s0 =	sadd.s32 @!p0 $0x100000, s0;
	[bflag:$0x2] =	sbarrier.arrive $0xFFFF  }
0x43: {  	[sflag:s0] =	ssyncadd.tile.s32 @!p0 $0x1;
	_ =	shalt  }
.Lfunc_end2:
_tile_overlayer_lowered:
.L_overlay_start_2:
0x44: {  	(tag) =	ssettag $0x2  }
0x45: {  	s0 =	rddreg [dreg:$0x0];
	s2 =	stileid.u32  }
0x46: {  	s1 =	rddreg [dreg:$0x1];
	p0 =	sne.s32 s2, $0x0  }
0x47: {  	s3 =	rddreg [dreg:$0x2];
	[bflag:$0x3] =	sbarrier.arrive $0xFFFF;
	s2 =	simm.s32 @!p0 $0x1C01  }
0x48: {  	[timem:s3], [sflag:s2] =	dma.local @!p0 [hbm:s0], s1  }
0x49: {  	s0 =	simm.s32 @!p0 $0x1  }
0x4a: {  	_ =	swait.ge @!p0 [sflag:s0], s1  }
0x4b: {  	s1 =	ssub.s32 @!p0 $0x0, s1;
	[sflag:s0] =	ssyncset.done @!p0 $0x0  }
0x4c: {  	[sflag:s0] =	ssyncadd.s32 @!p0 s1  }
0x4d: {  	[bflag:$0x3] =	sbarrier.arrive $0xFFFF  }
0x4e: {  	_ =	shalt  }

// kernel: gather_offload_async_start
scs
__scs_entry_jumppad:
0x0: {  	(pc) =	sbr.rel $0x88, $3  }
0x1: {  	(tag) =	ssettag $0x0;
	lr =	simm.s32 $0x1  }
0x2: {  	[smem:$0x3F9C] =	sst lr;
	_ =	strace $0xD0000000  }
0x3: {  	_ = 	snop  }
0x4: {  	_ = 	snop  }
0x5: {  	_ = 	snop  }
0x6: {  	_ = 	snop  }
0x7: {  	_ = 	snop  }
__scs_overlays_trampoline_lowered:
0x8: {  	[smem:$0x3FAB] =	sst s0  }
0x9: {  	[smem:$0x3FAC] =	sst s1  }
0xa: {  	[smem:$0x3FAD] =	sst s2  }
0xb: {  	[smem:$0x3FAE] =	sst s3  }
0xc: {  	[smem:$0x3FAF] =	sst s4  }
0xd: {  	[smem:$0x3FB0] =	sst s5  }
0xe: {  	[smem:$0x3FB1] =	sst s6  }
0xf: {  	[smem:$0x3FB2] =	sst s7  }
0x10: {  	[smem:$0x3FB3] =	sst s8  }
0x11: {  	[smem:$0x3FB4] =	sst s9;
	s0 =	simm.s32 @!p0 $0x0  }
0x12: {  	s1 =	sld [smem:$0x3F9A];
	s0 =	simm.s32 @p0 $0x1  }
0x13: {  	[smem:$0x3FB5] =	sst s0;
	s0 =	simm.s32 @!p1 $0x0  }
0x14: {  	s2 =	sld [smem:$0x3F99];
	s0 =	simm.s32 @p1 $0x1  }
0x15: {  	[smem:$0x3FB6] =	sst s0;
	s0 =	simm.s32 @!p2 $0x0  }
0x16: {  	s3 =	sld [smem:$0x3FDB];
	s0 =	simm.s32 @p2 $0x1  }
0x17: {  	s4 =	simm.s32 $0x1BF5;
	[smem:$0x3FB8] =	sst s0  }
0x18: {  	s0 =	sld [smem:$0x3F9B];
	_ =	swait.ge [sflag:s4], $0x0  }
0x19: {  	s7 =	sld [smem:$0x3F9C]  }
0x1a: {  	s8 =	sadd.s32 $0xFFFFE003, lr  }
0x1b: {  	s9 =	sadd.s32 $0xFFFFFEF7, lr;
	s5 =	simm.s32 $0xFFFFFFFF;
	p2 =	slt.u32 s8, $0xFFFFF086  }
0x1c: {  	p1 =	slt.u32 s9, $0xF7A;
	s5 =	simm.s32 @!p2 $0x0  }
0x1d: {  	s5 =	simm.s32 @p1 $0x1;
	p0 =	seq.s32 s7, s2  }
0x1e: {  	s7 =	smul.u32 @!p0 $0xF7A, s2;
	p2 =	seq.s32 @!p0 s5, $0x0  }
0x1f: {  	s9 =	smul.u32 $0xF7A, s1;
	s8 =	simm.s32 @!p0 $0x1BF5;
	p2 =	por !p2, p0  }
0x20: {  	[sflag:s8] =	ssyncset.s32 @!p0 $0xFFFFF086;
	s6 =	sadd.s32 @!p0 s3, s7;
	s7 =	simm.s32 @!p0 $0x108  }
0x21: {  	s3 =	sadd.s32 s3, s9;
	s6 =	sadd.s32 @!p0 $0x88, s6;
	s7 =	simm.s32 @p2 $0x1082  }
0x22: {  	[simem:s7], [sflag:s8] =	dma.local @!p0 [hbm:s6], $0xF7A  }
0x23: {  	s9 =	sor.u32 $0xD0000000, s2;
	s6 =	simm.s32 $0x108;
	_ =	swait.ge @!p0 [sflag:s8], $0x0  }
0x24: {  	s3 =	sadd.s32 $0x88, s3;
	s6 =	simm.s32 @!p1 $0x1082;
	[sflag:s4] =	ssyncset.s32 $0xFFFFF086  }
0x25: {  	[simem:s6], [sflag:s4] =	dma.local [hbm:s3], $0xF7A  }
0x26: {  	[smem:$0x3F9C] =	sst s1;
	(tag) =	ssettag s2;
	_ =	strace s9  }
0x27: {  	s1 =	sld [smem:$0x3FAC]  }
0x28: {  	s2 =	sld [smem:$0x3FAD]  }
0x29: {  	s4 =	sld [smem:$0x3FAF]  }
0x2a: {  	p0 =	seq.s32 s5, $0x0;
	s5 =	sld [smem:$0x3FB0]  }
0x2b: {  	s6 =	sld [smem:$0x3FB1]  }
0x2c: {  	s7 =	sld [smem:$0x3FB2]  }
0x2d: {  	s3 =	simm.s32 $0x108;
	s8 =	sld [smem:$0x3FB3]  }
0x2e: {  	s3 =	simm.s32 @!p0 $0x1082;
	s9 =	sld [smem:$0x3FB4]  }
0x2f: {  	lr =	sadd.s32 s0, s3;
	s0 =	sld [smem:$0x3FAB]  }
0x30: {  	s3 =	sld [smem:$0x3FAE]  }
0x31: {  	[smem:$0x3FB7] =	sst s10  }
0x32: {  	s10 =	sld [smem:$0x3FB5];
	_ =	sdelay $0x3  }
0x33: {  	p0 =	seq.s32 s10, $0x1;
	s10 =	sld [smem:$0x3FB7];
	_ =	sdelay $0x3  }
0x34: {  	[smem:$0x3FB7] =	sst s10  }
0x35: {  	s10 =	sld [smem:$0x3FB6];
	_ =	sdelay $0x3  }
0x36: {  	p1 =	seq.s32 s10, $0x1;
	s10 =	sld [smem:$0x3FB7];
	_ =	sdelay $0x3  }
0x37: {  	[smem:$0x3FB7] =	sst s10  }
0x38: {  	s10 =	sld [smem:$0x3FB8]  }
0x39: {  	_ = 	snop;
	(pc) =	sbr.ind lr, $3  }
0x3a: {  	_ = 	snop  }
0x3b: {  	_ = 	snop  }
0x3c: {  	p2 =	seq.s32 s10, $0x1;
	s10 =	sld [smem:$0x3FB7]  }
0x3d: {  	_ =	shalt  }
0x3e: {  	_ =	shalt  }
0x3f: {  	_ =	shalt  }
0x40: {  	_ =	shalt  }
0x41: {  	_ =	shalt  }
0x42: {  	_ =	shalt  }
0x43: {  	_ =	shalt  }
0x44: {  	_ =	shalt  }
0x45: {  	_ =	shalt  }
0x46: {  	_ =	shalt  }
0x47: {  	_ =	shalt  }
0x48: {  	_ =	shalt  }
0x49: {  	_ =	shalt  }
0x4a: {  	_ =	shalt  }
0x4b: {  	_ =	shalt  }
0x4c: {  	_ =	shalt  }
0x4d: {  	_ =	shalt  }
0x4e: {  	_ =	shalt  }
0x4f: {  	_ =	shalt  }
0x50: {  	_ =	shalt  }
0x51: {  	_ =	shalt  }
0x52: {  	_ =	shalt  }
0x53: {  	_ =	shalt  }
0x54: {  	_ =	shalt  }
0x55: {  	_ =	shalt  }
0x56: {  	_ =	shalt  }
0x57: {  	_ =	shalt  }
0x58: {  	_ =	shalt  }
0x59: {  	_ =	shalt  }
0x5a: {  	_ =	shalt  }
0x5b: {  	_ =	shalt  }
0x5c: {  	_ =	shalt  }
0x5d: {  	_ =	shalt  }
0x5e: {  	_ =	shalt  }
0x5f: {  	_ =	shalt  }
0x60: {  	_ =	shalt  }
0x61: {  	_ =	shalt  }
0x62: {  	_ =	shalt  }
0x63: {  	_ =	shalt  }
0x64: {  	_ =	shalt  }
0x65: {  	_ =	shalt  }
0x66: {  	_ =	shalt  }
0x67: {  	_ =	shalt  }
0x68: {  	_ =	shalt  }
0x69: {  	_ =	shalt  }
0x6a: {  	_ =	shalt  }
0x6b: {  	_ =	shalt  }
0x6c: {  	_ =	shalt  }
0x6d: {  	_ =	shalt  }
0x6e: {  	_ =	shalt  }
0x6f: {  	_ =	shalt  }
0x70: {  	_ =	shalt  }
0x71: {  	_ =	shalt  }
0x72: {  	_ =	shalt  }
0x73: {  	_ =	shalt  }
0x74: {  	_ =	shalt  }
0x75: {  	_ =	shalt  }
0x76: {  	_ =	shalt  }
0x77: {  	_ =	shalt  }
0x78: {  	_ =	shalt  }
0x79: {  	_ =	shalt  }
0x7a: {  	_ =	shalt  }
0x7b: {  	_ =	shalt  }
0x7c: {  	_ =	shalt  }
0x7d: {  	_ =	shalt  }
0x7e: {  	_ =	shalt  }
0x7f: {  	_ =	shalt  }
0x80: {  	_ =	shalt  }
0x81: {  	_ =	shalt  }
0x82: {  	_ =	shalt  }
0x83: {  	_ =	shalt  }
0x84: {  	_ =	shalt  }
0x85: {  	_ =	shalt  }
0x86: {  	_ =	shalt  }
0x87: {  	_ =	shalt  }
.Lfunc_end0:
.L_simem_size_0:
called_computation_lowered:
.L_overlay_start_0:
0x88: {  	s2 =	sld [smem:$0x3FD9]  }
0x89: {  	s3 =	sld [smem:$0x3FFE];
	_ =	sdelay $0x1  }
0x8a: {  	s1 =	srdreg.scid  }
0x8b: {  	s0 =	sand.u32 $0x1, s1  }
0x8c: {  	s16 =	sshll.u32 s0, $0xA;
	s2 =	sadd.s32 s3, s2  }
0x8d: {  	s2 =	sadd.s32 s2, s16  }
0x8e: {  	[smem:$0x3FC3] =	sst s2  }
0x8f: {  	_ = 	snop  }
0x90: {  	(tm) =	ssettm $0x1  }
0x91: {  	s17 =	sld [smem:$0x3FFB];
	_ =	sdelay $0x3  }
0x92: {  	_ =	strace s17  }
0x93: {  	s2 =	sld [smem:$0x3FFC];
	_ =	sdelay $0x3  }
0x94: {  	_ =	strace s2  }
0x95: {  	s2 =	sld [smem:$0x3FFD];
	_ =	sdelay $0x3  }
0x96: {  	_ =	strace s2  }
0x97: {  	_ =	strace $0x8FFFFFFF  }
0x98: {  	s18 =	sld [smem:$0x3FDB];
	_ =	sdelay $0x1  }
0x99: {  	s19 =	simm.s32 $_scs_section_size  }
0x9a: {  	s4 =	simm.s32 $_size__tile_overlayer_lowered;
	s5 =	simm.s32 $_tile_overlayer_lowered  }
0x9b: {  	s22 =	simm.s32 $0x1BFF;
	s21 =	sshll.u32 s5, $0x1;
	s2 =	sadd.s32 s19, s18  }
0x9c: {  	s6 =	simm.s32 $0x0;
	s20 =	sshll.u32 s4, $0x1;
	s4 =	sadd.s32 s21, s2  }
0x9d: {  	[timem:s6], [sflag:s22] =	dma.local [hbm:s4], s20  }
0x9e: {  	_ =	swait.ge [sflag:s22], s20  }
0x9f: {  	s3 =	ssub.s32 $0x0, s20;
	[sflag:s22] =	ssyncset.done $0x0  }
0xa0: {  	[sflag:s22] =	ssyncadd.s32 s3;
	_ =	sdelay $0x1  }
0xa1: {  	s23 =	simm.s32 $0x1B8B  }
0xa2: {  	_ =	swait.ge [sflag:s23], $0x1  }
0xa3: {  	[sflag:s23] =	ssyncset.done $0x0  }
0xa4: {  	s25 =	simm.s32 $0x1B8E;
	s24 =	sld [smem:$0x3FFE];
	[sflag:s23] =	ssyncadd.s32 $0xFFFFFFFF  }
0xa5: {  	s26 =	simm.s32 $execute0_lowered;
	[smem:$0x3FD2] =	sst s25  }
0xa6: {  	s4 =	sshll.u32 s26, $0x1;
	_ =	strace $0x80000049;
	[dreg:$0x1] =	wrdreg $0xFFFFFFFF  }
0xa7: {  	s28 =	simm.s32 $_size_execute0_lowered;
	s2 =	sadd.s32 s2, s4;
	[dreg:$0x0] =	wrdreg $0x0  }
0xa8: {  	s4 =	sshll.u32 s28, $0x1;
	[dreg:$0x2] =	wrdreg s2  }
0xa9: {  	[dreg:$0x3] =	wrdreg s4  }
0xaa: {  	[dreg:$0x4] =	wrdreg $0xC0  }
0xab: {  	_ =	task [dreg:s6], $0x5FFFF  }
0xac: {  	[dreg:$0x1] =	wrdreg $0xFFFFFFFF  }
0xad: {  	[dreg:$0x0] =	wrdreg $0x60  }
0xae: {  	[dreg:$0x2] =	wrdreg s24  }
0xaf: {  	[dreg:$0x3] =	wrdreg $0x9  }
0xb0: {  	_ =	task.clear_ibuf [dreg:s6], $0x4FFFF;
	_ =	strace $0x90000049  }
0xb1: {  	s29 =	simm.s32 $0x9;
	_ =	strace $0x8000004B  }
0xb2: {  	_ =	swait.ge [sflag:s29], $0x1  }
0xb3: {  	[sflag:s29] =	ssyncadd.s32 $0xFFFFFFFF  }
0xb4: {  	_ =	strace $0x9000004B  }
0xb5: {  	_ =	sfence  }
0xb6: {  	s30 =	sld [smem:$0x0];
	_ =	sdelay $0x2  }
0xb7: {  	s31 =	sshll.u32 s1, $0xD;
	s1 =	sshrl.u32 s1, $0x2  }
0xb8: {  	s3 =	sand.u32 $0x4000, s31;
	s1 =	sadd.s32 s1, s30  }
0xb9: {  	s0 =	sor.u32 s3, s0;
	s1 =	sshll.u32 s1, $0x11  }
0xba: {  	s0 =	sor.u32 s1, s0  }
0xbb: {  	s0 =	sadd.s32 $0x8F2B, s0  }
0xbc: {  	[sflag:s0] =	ssyncadd.remote.s32 $0x1  }
0xbd: {  	_ =	sfence.sel $0xFFFF  }
0xbe: {  	[dreg:$0x0] =	wrdreg $0xFFFFFFFF;
	(pc) =	sbr.abs _section_cstart, $3  }
0xbf: {  	[dreg:$0x1] =	wrdreg $0xFFFFFFFF  }
0xc0: {  	_ =	task.clear_ibuf [dreg:s6], $0x2FFFF;
	_ =	strace $0x9FFFFFFF  }
0xc1: {  	(tm) =	ssettm $0x7FFFFFFF  }
tec
execute0_lowered:
.L_overlay_start_1:
0x0: {  	(tag) =	ssettag $0x1  }
0x1: {  	s2 =	rddreg [dreg:$0x0]  }
0x2: {  	s0 =	rddreg [dreg:$0x1];
	s1 =	stileid.u32  }
0x3: {  	s3 =	srdreg.scid;
	_ =	strace $0x8000004A;
	s4 =	simm.s32 $0x1  }
0x4: {  	s7 =	simm.s32 $0x1;
	s8 =	simm.s32 $0x1;
	s9 =	simm.s32 $0x3  }
0x5: {  	s10 =	simm.s32 $0x0;
	s5 =	sand.u32 $0x1, s3;
	s6 =	sshll.u32 s1, $0x1  }
0x6: {  	s13 =	simm.s32 $0x0;
	s12 =	simm.s32 $0x0;
	s5 =	sor.u32 s6, s5  }
.Ltmp0:
0x7: {  	[sflag:s4] =	ssyncpa.u1 $0x0;
	p0 =	slt.u32 s5, $0x9;
	(pc) =	sbr.rel .LBB2_1-.Ltmp0, $4  }
0x8: {  	s6 =	simm.s32 $0x2;
	s7 =	simm.s32 @!p0 $0x0;
	p0 =	sne.s32 s5, $0x8  }
0x9: {  	[sflag:s6] =	ssyncpa.u1 $0x0;
	s5 =	smul.u32 $0x1F40, s5;
	s8 =	simm.s32 @!p0 $0x0  }
0xa: {  	s3 =	sadd.s32 $0x9E00, s2;
	[sflag:s9] =	ssyncpa.u1 $0x0;
	s7 =	sadd.s32 s8, s7  }
0xb: {  	vm0 =	vmmov $0xffff;
	s8 =	sadd.s32 $0x13C00, s2;
	s11 =	smov.u32 s5;
	s9 =	sadd.s32 $0x1, s7  }
.LBB2_4:
0xc: {  	v2 =	vnsel vm1, $0x0, v2  }
0xd: {  	vm1 =	vgt.s32 v0, $0x0;
	v2 =	vmin.u32 v2, $0x4E1FF  }
0xe: {  	v0 =	vnsel vm1, $0x0, v0  }
0xf: {  	v0 =	vmin.u32 v0, $0x4E1FF  }
0x10: {  	[tilespmem:s18], [sflag:$0x1] =	stream.indirect_vreg.gather [hbm4b:s3+s10], $0x1, v1, vm0, $0x4038;
	[tilespmem:$0x7D00] =	vst v63  }
0x11: {  	(ifvalue) =	ssetifvalue $0x7FFFFFFF  }
0x12: {  	[tilespmem:s15], [sflag:$0x1] =	stream.indirect_vreg.gather [hbm4b:s3+s10], $0x1, v2, vm0, $0x4038;
	[tilespmem:$0x7D00] =	vst v63  }
0x13: {  	s29 =	sadd.s32 $0x10, s15;
	(ifvalue) =	ssetifvalue $0x7FFFFFFF  }
0x14: {  	[tilespmem:s29], [sflag:$0x1] =	stream.indirect_vreg.gather [hbm4b:s3+s10], $0x1, v0, vm0, $0x4038;
	[tilespmem:$0x7D00] =	vst v63  }
0x15: {  	_ =	swait.ge [sflag:s4], $0x1F40  }
0x16: {  	s30 =	sshrl.u32 s13, $0x3;
	[sflag:s4] =	ssyncset.done $0x0  }
0x17: {  	s31 =	sand.u32 $0x7, s13;
	s15 =	sadd.s32 s2, s30;
	[sflag:s4] =	ssyncadd.s32 $0xFFFFE0C0  }
0x18: {  	[hbm4b:s15+s31] =	stream.linear.scatter [tilespmem:s14], [sflag:$0x3], $0x1F40, $0x38;
	[tilespmem:$0x7D00] =	vst v63  }
.LBB2_5:
0x19: {  	s15 =	sadd.s32 $0x3E800, s11  }
0x1a: {  	p1 =	sgt.s32 s15, $0x4E1FF  }
0x1b: {  	s15 =	smov.u32 @p1 s5;
	p1 =	sne.s32 s12, s9  }
.Ltmp1:
0x1c: {  	p0 =	slt.u32 s12, $0x2;
	(pc) =	sbr.rel @!p1 .LBB2_6-.Ltmp1, $4  }
0x1d: {  	s14 =	simm.s32 @!p0 $0x3  }
0x1e: {  	_ =	swait.ge @!p0 [sflag:s14], $0x1F40  }
0x1f: {  	s16 =	sadd.s32 $0x1, s12;
	s13 =	smov.u32 s11;
	[sflag:s14] =	ssyncset.done @!p0 $0x0  }
0x20: {  	s12 =	smov.u32 s16;
	s11 =	smov.u32 s15;
	[sflag:s14] =	ssyncadd.s32 @!p0 $0xFFFFE0C0  }
.LBB2_1:
0x21: {  	p0 =	sge.u32 s12, s7  }
0x22: {  	s14 =	sxor.u32 @!p0 $0x1, s12  }
0x23: {  	s14 =	smul.u32 @!p0 $0x7D00, s14  }
0x24: {  	s31 =	sadd.s32 $0xFFFFFFFF, s12;
	s15 =	sshrl.u32 @!p0 s11, $0x3  }
0x25: {  	s16 =	sand.u32 @!p0 $0x7, s11;
	s15 =	sadd.s32 @!p0 s8, s15;
	s14 =	sshra.s32 @!p0 s14, $0x2  }
0x26: {  	[tilespmem:s14], [sflag:$0x2] =	stream.linear.gather @!p0 [hbm4b:s15+s16], $0x1F40, $0x38;
	[tilespmem:$0x7D00] =	vst v63  }
0x27: {  	p0 =	sge.u32 s31, s7  }
.Ltmp2:
0x28: {  	_ = 	snop;
	(pc) =	sbr.rel @p0 .LBB2_5-.Ltmp2, $1  }
0x29: {  	_ =	sdelay $0x3  }
0x2a: {  	s14 =	sand.u32 $0x1, s12  }
0x2b: {  	_ =	swait.ge [sflag:s6], $0x1F40;
	p0 =	seq.s32 s14, $0x1;
	s14 =	simm.s32 $0x1F40  }
0x2c: {  	[sflag:s6] =	ssyncset.done $0x0;
	s14 =	simm.s32 @!p0 $0x0  }
0x2d: {  	[sflag:s6] =	ssyncadd.s32 $0xFFFFE0C0;
	(ifvalue) =	ssetifvalue $0x7FFFFFFF;
	v0 =	vld.msk [tilespmem:s14+$0x0 ss:$0x1], $0xffff;
	_ =	sdelay $0x4  }
0x2e: {  	s15 =	sadd.s32 $0x10, s14;
	vm1 =	vgt.s32 v0, $0x0  }
0x2f: {  	v2 =	vld.msk [tilespmem:s15+$0x0 ss:$0x1], $0xffff;
	v1 =	vnsel vm1, $0x0, v0  }
0x30: {  	v1 =	vmin.u32 v1, $0x4E1FF;
	_ =	sdelay $0x2  }
0x31: {  	s17 =	simm.s32 $0x20;
	s14 =	sadd.s32 $0x3E80, s14;
	s16 =	sadd.s32 $0x10, s15  }
0x32: {  	s15 =	sadd.s32 $0x10, s14;
	s18 =	smov.u32 s14;
	v0 =	vld.msk [tilespmem:s16+$0x0 ss:$0x1], $0xffff;
	vm1 =	vgt.s32 v2, $0x0;
	(ifvalue) =	ssetifvalue $0x7FFFFFFF  }
.LBB2_3:
0x33: {  	[tilespmem:s18], [sflag:$0x1] =	stream.indirect_vreg.gather [hbm4b:s3+s10], $0x1, v1, vm0, $0x4038;
	[tilespmem:$0x7D00] =	vst v63  }
0x34: {  	s17 =	sadd.s32 $0x10, s17  }
0x35: {  	v2 =	vnsel vm1, $0x0, v2;
	p0 =	slt.u32 s17, $0x1F30  }
.Ltmp3:
0x36: {  	s18 =	smov.u32 s15;
	v1 =	vmin.u32 v2, $0x4E1FF;
	(pc) =	sbr.rel @p0 .LBB2_3-.Ltmp3, $3  }
0x37: {  	_ =	sdelay $0x1  }
0x38: {  	s16 =	sadd.s32 $0x10, s16  }
0x39: {  	vm1 =	vgt.s32 v0, $0x0;
	s15 =	sadd.s32 $0x10, s15;
	v2 =	vmov v0;
	(ifvalue) =	ssetifvalue $0x7FFFFFFF;
	v0 =	vld.msk [tilespmem:s16+$0x0 ss:$0x1], $0xffff  }
.Ltmp4:
0x3a: {  	_ = 	snop;
	(pc) =	sbr.rel .LBB2_4-.Ltmp4, $1  }
0x3b: {  	_ =	sdelay $0x3  }
.LBB2_6:
0x3c: {  	_ =	sfence.sel $0x180000  }
0x3d: {  	s2 =	simm.s32 $0x2;
	[bflag:$0x0] =	sbarrier.arrive $0xFFFF  }
0x3e: {  	s30 =	simm.s32 $0x3;
	[sflag:s2] =	ssyncpa.u1 $0x1  }
0x3f: {  	s31 =	simm.s32 $0x1;
	[sflag:s30] =	ssyncpa.u1 $0x1  }
0x40: {  	[sflag:s31] =	ssyncpa.u1 $0x1  }
0x41: {  	p0 =	sne.s32 s1, $0x0;
	_ =	strace $0x9000004A  }
0x42: {  	s0 =	sadd.s32 @!p0 $0x100000, s0;
	[bflag:$0x2] =	sbarrier.arrive $0xFFFF  }
0x43: {  	[sflag:s0] =	ssyncadd.tile.s32 @!p0 $0x1;
	_ =	shalt  }
.Lfunc_end2:
_tile_overlayer_lowered:
.L_overlay_start_2:
0x44: {  	(tag) =	ssettag $0x2  }
0x45: {  	s0 =	rddreg [dreg:$0x0];
	s2 =	stileid.u32  }
0x46: {  	s1 =	rddreg [dreg:$0x1];
	p0 =	sne.s32 s2, $0x0  }
0x47: {  	s3 =	rddreg [dreg:$0x2];
	[bflag:$0x3] =	sbarrier.arrive $0xFFFF;
	s2 =	simm.s32 @!p0 $0x1C01  }
0x48: {  	[timem:s3], [sflag:s2] =	dma.local @!p0 [hbm:s0], s1  }
0x49: {  	s0 =	simm.s32 @!p0 $0x1  }
0x4a: {  	_ =	swait.ge @!p0 [sflag:s0], s1  }
0x4b: {  	s1 =	ssub.s32 @!p0 $0x0, s1;
	[sflag:s0] =	ssyncset.done @!p0 $0x0  }
0x4c: {  	[sflag:s0] =	ssyncadd.s32 @!p0 s1  }
0x4d: {  	[bflag:$0x3] =	sbarrier.arrive $0xFFFF  }
0x4e: {  	_ =	shalt  }

// kernel: kernel.6.cloned.1.call-start
scs
__scs_entry_jumppad:
0x0: {  	(pc) =	sbr.rel $0x88, $3  }
0x1: {  	(tag) =	ssettag $0x0;
	lr =	simm.s32 $0x1  }
0x2: {  	[smem:$0x3F9C] =	sst lr;
	_ =	strace $0xD0000000  }
0x3: {  	_ = 	snop  }
0x4: {  	_ = 	snop  }
0x5: {  	_ = 	snop  }
0x6: {  	_ = 	snop  }
0x7: {  	_ = 	snop  }
__scs_overlays_trampoline_lowered:
0x8: {  	[smem:$0x3FAB] =	sst s0  }
0x9: {  	[smem:$0x3FAC] =	sst s1  }
0xa: {  	[smem:$0x3FAD] =	sst s2  }
0xb: {  	[smem:$0x3FAE] =	sst s3  }
0xc: {  	[smem:$0x3FAF] =	sst s4  }
0xd: {  	[smem:$0x3FB0] =	sst s5  }
0xe: {  	[smem:$0x3FB1] =	sst s6  }
0xf: {  	[smem:$0x3FB2] =	sst s7  }
0x10: {  	[smem:$0x3FB3] =	sst s8  }
0x11: {  	[smem:$0x3FB4] =	sst s9;
	s0 =	simm.s32 @!p0 $0x0  }
0x12: {  	s1 =	sld [smem:$0x3F9A];
	s0 =	simm.s32 @p0 $0x1  }
0x13: {  	[smem:$0x3FB5] =	sst s0;
	s0 =	simm.s32 @!p1 $0x0  }
0x14: {  	s2 =	sld [smem:$0x3F99];
	s0 =	simm.s32 @p1 $0x1  }
0x15: {  	[smem:$0x3FB6] =	sst s0;
	s0 =	simm.s32 @!p2 $0x0  }
0x16: {  	s3 =	sld [smem:$0x3FDB];
	s0 =	simm.s32 @p2 $0x1  }
0x17: {  	s4 =	simm.s32 $0x1BF5;
	[smem:$0x3FB8] =	sst s0  }
0x18: {  	s0 =	sld [smem:$0x3F9B];
	_ =	swait.ge [sflag:s4], $0x0  }
0x19: {  	s7 =	sld [smem:$0x3F9C]  }
0x1a: {  	s8 =	sadd.s32 $0xFFFFE003, lr  }
0x1b: {  	s9 =	sadd.s32 $0xFFFFFEF7, lr;
	s5 =	simm.s32 $0xFFFFFFFF;
	p2 =	slt.u32 s8, $0xFFFFF086  }
0x1c: {  	p1 =	slt.u32 s9, $0xF7A;
	s5 =	simm.s32 @!p2 $0x0  }
0x1d: {  	s5 =	simm.s32 @p1 $0x1;
	p0 =	seq.s32 s7, s2  }
0x1e: {  	s7 =	smul.u32 @!p0 $0xF7A, s2;
	p2 =	seq.s32 @!p0 s5, $0x0  }
0x1f: {  	s9 =	smul.u32 $0xF7A, s1;
	s8 =	simm.s32 @!p0 $0x1BF5;
	p2 =	por !p2, p0  }
0x20: {  	[sflag:s8] =	ssyncset.s32 @!p0 $0xFFFFF086;
	s6 =	sadd.s32 @!p0 s3, s7;
	s7 =	simm.s32 @!p0 $0x108  }
0x21: {  	s3 =	sadd.s32 s3, s9;
	s6 =	sadd.s32 @!p0 $0x88, s6;
	s7 =	simm.s32 @p2 $0x1082  }
0x22: {  	[simem:s7], [sflag:s8] =	dma.local @!p0 [hbm:s6], $0xF7A  }
0x23: {  	s9 =	sor.u32 $0xD0000000, s2;
	s6 =	simm.s32 $0x108;
	_ =	swait.ge @!p0 [sflag:s8], $0x0  }
0x24: {  	s3 =	sadd.s32 $0x88, s3;
	s6 =	simm.s32 @!p1 $0x1082;
	[sflag:s4] =	ssyncset.s32 $0xFFFFF086  }
0x25: {  	[simem:s6], [sflag:s4] =	dma.local [hbm:s3], $0xF7A  }
0x26: {  	[smem:$0x3F9C] =	sst s1;
	(tag) =	ssettag s2;
	_ =	strace s9  }
0x27: {  	s1 =	sld [smem:$0x3FAC]  }
0x28: {  	s2 =	sld [smem:$0x3FAD]  }
0x29: {  	s4 =	sld [smem:$0x3FAF]  }
0x2a: {  	p0 =	seq.s32 s5, $0x0;
	s5 =	sld [smem:$0x3FB0]  }
0x2b: {  	s6 =	sld [smem:$0x3FB1]  }
0x2c: {  	s7 =	sld [smem:$0x3FB2]  }
0x2d: {  	s3 =	simm.s32 $0x108;
	s8 =	sld [smem:$0x3FB3]  }
0x2e: {  	s3 =	simm.s32 @!p0 $0x1082;
	s9 =	sld [smem:$0x3FB4]  }
0x2f: {  	lr =	sadd.s32 s0, s3;
	s0 =	sld [smem:$0x3FAB]  }
0x30: {  	s3 =	sld [smem:$0x3FAE]  }
0x31: {  	[smem:$0x3FB7] =	sst s10  }
0x32: {  	s10 =	sld [smem:$0x3FB5];
	_ =	sdelay $0x3  }
0x33: {  	p0 =	seq.s32 s10, $0x1;
	s10 =	sld [smem:$0x3FB7];
	_ =	sdelay $0x3  }
0x34: {  	[smem:$0x3FB7] =	sst s10  }
0x35: {  	s10 =	sld [smem:$0x3FB6];
	_ =	sdelay $0x3  }
0x36: {  	p1 =	seq.s32 s10, $0x1;
	s10 =	sld [smem:$0x3FB7];
	_ =	sdelay $0x3  }
0x37: {  	[smem:$0x3FB7] =	sst s10  }
0x38: {  	s10 =	sld [smem:$0x3FB8]  }
0x39: {  	_ = 	snop;
	(pc) =	sbr.ind lr, $3  }
0x3a: {  	_ = 	snop  }
0x3b: {  	_ = 	snop  }
0x3c: {  	p2 =	seq.s32 s10, $0x1;
	s10 =	sld [smem:$0x3FB7]  }
0x3d: {  	_ =	shalt  }
0x3e: {  	_ =	shalt  }
0x3f: {  	_ =	shalt  }
0x40: {  	_ =	shalt  }
0x41: {  	_ =	shalt  }
0x42: {  	_ =	shalt  }
0x43: {  	_ =	shalt  }
0x44: {  	_ =	shalt  }
0x45: {  	_ =	shalt  }
0x46: {  	_ =	shalt  }
0x47: {  	_ =	shalt  }
0x48: {  	_ =	shalt  }
0x49: {  	_ =	shalt  }
0x4a: {  	_ =	shalt  }
0x4b: {  	_ =	shalt  }
0x4c: {  	_ =	shalt  }
0x4d: {  	_ =	shalt  }
0x4e: {  	_ =	shalt  }
0x4f: {  	_ =	shalt  }
0x50: {  	_ =	shalt  }
0x51: {  	_ =	shalt  }
0x52: {  	_ =	shalt  }
0x53: {  	_ =	shalt  }
0x54: {  	_ =	shalt  }
0x55: {  	_ =	shalt  }
0x56: {  	_ =	shalt  }
0x57: {  	_ =	shalt  }
0x58: {  	_ =	shalt  }
0x59: {  	_ =	shalt  }
0x5a: {  	_ =	shalt  }
0x5b: {  	_ =	shalt  }
0x5c: {  	_ =	shalt  }
0x5d: {  	_ =	shalt  }
0x5e: {  	_ =	shalt  }
0x5f: {  	_ =	shalt  }
0x60: {  	_ =	shalt  }
0x61: {  	_ =	shalt  }
0x62: {  	_ =	shalt  }
0x63: {  	_ =	shalt  }
0x64: {  	_ =	shalt  }
0x65: {  	_ =	shalt  }
0x66: {  	_ =	shalt  }
0x67: {  	_ =	shalt  }
0x68: {  	_ =	shalt  }
0x69: {  	_ =	shalt  }
0x6a: {  	_ =	shalt  }
0x6b: {  	_ =	shalt  }
0x6c: {  	_ =	shalt  }
0x6d: {  	_ =	shalt  }
0x6e: {  	_ =	shalt  }
0x6f: {  	_ =	shalt  }
0x70: {  	_ =	shalt  }
0x71: {  	_ =	shalt  }
0x72: {  	_ =	shalt  }
0x73: {  	_ =	shalt  }
0x74: {  	_ =	shalt  }
0x75: {  	_ =	shalt  }
0x76: {  	_ =	shalt  }
0x77: {  	_ =	shalt  }
0x78: {  	_ =	shalt  }
0x79: {  	_ =	shalt  }
0x7a: {  	_ =	shalt  }
0x7b: {  	_ =	shalt  }
0x7c: {  	_ =	shalt  }
0x7d: {  	_ =	shalt  }
0x7e: {  	_ =	shalt  }
0x7f: {  	_ =	shalt  }
0x80: {  	_ =	shalt  }
0x81: {  	_ =	shalt  }
0x82: {  	_ =	shalt  }
0x83: {  	_ =	shalt  }
0x84: {  	_ =	shalt  }
0x85: {  	_ =	shalt  }
0x86: {  	_ =	shalt  }
0x87: {  	_ =	shalt  }
.Lfunc_end0:
.L_simem_size_0:
called_computation.2_lowered:
.L_overlay_start_0:
0x88: {  	s2 =	sld [smem:$0x3FD9]  }
0x89: {  	s3 =	sld [smem:$0x3FFE];
	_ =	sdelay $0x1  }
0x8a: {  	s1 =	srdreg.scid  }
0x8b: {  	s0 =	sand.u32 $0x1, s1  }
0x8c: {  	s17 =	sshll.u32 s0, $0xA;
	s2 =	sadd.s32 s3, s2  }
0x8d: {  	s2 =	sadd.s32 s2, s17  }
0x8e: {  	[smem:$0x3FC3] =	sst s2  }
0x8f: {  	_ = 	snop  }
0x90: {  	s2 =	sld [smem:$0x3FD0];
	(tm) =	ssettm $0x1  }
0x91: {  	s18 =	sld [smem:$0x3FFB];
	_ =	sdelay $0x3  }
0x92: {  	_ =	strace s18  }
0x93: {  	s3 =	sld [smem:$0x3FFC];
	_ =	sdelay $0x3  }
0x94: {  	_ =	strace s3  }
0x95: {  	s3 =	sld [smem:$0x3FFD];
	_ =	sdelay $0x3  }
0x96: {  	_ =	strace s3  }
0x97: {  	_ =	strace $0x8FFFFFFF  }
0x98: {  	s19 =	sld [smem:$0x3FDB];
	_ =	sdelay $0x1  }
0x99: {  	s4 =	simm.s32 $_scs_section_size  }
0x9a: {  	s5 =	simm.s32 $_size__tile_overlayer_lowered;
	s6 =	simm.s32 $_tile_overlayer_lowered  }
0x9b: {  	s22 =	simm.s32 $0x1BFF;
	s21 =	sshll.u32 s6, $0x1;
	s3 =	sadd.s32 s4, s19  }
0x9c: {  	s7 =	simm.s32 $0x0;
	s20 =	sshll.u32 s5, $0x1;
	s5 =	sadd.s32 s21, s3  }
0x9d: {  	[timem:s7], [sflag:s22] =	dma.local [hbm:s5], s20  }
0x9e: {  	_ =	swait.ge [sflag:s22], s20  }
0x9f: {  	s4 =	ssub.s32 $0x0, s20;
	[sflag:s22] =	ssyncset.done $0x0  }
0xa0: {  	[sflag:s22] =	ssyncadd.s32 s4;
	_ =	sdelay $0x1  }
0xa1: {  	s23 =	simm.s32 $0x1B8B  }
0xa2: {  	_ =	swait.ge [sflag:s23], $0x1  }
0xa3: {  	[sflag:s23] =	ssyncset.done $0x0  }
0xa4: {  	s25 =	simm.s32 $0x1B8E;
	s24 =	sld [smem:$0x3FFE];
	[sflag:s23] =	ssyncadd.s32 $0xFFFFFFFF  }
0xa5: {  	s26 =	simm.s32 $execute0_lowered;
	[smem:$0x3FD2] =	sst s25  }
0xa6: {  	s5 =	sshll.u32 s26, $0x1;
	_ =	strace $0x8000004C;
	[dreg:$0x1] =	wrdreg $0xFFFFFFFF  }
0xa7: {  	s28 =	simm.s32 $_size_execute0_lowered;
	s3 =	sadd.s32 s3, s5;
	[dreg:$0x0] =	wrdreg $0x0  }
0xa8: {  	s5 =	sshll.u32 s28, $0x1;
	[dreg:$0x2] =	wrdreg s3  }
0xa9: {  	[dreg:$0x3] =	wrdreg s5  }
0xaa: {  	[dreg:$0x4] =	wrdreg $0xC0  }
0xab: {  	_ =	task [dreg:s7], $0x5FFFF  }
0xac: {  	[dreg:$0x1] =	wrdreg $0xFFFFFFFF  }
0xad: {  	[dreg:$0x0] =	wrdreg $0x60  }
0xae: {  	[dreg:$0x2] =	wrdreg s24  }
0xaf: {  	[dreg:$0x3] =	wrdreg s2  }
0xb0: {  	[dreg:$0x4] =	wrdreg $0x9  }
0xb1: {  	_ =	task.clear_ibuf [dreg:s7], $0x5FFFF;
	_ =	strace $0x9000004C  }
0xb2: {  	s29 =	simm.s32 $0x9;
	_ =	strace $0x8000004E  }
0xb3: {  	_ =	swait.ge [sflag:s29], $0x1  }
0xb4: {  	[sflag:s29] =	ssyncadd.s32 $0xFFFFFFFF  }
0xb5: {  	_ =	strace $0x9000004E  }
0xb6: {  	_ =	sfence  }
0xb7: {  	s30 =	sld [smem:$0x0];
	_ =	sdelay $0x2  }
0xb8: {  	s31 =	sshll.u32 s1, $0xD;
	s1 =	sshrl.u32 s1, $0x2  }
0xb9: {  	s3 =	sand.u32 $0x4000, s31;
	s1 =	sadd.s32 s1, s30  }
0xba: {  	s0 =	sor.u32 s3, s0;
	s1 =	sshll.u32 s1, $0x11  }
0xbb: {  	s0 =	sor.u32 s1, s0  }
0xbc: {  	s0 =	sadd.s32 $0x8F2B, s0  }
0xbd: {  	[sflag:s0] =	ssyncadd.remote.s32 $0x1  }
0xbe: {  	_ =	sfence.sel $0xFFFF  }
0xbf: {  	[dreg:$0x0] =	wrdreg $0xFFFFFFFF;
	(pc) =	sbr.abs _section_cstart, $3  }
0xc0: {  	[dreg:$0x1] =	wrdreg $0xFFFFFFFF  }
0xc1: {  	_ =	task.clear_ibuf [dreg:s7], $0x2FFFF;
	_ =	strace $0x9FFFFFFF  }
0xc2: {  	(tm) =	ssettm $0x7FFFFFFF  }
0xc3: {  	_ =	shalt  }
tec
execute0_lowered:
.L_overlay_start_1:
0x0: {  	(tag) =	ssettag $0x1  }
0x1: {  	s1 =	rddreg [dreg:$0x0]  }
0x2: {  	s2 =	rddreg [dreg:$0x1]  }
0x3: {  	s3 =	srdreg.scid;
	s0 =	rddreg [dreg:$0x2]  }
0x4: {  	s4 =	simm.s32 $0x0;
	s12 =	simm.s32 $0x40;
	s13 =	simm.s32 $0x129C0  }
0x5: {  	v0 =	vimm.s32 $0xBA987654;
	s14 =	simm.s32 $0x14A40;
	s15 =	simm.s32 $0x12A00;
	s16 =	simm.s32 $0x16A40  }
0x6: {  	s17 =	simm.s32 $0x12A40;
	s18 =	simm.s32 $0x2;
	s5 =	sand.u32 $0x1, s3;
	v0 =	vunpack.c.l.s4.s8 v0  }
0x7: {  	s19 =	simm.s32 $0x0;
	s3 =	stileid.u32;
	s6 =	sshll.u32 s5, $0x4  }
0x8: {  	v1 =	vimm.s32 $0xF0E0D0C;
	[smem:$0x7FF] =	sst s4;
	s7 =	sadd.s32 $0x53A00, s1;
	s8 =	sor.u32 s3, s6;
	v0 =	vunpack.c.0.s8.s32 v0  }
0x9: {  	vm0 =	vcmask $0x1F00;
	v3 =	vimm.s32 $0x1;
	v4 =	vimm.s32 $0x2;
	_ =	strace $0x8000004D;
	s10 =	ssub.s32 $0x2, s5;
	s9 =	smul.u32 $0x2520, s8  }
0xa: {  	v5 =	vimm.s32 $0x3;
	v1 =	vunpack.c.0.s8.s32 v1;
	s5 =	sadd.s32 $0x1DA00, s1;
	s6 =	sadd.s32 $0x4EA00, s1;
	s11 =	sshrl.u32 s10, $0x1;
	v2 =	vand.u32 $0xF, v0  }
0xb: {  	s10 =	ssub.s32 s10, s11;
	s8 =	smul.u32 $0x2740, s8;
	v0 =	vimm.f32 $0.0e+00;
	s9 =	sadd.s32 s9, s1;
	v2 =	vnsel vm0, $0xF, v2;
	vm0 =	vcmask $0x2F20  }
0xc: {  	s11 =	simm.s32 $0x1;
	s10 =	smax.u32 s10, $0x1;
	s9 =	sadd.s32 $0x5D800, s9;
	v1 =	vsel vm0, v1, v2;
	vm0 =	vmmov $0xf;
	v2 =	vimm.s32 $0x0  }
.LBB2_1:
0xd: {  	s21 =	simm.s32 $0x0;
	s20 =	simm.s32 $0x240  }
.LBB2_2:
0xe: {  	p0 =	sne.s32 s20, $0x4A1C0;
	[tilespmem:s21+$0x80] =	vst v0  }
0xf: {  	[tilespmem:s21+$0x0] =	vst v0  }
0x10: {  	[tilespmem:s21+$0x10] =	vst v0  }
0x11: {  	[tilespmem:s21+$0x20] =	vst v0  }
.Ltmp0:
0x12: {  	[tilespmem:s21+$0x30] =	vst v0;
	(pc) =	sbr.rel @p0 .LBB2_2-.Ltmp0, $4  }
0x13: {  	[tilespmem:s21+$0x40] =	vst v0  }
0x14: {  	[tilespmem:s21+$0x50] =	vst v0  }
0x15: {  	[tilespmem:s21+$0x60] =	vst v0  }
0x16: {  	[tilespmem:s21+$0x70] =	vst v0;
	s21 =	sshra.s32 s20, $0x2;
	s20 =	sadd.s32 $0x240, s20  }
0x17: {  	[tilespmem:s21+$0x80] =	vst v0  }
0x18: {  	[tilespmem:s21+$0x0] =	vst v0  }
0x19: {  	[tilespmem:s21+$0x10] =	vst v0  }
0x1a: {  	[tilespmem:s21+$0x20] =	vst v0  }
0x1b: {  	[tilespmem:s21+$0x30] =	vst v0  }
0x1c: {  	[tilespmem:s21+$0x40] =	vst v0  }
0x1d: {  	[tilespmem:s21+$0x50] =	vst v0  }
0x1e: {  	[tilespmem:s21+$0x60] =	vst v0  }
0x1f: {  	s20 =	simm.s32 $0x0;
	[tilespmem:s21+$0x70] =	vst v0;
	s21 =	simm.s32 $0x0  }
.LBB2_4:
0x20: {  	s22 =	sshll.u32 s21, $0x6  }
0x21: {  	s22 =	sadd.s32 s8, s22  }
0x22: {  	s24 =	sshrl.u32 s22, $0x3  }
0x23: {  	s22 =	simm.s32 $0x12900;
	s23 =	sadd.s32 s2, s24  }
0x24: {  	[tilespmem:s22], [sflag:$0x1] =	stream.linear.gather [hbm4b:s23+s20], $0x40, $0x38;
	[tilespmem:$0x18A40] =	vst v63  }
0x25: {  	s25 =	sadd.s32 s1, s24;
	s23 =	simm.s32 $0x12940  }
0x26: {  	[tilespmem:s23], [sflag:$0x1] =	stream.linear.gather [hbm4b:s25+s20], $0x40, $0x38;
	[tilespmem:$0x18A40] =	vst v63  }
0x27: {  	s31 =	sadd.s32 s7, s24;
	s24 =	simm.s32 $0x12980  }
0x28: {  	[tilespmem:s24], [sflag:$0x1] =	stream.linear.gather [hbm4b:s31+s20], $0x40, $0x38;
	[tilespmem:$0x18A40] =	vst v63  }
0x29: {  	_ =	swait.ge [sflag:s11], $0x40  }
0x2a: {  	[sflag:s11] =	ssyncset.done $0x0  }
0x2b: {  	[sflag:s11] =	ssyncadd.s32 $0xFFFFFFC0  }
0x2c: {  	_ =	swait.ge [sflag:s11], $0x40  }
0x2d: {  	[sflag:s11] =	ssyncset.done $0x0  }
0x2e: {  	[sflag:s11] =	ssyncadd.s32 $0xFFFFFFC0  }
0x2f: {  	_ =	swait.ge [sflag:s11], $0x40  }
0x30: {  	[sflag:s11] =	ssyncset.done $0x0  }
0x31: {  	[sflag:s11] =	ssyncadd.s32 $0xFFFFFFC0  }
0x32: {  	v6 =	vld [tilespmem:$0x12900]  }
0x33: {  	v7 =	vld [tilespmem:$0x12980]  }
0x34: {  	v8 =	vld [tilespmem:$0x12910]  }
0x35: {  	v9 =	vld [tilespmem:$0x12990]  }
0x36: {  	v10 =	vld [tilespmem:$0x12920]  }
0x37: {  	v11 =	vld [tilespmem:$0x129A0];
	v6 =	vshrl.u32 v6, $0x3  }
0x38: {  	[tilespmem:$0x129C0] =	vst v6;
	v6 =	vshrl.u32 v7, $0x3;
	v7 =	vld [tilespmem:$0x12930]  }
0x39: {  	v63 =	vld [tilespmem:$0x129B0];
	[tilespmem:$0x12A00] =	vst v6;
	v6 =	vshrl.u32 v8, $0x3  }
0x3a: {  	[tilespmem:$0x129D0] =	vst v6;
	v6 =	vshrl.u32 v9, $0x3  }
0x3b: {  	[tilespmem:$0x12A10] =	vst v6;
	v6 =	vshrl.u32 v10, $0x3  }
0x3c: {  	[tilespmem:$0x129E0] =	vst v6;
	v6 =	vshrl.u32 v11, $0x3  }
0x3d: {  	[tilespmem:$0x12A20] =	vst v6;
	v6 =	vshrl.u32 v7, $0x3  }
0x3e: {  	[tilespmem:$0x129F0] =	vst v6;
	v6 =	vshrl.u32 v63, $0x3  }
0x3f: {  	[tilespmem:$0x12A30] =	vst v6  }
0x40: {  	[tilespmem:s14], [sflag:$0x1] =	stream.indirect.gather [hbm4b:s6+s12], $0x80, s13, s12, $0xb8;
	[tilespmem:$0x18A40] =	vst v63  }
0x41: {  	_ = 	snop  }
0x42: {  	[tilespmem:s16], [sflag:$0x1] =	stream.indirect.gather [hbm4b:s6+s12], $0x80, s15, s12, $0xb8;
	[tilespmem:$0x18A40] =	vst v63  }
0x43: {  	_ = 	snop  }
0x44: {  	[tilespmem:s17], [sflag:$0x1] =	stream.indirect.gather [hbm4b:s5+s12], $0x80, s24, s12, $0xb8;
	[tilespmem:$0x18A40] =	vst v63  }
0x45: {  	_ =	swait.ge [sflag:s11], $0x2000  }
0x46: {  	[sflag:s11] =	ssyncset.done $0x0  }
0x47: {  	[sflag:s11] =	ssyncadd.s32 $0xFFFFE000  }
0x48: {  	_ =	swait.ge [sflag:s11], $0x2000  }
0x49: {  	[sflag:s11] =	ssyncset.done $0x0  }
0x4a: {  	[sflag:s11] =	ssyncadd.s32 $0xFFFFE000  }
0x4b: {  	_ =	swait.ge [sflag:s11], $0x2000  }
0x4c: {  	[sflag:s11] =	ssyncset.done $0x0  }
0x4d: {  	s25 =	simm.s32 $0x0;
	[sflag:s11] =	ssyncadd.s32 $0xFFFFE000  }
.LBB2_5:
0x4e: {  	v7 =	vld [tilespmem:s22+$0x0]  }
0x4f: {  	v8 =	vld [tilespmem:s24+$0x0];
	_ =	sdelay $0x3  }
0x50: {  	(v2sf) =	vpush v7, $0x0  }
0x51: {  	(v2sf) =	vpush v8, $0x0;
	_ =	sdelay $0xc  }
0x52: {  	v6 =	vld [tilespmem:s23+$0x0]  }
0x53: {  	s28 =	spop (v2sf)  }
0x54: {  	s26 =	spop (v2sf)  }
0x55: {  	s29 =	sand.u32 $0x7, s26  }
0x56: {  	s26 =	sshra.s32 s25, $0x2;
	s29 =	sshll.u32 s29, $0x4  }
0x57: {  	(v2sf) =	vpush v6, $0x0;
	s28 =	sand.u32 $0x7, s28;
	s29 =	sadd.s32 s26, s29  }
0x58: {  	s28 =	sshll.u32 s28, $0x4;
	v9 =	vld [tilespmem:s29+$0x16A40]  }
0x59: {  	s28 =	sadd.s32 s26, s28  }
0x5a: {  	v10 =	vld [tilespmem:s28+$0x14A40];
	_ =	sdelay $0x2  }
0x5b: {  	v9 =	vperm.xlane v9, v1;
	_ =	sdelay $0x1  }
0x5c: {  	v9 =	vadd.f32 v9, v10;
	_ =	sdelay $0x1  }
0x5d: {  	v10 =	vmul.f32 $2.000000030e-01, v9;
	_ =	sdelay $0x1  }
0x5e: {  	v9 =	vmax.f32 v9, v10  }
0x5f: {  	v9 =	vmul.f32 $1.442695020e+00, v9;
	_ =	sdelay $0x1  }
0x60: {  	s28 =	spop (v2sf);
	(erf) = vpow2.f32 v9  }
0x61: {  	p0 =	slt.s32 s28, $0x20C  }
0x62: {  	s28 =	simm.s32 @!p0 $0x20C  }
0x63: {  	s28 =	smul.u32 $0x240, s28;
	_ =	sdelay $0x1  }
0x64: {  	s28 =	sshra.s32 s28, $0x2  }
0x65: {  	v24 =	vld [tilespmem:s28+$0x80];
	_ =	sdelay $0x2  }
0x66: {  	v25 =	vpop (erf)  }
0x67: {  	v11 =	vnsel vm0, $0x0, v25  }
0x68: {  	v9 =	vadd.f32 v11, v24;
	_ =	sdelay $0x1  }
0x69: {  	[tilespmem:s28+$0x80] =	vst v9  }
0x6a: {  	v9 =	vld [tilespmem:s26+$0x12A40];
	_ =	sdelay $0x1  }
0x6b: {  	v26 =	vld [tilespmem:s28+$0x0]  }
0x6c: {  	v12 =	vperm.xlane v25, v2;
	_ =	sdelay $0x1  }
0x6d: {  	v9 =	vmul.f32 v9, v12;
	_ =	sdelay $0x1  }
0x6e: {  	v9 =	vadd.f32 v9, v26;
	_ =	sdelay $0x1  }
0x6f: {  	[tilespmem:s28+$0x0] =	vst v9  }
0x70: {  	v9 =	vld [tilespmem:s26+$0x12A50];
	_ =	sdelay $0x1  }
0x71: {  	v27 =	vld [tilespmem:s28+$0x10];
	_ =	sdelay $0x2  }
0x72: {  	v9 =	vmul.f32 v9, v12;
	_ =	sdelay $0x1  }
0x73: {  	v9 =	vadd.f32 v9, v27;
	_ =	sdelay $0x1  }
0x74: {  	[tilespmem:s28+$0x10] =	vst v9  }
0x75: {  	v9 =	vld [tilespmem:s26+$0x12A60];
	_ =	sdelay $0x1  }
0x76: {  	v28 =	vld [tilespmem:s28+$0x20]  }
0x77: {  	v29 =	vperm.xlane v25, v3;
	_ =	sdelay $0x1  }
0x78: {  	v9 =	vmul.f32 v9, v29;
	_ =	sdelay $0x1  }
0x79: {  	v9 =	vadd.f32 v9, v28;
	_ =	sdelay $0x1  }
0x7a: {  	[tilespmem:s28+$0x20] =	vst v9  }
0x7b: {  	v9 =	vld [tilespmem:s26+$0x12A70];
	_ =	sdelay $0x1  }
0x7c: {  	v30 =	vld [tilespmem:s28+$0x30];
	_ =	sdelay $0x2  }
0x7d: {  	v9 =	vmul.f32 v9, v29;
	_ =	sdelay $0x1  }
0x7e: {  	v9 =	vadd.f32 v9, v30;
	_ =	sdelay $0x1  }
0x7f: {  	[tilespmem:s28+$0x30] =	vst v9  }
0x80: {  	v9 =	vld [tilespmem:s26+$0x12A80];
	_ =	sdelay $0x1  }
0x81: {  	v31 =	vld [tilespmem:s28+$0x40]  }
0x82: {  	v32 =	vperm.xlane v25, v4;
	_ =	sdelay $0x1  }
0x83: {  	v9 =	vmul.f32 v9, v32;
	_ =	sdelay $0x1  }
0x84: {  	v9 =	vadd.f32 v9, v31;
	_ =	sdelay $0x1  }
0x85: {  	[tilespmem:s28+$0x40] =	vst v9  }
0x86: {  	v9 =	vld [tilespmem:s26+$0x12A90];
	_ =	sdelay $0x1  }
0x87: {  	v33 =	vld [tilespmem:s28+$0x50];
	_ =	sdelay $0x2  }
0x88: {  	v9 =	vmul.f32 v9, v32;
	_ =	sdelay $0x1  }
0x89: {  	v9 =	vadd.f32 v9, v33;
	_ =	sdelay $0x1  }
0x8a: {  	[tilespmem:s28+$0x50] =	vst v9  }
0x8b: {  	(v2sf) =	vpush v7, $0x1;
	v9 =	vld [tilespmem:s26+$0x12AA0]  }
0x8c: {  	(v2sf) =	vpush v8, $0x1  }
0x8d: {  	v34 =	vld [tilespmem:s28+$0x60]  }
0x8e: {  	v10 =	vperm.xlane v25, v5;
	_ =	sdelay $0x1  }
0x8f: {  	v9 =	vmul.f32 v9, v10;
	_ =	sdelay $0x1  }
0x90: {  	v9 =	vadd.f32 v9, v34;
	_ =	sdelay $0x1  }
0x91: {  	[tilespmem:s28+$0x60] =	vst v9  }
0x92: {  	v9 =	vld [tilespmem:s26+$0x12AB0];
	_ =	sdelay $0x1  }
0x93: {  	v35 =	vld [tilespmem:s28+$0x70];
	_ =	sdelay $0x2  }
0x94: {  	s31 =	spop (v2sf);
	v9 =	vmul.f32 v9, v10  }
0x95: {  	s30 =	spop (v2sf)  }
0x96: {  	s30 =	sand.u32 $0x7, s30;
	v9 =	vadd.f32 v9, v35  }
0x97: {  	s30 =	sshll.u32 s30, $0x4  }
0x98: {  	s31 =	sand.u32 $0x7, s31;
	(v2sf) =	vpush v6, $0x1;
	s30 =	sadd.s32 s26, s30;
	[tilespmem:s28+$0x70] =	vst v9  }
0x99: {  	s28 =	sshll.u32 s31, $0x4;
	v9 =	vld [tilespmem:s30+$0x16AC0]  }
0x9a: {  	s28 =	sadd.s32 s26, s28  }
0x9b: {  	v36 =	vld [tilespmem:s28+$0x14AC0];
	_ =	sdelay $0x2  }
0x9c: {  	v9 =	vperm.xlane v9, v1;
	_ =	sdelay $0x1  }
0x9d: {  	v9 =	vadd.f32 v9, v36;
	_ =	sdelay $0x1  }
0x9e: {  	v10 =	vmul.f32 $2.000000030e-01, v9;
	_ =	sdelay $0x1  }
0x9f: {  	v9 =	vmax.f32 v9, v10  }
0xa0: {  	v9 =	vmul.f32 $1.442695020e+00, v9;
	_ =	sdelay $0x1  }
0xa1: {  	s28 =	spop (v2sf);
	(erf) = vpow2.f32 v9  }
0xa2: {  	p0 =	slt.s32 s28, $0x20C  }
0xa3: {  	s28 =	simm.s32 @!p0 $0x20C  }
0xa4: {  	s28 =	smul.u32 $0x240, s28;
	_ =	sdelay $0x1  }
0xa5: {  	s28 =	sshra.s32 s28, $0x2  }
0xa6: {  	v37 =	vld [tilespmem:s28+$0x80];
	_ =	sdelay $0x2  }
0xa7: {  	v38 =	vpop (erf)  }
0xa8: {  	v39 =	vnsel vm0, $0x0, v38  }
0xa9: {  	v9 =	vadd.f32 v39, v37;
	_ =	sdelay $0x1  }
0xaa: {  	[tilespmem:s28+$0x80] =	vst v9  }
0xab: {  	v9 =	vld [tilespmem:s26+$0x12AC0];
	_ =	sdelay $0x1  }
0xac: {  	v40 =	vld [tilespmem:s28+$0x0]  }
0xad: {  	v41 =	vperm.xlane v38, v2;
	_ =	sdelay $0x1  }
0xae: {  	v9 =	vmul.f32 v9, v41;
	_ =	sdelay $0x1  }
0xaf: {  	v9 =	vadd.f32 v9, v40;
	_ =	sdelay $0x1  }
0xb0: {  	[tilespmem:s28+$0x0] =	vst v9  }
0xb1: {  	v9 =	vld [tilespmem:s26+$0x12AD0];
	_ =	sdelay $0x1  }
0xb2: {  	v42 =	vld [tilespmem:s28+$0x10];
	_ =	sdelay $0x2  }
0xb3: {  	v9 =	vmul.f32 v9, v41;
	_ =	sdelay $0x1  }
0xb4: {  	v9 =	vadd.f32 v9, v42;
	_ =	sdelay $0x1  }
0xb5: {  	[tilespmem:s28+$0x10] =	vst v9  }
0xb6: {  	v9 =	vld [tilespmem:s26+$0x12AE0];
	_ =	sdelay $0x1  }
0xb7: {  	v43 =	vld [tilespmem:s28+$0x20]  }
0xb8: {  	v44 =	vperm.xlane v38, v3;
	_ =	sdelay $0x1  }
0xb9: {  	v9 =	vmul.f32 v9, v44;
	_ =	sdelay $0x1  }
0xba: {  	v9 =	vadd.f32 v9, v43;
	_ =	sdelay $0x1  }
0xbb: {  	[tilespmem:s28+$0x20] =	vst v9  }
0xbc: {  	v9 =	vld [tilespmem:s26+$0x12AF0];
	_ =	sdelay $0x1  }
0xbd: {  	v45 =	vld [tilespmem:s28+$0x30];
	_ =	sdelay $0x2  }
0xbe: {  	v9 =	vmul.f32 v9, v44;
	_ =	sdelay $0x1  }
0xbf: {  	v9 =	vadd.f32 v9, v45;
	_ =	sdelay $0x1  }
0xc0: {  	[tilespmem:s28+$0x30] =	vst v9  }
0xc1: {  	v9 =	vld [tilespmem:s26+$0x12B00];
	_ =	sdelay $0x1  }
0xc2: {  	v46 =	vld [tilespmem:s28+$0x40]  }
0xc3: {  	v47 =	vperm.xlane v38, v4;
	_ =	sdelay $0x1  }
0xc4: {  	v9 =	vmul.f32 v9, v47;
	_ =	sdelay $0x1  }
0xc5: {  	v9 =	vadd.f32 v9, v46;
	_ =	sdelay $0x1  }
0xc6: {  	[tilespmem:s28+$0x40] =	vst v9  }
0xc7: {  	v9 =	vld [tilespmem:s26+$0x12B10];
	_ =	sdelay $0x1  }
0xc8: {  	v48 =	vld [tilespmem:s28+$0x50];
	_ =	sdelay $0x2  }
0xc9: {  	v9 =	vmul.f32 v9, v47;
	_ =	sdelay $0x1  }
0xca: {  	v9 =	vadd.f32 v9, v48;
	_ =	sdelay $0x1  }
0xcb: {  	[tilespmem:s28+$0x50] =	vst v9  }
0xcc: {  	v9 =	vld [tilespmem:s26+$0x12B20]  }
0xcd: {  	(v2sf) =	vpush v7, $0x2  }
0xce: {  	(v2sf) =	vpush v8, $0x2;
	v49 =	vld [tilespmem:s28+$0x60]  }
0xcf: {  	v10 =	vperm.xlane v38, v5;
	_ =	sdelay $0x1  }
0xd0: {  	v9 =	vmul.f32 v9, v10;
	_ =	sdelay $0x1  }
0xd1: {  	v9 =	vadd.f32 v9, v49;
	_ =	sdelay $0x1  }
0xd2: {  	[tilespmem:s28+$0x60] =	vst v9  }
0xd3: {  	v9 =	vld [tilespmem:s26+$0x12B30];
	_ =	sdelay $0x1  }
0xd4: {  	v50 =	vld [tilespmem:s28+$0x70];
	_ =	sdelay $0x2  }
0xd5: {  	v9 =	vmul.f32 v9, v10  }
0xd6: {  	s29 =	spop (v2sf)  }
0xd7: {  	s31 =	spop (v2sf);
	v9 =	vadd.f32 v9, v50  }
0xd8: {  	s30 =	sand.u32 $0x7, s31  }
0xd9: {  	s31 =	sshll.u32 s30, $0x4;
	[tilespmem:s28+$0x70] =	vst v9  }
0xda: {  	s29 =	sand.u32 $0x7, s29;
	s28 =	sadd.s32 s26, s31;
	(v2sf) =	vpush v6, $0x2  }
0xdb: {  	s29 =	sshll.u32 s29, $0x4;
	v51 =	vld [tilespmem:s28+$0x16B40]  }
0xdc: {  	s30 =	sadd.s32 s26, s29  }
0xdd: {  	v52 =	vld [tilespmem:s30+$0x14B40];
	_ =	sdelay $0x2  }
0xde: {  	v9 =	vperm.xlane v51, v1;
	_ =	sdelay $0x1  }
0xdf: {  	v9 =	vadd.f32 v9, v52;
	_ =	sdelay $0x1  }
0xe0: {  	v10 =	vmul.f32 $2.000000030e-01, v9;
	_ =	sdelay $0x1  }
0xe1: {  	v9 =	vmax.f32 v9, v10  }
0xe2: {  	v9 =	vmul.f32 $1.442695020e+00, v9;
	_ =	sdelay $0x1  }
0xe3: {  	s28 =	spop (v2sf);
	(erf) = vpow2.f32 v9  }
0xe4: {  	p0 =	slt.s32 s28, $0x20C  }
0xe5: {  	s28 =	simm.s32 @!p0 $0x20C  }
0xe6: {  	s28 =	smul.u32 $0x240, s28;
	_ =	sdelay $0x1  }
0xe7: {  	s28 =	sshra.s32 s28, $0x2  }
0xe8: {  	v53 =	vld [tilespmem:s28+$0x80];
	_ =	sdelay $0x2  }
0xe9: {  	v54 =	vpop (erf)  }
0xea: {  	v55 =	vnsel vm0, $0x0, v54  }
0xeb: {  	v9 =	vadd.f32 v55, v53;
	_ =	sdelay $0x1  }
0xec: {  	[tilespmem:s28+$0x80] =	vst v9  }
0xed: {  	v9 =	vld [tilespmem:s26+$0x12B40];
	_ =	sdelay $0x1  }
0xee: {  	v56 =	vld [tilespmem:s28+$0x0]  }
0xef: {  	v57 =	vperm.xlane v54, v2;
	_ =	sdelay $0x1  }
0xf0: {  	v9 =	vmul.f32 v9, v57;
	_ =	sdelay $0x1  }
0xf1: {  	v9 =	vadd.f32 v9, v56;
	_ =	sdelay $0x1  }
0xf2: {  	[tilespmem:s28+$0x0] =	vst v9  }
0xf3: {  	v9 =	vld [tilespmem:s26+$0x12B50];
	_ =	sdelay $0x1  }
0xf4: {  	v58 =	vld [tilespmem:s28+$0x10];
	_ =	sdelay $0x2  }
0xf5: {  	v9 =	vmul.f32 v9, v57;
	_ =	sdelay $0x1  }
0xf6: {  	v9 =	vadd.f32 v9, v58;
	_ =	sdelay $0x1  }
0xf7: {  	[tilespmem:s28+$0x10] =	vst v9  }
0xf8: {  	v9 =	vld [tilespmem:s26+$0x12B60];
	_ =	sdelay $0x1  }
0xf9: {  	v59 =	vld [tilespmem:s28+$0x20]  }
0xfa: {  	v60 =	vperm.xlane v54, v3;
	_ =	sdelay $0x1  }
0xfb: {  	v9 =	vmul.f32 v9, v60;
	_ =	sdelay $0x1  }
0xfc: {  	v9 =	vadd.f32 v9, v59;
	_ =	sdelay $0x1  }
0xfd: {  	[tilespmem:s28+$0x20] =	vst v9  }
0xfe: {  	v9 =	vld [tilespmem:s26+$0x12B70];
	_ =	sdelay $0x1  }
0xff: {  	v61 =	vld [tilespmem:s28+$0x30];
	_ =	sdelay $0x2  }
0x100: {  	v9 =	vmul.f32 v9, v60;
	_ =	sdelay $0x1  }
0x101: {  	v9 =	vadd.f32 v9, v61;
	_ =	sdelay $0x1  }
0x102: {  	[tilespmem:s28+$0x30] =	vst v9  }
0x103: {  	v9 =	vld [tilespmem:s26+$0x12B80];
	_ =	sdelay $0x1  }
0x104: {  	v62 =	vld [tilespmem:s28+$0x40]  }
0x105: {  	v63 =	vperm.xlane v54, v4;
	_ =	sdelay $0x1  }
0x106: {  	v9 =	vmul.f32 v9, v63;
	_ =	sdelay $0x1  }
0x107: {  	v9 =	vadd.f32 v9, v62;
	_ =	sdelay $0x1  }
0x108: {  	[tilespmem:s28+$0x40] =	vst v9  }
0x109: {  	v9 =	vld [tilespmem:s26+$0x12B90];
	_ =	sdelay $0x1  }
0x10a: {  	v13 =	vld [tilespmem:s28+$0x50];
	_ =	sdelay $0x2  }
0x10b: {  	v9 =	vmul.f32 v9, v63;
	_ =	sdelay $0x1  }
0x10c: {  	v9 =	vadd.f32 v9, v13;
	_ =	sdelay $0x1  }
0x10d: {  	[tilespmem:s28+$0x50] =	vst v9  }
0x10e: {  	(v2sf) =	vpush v7, $0x3;
	v9 =	vld [tilespmem:s26+$0x12BA0]  }
0x10f: {  	(v2sf) =	vpush v8, $0x3  }
0x110: {  	v14 =	vld [tilespmem:s28+$0x60]  }
0x111: {  	v10 =	vperm.xlane v54, v5;
	_ =	sdelay $0x1  }
0x112: {  	v9 =	vmul.f32 v9, v10;
	_ =	sdelay $0x1  }
0x113: {  	v9 =	vadd.f32 v9, v14;
	_ =	sdelay $0x1  }
0x114: {  	[tilespmem:s28+$0x60] =	vst v9  }
0x115: {  	v9 =	vld [tilespmem:s26+$0x12BB0];
	_ =	sdelay $0x1  }
0x116: {  	v15 =	vld [tilespmem:s28+$0x70];
	_ =	sdelay $0x2  }
0x117: {  	s29 =	spop (v2sf);
	v9 =	vmul.f32 v9, v10  }
0x118: {  	s31 =	spop (v2sf)  }
0x119: {  	s30 =	sand.u32 $0x7, s31;
	v9 =	vadd.f32 v9, v15  }
0x11a: {  	s30 =	sshll.u32 s30, $0x4  }
0x11b: {  	(v2sf) =	vpush v6, $0x3;
	s31 =	sand.u32 $0x7, s29;
	s30 =	sadd.s32 s26, s30;
	[tilespmem:s28+$0x70] =	vst v9  }
0x11c: {  	s28 =	sshll.u32 s31, $0x4;
	v9 =	vld [tilespmem:s30+$0x16BC0]  }
0x11d: {  	s28 =	sadd.s32 s26, s28  }
0x11e: {  	v16 =	vld [tilespmem:s28+$0x14BC0];
	_ =	sdelay $0x2  }
0x11f: {  	v9 =	vperm.xlane v9, v1;
	_ =	sdelay $0x1  }
0x120: {  	v9 =	vadd.f32 v9, v16;
	_ =	sdelay $0x1  }
0x121: {  	v10 =	vmul.f32 $2.000000030e-01, v9;
	_ =	sdelay $0x1  }
0x122: {  	v9 =	vmax.f32 v9, v10  }
0x123: {  	v9 =	vmul.f32 $1.442695020e+00, v9;
	_ =	sdelay $0x1  }
0x124: {  	s28 =	spop (v2sf);
	(erf) = vpow2.f32 v9  }
0x125: {  	p0 =	slt.s32 s28, $0x20C  }
0x126: {  	s28 =	simm.s32 @!p0 $0x20C  }
0x127: {  	s28 =	smul.u32 $0x240, s28;
	_ =	sdelay $0x1  }
0x128: {  	s28 =	sshra.s32 s28, $0x2  }
0x129: {  	v17 =	vld [tilespmem:s28+$0x80];
	_ =	sdelay $0x2  }
0x12a: {  	v18 =	vpop (erf)  }
0x12b: {  	v19 =	vnsel vm0, $0x0, v18  }
0x12c: {  	v9 =	vadd.f32 v19, v17;
	_ =	sdelay $0x1  }
0x12d: {  	[tilespmem:s28+$0x80] =	vst v9  }
0x12e: {  	v9 =	vld [tilespmem:s26+$0x12BC0];
	_ =	sdelay $0x1  }
0x12f: {  	v20 =	vld [tilespmem:s28+$0x0]  }
0x130: {  	v21 =	vperm.xlane v18, v2;
	_ =	sdelay $0x1  }
0x131: {  	v9 =	vmul.f32 v9, v21;
	_ =	sdelay $0x1  }
0x132: {  	v9 =	vadd.f32 v9, v20;
	_ =	sdelay $0x1  }
0x133: {  	[tilespmem:s28+$0x0] =	vst v9  }
0x134: {  	v9 =	vld [tilespmem:s26+$0x12BD0];
	_ =	sdelay $0x1  }
0x135: {  	v22 =	vld [tilespmem:s28+$0x10];
	_ =	sdelay $0x2  }
0x136: {  	v9 =	vmul.f32 v9, v21;
	_ =	sdelay $0x1  }
0x137: {  	v9 =	vadd.f32 v9, v22;
	_ =	sdelay $0x1  }
0x138: {  	[tilespmem:s28+$0x10] =	vst v9  }
0x139: {  	v9 =	vld [tilespmem:s26+$0x12BE0];
	_ =	sdelay $0x1  }
0x13a: {  	v23 =	vld [tilespmem:s28+$0x20]  }
0x13b: {  	v24 =	vperm.xlane v18, v3;
	_ =	sdelay $0x1  }
0x13c: {  	v9 =	vmul.f32 v9, v24;
	_ =	sdelay $0x1  }
0x13d: {  	v9 =	vadd.f32 v9, v23;
	_ =	sdelay $0x1  }
0x13e: {  	[tilespmem:s28+$0x20] =	vst v9  }
0x13f: {  	v9 =	vld [tilespmem:s26+$0x12BF0];
	_ =	sdelay $0x1  }
0x140: {  	v25 =	vld [tilespmem:s28+$0x30];
	_ =	sdelay $0x2  }
0x141: {  	v9 =	vmul.f32 v9, v24;
	_ =	sdelay $0x1  }
0x142: {  	v9 =	vadd.f32 v9, v25;
	_ =	sdelay $0x1  }
0x143: {  	[tilespmem:s28+$0x30] =	vst v9  }
0x144: {  	v9 =	vld [tilespmem:s26+$0x12C00];
	_ =	sdelay $0x1  }
0x145: {  	v26 =	vld [tilespmem:s28+$0x40]  }
0x146: {  	v27 =	vperm.xlane v18, v4;
	_ =	sdelay $0x1  }
0x147: {  	v9 =	vmul.f32 v9, v27;
	_ =	sdelay $0x1  }
0x148: {  	v9 =	vadd.f32 v9, v26;
	_ =	sdelay $0x1  }
0x149: {  	[tilespmem:s28+$0x40] =	vst v9  }
0x14a: {  	v9 =	vld [tilespmem:s26+$0x12C10];
	_ =	sdelay $0x1  }
0x14b: {  	v28 =	vld [tilespmem:s28+$0x50];
	_ =	sdelay $0x2  }
0x14c: {  	v9 =	vmul.f32 v9, v27;
	_ =	sdelay $0x1  }
0x14d: {  	v9 =	vadd.f32 v9, v28;
	_ =	sdelay $0x1  }
0x14e: {  	[tilespmem:s28+$0x50] =	vst v9  }
0x14f: {  	(v2sf) =	vpush v7, $0x4;
	v9 =	vld [tilespmem:s26+$0x12C20]  }
0x150: {  	(v2sf) =	vpush v8, $0x4  }
0x151: {  	v29 =	vld [tilespmem:s28+$0x60]  }
0x152: {  	v10 =	vperm.xlane v18, v5;
	_ =	sdelay $0x1  }
0x153: {  	v9 =	vmul.f32 v9, v10;
	_ =	sdelay $0x1  }
0x154: {  	v9 =	vadd.f32 v9, v29;
	_ =	sdelay $0x1  }
0x155: {  	[tilespmem:s28+$0x60] =	vst v9  }
0x156: {  	v9 =	vld [tilespmem:s26+$0x12C30];
	_ =	sdelay $0x1  }
0x157: {  	v30 =	vld [tilespmem:s28+$0x70];
	_ =	sdelay $0x2  }
0x158: {  	s29 =	spop (v2sf);
	v9 =	vmul.f32 v9, v10  }
0x159: {  	s31 =	spop (v2sf)  }
0x15a: {  	s30 =	sand.u32 $0x7, s31;
	v9 =	vadd.f32 v9, v30  }
0x15b: {  	s30 =	sshll.u32 s30, $0x4  }
0x15c: {  	(v2sf) =	vpush v6, $0x4;
	s31 =	sand.u32 $0x7, s29;
	s30 =	sadd.s32 s26, s30;
	[tilespmem:s28+$0x70] =	vst v9  }
0x15d: {  	s28 =	sshll.u32 s31, $0x4;
	v9 =	vld [tilespmem:s30+$0x16C40]  }
0x15e: {  	s28 =	sadd.s32 s26, s28  }
0x15f: {  	v31 =	vld [tilespmem:s28+$0x14C40];
	_ =	sdelay $0x2  }
0x160: {  	v9 =	vperm.xlane v9, v1;
	_ =	sdelay $0x1  }
0x161: {  	v9 =	vadd.f32 v9, v31;
	_ =	sdelay $0x1  }
0x162: {  	v10 =	vmul.f32 $2.000000030e-01, v9;
	_ =	sdelay $0x1  }
0x163: {  	v9 =	vmax.f32 v9, v10  }
0x164: {  	v9 =	vmul.f32 $1.442695020e+00, v9;
	_ =	sdelay $0x1  }
0x165: {  	s28 =	spop (v2sf);
	(erf) = vpow2.f32 v9  }
0x166: {  	p0 =	slt.s32 s28, $0x20C  }
0x167: {  	s28 =	simm.s32 @!p0 $0x20C  }
0x168: {  	s28 =	smul.u32 $0x240, s28;
	_ =	sdelay $0x1  }
0x169: {  	s28 =	sshra.s32 s28, $0x2  }
0x16a: {  	v32 =	vld [tilespmem:s28+$0x80];
	_ =	sdelay $0x2  }
0x16b: {  	v33 =	vpop (erf)  }
0x16c: {  	v34 =	vnsel vm0, $0x0, v33  }
0x16d: {  	v9 =	vadd.f32 v34, v32;
	_ =	sdelay $0x1  }
0x16e: {  	[tilespmem:s28+$0x80] =	vst v9  }
0x16f: {  	v9 =	vld [tilespmem:s26+$0x12C40];
	_ =	sdelay $0x1  }
0x170: {  	v35 =	vld [tilespmem:s28+$0x0]  }
0x171: {  	v36 =	vperm.xlane v33, v2;
	_ =	sdelay $0x1  }
0x172: {  	v9 =	vmul.f32 v9, v36;
	_ =	sdelay $0x1  }
0x173: {  	v9 =	vadd.f32 v9, v35;
	_ =	sdelay $0x1  }
0x174: {  	[tilespmem:s28+$0x0] =	vst v9  }
0x175: {  	v9 =	vld [tilespmem:s26+$0x12C50];
	_ =	sdelay $0x1  }
0x176: {  	v37 =	vld [tilespmem:s28+$0x10];
	_ =	sdelay $0x2  }
0x177: {  	v9 =	vmul.f32 v9, v36;
	_ =	sdelay $0x1  }
0x178: {  	v9 =	vadd.f32 v9, v37;
	_ =	sdelay $0x1  }
0x179: {  	[tilespmem:s28+$0x10] =	vst v9  }
0x17a: {  	v9 =	vld [tilespmem:s26+$0x12C60];
	_ =	sdelay $0x1  }
0x17b: {  	v38 =	vld [tilespmem:s28+$0x20]  }
0x17c: {  	v39 =	vperm.xlane v33, v3;
	_ =	sdelay $0x1  }
0x17d: {  	v9 =	vmul.f32 v9, v39;
	_ =	sdelay $0x1  }
0x17e: {  	v9 =	vadd.f32 v9, v38;
	_ =	sdelay $0x1  }
0x17f: {  	[tilespmem:s28+$0x20] =	vst v9  }
0x180: {  	v9 =	vld [tilespmem:s26+$0x12C70];
	_ =	sdelay $0x1  }
0x181: {  	v40 =	vld [tilespmem:s28+$0x30];
	_ =	sdelay $0x2  }
0x182: {  	v9 =	vmul.f32 v9, v39;
	_ =	sdelay $0x1  }
0x183: {  	v9 =	vadd.f32 v9, v40;
	_ =	sdelay $0x1  }
0x184: {  	[tilespmem:s28+$0x30] =	vst v9  }
0x185: {  	v9 =	vld [tilespmem:s26+$0x12C80];
	_ =	sdelay $0x1  }
0x186: {  	v41 =	vld [tilespmem:s28+$0x40]  }
0x187: {  	v42 =	vperm.xlane v33, v4;
	_ =	sdelay $0x1  }
0x188: {  	v9 =	vmul.f32 v9, v42;
	_ =	sdelay $0x1  }
0x189: {  	v9 =	vadd.f32 v9, v41;
	_ =	sdelay $0x1  }
0x18a: {  	[tilespmem:s28+$0x40] =	vst v9  }
0x18b: {  	v9 =	vld [tilespmem:s26+$0x12C90];
	_ =	sdelay $0x1  }
0x18c: {  	v43 =	vld [tilespmem:s28+$0x50];
	_ =	sdelay $0x2  }
0x18d: {  	v9 =	vmul.f32 v9, v42;
	_ =	sdelay $0x1  }
0x18e: {  	v9 =	vadd.f32 v9, v43;
	_ =	sdelay $0x1  }
0x18f: {  	[tilespmem:s28+$0x50] =	vst v9  }
0x190: {  	(v2sf) =	vpush v7, $0x5;
	v9 =	vld [tilespmem:s26+$0x12CA0]  }
0x191: {  	(v2sf) =	vpush v8, $0x5  }
0x192: {  	v44 =	vld [tilespmem:s28+$0x60]  }
0x193: {  	v10 =	vperm.xlane v33, v5;
	_ =	sdelay $0x1  }
0x194: {  	v9 =	vmul.f32 v9, v10;
	_ =	sdelay $0x1  }
0x195: {  	v9 =	vadd.f32 v9, v44;
	_ =	sdelay $0x1  }
0x196: {  	[tilespmem:s28+$0x60] =	vst v9  }
0x197: {  	v9 =	vld [tilespmem:s26+$0x12CB0];
	_ =	sdelay $0x1  }
0x198: {  	v45 =	vld [tilespmem:s28+$0x70];
	_ =	sdelay $0x2  }
0x199: {  	s29 =	spop (v2sf);
	v9 =	vmul.f32 v9, v10  }
0x19a: {  	s31 =	spop (v2sf)  }
0x19b: {  	s30 =	sand.u32 $0x7, s31;
	v9 =	vadd.f32 v9, v45  }
0x19c: {  	s30 =	sshll.u32 s30, $0x4  }
0x19d: {  	(v2sf) =	vpush v6, $0x5;
	s31 =	sand.u32 $0x7, s29;
	s30 =	sadd.s32 s26, s30;
	[tilespmem:s28+$0x70] =	vst v9  }
0x19e: {  	s28 =	sshll.u32 s31, $0x4;
	v9 =	vld [tilespmem:s30+$0x16CC0]  }
0x19f: {  	s28 =	sadd.s32 s26, s28  }
0x1a0: {  	v46 =	vld [tilespmem:s28+$0x14CC0];
	_ =	sdelay $0x2  }
0x1a1: {  	v9 =	vperm.xlane v9, v1;
	_ =	sdelay $0x1  }
0x1a2: {  	v9 =	vadd.f32 v9, v46;
	_ =	sdelay $0x1  }
0x1a3: {  	v10 =	vmul.f32 $2.000000030e-01, v9;
	_ =	sdelay $0x1  }
0x1a4: {  	v9 =	vmax.f32 v9, v10  }
0x1a5: {  	v9 =	vmul.f32 $1.442695020e+00, v9;
	_ =	sdelay $0x1  }
0x1a6: {  	s28 =	spop (v2sf);
	(erf) = vpow2.f32 v9  }
0x1a7: {  	p0 =	slt.s32 s28, $0x20C  }
0x1a8: {  	s28 =	simm.s32 @!p0 $0x20C  }
0x1a9: {  	s28 =	smul.u32 $0x240, s28;
	_ =	sdelay $0x1  }
0x1aa: {  	s28 =	sshra.s32 s28, $0x2  }
0x1ab: {  	v47 =	vld [tilespmem:s28+$0x80];
	_ =	sdelay $0x2  }
0x1ac: {  	v48 =	vpop (erf)  }
0x1ad: {  	v49 =	vnsel vm0, $0x0, v48  }
0x1ae: {  	v9 =	vadd.f32 v49, v47;
	_ =	sdelay $0x1  }
0x1af: {  	[tilespmem:s28+$0x80] =	vst v9  }
0x1b0: {  	v9 =	vld [tilespmem:s26+$0x12CC0];
	_ =	sdelay $0x1  }
0x1b1: {  	v50 =	vld [tilespmem:s28+$0x0]  }
0x1b2: {  	v51 =	vperm.xlane v48, v2;
	_ =	sdelay $0x1  }
0x1b3: {  	v9 =	vmul.f32 v9, v51;
	_ =	sdelay $0x1  }
0x1b4: {  	v9 =	vadd.f32 v9, v50;
	_ =	sdelay $0x1  }
0x1b5: {  	[tilespmem:s28+$0x0] =	vst v9  }
0x1b6: {  	v9 =	vld [tilespmem:s26+$0x12CD0];
	_ =	sdelay $0x1  }
0x1b7: {  	v52 =	vld [tilespmem:s28+$0x10];
	_ =	sdelay $0x2  }
0x1b8: {  	v9 =	vmul.f32 v9, v51;
	_ =	sdelay $0x1  }
0x1b9: {  	v9 =	vadd.f32 v9, v52;
	_ =	sdelay $0x1  }
0x1ba: {  	[tilespmem:s28+$0x10] =	vst v9  }
0x1bb: {  	v9 =	vld [tilespmem:s26+$0x12CE0];
	_ =	sdelay $0x1  }
0x1bc: {  	v53 =	vld [tilespmem:s28+$0x20]  }
0x1bd: {  	v54 =	vperm.xlane v48, v3;
	_ =	sdelay $0x1  }
0x1be: {  	v9 =	vmul.f32 v9, v54;
	_ =	sdelay $0x1  }
0x1bf: {  	v9 =	vadd.f32 v9, v53;
	_ =	sdelay $0x1  }
0x1c0: {  	[tilespmem:s28+$0x20] =	vst v9  }
0x1c1: {  	v9 =	vld [tilespmem:s26+$0x12CF0];
	_ =	sdelay $0x1  }
0x1c2: {  	v55 =	vld [tilespmem:s28+$0x30];
	_ =	sdelay $0x2  }
0x1c3: {  	v9 =	vmul.f32 v9, v54;
	_ =	sdelay $0x1  }
0x1c4: {  	v9 =	vadd.f32 v9, v55;
	_ =	sdelay $0x1  }
0x1c5: {  	[tilespmem:s28+$0x30] =	vst v9  }
0x1c6: {  	v9 =	vld [tilespmem:s26+$0x12D00];
	_ =	sdelay $0x1  }
0x1c7: {  	v56 =	vld [tilespmem:s28+$0x40]  }
0x1c8: {  	v57 =	vperm.xlane v48, v4;
	_ =	sdelay $0x1  }
0x1c9: {  	v9 =	vmul.f32 v9, v57;
	_ =	sdelay $0x1  }
0x1ca: {  	v9 =	vadd.f32 v9, v56;
	_ =	sdelay $0x1  }
0x1cb: {  	[tilespmem:s28+$0x40] =	vst v9  }
0x1cc: {  	v9 =	vld [tilespmem:s26+$0x12D10];
	_ =	sdelay $0x1  }
0x1cd: {  	v58 =	vld [tilespmem:s28+$0x50];
	_ =	sdelay $0x2  }
0x1ce: {  	v9 =	vmul.f32 v9, v57;
	_ =	sdelay $0x1  }
0x1cf: {  	v9 =	vadd.f32 v9, v58;
	_ =	sdelay $0x1  }
0x1d0: {  	[tilespmem:s28+$0x50] =	vst v9  }
0x1d1: {  	(v2sf) =	vpush v7, $0x6;
	v9 =	vld [tilespmem:s26+$0x12D20]  }
0x1d2: {  	(v2sf) =	vpush v8, $0x6  }
0x1d3: {  	v59 =	vld [tilespmem:s28+$0x60]  }
0x1d4: {  	v10 =	vperm.xlane v48, v5;
	_ =	sdelay $0x1  }
0x1d5: {  	v9 =	vmul.f32 v9, v10;
	_ =	sdelay $0x1  }
0x1d6: {  	v9 =	vadd.f32 v9, v59;
	_ =	sdelay $0x1  }
0x1d7: {  	[tilespmem:s28+$0x60] =	vst v9  }
0x1d8: {  	v9 =	vld [tilespmem:s26+$0x12D30];
	_ =	sdelay $0x1  }
0x1d9: {  	v60 =	vld [tilespmem:s28+$0x70];
	_ =	sdelay $0x2  }
0x1da: {  	s29 =	spop (v2sf);
	v9 =	vmul.f32 v9, v10  }
0x1db: {  	s31 =	spop (v2sf)  }
0x1dc: {  	s30 =	sand.u32 $0x7, s31;
	v9 =	vadd.f32 v9, v60  }
0x1dd: {  	s30 =	sshll.u32 s30, $0x4  }
0x1de: {  	(v2sf) =	vpush v6, $0x6;
	s31 =	sand.u32 $0x7, s29;
	s30 =	sadd.s32 s26, s30;
	[tilespmem:s28+$0x70] =	vst v9  }
0x1df: {  	s28 =	sshll.u32 s31, $0x4;
	v9 =	vld [tilespmem:s30+$0x16D40]  }
0x1e0: {  	s28 =	sadd.s32 s26, s28  }
0x1e1: {  	v61 =	vld [tilespmem:s28+$0x14D40];
	_ =	sdelay $0x2  }
0x1e2: {  	v9 =	vperm.xlane v9, v1;
	_ =	sdelay $0x1  }
0x1e3: {  	v9 =	vadd.f32 v9, v61;
	_ =	sdelay $0x1  }
0x1e4: {  	v10 =	vmul.f32 $2.000000030e-01, v9;
	_ =	sdelay $0x1  }
0x1e5: {  	v9 =	vmax.f32 v9, v10  }
0x1e6: {  	v9 =	vmul.f32 $1.442695020e+00, v9;
	_ =	sdelay $0x1  }
0x1e7: {  	s28 =	spop (v2sf);
	(erf) = vpow2.f32 v9  }
0x1e8: {  	p0 =	slt.s32 s28, $0x20C  }
0x1e9: {  	s28 =	simm.s32 @!p0 $0x20C  }
0x1ea: {  	s28 =	smul.u32 $0x240, s28;
	_ =	sdelay $0x1  }
0x1eb: {  	s28 =	sshra.s32 s28, $0x2  }
0x1ec: {  	v62 =	vld [tilespmem:s28+$0x80];
	_ =	sdelay $0x2  }
0x1ed: {  	v63 =	vpop (erf)  }
0x1ee: {  	v16 =	vnsel vm0, $0x0, v63  }
0x1ef: {  	v9 =	vadd.f32 v16, v62;
	_ =	sdelay $0x1  }
0x1f0: {  	[tilespmem:s28+$0x80] =	vst v9  }
0x1f1: {  	v9 =	vld [tilespmem:s26+$0x12D40];
	_ =	sdelay $0x1  }
0x1f2: {  	v17 =	vld [tilespmem:s28+$0x0]  }
0x1f3: {  	v18 =	vperm.xlane v63, v2;
	_ =	sdelay $0x1  }
0x1f4: {  	v9 =	vmul.f32 v9, v18;
	_ =	sdelay $0x1  }
0x1f5: {  	v9 =	vadd.f32 v9, v17;
	_ =	sdelay $0x1  }
0x1f6: {  	[tilespmem:s28+$0x0] =	vst v9  }
0x1f7: {  	v9 =	vld [tilespmem:s26+$0x12D50];
	_ =	sdelay $0x1  }
0x1f8: {  	v19 =	vld [tilespmem:s28+$0x10];
	_ =	sdelay $0x2  }
0x1f9: {  	v9 =	vmul.f32 v9, v18;
	_ =	sdelay $0x1  }
0x1fa: {  	v9 =	vadd.f32 v9, v19;
	_ =	sdelay $0x1  }
0x1fb: {  	[tilespmem:s28+$0x10] =	vst v9  }
0x1fc: {  	v9 =	vld [tilespmem:s26+$0x12D60];
	_ =	sdelay $0x1  }
0x1fd: {  	v20 =	vld [tilespmem:s28+$0x20]  }
0x1fe: {  	v21 =	vperm.xlane v63, v3;
	_ =	sdelay $0x1  }
0x1ff: {  	v9 =	vmul.f32 v9, v21;
	_ =	sdelay $0x1  }
0x200: {  	v9 =	vadd.f32 v9, v20;
	_ =	sdelay $0x1  }
0x201: {  	[tilespmem:s28+$0x20] =	vst v9  }
0x202: {  	v9 =	vld [tilespmem:s26+$0x12D70];
	_ =	sdelay $0x1  }
0x203: {  	v22 =	vld [tilespmem:s28+$0x30];
	_ =	sdelay $0x2  }
0x204: {  	v9 =	vmul.f32 v9, v21;
	_ =	sdelay $0x1  }
0x205: {  	v9 =	vadd.f32 v9, v22;
	_ =	sdelay $0x1  }
0x206: {  	[tilespmem:s28+$0x30] =	vst v9  }
0x207: {  	v9 =	vld [tilespmem:s26+$0x12D80];
	_ =	sdelay $0x1  }
0x208: {  	v23 =	vld [tilespmem:s28+$0x40]  }
0x209: {  	v24 =	vperm.xlane v63, v4;
	_ =	sdelay $0x1  }
0x20a: {  	v9 =	vmul.f32 v9, v24;
	_ =	sdelay $0x1  }
0x20b: {  	v9 =	vadd.f32 v9, v23;
	_ =	sdelay $0x1  }
0x20c: {  	[tilespmem:s28+$0x40] =	vst v9  }
0x20d: {  	v9 =	vld [tilespmem:s26+$0x12D90];
	_ =	sdelay $0x1  }
0x20e: {  	v25 =	vld [tilespmem:s28+$0x50];
	_ =	sdelay $0x2  }
0x20f: {  	v9 =	vmul.f32 v9, v24;
	_ =	sdelay $0x1  }
0x210: {  	v9 =	vadd.f32 v9, v25;
	_ =	sdelay $0x1  }
0x211: {  	[tilespmem:s28+$0x50] =	vst v9  }
0x212: {  	(v2sf) =	vpush v7, $0x7;
	v9 =	vld [tilespmem:s26+$0x12DA0]  }
0x213: {  	(v2sf) =	vpush v8, $0x7  }
0x214: {  	v26 =	vld [tilespmem:s28+$0x60]  }
0x215: {  	v10 =	vperm.xlane v63, v5;
	_ =	sdelay $0x1  }
0x216: {  	v9 =	vmul.f32 v9, v10;
	_ =	sdelay $0x1  }
0x217: {  	v9 =	vadd.f32 v9, v26;
	_ =	sdelay $0x1  }
0x218: {  	[tilespmem:s28+$0x60] =	vst v9  }
0x219: {  	v9 =	vld [tilespmem:s26+$0x12DB0];
	_ =	sdelay $0x1  }
0x21a: {  	v27 =	vld [tilespmem:s28+$0x70];
	_ =	sdelay $0x2  }
0x21b: {  	s29 =	spop (v2sf);
	v9 =	vmul.f32 v9, v10  }
0x21c: {  	s31 =	spop (v2sf)  }
0x21d: {  	s30 =	sand.u32 $0x7, s31;
	v9 =	vadd.f32 v9, v27  }
0x21e: {  	s30 =	sshll.u32 s30, $0x4  }
0x21f: {  	(v2sf) =	vpush v6, $0x7;
	s31 =	sand.u32 $0x7, s29;
	s30 =	sadd.s32 s26, s30;
	[tilespmem:s28+$0x70] =	vst v9  }
0x220: {  	s28 =	sshll.u32 s31, $0x4;
	v9 =	vld [tilespmem:s30+$0x16DC0]  }
0x221: {  	s28 =	sadd.s32 s26, s28  }
0x222: {  	v28 =	vld [tilespmem:s28+$0x14DC0];
	_ =	sdelay $0x2  }
0x223: {  	v9 =	vperm.xlane v9, v1;
	_ =	sdelay $0x1  }
0x224: {  	v9 =	vadd.f32 v9, v28;
	_ =	sdelay $0x1  }
0x225: {  	v10 =	vmul.f32 $2.000000030e-01, v9;
	_ =	sdelay $0x1  }
0x226: {  	v9 =	vmax.f32 v9, v10  }
0x227: {  	v9 =	vmul.f32 $1.442695020e+00, v9;
	_ =	sdelay $0x1  }
0x228: {  	s28 =	spop (v2sf);
	(erf) = vpow2.f32 v9  }
0x229: {  	p0 =	slt.s32 s28, $0x20C  }
0x22a: {  	s28 =	simm.s32 @!p0 $0x20C  }
0x22b: {  	s28 =	smul.u32 $0x240, s28;
	_ =	sdelay $0x1  }
0x22c: {  	s28 =	sshra.s32 s28, $0x2  }
0x22d: {  	v29 =	vld [tilespmem:s28+$0x80];
	_ =	sdelay $0x2  }
0x22e: {  	v30 =	vpop (erf)  }
0x22f: {  	v31 =	vnsel vm0, $0x0, v30  }
0x230: {  	v9 =	vadd.f32 v31, v29;
	_ =	sdelay $0x1  }
0x231: {  	[tilespmem:s28+$0x80] =	vst v9  }
0x232: {  	v9 =	vld [tilespmem:s26+$0x12DC0];
	_ =	sdelay $0x1  }
0x233: {  	v32 =	vld [tilespmem:s28+$0x0]  }
0x234: {  	v33 =	vperm.xlane v30, v2;
	_ =	sdelay $0x1  }
0x235: {  	v9 =	vmul.f32 v9, v33;
	_ =	sdelay $0x1  }
0x236: {  	v9 =	vadd.f32 v9, v32;
	_ =	sdelay $0x1  }
0x237: {  	[tilespmem:s28+$0x0] =	vst v9  }
0x238: {  	v9 =	vld [tilespmem:s26+$0x12DD0];
	_ =	sdelay $0x1  }
0x239: {  	v34 =	vld [tilespmem:s28+$0x10];
	_ =	sdelay $0x2  }
0x23a: {  	v9 =	vmul.f32 v9, v33;
	_ =	sdelay $0x1  }
0x23b: {  	v9 =	vadd.f32 v9, v34;
	_ =	sdelay $0x1  }
0x23c: {  	[tilespmem:s28+$0x10] =	vst v9  }
0x23d: {  	v9 =	vld [tilespmem:s26+$0x12DE0];
	_ =	sdelay $0x1  }
0x23e: {  	v35 =	vld [tilespmem:s28+$0x20]  }
0x23f: {  	v36 =	vperm.xlane v30, v3;
	_ =	sdelay $0x1  }
0x240: {  	v9 =	vmul.f32 v9, v36;
	_ =	sdelay $0x1  }
0x241: {  	v9 =	vadd.f32 v9, v35;
	_ =	sdelay $0x1  }
0x242: {  	[tilespmem:s28+$0x20] =	vst v9  }
0x243: {  	v9 =	vld [tilespmem:s26+$0x12DF0];
	_ =	sdelay $0x1  }
0x244: {  	v37 =	vld [tilespmem:s28+$0x30];
	_ =	sdelay $0x2  }
0x245: {  	v9 =	vmul.f32 v9, v36;
	_ =	sdelay $0x1  }
0x246: {  	v9 =	vadd.f32 v9, v37;
	_ =	sdelay $0x1  }
0x247: {  	[tilespmem:s28+$0x30] =	vst v9  }
0x248: {  	v9 =	vld [tilespmem:s26+$0x12E00];
	_ =	sdelay $0x1  }
0x249: {  	v38 =	vld [tilespmem:s28+$0x40]  }
0x24a: {  	v39 =	vperm.xlane v30, v4;
	_ =	sdelay $0x1  }
0x24b: {  	v9 =	vmul.f32 v9, v39;
	_ =	sdelay $0x1  }
0x24c: {  	v9 =	vadd.f32 v9, v38;
	_ =	sdelay $0x1  }
0x24d: {  	[tilespmem:s28+$0x40] =	vst v9  }
0x24e: {  	v9 =	vld [tilespmem:s26+$0x12E10];
	_ =	sdelay $0x1  }
0x24f: {  	v40 =	vld [tilespmem:s28+$0x50];
	_ =	sdelay $0x2  }
0x250: {  	v9 =	vmul.f32 v9, v39;
	_ =	sdelay $0x1  }
0x251: {  	v9 =	vadd.f32 v9, v40;
	_ =	sdelay $0x1  }
0x252: {  	[tilespmem:s28+$0x50] =	vst v9  }
0x253: {  	(v2sf) =	vpush v7, $0x8;
	v9 =	vld [tilespmem:s26+$0x12E20]  }
0x254: {  	(v2sf) =	vpush v8, $0x8  }
0x255: {  	v41 =	vld [tilespmem:s28+$0x60]  }
0x256: {  	v10 =	vperm.xlane v30, v5;
	_ =	sdelay $0x1  }
0x257: {  	v9 =	vmul.f32 v9, v10;
	_ =	sdelay $0x1  }
0x258: {  	v9 =	vadd.f32 v9, v41;
	_ =	sdelay $0x1  }
0x259: {  	[tilespmem:s28+$0x60] =	vst v9  }
0x25a: {  	v9 =	vld [tilespmem:s26+$0x12E30];
	_ =	sdelay $0x1  }
0x25b: {  	v42 =	vld [tilespmem:s28+$0x70];
	_ =	sdelay $0x2  }
0x25c: {  	s29 =	spop (v2sf);
	v9 =	vmul.f32 v9, v10  }
0x25d: {  	s31 =	spop (v2sf)  }
0x25e: {  	s30 =	sand.u32 $0x7, s31;
	v9 =	vadd.f32 v9, v42  }
0x25f: {  	s30 =	sshll.u32 s30, $0x4  }
0x260: {  	(v2sf) =	vpush v6, $0x8;
	s31 =	sand.u32 $0x7, s29;
	s30 =	sadd.s32 s26, s30;
	[tilespmem:s28+$0x70] =	vst v9  }
0x261: {  	s28 =	sshll.u32 s31, $0x4;
	v9 =	vld [tilespmem:s30+$0x16E40]  }
0x262: {  	s28 =	sadd.s32 s26, s28  }
0x263: {  	v43 =	vld [tilespmem:s28+$0x14E40];
	_ =	sdelay $0x2  }
0x264: {  	v9 =	vperm.xlane v9, v1;
	_ =	sdelay $0x1  }
0x265: {  	v9 =	vadd.f32 v9, v43;
	_ =	sdelay $0x1  }
0x266: {  	v10 =	vmul.f32 $2.000000030e-01, v9;
	_ =	sdelay $0x1  }
0x267: {  	v9 =	vmax.f32 v9, v10  }
0x268: {  	v9 =	vmul.f32 $1.442695020e+00, v9;
	_ =	sdelay $0x1  }
0x269: {  	s28 =	spop (v2sf);
	(erf) = vpow2.f32 v9  }
0x26a: {  	p0 =	slt.s32 s28, $0x20C  }
0x26b: {  	s28 =	simm.s32 @!p0 $0x20C  }
0x26c: {  	s28 =	smul.u32 $0x240, s28;
	_ =	sdelay $0x1  }
0x26d: {  	s28 =	sshra.s32 s28, $0x2  }
0x26e: {  	v44 =	vld [tilespmem:s28+$0x80];
	_ =	sdelay $0x2  }
0x26f: {  	v45 =	vpop (erf)  }
0x270: {  	v46 =	vnsel vm0, $0x0, v45  }
0x271: {  	v9 =	vadd.f32 v46, v44;
	_ =	sdelay $0x1  }
0x272: {  	[tilespmem:s28+$0x80] =	vst v9  }
0x273: {  	v9 =	vld [tilespmem:s26+$0x12E40];
	_ =	sdelay $0x1  }
0x274: {  	v47 =	vld [tilespmem:s28+$0x0]  }
0x275: {  	v48 =	vperm.xlane v45, v2;
	_ =	sdelay $0x1  }
0x276: {  	v9 =	vmul.f32 v9, v48;
	_ =	sdelay $0x1  }
0x277: {  	v9 =	vadd.f32 v9, v47;
	_ =	sdelay $0x1  }
0x278: {  	[tilespmem:s28+$0x0] =	vst v9  }
0x279: {  	v9 =	vld [tilespmem:s26+$0x12E50];
	_ =	sdelay $0x1  }
0x27a: {  	v49 =	vld [tilespmem:s28+$0x10];
	_ =	sdelay $0x2  }
0x27b: {  	v9 =	vmul.f32 v9, v48;
	_ =	sdelay $0x1  }
0x27c: {  	v9 =	vadd.f32 v9, v49;
	_ =	sdelay $0x1  }
0x27d: {  	[tilespmem:s28+$0x10] =	vst v9  }
0x27e: {  	v9 =	vld [tilespmem:s26+$0x12E60];
	_ =	sdelay $0x1  }
0x27f: {  	v50 =	vld [tilespmem:s28+$0x20]  }
0x280: {  	v51 =	vperm.xlane v45, v3;
	_ =	sdelay $0x1  }
0x281: {  	v9 =	vmul.f32 v9, v51;
	_ =	sdelay $0x1  }
0x282: {  	v9 =	vadd.f32 v9, v50;
	_ =	sdelay $0x1  }
0x283: {  	[tilespmem:s28+$0x20] =	vst v9  }
0x284: {  	v9 =	vld [tilespmem:s26+$0x12E70];
	_ =	sdelay $0x1  }
0x285: {  	v52 =	vld [tilespmem:s28+$0x30];
	_ =	sdelay $0x2  }
0x286: {  	v9 =	vmul.f32 v9, v51;
	_ =	sdelay $0x1  }
0x287: {  	v9 =	vadd.f32 v9, v52;
	_ =	sdelay $0x1  }
0x288: {  	[tilespmem:s28+$0x30] =	vst v9  }
0x289: {  	v9 =	vld [tilespmem:s26+$0x12E80];
	_ =	sdelay $0x1  }
0x28a: {  	v53 =	vld [tilespmem:s28+$0x40]  }
0x28b: {  	v54 =	vperm.xlane v45, v4;
	_ =	sdelay $0x1  }
0x28c: {  	v9 =	vmul.f32 v9, v54;
	_ =	sdelay $0x1  }
0x28d: {  	v9 =	vadd.f32 v9, v53;
	_ =	sdelay $0x1  }
0x28e: {  	[tilespmem:s28+$0x40] =	vst v9  }
0x28f: {  	v9 =	vld [tilespmem:s26+$0x12E90];
	_ =	sdelay $0x1  }
0x290: {  	v55 =	vld [tilespmem:s28+$0x50];
	_ =	sdelay $0x2  }
0x291: {  	v9 =	vmul.f32 v9, v54;
	_ =	sdelay $0x1  }
0x292: {  	v9 =	vadd.f32 v9, v55;
	_ =	sdelay $0x1  }
0x293: {  	[tilespmem:s28+$0x50] =	vst v9  }
0x294: {  	(v2sf) =	vpush v7, $0x9;
	v9 =	vld [tilespmem:s26+$0x12EA0]  }
0x295: {  	(v2sf) =	vpush v8, $0x9  }
0x296: {  	v56 =	vld [tilespmem:s28+$0x60]  }
0x297: {  	v10 =	vperm.xlane v45, v5;
	_ =	sdelay $0x1  }
0x298: {  	v9 =	vmul.f32 v9, v10;
	_ =	sdelay $0x1  }
0x299: {  	v9 =	vadd.f32 v9, v56;
	_ =	sdelay $0x1  }
0x29a: {  	[tilespmem:s28+$0x60] =	vst v9  }
0x29b: {  	v9 =	vld [tilespmem:s26+$0x12EB0];
	_ =	sdelay $0x1  }
0x29c: {  	v57 =	vld [tilespmem:s28+$0x70];
	_ =	sdelay $0x2  }
0x29d: {  	s29 =	spop (v2sf);
	v9 =	vmul.f32 v9, v10  }
0x29e: {  	s31 =	spop (v2sf)  }
0x29f: {  	s30 =	sand.u32 $0x7, s31;
	v9 =	vadd.f32 v9, v57  }
0x2a0: {  	s30 =	sshll.u32 s30, $0x4  }
0x2a1: {  	(v2sf) =	vpush v6, $0x9;
	s31 =	sand.u32 $0x7, s29;
	s30 =	sadd.s32 s26, s30;
	[tilespmem:s28+$0x70] =	vst v9  }
0x2a2: {  	s28 =	sshll.u32 s31, $0x4;
	v9 =	vld [tilespmem:s30+$0x16EC0]  }
0x2a3: {  	s28 =	sadd.s32 s26, s28  }
0x2a4: {  	v58 =	vld [tilespmem:s28+$0x14EC0];
	_ =	sdelay $0x2  }
0x2a5: {  	v9 =	vperm.xlane v9, v1;
	_ =	sdelay $0x1  }
0x2a6: {  	v9 =	vadd.f32 v9, v58;
	_ =	sdelay $0x1  }
0x2a7: {  	v10 =	vmul.f32 $2.000000030e-01, v9;
	_ =	sdelay $0x1  }
0x2a8: {  	v9 =	vmax.f32 v9, v10  }
0x2a9: {  	v9 =	vmul.f32 $1.442695020e+00, v9;
	_ =	sdelay $0x1  }
0x2aa: {  	s28 =	spop (v2sf);
	(erf) = vpow2.f32 v9  }
0x2ab: {  	p0 =	slt.s32 s28, $0x20C  }
0x2ac: {  	s28 =	simm.s32 @!p0 $0x20C  }
0x2ad: {  	s28 =	smul.u32 $0x240, s28;
	_ =	sdelay $0x1  }
0x2ae: {  	s28 =	sshra.s32 s28, $0x2  }
0x2af: {  	v59 =	vld [tilespmem:s28+$0x80];
	_ =	sdelay $0x2  }
0x2b0: {  	v60 =	vpop (erf)  }
0x2b1: {  	v61 =	vnsel vm0, $0x0, v60  }
0x2b2: {  	v9 =	vadd.f32 v61, v59;
	_ =	sdelay $0x1  }
0x2b3: {  	[tilespmem:s28+$0x80] =	vst v9  }
0x2b4: {  	v9 =	vld [tilespmem:s26+$0x12EC0];
	_ =	sdelay $0x1  }
0x2b5: {  	v62 =	vld [tilespmem:s28+$0x0]  }
0x2b6: {  	v63 =	vperm.xlane v60, v2;
	_ =	sdelay $0x1  }
0x2b7: {  	v9 =	vmul.f32 v9, v63;
	_ =	sdelay $0x1  }
0x2b8: {  	v9 =	vadd.f32 v9, v62;
	_ =	sdelay $0x1  }
0x2b9: {  	[tilespmem:s28+$0x0] =	vst v9  }
0x2ba: {  	v9 =	vld [tilespmem:s26+$0x12ED0];
	_ =	sdelay $0x1  }
0x2bb: {  	v16 =	vld [tilespmem:s28+$0x10];
	_ =	sdelay $0x2  }
0x2bc: {  	v9 =	vmul.f32 v9, v63;
	_ =	sdelay $0x1  }
0x2bd: {  	v9 =	vadd.f32 v9, v16;
	_ =	sdelay $0x1  }
0x2be: {  	[tilespmem:s28+$0x10] =	vst v9  }
0x2bf: {  	v9 =	vld [tilespmem:s26+$0x12EE0];
	_ =	sdelay $0x1  }
0x2c0: {  	v17 =	vld [tilespmem:s28+$0x20]  }
0x2c1: {  	v18 =	vperm.xlane v60, v3;
	_ =	sdelay $0x1  }
0x2c2: {  	v9 =	vmul.f32 v9, v18;
	_ =	sdelay $0x1  }
0x2c3: {  	v9 =	vadd.f32 v9, v17;
	_ =	sdelay $0x1  }
0x2c4: {  	[tilespmem:s28+$0x20] =	vst v9  }
0x2c5: {  	v9 =	vld [tilespmem:s26+$0x12EF0];
	_ =	sdelay $0x1  }
0x2c6: {  	v19 =	vld [tilespmem:s28+$0x30];
	_ =	sdelay $0x2  }
0x2c7: {  	v9 =	vmul.f32 v9, v18;
	_ =	sdelay $0x1  }
0x2c8: {  	v9 =	vadd.f32 v9, v19;
	_ =	sdelay $0x1  }
0x2c9: {  	[tilespmem:s28+$0x30] =	vst v9  }
0x2ca: {  	v9 =	vld [tilespmem:s26+$0x12F00];
	_ =	sdelay $0x1  }
0x2cb: {  	v20 =	vld [tilespmem:s28+$0x40]  }
0x2cc: {  	v21 =	vperm.xlane v60, v4;
	_ =	sdelay $0x1  }
0x2cd: {  	v9 =	vmul.f32 v9, v21;
	_ =	sdelay $0x1  }
0x2ce: {  	v9 =	vadd.f32 v9, v20;
	_ =	sdelay $0x1  }
0x2cf: {  	[tilespmem:s28+$0x40] =	vst v9  }
0x2d0: {  	v9 =	vld [tilespmem:s26+$0x12F10];
	_ =	sdelay $0x1  }
0x2d1: {  	v22 =	vld [tilespmem:s28+$0x50];
	_ =	sdelay $0x2  }
0x2d2: {  	v9 =	vmul.f32 v9, v21;
	_ =	sdelay $0x1  }
0x2d3: {  	v9 =	vadd.f32 v9, v22;
	_ =	sdelay $0x1  }
0x2d4: {  	[tilespmem:s28+$0x50] =	vst v9  }
0x2d5: {  	(v2sf) =	vpush v7, $0xA;
	v9 =	vld [tilespmem:s26+$0x12F20]  }
0x2d6: {  	(v2sf) =	vpush v8, $0xA  }
0x2d7: {  	v23 =	vld [tilespmem:s28+$0x60]  }
0x2d8: {  	v10 =	vperm.xlane v60, v5;
	_ =	sdelay $0x1  }
0x2d9: {  	v9 =	vmul.f32 v9, v10;
	_ =	sdelay $0x1  }
0x2da: {  	v9 =	vadd.f32 v9, v23;
	_ =	sdelay $0x1  }
0x2db: {  	[tilespmem:s28+$0x60] =	vst v9  }
0x2dc: {  	v9 =	vld [tilespmem:s26+$0x12F30];
	_ =	sdelay $0x1  }
0x2dd: {  	v24 =	vld [tilespmem:s28+$0x70];
	_ =	sdelay $0x2  }
0x2de: {  	s29 =	spop (v2sf);
	v9 =	vmul.f32 v9, v10  }
0x2df: {  	s31 =	spop (v2sf)  }
0x2e0: {  	s30 =	sand.u32 $0x7, s31;
	v9 =	vadd.f32 v9, v24  }
0x2e1: {  	s30 =	sshll.u32 s30, $0x4  }
0x2e2: {  	(v2sf) =	vpush v6, $0xA;
	s31 =	sand.u32 $0x7, s29;
	s30 =	sadd.s32 s26, s30;
	[tilespmem:s28+$0x70] =	vst v9  }
0x2e3: {  	s28 =	sshll.u32 s31, $0x4;
	v9 =	vld [tilespmem:s30+$0x16F40]  }
0x2e4: {  	s28 =	sadd.s32 s26, s28  }
0x2e5: {  	v25 =	vld [tilespmem:s28+$0x14F40];
	_ =	sdelay $0x2  }
0x2e6: {  	v9 =	vperm.xlane v9, v1;
	_ =	sdelay $0x1  }
0x2e7: {  	v9 =	vadd.f32 v9, v25;
	_ =	sdelay $0x1  }
0x2e8: {  	v10 =	vmul.f32 $2.000000030e-01, v9;
	_ =	sdelay $0x1  }
0x2e9: {  	v9 =	vmax.f32 v9, v10  }
0x2ea: {  	v9 =	vmul.f32 $1.442695020e+00, v9;
	_ =	sdelay $0x1  }
0x2eb: {  	s28 =	spop (v2sf);
	(erf) = vpow2.f32 v9  }
0x2ec: {  	p0 =	slt.s32 s28, $0x20C  }
0x2ed: {  	s28 =	simm.s32 @!p0 $0x20C  }
0x2ee: {  	s28 =	smul.u32 $0x240, s28;
	_ =	sdelay $0x1  }
0x2ef: {  	s28 =	sshra.s32 s28, $0x2  }
0x2f0: {  	v26 =	vld [tilespmem:s28+$0x80];
	_ =	sdelay $0x2  }
0x2f1: {  	v27 =	vpop (erf)  }
0x2f2: {  	v28 =	vnsel vm0, $0x0, v27  }
0x2f3: {  	v9 =	vadd.f32 v28, v26;
	_ =	sdelay $0x1  }
0x2f4: {  	[tilespmem:s28+$0x80] =	vst v9  }
0x2f5: {  	v9 =	vld [tilespmem:s26+$0x12F40];
	_ =	sdelay $0x1  }
0x2f6: {  	v29 =	vld [tilespmem:s28+$0x0]  }
0x2f7: {  	v30 =	vperm.xlane v27, v2;
	_ =	sdelay $0x1  }
0x2f8: {  	v9 =	vmul.f32 v9, v30;
	_ =	sdelay $0x1  }
0x2f9: {  	v9 =	vadd.f32 v9, v29;
	_ =	sdelay $0x1  }
0x2fa: {  	[tilespmem:s28+$0x0] =	vst v9  }
0x2fb: {  	v9 =	vld [tilespmem:s26+$0x12F50];
	_ =	sdelay $0x1  }
0x2fc: {  	v31 =	vld [tilespmem:s28+$0x10];
	_ =	sdelay $0x2  }
0x2fd: {  	v9 =	vmul.f32 v9, v30;
	_ =	sdelay $0x1  }
0x2fe: {  	v9 =	vadd.f32 v9, v31;
	_ =	sdelay $0x1  }
0x2ff: {  	[tilespmem:s28+$0x10] =	vst v9  }
0x300: {  	v9 =	vld [tilespmem:s26+$0x12F60];
	_ =	sdelay $0x1  }
0x301: {  	v32 =	vld [tilespmem:s28+$0x20]  }
0x302: {  	v33 =	vperm.xlane v27, v3;
	_ =	sdelay $0x1  }
0x303: {  	v9 =	vmul.f32 v9, v33;
	_ =	sdelay $0x1  }
0x304: {  	v9 =	vadd.f32 v9, v32;
	_ =	sdelay $0x1  }
0x305: {  	[tilespmem:s28+$0x20] =	vst v9  }
0x306: {  	v9 =	vld [tilespmem:s26+$0x12F70];
	_ =	sdelay $0x1  }
0x307: {  	v34 =	vld [tilespmem:s28+$0x30];
	_ =	sdelay $0x2  }
0x308: {  	v9 =	vmul.f32 v9, v33;
	_ =	sdelay $0x1  }
0x309: {  	v9 =	vadd.f32 v9, v34;
	_ =	sdelay $0x1  }
0x30a: {  	[tilespmem:s28+$0x30] =	vst v9  }
0x30b: {  	v9 =	vld [tilespmem:s26+$0x12F80];
	_ =	sdelay $0x1  }
0x30c: {  	v35 =	vld [tilespmem:s28+$0x40]  }
0x30d: {  	v36 =	vperm.xlane v27, v4;
	_ =	sdelay $0x1  }
0x30e: {  	v9 =	vmul.f32 v9, v36;
	_ =	sdelay $0x1  }
0x30f: {  	v9 =	vadd.f32 v9, v35;
	_ =	sdelay $0x1  }
0x310: {  	[tilespmem:s28+$0x40] =	vst v9  }
0x311: {  	v9 =	vld [tilespmem:s26+$0x12F90];
	_ =	sdelay $0x1  }
0x312: {  	v37 =	vld [tilespmem:s28+$0x50];
	_ =	sdelay $0x2  }
0x313: {  	v9 =	vmul.f32 v9, v36;
	_ =	sdelay $0x1  }
0x314: {  	v9 =	vadd.f32 v9, v37;
	_ =	sdelay $0x1  }
0x315: {  	[tilespmem:s28+$0x50] =	vst v9  }
0x316: {  	(v2sf) =	vpush v7, $0xB;
	v9 =	vld [tilespmem:s26+$0x12FA0]  }
0x317: {  	(v2sf) =	vpush v8, $0xB  }
0x318: {  	v38 =	vld [tilespmem:s28+$0x60]  }
0x319: {  	v10 =	vperm.xlane v27, v5;
	_ =	sdelay $0x1  }
0x31a: {  	v9 =	vmul.f32 v9, v10;
	_ =	sdelay $0x1  }
0x31b: {  	v9 =	vadd.f32 v9, v38;
	_ =	sdelay $0x1  }
0x31c: {  	[tilespmem:s28+$0x60] =	vst v9  }
0x31d: {  	v9 =	vld [tilespmem:s26+$0x12FB0];
	_ =	sdelay $0x1  }
0x31e: {  	v39 =	vld [tilespmem:s28+$0x70];
	_ =	sdelay $0x2  }
0x31f: {  	s29 =	spop (v2sf);
	v9 =	vmul.f32 v9, v10  }
0x320: {  	s31 =	spop (v2sf)  }
0x321: {  	s30 =	sand.u32 $0x7, s31;
	v9 =	vadd.f32 v9, v39  }
0x322: {  	s30 =	sshll.u32 s30, $0x4  }
0x323: {  	(v2sf) =	vpush v6, $0xB;
	s31 =	sand.u32 $0x7, s29;
	s30 =	sadd.s32 s26, s30;
	[tilespmem:s28+$0x70] =	vst v9  }
0x324: {  	s28 =	sshll.u32 s31, $0x4;
	v9 =	vld [tilespmem:s30+$0x16FC0]  }
0x325: {  	s28 =	sadd.s32 s26, s28  }
0x326: {  	v40 =	vld [tilespmem:s28+$0x14FC0];
	_ =	sdelay $0x2  }
0x327: {  	v9 =	vperm.xlane v9, v1;
	_ =	sdelay $0x1  }
0x328: {  	v9 =	vadd.f32 v9, v40;
	_ =	sdelay $0x1  }
0x329: {  	v10 =	vmul.f32 $2.000000030e-01, v9;
	_ =	sdelay $0x1  }
0x32a: {  	v9 =	vmax.f32 v9, v10  }
0x32b: {  	v9 =	vmul.f32 $1.442695020e+00, v9;
	_ =	sdelay $0x1  }
0x32c: {  	s28 =	spop (v2sf);
	(erf) = vpow2.f32 v9  }
0x32d: {  	p0 =	slt.s32 s28, $0x20C  }
0x32e: {  	s28 =	simm.s32 @!p0 $0x20C  }
0x32f: {  	s28 =	smul.u32 $0x240, s28;
	_ =	sdelay $0x1  }
0x330: {  	s28 =	sshra.s32 s28, $0x2  }
0x331: {  	v41 =	vld [tilespmem:s28+$0x80];
	_ =	sdelay $0x2  }
0x332: {  	v42 =	vpop (erf)  }
0x333: {  	v43 =	vnsel vm0, $0x0, v42  }
0x334: {  	v9 =	vadd.f32 v43, v41;
	_ =	sdelay $0x1  }
0x335: {  	[tilespmem:s28+$0x80] =	vst v9  }
0x336: {  	v9 =	vld [tilespmem:s26+$0x12FC0];
	_ =	sdelay $0x1  }
0x337: {  	v44 =	vld [tilespmem:s28+$0x0]  }
0x338: {  	v45 =	vperm.xlane v42, v2;
	_ =	sdelay $0x1  }
0x339: {  	v9 =	vmul.f32 v9, v45;
	_ =	sdelay $0x1  }
0x33a: {  	v9 =	vadd.f32 v9, v44;
	_ =	sdelay $0x1  }
0x33b: {  	[tilespmem:s28+$0x0] =	vst v9  }
0x33c: {  	v9 =	vld [tilespmem:s26+$0x12FD0];
	_ =	sdelay $0x1  }
0x33d: {  	v46 =	vld [tilespmem:s28+$0x10];
	_ =	sdelay $0x2  }
0x33e: {  	v9 =	vmul.f32 v9, v45;
	_ =	sdelay $0x1  }
0x33f: {  	v9 =	vadd.f32 v9, v46;
	_ =	sdelay $0x1  }
0x340: {  	[tilespmem:s28+$0x10] =	vst v9  }
0x341: {  	v9 =	vld [tilespmem:s26+$0x12FE0];
	_ =	sdelay $0x1  }
0x342: {  	v47 =	vld [tilespmem:s28+$0x20]  }
0x343: {  	v48 =	vperm.xlane v42, v3;
	_ =	sdelay $0x1  }
0x344: {  	v9 =	vmul.f32 v9, v48;
	_ =	sdelay $0x1  }
0x345: {  	v9 =	vadd.f32 v9, v47;
	_ =	sdelay $0x1  }
0x346: {  	[tilespmem:s28+$0x20] =	vst v9  }
0x347: {  	v9 =	vld [tilespmem:s26+$0x12FF0];
	_ =	sdelay $0x1  }
0x348: {  	v49 =	vld [tilespmem:s28+$0x30];
	_ =	sdelay $0x2  }
0x349: {  	v9 =	vmul.f32 v9, v48;
	_ =	sdelay $0x1  }
0x34a: {  	v9 =	vadd.f32 v9, v49;
	_ =	sdelay $0x1  }
0x34b: {  	[tilespmem:s28+$0x30] =	vst v9  }
0x34c: {  	v9 =	vld [tilespmem:s26+$0x13000];
	_ =	sdelay $0x1  }
0x34d: {  	v50 =	vld [tilespmem:s28+$0x40]  }
0x34e: {  	v51 =	vperm.xlane v42, v4;
	_ =	sdelay $0x1  }
0x34f: {  	v9 =	vmul.f32 v9, v51;
	_ =	sdelay $0x1  }
0x350: {  	v9 =	vadd.f32 v9, v50;
	_ =	sdelay $0x1  }
0x351: {  	[tilespmem:s28+$0x40] =	vst v9  }
0x352: {  	v9 =	vld [tilespmem:s26+$0x13010];
	_ =	sdelay $0x1  }
0x353: {  	v52 =	vld [tilespmem:s28+$0x50];
	_ =	sdelay $0x2  }
0x354: {  	v9 =	vmul.f32 v9, v51;
	_ =	sdelay $0x1  }
0x355: {  	v9 =	vadd.f32 v9, v52;
	_ =	sdelay $0x1  }
0x356: {  	[tilespmem:s28+$0x50] =	vst v9  }
0x357: {  	(v2sf) =	vpush v7, $0xC;
	v9 =	vld [tilespmem:s26+$0x13020]  }
0x358: {  	(v2sf) =	vpush v8, $0xC  }
0x359: {  	v53 =	vld [tilespmem:s28+$0x60]  }
0x35a: {  	v10 =	vperm.xlane v42, v5;
	_ =	sdelay $0x1  }
0x35b: {  	v9 =	vmul.f32 v9, v10;
	_ =	sdelay $0x1  }
0x35c: {  	v9 =	vadd.f32 v9, v53;
	_ =	sdelay $0x1  }
0x35d: {  	[tilespmem:s28+$0x60] =	vst v9  }
0x35e: {  	v9 =	vld [tilespmem:s26+$0x13030];
	_ =	sdelay $0x1  }
0x35f: {  	v54 =	vld [tilespmem:s28+$0x70];
	_ =	sdelay $0x2  }
0x360: {  	s29 =	spop (v2sf);
	v9 =	vmul.f32 v9, v10  }
0x361: {  	s31 =	spop (v2sf)  }
0x362: {  	s30 =	sand.u32 $0x7, s31;
	v9 =	vadd.f32 v9, v54  }
0x363: {  	s30 =	sshll.u32 s30, $0x4  }
0x364: {  	(v2sf) =	vpush v6, $0xC;
	s31 =	sand.u32 $0x7, s29;
	s30 =	sadd.s32 s26, s30;
	[tilespmem:s28+$0x70] =	vst v9  }
0x365: {  	s28 =	sshll.u32 s31, $0x4;
	v9 =	vld [tilespmem:s30+$0x17040]  }
0x366: {  	s28 =	sadd.s32 s26, s28  }
0x367: {  	v55 =	vld [tilespmem:s28+$0x15040];
	_ =	sdelay $0x2  }
0x368: {  	v9 =	vperm.xlane v9, v1;
	_ =	sdelay $0x1  }
0x369: {  	v9 =	vadd.f32 v9, v55;
	_ =	sdelay $0x1  }
0x36a: {  	v10 =	vmul.f32 $2.000000030e-01, v9;
	_ =	sdelay $0x1  }
0x36b: {  	v9 =	vmax.f32 v9, v10  }
0x36c: {  	v9 =	vmul.f32 $1.442695020e+00, v9;
	_ =	sdelay $0x1  }
0x36d: {  	s28 =	spop (v2sf);
	(erf) = vpow2.f32 v9  }
0x36e: {  	p0 =	slt.s32 s28, $0x20C  }
0x36f: {  	s28 =	simm.s32 @!p0 $0x20C  }
0x370: {  	s28 =	smul.u32 $0x240, s28;
	_ =	sdelay $0x1  }
0x371: {  	s28 =	sshra.s32 s28, $0x2  }
0x372: {  	v56 =	vld [tilespmem:s28+$0x80];
	_ =	sdelay $0x2  }
0x373: {  	v57 =	vpop (erf)  }
0x374: {  	v58 =	vnsel vm0, $0x0, v57  }
0x375: {  	v9 =	vadd.f32 v58, v56;
	_ =	sdelay $0x1  }
0x376: {  	[tilespmem:s28+$0x80] =	vst v9  }
0x377: {  	v9 =	vld [tilespmem:s26+$0x13040];
	_ =	sdelay $0x1  }
0x378: {  	v59 =	vld [tilespmem:s28+$0x0]  }
0x379: {  	v60 =	vperm.xlane v57, v2;
	_ =	sdelay $0x1  }
0x37a: {  	v9 =	vmul.f32 v9, v60;
	_ =	sdelay $0x1  }
0x37b: {  	v9 =	vadd.f32 v9, v59;
	_ =	sdelay $0x1  }
0x37c: {  	[tilespmem:s28+$0x0] =	vst v9  }
0x37d: {  	v9 =	vld [tilespmem:s26+$0x13050];
	_ =	sdelay $0x1  }
0x37e: {  	v61 =	vld [tilespmem:s28+$0x10];
	_ =	sdelay $0x2  }
0x37f: {  	v9 =	vmul.f32 v9, v60;
	_ =	sdelay $0x1  }
0x380: {  	v9 =	vadd.f32 v9, v61;
	_ =	sdelay $0x1  }
0x381: {  	[tilespmem:s28+$0x10] =	vst v9  }
0x382: {  	v9 =	vld [tilespmem:s26+$0x13060];
	_ =	sdelay $0x1  }
0x383: {  	v62 =	vld [tilespmem:s28+$0x20]  }
0x384: {  	v63 =	vperm.xlane v57, v3;
	_ =	sdelay $0x1  }
0x385: {  	v9 =	vmul.f32 v9, v63;
	_ =	sdelay $0x1  }
0x386: {  	v9 =	vadd.f32 v9, v62;
	_ =	sdelay $0x1  }
0x387: {  	[tilespmem:s28+$0x20] =	vst v9  }
0x388: {  	v9 =	vld [tilespmem:s26+$0x13070];
	_ =	sdelay $0x1  }
0x389: {  	v16 =	vld [tilespmem:s28+$0x30];
	_ =	sdelay $0x2  }
0x38a: {  	v9 =	vmul.f32 v9, v63;
	_ =	sdelay $0x1  }
0x38b: {  	v9 =	vadd.f32 v9, v16;
	_ =	sdelay $0x1  }
0x38c: {  	[tilespmem:s28+$0x30] =	vst v9  }
0x38d: {  	v9 =	vld [tilespmem:s26+$0x13080];
	_ =	sdelay $0x1  }
0x38e: {  	v17 =	vld [tilespmem:s28+$0x40]  }
0x38f: {  	v18 =	vperm.xlane v57, v4;
	_ =	sdelay $0x1  }
0x390: {  	v9 =	vmul.f32 v9, v18;
	_ =	sdelay $0x1  }
0x391: {  	v9 =	vadd.f32 v9, v17;
	_ =	sdelay $0x1  }
0x392: {  	[tilespmem:s28+$0x40] =	vst v9  }
0x393: {  	v9 =	vld [tilespmem:s26+$0x13090];
	_ =	sdelay $0x1  }
0x394: {  	v19 =	vld [tilespmem:s28+$0x50];
	_ =	sdelay $0x2  }
0x395: {  	v9 =	vmul.f32 v9, v18;
	_ =	sdelay $0x1  }
0x396: {  	v9 =	vadd.f32 v9, v19;
	_ =	sdelay $0x1  }
0x397: {  	[tilespmem:s28+$0x50] =	vst v9  }
0x398: {  	(v2sf) =	vpush v7, $0xD;
	v9 =	vld [tilespmem:s26+$0x130A0]  }
0x399: {  	(v2sf) =	vpush v8, $0xD  }
0x39a: {  	v20 =	vld [tilespmem:s28+$0x60]  }
0x39b: {  	v10 =	vperm.xlane v57, v5;
	_ =	sdelay $0x1  }
0x39c: {  	v9 =	vmul.f32 v9, v10;
	_ =	sdelay $0x1  }
0x39d: {  	v9 =	vadd.f32 v9, v20;
	_ =	sdelay $0x1  }
0x39e: {  	[tilespmem:s28+$0x60] =	vst v9  }
0x39f: {  	v9 =	vld [tilespmem:s26+$0x130B0];
	_ =	sdelay $0x1  }
0x3a0: {  	v21 =	vld [tilespmem:s28+$0x70];
	_ =	sdelay $0x2  }
0x3a1: {  	s29 =	spop (v2sf);
	v9 =	vmul.f32 v9, v10  }
0x3a2: {  	s31 =	spop (v2sf)  }
0x3a3: {  	s30 =	sand.u32 $0x7, s31;
	v9 =	vadd.f32 v9, v21  }
0x3a4: {  	s30 =	sshll.u32 s30, $0x4  }
0x3a5: {  	(v2sf) =	vpush v6, $0xD;
	s31 =	sand.u32 $0x7, s29;
	s30 =	sadd.s32 s26, s30;
	[tilespmem:s28+$0x70] =	vst v9  }
0x3a6: {  	s28 =	sshll.u32 s31, $0x4;
	v9 =	vld [tilespmem:s30+$0x170C0]  }
0x3a7: {  	s28 =	sadd.s32 s26, s28  }
0x3a8: {  	v22 =	vld [tilespmem:s28+$0x150C0];
	_ =	sdelay $0x2  }
0x3a9: {  	v9 =	vperm.xlane v9, v1;
	_ =	sdelay $0x1  }
0x3aa: {  	v9 =	vadd.f32 v9, v22;
	_ =	sdelay $0x1  }
0x3ab: {  	v10 =	vmul.f32 $2.000000030e-01, v9;
	_ =	sdelay $0x1  }
0x3ac: {  	v9 =	vmax.f32 v9, v10  }
0x3ad: {  	v9 =	vmul.f32 $1.442695020e+00, v9;
	_ =	sdelay $0x1  }
0x3ae: {  	s28 =	spop (v2sf);
	(erf) = vpow2.f32 v9  }
0x3af: {  	p0 =	slt.s32 s28, $0x20C  }
0x3b0: {  	s28 =	simm.s32 @!p0 $0x20C  }
0x3b1: {  	s28 =	smul.u32 $0x240, s28;
	_ =	sdelay $0x1  }
0x3b2: {  	s28 =	sshra.s32 s28, $0x2  }
0x3b3: {  	v23 =	vld [tilespmem:s28+$0x80];
	_ =	sdelay $0x2  }
0x3b4: {  	v24 =	vpop (erf)  }
0x3b5: {  	v25 =	vnsel vm0, $0x0, v24  }
0x3b6: {  	v9 =	vadd.f32 v25, v23;
	_ =	sdelay $0x1  }
0x3b7: {  	[tilespmem:s28+$0x80] =	vst v9  }
0x3b8: {  	v9 =	vld [tilespmem:s26+$0x130C0];
	_ =	sdelay $0x1  }
0x3b9: {  	v26 =	vld [tilespmem:s28+$0x0]  }
0x3ba: {  	v27 =	vperm.xlane v24, v2;
	_ =	sdelay $0x1  }
0x3bb: {  	v9 =	vmul.f32 v9, v27;
	_ =	sdelay $0x1  }
0x3bc: {  	v9 =	vadd.f32 v9, v26;
	_ =	sdelay $0x1  }
0x3bd: {  	[tilespmem:s28+$0x0] =	vst v9  }
0x3be: {  	v9 =	vld [tilespmem:s26+$0x130D0];
	_ =	sdelay $0x1  }
0x3bf: {  	v28 =	vld [tilespmem:s28+$0x10];
	_ =	sdelay $0x2  }
0x3c0: {  	v9 =	vmul.f32 v9, v27;
	_ =	sdelay $0x1  }
0x3c1: {  	v9 =	vadd.f32 v9, v28;
	_ =	sdelay $0x1  }
0x3c2: {  	[tilespmem:s28+$0x10] =	vst v9  }
0x3c3: {  	v9 =	vld [tilespmem:s26+$0x130E0];
	_ =	sdelay $0x1  }
0x3c4: {  	v29 =	vld [tilespmem:s28+$0x20]  }
0x3c5: {  	v30 =	vperm.xlane v24, v3;
	_ =	sdelay $0x1  }
0x3c6: {  	v9 =	vmul.f32 v9, v30;
	_ =	sdelay $0x1  }
0x3c7: {  	v9 =	vadd.f32 v9, v29;
	_ =	sdelay $0x1  }
0x3c8: {  	[tilespmem:s28+$0x20] =	vst v9  }
0x3c9: {  	v9 =	vld [tilespmem:s26+$0x130F0];
	_ =	sdelay $0x1  }
0x3ca: {  	v31 =	vld [tilespmem:s28+$0x30];
	_ =	sdelay $0x2  }
0x3cb: {  	v9 =	vmul.f32 v9, v30;
	_ =	sdelay $0x1  }
0x3cc: {  	v9 =	vadd.f32 v9, v31;
	_ =	sdelay $0x1  }
0x3cd: {  	[tilespmem:s28+$0x30] =	vst v9  }
0x3ce: {  	v9 =	vld [tilespmem:s26+$0x13100];
	_ =	sdelay $0x1  }
0x3cf: {  	v32 =	vld [tilespmem:s28+$0x40]  }
0x3d0: {  	v33 =	vperm.xlane v24, v4;
	_ =	sdelay $0x1  }
0x3d1: {  	v9 =	vmul.f32 v9, v33;
	_ =	sdelay $0x1  }
0x3d2: {  	v9 =	vadd.f32 v9, v32;
	_ =	sdelay $0x1  }
0x3d3: {  	[tilespmem:s28+$0x40] =	vst v9  }
0x3d4: {  	v9 =	vld [tilespmem:s26+$0x13110];
	_ =	sdelay $0x1  }
0x3d5: {  	v34 =	vld [tilespmem:s28+$0x50];
	_ =	sdelay $0x2  }
0x3d6: {  	v9 =	vmul.f32 v9, v33;
	_ =	sdelay $0x1  }
0x3d7: {  	v9 =	vadd.f32 v9, v34;
	_ =	sdelay $0x1  }
0x3d8: {  	[tilespmem:s28+$0x50] =	vst v9  }
0x3d9: {  	(v2sf) =	vpush v7, $0xE;
	v9 =	vld [tilespmem:s26+$0x13120]  }
0x3da: {  	(v2sf) =	vpush v8, $0xE  }
0x3db: {  	v35 =	vld [tilespmem:s28+$0x60]  }
0x3dc: {  	v10 =	vperm.xlane v24, v5;
	_ =	sdelay $0x1  }
0x3dd: {  	v9 =	vmul.f32 v9, v10;
	_ =	sdelay $0x1  }
0x3de: {  	v9 =	vadd.f32 v9, v35;
	_ =	sdelay $0x1  }
0x3df: {  	[tilespmem:s28+$0x60] =	vst v9  }
0x3e0: {  	v9 =	vld [tilespmem:s26+$0x13130];
	_ =	sdelay $0x1  }
0x3e1: {  	v36 =	vld [tilespmem:s28+$0x70];
	_ =	sdelay $0x2  }
0x3e2: {  	s29 =	spop (v2sf);
	v9 =	vmul.f32 v9, v10  }
0x3e3: {  	s31 =	spop (v2sf)  }
0x3e4: {  	s30 =	sand.u32 $0x7, s31;
	v9 =	vadd.f32 v9, v36  }
0x3e5: {  	s30 =	sshll.u32 s30, $0x4  }
0x3e6: {  	(v2sf) =	vpush v6, $0xE;
	s31 =	sand.u32 $0x7, s29;
	s30 =	sadd.s32 s26, s30;
	[tilespmem:s28+$0x70] =	vst v9  }
0x3e7: {  	s28 =	sshll.u32 s31, $0x4;
	v9 =	vld [tilespmem:s30+$0x17140]  }
0x3e8: {  	s28 =	sadd.s32 s26, s28  }
0x3e9: {  	v37 =	vld [tilespmem:s28+$0x15140];
	_ =	sdelay $0x2  }
0x3ea: {  	v9 =	vperm.xlane v9, v1;
	_ =	sdelay $0x1  }
0x3eb: {  	v9 =	vadd.f32 v9, v37;
	_ =	sdelay $0x1  }
0x3ec: {  	v10 =	vmul.f32 $2.000000030e-01, v9;
	_ =	sdelay $0x1  }
0x3ed: {  	v9 =	vmax.f32 v9, v10  }
0x3ee: {  	v9 =	vmul.f32 $1.442695020e+00, v9;
	_ =	sdelay $0x1  }
0x3ef: {  	s28 =	spop (v2sf);
	(erf) = vpow2.f32 v9  }
0x3f0: {  	p0 =	slt.s32 s28, $0x20C  }
0x3f1: {  	s28 =	simm.s32 @!p0 $0x20C  }
0x3f2: {  	s28 =	smul.u32 $0x240, s28;
	_ =	sdelay $0x1  }
0x3f3: {  	s28 =	sshra.s32 s28, $0x2  }
0x3f4: {  	v38 =	vld [tilespmem:s28+$0x80];
	_ =	sdelay $0x2  }
0x3f5: {  	v39 =	vpop (erf)  }
0x3f6: {  	v40 =	vnsel vm0, $0x0, v39  }
0x3f7: {  	v9 =	vadd.f32 v40, v38;
	_ =	sdelay $0x1  }
0x3f8: {  	[tilespmem:s28+$0x80] =	vst v9  }
0x3f9: {  	v9 =	vld [tilespmem:s26+$0x13140];
	_ =	sdelay $0x1  }
0x3fa: {  	v41 =	vld [tilespmem:s28+$0x0]  }
0x3fb: {  	v42 =	vperm.xlane v39, v2;
	_ =	sdelay $0x1  }
0x3fc: {  	v9 =	vmul.f32 v9, v42;
	_ =	sdelay $0x1  }
0x3fd: {  	v9 =	vadd.f32 v9, v41;
	_ =	sdelay $0x1  }
0x3fe: {  	[tilespmem:s28+$0x0] =	vst v9  }
0x3ff: {  	v9 =	vld [tilespmem:s26+$0x13150];
	_ =	sdelay $0x1  }
0x400: {  	v43 =	vld [tilespmem:s28+$0x10];
	_ =	sdelay $0x2  }
0x401: {  	v9 =	vmul.f32 v9, v42;
	_ =	sdelay $0x1  }
0x402: {  	v9 =	vadd.f32 v9, v43;
	_ =	sdelay $0x1  }
0x403: {  	[tilespmem:s28+$0x10] =	vst v9  }
0x404: {  	v9 =	vld [tilespmem:s26+$0x13160];
	_ =	sdelay $0x1  }
0x405: {  	v44 =	vld [tilespmem:s28+$0x20]  }
0x406: {  	v45 =	vperm.xlane v39, v3;
	_ =	sdelay $0x1  }
0x407: {  	v9 =	vmul.f32 v9, v45;
	_ =	sdelay $0x1  }
0x408: {  	v9 =	vadd.f32 v9, v44;
	_ =	sdelay $0x1  }
0x409: {  	[tilespmem:s28+$0x20] =	vst v9  }
0x40a: {  	v9 =	vld [tilespmem:s26+$0x13170];
	_ =	sdelay $0x1  }
0x40b: {  	v46 =	vld [tilespmem:s28+$0x30];
	_ =	sdelay $0x2  }
0x40c: {  	v9 =	vmul.f32 v9, v45;
	_ =	sdelay $0x1  }
0x40d: {  	v9 =	vadd.f32 v9, v46;
	_ =	sdelay $0x1  }
0x40e: {  	[tilespmem:s28+$0x30] =	vst v9  }
0x40f: {  	v9 =	vld [tilespmem:s26+$0x13180];
	_ =	sdelay $0x1  }
0x410: {  	v47 =	vld [tilespmem:s28+$0x40]  }
0x411: {  	v48 =	vperm.xlane v39, v4;
	_ =	sdelay $0x1  }
0x412: {  	v9 =	vmul.f32 v9, v48;
	_ =	sdelay $0x1  }
0x413: {  	v9 =	vadd.f32 v9, v47;
	_ =	sdelay $0x1  }
0x414: {  	[tilespmem:s28+$0x40] =	vst v9  }
0x415: {  	v9 =	vld [tilespmem:s26+$0x13190];
	_ =	sdelay $0x1  }
0x416: {  	v49 =	vld [tilespmem:s28+$0x50];
	_ =	sdelay $0x2  }
0x417: {  	v9 =	vmul.f32 v9, v48;
	_ =	sdelay $0x1  }
0x418: {  	v9 =	vadd.f32 v9, v49;
	_ =	sdelay $0x1  }
0x419: {  	[tilespmem:s28+$0x50] =	vst v9  }
0x41a: {  	(v2sf) =	vpush v7, $0xF;
	v9 =	vld [tilespmem:s26+$0x131A0]  }
0x41b: {  	(v2sf) =	vpush v8, $0xF  }
0x41c: {  	v7 =	vld [tilespmem:s28+$0x60]  }
0x41d: {  	v50 =	vperm.xlane v39, v5;
	_ =	sdelay $0x1  }
0x41e: {  	v9 =	vmul.f32 v9, v50;
	_ =	sdelay $0x1  }
0x41f: {  	v7 =	vadd.f32 v9, v7;
	_ =	sdelay $0x1  }
0x420: {  	[tilespmem:s28+$0x60] =	vst v7  }
0x421: {  	v7 =	vld [tilespmem:s26+$0x131B0];
	_ =	sdelay $0x1  }
0x422: {  	v51 =	vld [tilespmem:s28+$0x70];
	_ =	sdelay $0x2  }
0x423: {  	s29 =	spop (v2sf);
	v7 =	vmul.f32 v7, v50  }
0x424: {  	s31 =	spop (v2sf)  }
0x425: {  	s30 =	sand.u32 $0x7, s31;
	v7 =	vadd.f32 v7, v51  }
0x426: {  	s30 =	sshll.u32 s30, $0x4  }
0x427: {  	(v2sf) =	vpush v6, $0xF;
	s31 =	sadd.s32 s26, s30;
	[tilespmem:s28+$0x70] =	vst v7;
	s28 =	sand.u32 $0x7, s29  }
0x428: {  	s28 =	sshll.u32 s28, $0x4;
	v6 =	vld [tilespmem:s31+$0x171C0]  }
0x429: {  	s28 =	sadd.s32 s26, s28  }
0x42a: {  	v7 =	vld [tilespmem:s28+$0x151C0];
	_ =	sdelay $0x2  }
0x42b: {  	v6 =	vperm.xlane v6, v1;
	_ =	sdelay $0x1  }
0x42c: {  	v6 =	vadd.f32 v6, v7;
	_ =	sdelay $0x1  }
0x42d: {  	v7 =	vmul.f32 $2.000000030e-01, v6;
	_ =	sdelay $0x1  }
0x42e: {  	v6 =	vmax.f32 v6, v7  }
0x42f: {  	v6 =	vmul.f32 $1.442695020e+00, v6;
	_ =	sdelay $0x1  }
0x430: {  	s28 =	spop (v2sf);
	(erf) = vpow2.f32 v6  }
0x431: {  	p0 =	slt.s32 s28, $0x20C  }
0x432: {  	s28 =	simm.s32 @!p0 $0x20C  }
0x433: {  	s28 =	smul.u32 $0x240, s28;
	_ =	sdelay $0x1  }
0x434: {  	s28 =	sshra.s32 s28, $0x2  }
0x435: {  	v6 =	vld [tilespmem:s28+$0x80];
	_ =	sdelay $0x2  }
0x436: {  	v7 =	vpop (erf)  }
0x437: {  	v52 =	vnsel vm0, $0x0, v7  }
0x438: {  	v6 =	vadd.f32 v52, v6;
	_ =	sdelay $0x1  }
0x439: {  	[tilespmem:s28+$0x80] =	vst v6  }
0x43a: {  	v6 =	vld [tilespmem:s26+$0x131C0];
	_ =	sdelay $0x1  }
0x43b: {  	v53 =	vld [tilespmem:s28+$0x0]  }
0x43c: {  	v54 =	vperm.xlane v7, v2;
	_ =	sdelay $0x1  }
0x43d: {  	v6 =	vmul.f32 v6, v54;
	_ =	sdelay $0x1  }
0x43e: {  	v6 =	vadd.f32 v6, v53;
	_ =	sdelay $0x1  }
0x43f: {  	[tilespmem:s28+$0x0] =	vst v6  }
0x440: {  	v6 =	vld [tilespmem:s26+$0x131D0];
	_ =	sdelay $0x1  }
0x441: {  	v55 =	vld [tilespmem:s28+$0x10];
	_ =	sdelay $0x2  }
0x442: {  	v6 =	vmul.f32 v6, v54;
	_ =	sdelay $0x1  }
0x443: {  	v6 =	vadd.f32 v6, v55;
	_ =	sdelay $0x1  }
0x444: {  	[tilespmem:s28+$0x10] =	vst v6  }
0x445: {  	v6 =	vld [tilespmem:s26+$0x131E0];
	_ =	sdelay $0x1  }
0x446: {  	v56 =	vld [tilespmem:s28+$0x20]  }
0x447: {  	v57 =	vperm.xlane v7, v3;
	_ =	sdelay $0x1  }
0x448: {  	v6 =	vmul.f32 v6, v57;
	_ =	sdelay $0x1  }
0x449: {  	v6 =	vadd.f32 v6, v56;
	_ =	sdelay $0x1  }
0x44a: {  	[tilespmem:s28+$0x20] =	vst v6  }
0x44b: {  	v6 =	vld [tilespmem:s26+$0x131F0];
	_ =	sdelay $0x1  }
0x44c: {  	v58 =	vld [tilespmem:s28+$0x30];
	_ =	sdelay $0x2  }
0x44d: {  	v6 =	vmul.f32 v6, v57;
	_ =	sdelay $0x1  }
0x44e: {  	v6 =	vadd.f32 v6, v58;
	_ =	sdelay $0x1  }
0x44f: {  	[tilespmem:s28+$0x30] =	vst v6  }
0x450: {  	v6 =	vld [tilespmem:s26+$0x13200];
	_ =	sdelay $0x1  }
0x451: {  	v59 =	vld [tilespmem:s28+$0x40]  }
0x452: {  	v60 =	vperm.xlane v7, v4;
	_ =	sdelay $0x1  }
0x453: {  	v6 =	vmul.f32 v6, v60;
	_ =	sdelay $0x1  }
0x454: {  	v6 =	vadd.f32 v6, v59;
	_ =	sdelay $0x1  }
0x455: {  	[tilespmem:s28+$0x40] =	vst v6  }
0x456: {  	v6 =	vld [tilespmem:s26+$0x13210];
	_ =	sdelay $0x1  }
0x457: {  	v61 =	vld [tilespmem:s28+$0x50];
	_ =	sdelay $0x2  }
0x458: {  	v6 =	vmul.f32 v6, v60;
	_ =	sdelay $0x1  }
0x459: {  	v6 =	vadd.f32 v6, v61;
	_ =	sdelay $0x1  }
0x45a: {  	[tilespmem:s28+$0x50] =	vst v6  }
0x45b: {  	v6 =	vld [tilespmem:s26+$0x13220];
	_ =	sdelay $0x1  }
0x45c: {  	v62 =	vld [tilespmem:s28+$0x60]  }
0x45d: {  	v7 =	vperm.xlane v7, v5;
	_ =	sdelay $0x1  }
0x45e: {  	v6 =	vmul.f32 v6, v7;
	_ =	sdelay $0x1  }
0x45f: {  	v6 =	vadd.f32 v6, v62;
	_ =	sdelay $0x1  }
0x460: {  	[tilespmem:s28+$0x60] =	vst v6  }
0x461: {  	v6 =	vld [tilespmem:s26+$0x13230];
	_ =	sdelay $0x1  }
0x462: {  	v63 =	vld [tilespmem:s28+$0x70];
	_ =	sdelay $0x1  }
0x463: {  	p0 =	sne.s32 s25, $0x6000  }
.Ltmp1:
0x464: {  	v6 =	vmul.f32 v6, v7;
	(pc) =	sbr.rel @p0 .LBB2_5-.Ltmp1, $4  }
0x465: {  	_ = 	snop  }
0x466: {  	v6 =	vadd.f32 v6, v63  }
0x467: {  	s24 =	sadd.s32 $0x10, s24  }
0x468: {  	s23 =	sadd.s32 $0x10, s23;
	s22 =	sadd.s32 $0x10, s22;
	s25 =	sadd.s32 $0x2000, s25;
	[tilespmem:s28+$0x70] =	vst v6  }
0x469: {  	s21 =	sadd.s32 $0x1, s21  }
0x46a: {  	p0 =	sne.s32 s21, $0x9D  }
.Ltmp2:
0x46b: {  	_ = 	snop;
	(pc) =	sbr.rel @p0 .LBB2_4-.Ltmp2, $1  }
0x46c: {  	_ =	sdelay $0x3  }
0x46d: {  	s19 =	sadd.s32 $0x1, s19  }
0x46e: {  	p0 =	sne.s32 s19, s10  }
.Ltmp3:
0x46f: {  	_ = 	snop;
	(pc) =	sbr.rel @p0 .LBB2_1-.Ltmp3, $4  }
0x470: {  	[hbm4b:s9+s4] =	stream.linear.scatter [tilespmem:s4], [sflag:$0x2], $0x12900, $0x38;
	[tilespmem:$0x18A40] =	vst v63  }
0x471: {  	_ =	swait.ge [sflag:s18], $0x12900  }
0x472: {  	[sflag:s18] =	ssyncset.done $0x0  }
0x473: {  	[sflag:s18] =	ssyncadd.s32 $0xFFFED700  }
0x474: {  	_ =	sfence.sel $0x180000  }
0x475: {  	[bflag:$0x0] =	sbarrier.arrive $0xFFFF  }
0x476: {  	p0 =	sne.s32 s3, $0x0;
	_ =	strace $0x9000004D  }
0x477: {  	s0 =	sadd.s32 @!p0 $0x100000, s0;
	[bflag:$0x2] =	sbarrier.arrive $0xFFFF  }
0x478: {  	[sflag:s0] =	ssyncadd.tile.s32 @!p0 $0x1;
	_ =	shalt  }
.Lfunc_end2:
_tile_overlayer_lowered:
.L_overlay_start_2:
0x479: {  	(tag) =	ssettag $0x2  }
0x47a: {  	s0 =	rddreg [dreg:$0x0];
	s2 =	stileid.u32  }
0x47b: {  	s1 =	rddreg [dreg:$0x1];
	p0 =	sne.s32 s2, $0x0  }
0x47c: {  	s3 =	rddreg [dreg:$0x2];
	[bflag:$0x3] =	sbarrier.arrive $0xFFFF;
	s2 =	simm.s32 @!p0 $0x1C02  }
0x47d: {  	[timem:s3], [sflag:s2] =	dma.local @!p0 [hbm:s0], s1  }
0x47e: {  	s0 =	simm.s32 @!p0 $0x2  }
0x47f: {  	_ =	swait.ge @!p0 [sflag:s0], s1  }
0x480: {  	s1 =	ssub.s32 @!p0 $0x0, s1;
	[sflag:s0] =	ssyncset.done @!p0 $0x0  }
0x481: {  	[sflag:s0] =	ssyncadd.s32 @!p0 s1  }
0x482: {  	[bflag:$0x3] =	sbarrier.arrive $0xFFFF  }
0x483: {  	_ =	shalt  }

</sc_bundles>
